<compile_context>
chip_gen: v7x
topology: tpu7x:2x2x1
jax: 0.10.2.dev20260603
libtpu: 0.0.44.dev20260713+nightly
codegen_flags: <defaults>
</compile_context>

<pallas_src>
import jax
import jax.numpy as jnp
from jax import lax
from jax.experimental import pallas as pl
from jax.experimental.pallas import tpu as pltpu
from jax.experimental.pallas import tpu_sc as plsc

_R = 6144
_C0 = 128
_W = 172
_WP = 256
_NV = 11
_N = _R * _W
_K = float(int(0.1 * _N))
_ROWS = _R // 16
_NB1 = 4096
_NB3 = 256
_MC = 256


def _sc_body(x_hbm, out_hbm, data, hist, msl, merged, pub, st, tmp,
             itmp16, sh_hists, sh_tot, sh_res):
    c = lax.axis_index("c")
    s = lax.axis_index("s")
    zeros16 = jnp.zeros((16,), jnp.float32)
    ones16 = jnp.ones((16,), jnp.float32)
    lane = lax.iota(jnp.int32, 16)
    tail_ok = lane < 12

    pltpu.sync_copy(x_hbm.at[pl.ds(s * _ROWS, _ROWS), pl.ds(_C0, _WP)], data)

    @plsc.parallel_loop(0, _ROWS, step=1, unroll=2)
    def _enc(r):
        for cc in range(_NV):
            raw = data[r, pl.ds(cc * 16, 16)]
            data[r, pl.ds(cc * 16, 16)] = raw ^ ((raw >> 31) & 0x7FFFFFFF)

    def zero_hist(n):
        @plsc.parallel_loop(0, n // 16, step=1, unroll=8)
        def _zb(i):
            hist[pl.ds(i * 16, 16)] = zeros16

    def sweep(shift, mask_c, add_c, pref_shift, pref_vec, use_pred):
        @plsc.parallel_loop(0, _ROWS, step=1, unroll=2)
        def _row(r):
            for cc in range(_NV):
                m = data[r, pl.ds(cc * 16, 16)]
                b = ((m >> shift) & mask_c) + add_c
                ok = tail_ok if cc == _NV - 1 else None
                if use_pred:
                    p = (m >> pref_shift) == pref_vec
                    ok = p if ok is None else (ok & p)
                plsc.addupdate_scatter(hist, [b], ones16, mask=ok)

    def merge_and_scan(kv, nb):
        sl = nb // 16
        pltpu.sync_copy(hist.at[pl.ds(0, nb)], sh_hists.at[s, pl.ds(0, nb)])
        plsc.subcore_barrier()
        pltpu.sync_copy(sh_hists.at[:, pl.ds(s * sl, sl)],
                        msl.at[:, pl.ds(0, sl)])

        @plsc.parallel_loop(0, sl // 16, step=1, unroll=2)
        def _mg(j):
            acc = zeros16
            for row in range(16):
                acc = acc + msl[row, pl.ds(j * 16, 16)]
            merged[pl.ds(j * 16, 16)] = acc

        def ts(j, tot):
            return tot + jnp.sum(merged[pl.ds(j * 16, 16)])
        my_tot = lax.fori_loop(0, sl // 16, ts, jnp.float32(0.0))

        for jj in range(8):
            tmp[pl.ds(jj * 16, 16)] = jnp.broadcast_to(my_tot, (16,))
        pltpu.sync_copy(tmp, sh_tot.at[s])
        plsc.subcore_barrier()
        pltpu.sync_copy(sh_tot, st)
        totals = zeros16
        for j in range(16):
            totals = jnp.where(lane == j, st[j, pl.ds(0, 16)], totals)
        base_v = plsc.cumsum(totals) - totals
        base = jnp.sum(jnp.where(lane == s, base_v, zeros16))
        mine = jnp.sum(jnp.where(lane == s, totals, zeros16))
        ks = jnp.max(kv)
        has = (base <= ks) & (ks < base + mine)

        def sc(j, carry):
            run, hcnt, below = carry
            v = merged[pl.ds(j * 16, 16)]
            cumg = plsc.cumsum(v) + (run + base)
            msk = cumg <= kv
            pc = plsc.all_reduce_population_count(msk).astype(jnp.float32)
            hcnt = hcnt + pc
            below = below + jnp.sum(jnp.where(msk, v, zeros16))
            return run + jnp.sum(v), hcnt, below
        _, hcnt, below = lax.fori_loop(
            0, sl // 16, sc, (jnp.float32(0.0), zeros16, zeros16))
        h_glob = hcnt + (s * sl).astype(jnp.float32)
        below_glob = below + base

        pub[0, pl.ds(0, 16)] = h_glob
        pub[0, pl.ds(16, 16)] = h_glob
        pub[1, pl.ds(0, 16)] = below_glob
        pub[1, pl.ds(16, 16)] = below_glob

        @pl.when(has)
        def _():
            pltpu.sync_copy(pub, sh_res)

        plsc.subcore_barrier()
        pltpu.sync_copy(sh_res, pub)
        h = pub[0, pl.ds(0, 16)].astype(jnp.int32)
        below_r = pub[1, pl.ds(0, 16)]
        return h, below_r

    kv = jnp.broadcast_to(jnp.float32(_K), (16,))

    zero_hist(_NB1)
    sweep(20, -1, 2048, 0, None, False)
    h1, bel1 = merge_and_scan(kv, _NB1)
    k2 = kv - bel1
    h1s = h1 - 2048

    zero_hist(_NB1)
    sweep(8, 0xFFF, 0, 20, h1s, True)
    h2, bel2 = merge_and_scan(k2, _NB1)
    k3 = k2 - bel2
    p2 = (h1s << 12) | h2

    zero_hist(_NB3)
    sweep(0, 0xFF, 0, 8, p2, True)
    pltpu.sync_copy(hist.at[pl.ds(0, _NB3)], sh_hists.at[s, pl.ds(0, _NB3)])
    plsc.subcore_barrier()
    pltpu.sync_copy(sh_hists.at[:, pl.ds(0, _NB3)], msl)
    run3 = jnp.float32(0.0)
    h3f = zeros16
    for j in range(_NB3 // 16):
        acc = zeros16
        for row in range(16):
            acc = acc + msl[row, pl.ds(j * 16, 16)]
        cum = plsc.cumsum(acc) + run3
        pc = plsc.all_reduce_population_count(cum <= k3)
        h3f = h3f + pc.astype(jnp.float32)
        run3 = run3 + jnp.sum(acc)
    h3 = h3f.astype(jnp.int32)

    m_eps = (p2 << 8) | h3
    b_eps = m_eps ^ ((m_eps >> 31) & 0x7FFFFFFF)
    itmp16[...] = b_eps

    @pl.when((c == 0) & (s == 0))
    def _():
        pltpu.sync_copy(itmp16, out_hbm)


def _sc_select(x2i):
    mesh = plsc.VectorSubcoreMesh(core_axis_name="c", subcore_axis_name="s",
                                  num_cores=1)
    f = pl.kernel(
        _sc_body,
        out_type=jax.ShapeDtypeStruct((16,), jnp.int32),
        mesh=mesh,
        compiler_params=pltpu.CompilerParams(needs_layout_passes=False),
        scratch_types=[
            pltpu.VMEM((_ROWS, _WP), jnp.int32),
            pltpu.VMEM((_NB1,), jnp.float32),
            pltpu.VMEM((16, _MC), jnp.float32),
            pltpu.VMEM((_NB1 // 16,), jnp.float32),
            pltpu.VMEM((2, 128), jnp.float32),
            pltpu.VMEM((16, 128), jnp.float32),
            pltpu.VMEM((128,), jnp.float32),
            pltpu.VMEM((16,), jnp.int32),
            pltpu.VMEM_SHARED((16, _NB1), jnp.float32),
            pltpu.VMEM_SHARED((16, 128), jnp.float32),
            pltpu.VMEM_SHARED((2, 128), jnp.float32),
        ],
    )
    return f(x2i)


def _tc_body(eps_ref, x_ref, o_ref):
    xs = x_ref[:, _C0:_C0 + _W]
    xmax = jnp.max(xs)
    eps = eps_ref[0]
    t = jnp.maximum(eps, jnp.float32(0.001))
    lo = jnp.log10(t)
    hi = jnp.log10(jnp.maximum(xmax, t))
    inv = 1.0 / (hi - lo)
    y = jnp.log10(jnp.maximum(xs, t))
    o_ref[...] = (y - lo) * inv


def kernel(x):
    x2 = x.reshape(_R, 512)
    eps_bits = _sc_select(lax.bitcast_convert_type(x2, jnp.int32))
    eps16 = lax.bitcast_convert_type(eps_bits, jnp.float32)
    out = pl.pallas_call(
        _tc_body,
        out_shape=jax.ShapeDtypeStruct((_R, _W), jnp.float32),
        in_specs=[
            pl.BlockSpec(memory_space=pltpu.SMEM),
            pl.BlockSpec(memory_space=pltpu.VMEM),
        ],
        out_specs=pl.BlockSpec(memory_space=pltpu.VMEM),
    )(eps16, x2)
    return out.reshape(x.shape[0], x.shape[1], _W)

# --- scband reference (transcript-rebuilt; emitter-appended) ---
"""Pipeline reference for scband-transform-6992206758062 (READ-ONLY COPY).

The authoritative reference and input builder live on the scoring server;
editing this copy changes nothing except your own understanding.
"""

import jax, jax.numpy as jnp
import numpy as np

IN_SHAPE = (96, 512)
EPS_LOG = 0.001

def setup_inputs(seed: int = 0) -> dict:
    key = jax.random.key(seed)
    x = jax.random.normal(key, (64, 96, 512), dtype=jnp.float32)
    return {"x": x}

def reference(x):
    # view(-1, *in_shape) then slice dim 2 to [128:300]
    x = x.reshape((-1,) + IN_SHAPE)[:, :, 128:300]
    # Clip: clip to the 10th percentile (eps computed via full sort, detached like .item())
    flat = jnp.sort(x.reshape(-1))
    eps = jax.lax.stop_gradient(flat[int(0.1 * x.size)])
    x = jnp.clip(x, eps)
    # Log: clip to eps then log10
    x = jnp.log10(jnp.clip(x, EPS_LOG))
    # MinMax normalization
    x = (x - x.min()) / (x.max() - x.min())
    return x

if __name__ == "__main__":
    import jax
    _d = setup_inputs()
    print(jax.jit(kernel)(*tuple(_d.values())))

</pallas_src>

<mosaic_0001>
#map = affine_map<(d0, d1) -> (0, 0)>
#map1 = affine_map<(d0, d1) -> (0)>
module attributes {stable_mosaic.version = 14 : i64} {
  func.func @_sc_body(%arg0: i32, %arg1: i32, %arg2: memref<6144x512xi32, #tpu.memory_space<hbm>>, %arg3: memref<16xi32, #tpu.memory_space<hbm>>, %arg4: memref<384x256xi32, #tpu.memory_space<vmem>>, %arg5: memref<4096xf32, #tpu.memory_space<vmem>>, %arg6: memref<16x256xf32, #tpu.memory_space<vmem>>, %arg7: memref<256xf32, #tpu.memory_space<vmem>>, %arg8: memref<2x128xf32, #tpu.memory_space<vmem>>, %arg9: memref<16x128xf32, #tpu.memory_space<vmem>>, %arg10: memref<128xf32, #tpu.memory_space<vmem>>, %arg11: memref<16xi32, #tpu.memory_space<vmem>>, %arg12: memref<16x4096xf32, #tpu.memory_space<vmem_shared>>, %arg13: memref<16x128xf32, #tpu.memory_space<vmem_shared>>, %arg14: memref<2x128xf32, #tpu.memory_space<vmem_shared>>) attributes {dimension_semantics = [#tpu.dimension_semantics<core_parallel>, #tpu.dimension_semantics<subcore_parallel>], iteration_bounds = array<i64: 1, 16>, scalar_prefetch = 0 : i64, scratch_operands = 11 : i64, tpu.core_type = #tpu.core_type<sc_vector_subcore>, window_params = [{transform_indices = #map}, {transform_indices = #map1}]} {
    %broadcast_in_dim3A = arith.constant 0.000000e+00 : f32
    %broadcast_in_dim3A_0 = vector.broadcast %broadcast_in_dim3A : f32 to vector<16xf32>
    %broadcast_in_dim3A_1 = arith.constant 1.000000e+00 : f32
    %broadcast_in_dim3A_2 = vector.broadcast %broadcast_in_dim3A_1 : f32 to vector<16xf32>
    %iota3A = tpu.iota {dimensions = array<i32: 0>} : vector<16xi32>
    %lt3A = arith.constant 12 : i32
    %lt3A_3 = vector.broadcast %lt3A : i32 to vector<16xi32>
    %lt3A_4 = arith.cmpi slt, %iota3A, %lt3A_3 : vector<16xi32>
    %mul3A = arith.constant 384 : i32
    %mul3A_5 = arith.muli %arg1, %mul3A : i32
    "tpu.region"() ({
      %run_scoped3A = tpu.sem_alloc : memref<!tpu.dma_semaphore, #tpu.memory_space<semaphore_mem>>
      %dma_start3A = arith.constant 128 : i32
      %dma_start3A_2016 = tpu.memref_slice %arg2[%mul3A_5, %dma_start3A] : memref<6144x512xi32, #tpu.memory_space<hbm>> -> memref<384x256xi32, #tpu.memory_space<hbm>>
      %dma_start3A_2017 = arith.constant 128 : i32
      %dma_start3A_2018 = tpu.memref_slice %arg2[%mul3A_5, %dma_start3A_2017] : memref<6144x512xi32, #tpu.memory_space<hbm>> -> memref<384x256xi32, #tpu.memory_space<hbm>>
      tpu.enqueue_dma source(%dma_start3A_2018 : memref<384x256xi32, #tpu.memory_space<hbm>>) target(%arg4 : memref<384x256xi32, #tpu.memory_space<vmem>>) target_semaphore(%run_scoped3A : memref<!tpu.dma_semaphore, #tpu.memory_space<semaphore_mem>>)
      %dma_wait3A = arith.constant 128 : i32
      %dma_wait3A_2019 = tpu.memref_slice %arg2[%mul3A_5, %dma_wait3A] : memref<6144x512xi32, #tpu.memory_space<hbm>> -> memref<384x256xi32, #tpu.memory_space<hbm>>
      %dma_wait3A_2020 = arith.constant 128 : i32
      %dma_wait3A_2021 = tpu.memref_slice %arg2[%mul3A_5, %dma_wait3A_2020] : memref<6144x512xi32, #tpu.memory_space<hbm>> -> memref<384x256xi32, #tpu.memory_space<hbm>>
      tpu.wait_dma2 semaphore(%run_scoped3A : memref<!tpu.dma_semaphore, #tpu.memory_space<semaphore_mem>>) src(%dma_wait3A_2021 : memref<384x256xi32, #tpu.memory_space<hbm>>) dst(%arg4 : memref<384x256xi32, #tpu.memory_space<vmem>>)
      tpu.yield
    }) : () -> ()
    %parallel_loop3A = arith.constant 0 : i32
    %parallel_loop3A_6 = arith.constant 384 : i32
    %parallel_loop3A_7 = arith.constant 1 : i32
    scf.for %parallel_loop3A_2016 = %parallel_loop3A to %parallel_loop3A_6 step %parallel_loop3A_7  : i32 {
      %parallel_loop3A_2017 = arith.index_cast %parallel_loop3A_2016 : i32 to index
      %parallel_loop3A_2018 = arith.constant 0 : index
      %parallel_loop3A_2019 = tpu.vector_load %arg4[%parallel_loop3A_2017, %parallel_loop3A_2018] {strides = array<i32>} : memref<384x256xi32, #tpu.memory_space<vmem>>, vector<16xi32>,
      %parallel_loop3A_2020 = arith.constant 31 : i32
      %parallel_loop3A_2021 = vector.broadcast %parallel_loop3A_2020 : i32 to vector<16xi32>
      %parallel_loop3A_2022 = arith.shrsi %parallel_loop3A_2019, %parallel_loop3A_2021 : vector<16xi32>
      %parallel_loop3A_2023 = arith.constant 2147483647 : i32
      %parallel_loop3A_2024 = vector.broadcast %parallel_loop3A_2023 : i32 to vector<16xi32>
      %parallel_loop3A_2025 = arith.andi %parallel_loop3A_2022, %parallel_loop3A_2024 : vector<16xi32>
      %parallel_loop3A_2026 = arith.xori %parallel_loop3A_2019, %parallel_loop3A_2025 : vector<16xi32>
      %parallel_loop3A_2027 = arith.index_cast %parallel_loop3A_2016 : i32 to index
      %parallel_loop3A_2028 = arith.constant 0 : index
      %parallel_loop3A_2029 = tpu.vector_load %arg4[%parallel_loop3A_2027, %parallel_loop3A_2028] {strides = array<i32>} : memref<384x256xi32, #tpu.memory_space<vmem>>, vector<16xi32>,
      tpu.vector_store %arg4[%parallel_loop3A_2027, %parallel_loop3A_2028], %parallel_loop3A_2026 {strides = array<i32>} : memref<384x256xi32, #tpu.memory_space<vmem>>, vector<16xi32>,
      %parallel_loop3A_2030 = arith.index_cast %parallel_loop3A_2016 : i32 to index
      %parallel_loop3A_2031 = arith.constant 16 : index
      %parallel_loop3A_2032 = tpu.vector_load %arg4[%parallel_loop3A_2030, %parallel_loop3A_2031] {strides = array<i32>} : memref<384x256xi32, #tpu.memory_space<vmem>>, vector<16xi32>,
      %parallel_loop3A_2033 = arith.constant 31 : i32
      %parallel_loop3A_2034 = vector.broadcast %parallel_loop3A_2033 : i32 to vector<16xi32>
      %parallel_loop3A_2035 = arith.shrsi %parallel_loop3A_2032, %parallel_loop3A_2034 : vector<16xi32>
      %parallel_loop3A_2036 = arith.constant 2147483647 : i32
      %parallel_loop3A_2037 = vector.broadcast %parallel_loop3A_2036 : i32 to vector<16xi32>
      %parallel_loop3A_2038 = arith.andi %parallel_loop3A_2035, %parallel_loop3A_2037 : vector<16xi32>
      %parallel_loop3A_2039 = arith.xori %parallel_loop3A_2032, %parallel_loop3A_2038 : vector<16xi32>
      %parallel_loop3A_2040 = arith.index_cast %parallel_loop3A_2016 : i32 to index
      %parallel_loop3A_2041 = arith.constant 16 : index
      %parallel_loop3A_2042 = tpu.vector_load %arg4[%parallel_loop3A_2040, %parallel_loop3A_2041] {strides = array<i32>} : memref<384x256xi32, #tpu.memory_space<vmem>>, vector<16xi32>,
      tpu.vector_store %arg4[%parallel_loop3A_2040, %parallel_loop3A_2041], %parallel_loop3A_2039 {strides = array<i32>} : memref<384x256xi32, #tpu.memory_space<vmem>>, vector<16xi32>,
      %parallel_loop3A_2043 = arith.index_cast %parallel_loop3A_2016 : i32 to index
      %parallel_loop3A_2044 = arith.constant 32 : index
      %parallel_loop3A_2045 = tpu.vector_load %arg4[%parallel_loop3A_2043, %parallel_loop3A_2044] {strides = array<i32>} : memref<384x256xi32, #tpu.memory_space<vmem>>, vector<16xi32>,
      %parallel_loop3A_2046 = arith.constant 31 : i32
      %parallel_loop3A_2047 = vector.broadcast %parallel_loop3A_2046 : i32 to vector<16xi32>
      %parallel_loop3A_2048 = arith.shrsi %parallel_loop3A_2045, %parallel_loop3A_2047 : vector<16xi32>
      %parallel_loop3A_2049 = arith.constant 2147483647 : i32
      %parallel_loop3A_2050 = vector.broadcast %parallel_loop3A_2049 : i32 to vector<16xi32>
      %parallel_loop3A_2051 = arith.andi %parallel_loop3A_2048, %parallel_loop3A_2050 : vector<16xi32>
      %parallel_loop3A_2052 = arith.xori %parallel_loop3A_2045, %parallel_loop3A_2051 : vector<16xi32>
      %parallel_loop3A_2053 = arith.index_cast %parallel_loop3A_2016 : i32 to index
      %parallel_loop3A_2054 = arith.constant 32 : index
      %parallel_loop3A_2055 = tpu.vector_load %arg4[%parallel_loop3A_2053, %parallel_loop3A_2054] {strides = array<i32>} : memref<384x256xi32, #tpu.memory_space<vmem>>, vector<16xi32>,
      tpu.vector_store %arg4[%parallel_loop3A_2053, %parallel_loop3A_2054], %parallel_loop3A_2052 {strides = array<i32>} : memref<384x256xi32, #tpu.memory_space<vmem>>, vector<16xi32>,
      %parallel_loop3A_2056 = arith.index_cast %parallel_loop3A_2016 : i32 to index
      %parallel_loop3A_2057 = arith.constant 48 : index
      %parallel_loop3A_2058 = tpu.vector_load %arg4[%parallel_loop3A_2056, %parallel_loop3A_2057] {strides = array<i32>} : memref<384x256xi32, #tpu.memory_space<vmem>>, vector<16xi32>,
      %parallel_loop3A_2059 = arith.constant 31 : i32
      %parallel_loop3A_2060 = vector.broadcast %parallel_loop3A_2059 : i32 to vector<16xi32>
      %parallel_loop3A_2061 = arith.shrsi %parallel_loop3A_2058, %parallel_loop3A_2060 : vector<16xi32>
      %parallel_loop3A_2062 = arith.constant 2147483647 : i32
      %parallel_loop3A_2063 = vector.broadcast %parallel_loop3A_2062 : i32 to vector<16xi32>
      %parallel_loop3A_2064 = arith.andi %parallel_loop3A_2061, %parallel_loop3A_2063 : vector<16xi32>
      %parallel_loop3A_2065 = arith.xori %parallel_loop3A_2058, %parallel_loop3A_2064 : vector<16xi32>
      %parallel_loop3A_2066 = arith.index_cast %parallel_loop3A_2016 : i32 to index
      %parallel_loop3A_2067 = arith.constant 48 : index
      %parallel_loop3A_2068 = tpu.vector_load %arg4[%parallel_loop3A_2066, %parallel_loop3A_2067] {strides = array<i32>} : memref<384x256xi32, #tpu.memory_space<vmem>>, vector<16xi32>,
      tpu.vector_store %arg4[%parallel_loop3A_2066, %parallel_loop3A_2067], %parallel_loop3A_2065 {strides = array<i32>} : memref<384x256xi32, #tpu.memory_space<vmem>>, vector<16xi32>,
      %parallel_loop3A_2069 = arith.index_cast %parallel_loop3A_2016 : i32 to index
      %parallel_loop3A_2070 = arith.constant 64 : index
      %parallel_loop3A_2071 = tpu.vector_load %arg4[%parallel_loop3A_2069, %parallel_loop3A_2070] {strides = array<i32>} : memref<384x256xi32, #tpu.memory_space<vmem>>, vector<16xi32>,
      %parallel_loop3A_2072 = arith.constant 31 : i32
      %parallel_loop3A_2073 = vector.broadcast %parallel_loop3A_2072 : i32 to vector<16xi32>
      %parallel_loop3A_2074 = arith.shrsi %parallel_loop3A_2071, %parallel_loop3A_2073 : vector<16xi32>
      %parallel_loop3A_2075 = arith.constant 2147483647 : i32
      %parallel_loop3A_2076 = vector.broadcast %parallel_loop3A_2075 : i32 to vector<16xi32>
      %parallel_loop3A_2077 = arith.andi %parallel_loop3A_2074, %parallel_loop3A_2076 : vector<16xi32>
      %parallel_loop3A_2078 = arith.xori %parallel_loop3A_2071, %parallel_loop3A_2077 : vector<16xi32>
      %parallel_loop3A_2079 = arith.index_cast %parallel_loop3A_2016 : i32 to index
      %parallel_loop3A_2080 = arith.constant 64 : index
      %parallel_loop3A_2081 = tpu.vector_load %arg4[%parallel_loop3A_2079, %parallel_loop3A_2080] {strides = array<i32>} : memref<384x256xi32, #tpu.memory_space<vmem>>, vector<16xi32>,
      tpu.vector_store %arg4[%parallel_loop3A_2079, %parallel_loop3A_2080], %parallel_loop3A_2078 {strides = array<i32>} : memref<384x256xi32, #tpu.memory_space<vmem>>, vector<16xi32>,
      %parallel_loop3A_2082 = arith.index_cast %parallel_loop3A_2016 : i32 to index
      %parallel_loop3A_2083 = arith.constant 80 : index
      %parallel_loop3A_2084 = tpu.vector_load %arg4[%parallel_loop3A_2082, %parallel_loop3A_2083] {strides = array<i32>} : memref<384x256xi32, #tpu.memory_space<vmem>>, vector<16xi32>,
      %parallel_loop3A_2085 = arith.constant 31 : i32
      %parallel_loop3A_2086 = vector.broadcast %parallel_loop3A_2085 : i32 to vector<16xi32>
      %parallel_loop3A_2087 = arith.shrsi %parallel_loop3A_2084, %parallel_loop3A_2086 : vector<16xi32>
      %parallel_loop3A_2088 = arith.constant 2147483647 : i32
      %parallel_loop3A_2089 = vector.broadcast %parallel_loop3A_2088 : i32 to vector<16xi32>
      %parallel_loop3A_2090 = arith.andi %parallel_loop3A_2087, %parallel_loop3A_2089 : vector<16xi32>
      %parallel_loop3A_2091 = arith.xori %parallel_loop3A_2084, %parallel_loop3A_2090 : vector<16xi32>
      %parallel_loop3A_2092 = arith.index_cast %parallel_loop3A_2016 : i32 to index
      %parallel_loop3A_2093 = arith.constant 80 : index
      %parallel_loop3A_2094 = tpu.vector_load %arg4[%parallel_loop3A_2092, %parallel_loop3A_2093] {strides = array<i32>} : memref<384x256xi32, #tpu.memory_space<vmem>>, vector<16xi32>,
      tpu.vector_store %arg4[%parallel_loop3A_2092, %parallel_loop3A_2093], %parallel_loop3A_2091 {strides = array<i32>} : memref<384x256xi32, #tpu.memory_space<vmem>>, vector<16xi32>,
      %parallel_loop3A_2095 = arith.index_cast %parallel_loop3A_2016 : i32 to index
      %parallel_loop3A_2096 = arith.constant 96 : index
      %parallel_loop3A_2097 = tpu.vector_load %arg4[%parallel_loop3A_2095, %parallel_loop3A_2096] {strides = array<i32>} : memref<384x256xi32, #tpu.memory_space<vmem>>, vector<16xi32>,
      %parallel_loop3A_2098 = arith.constant 31 : i32
      %parallel_loop3A_2099 = vector.broadcast %parallel_loop3A_2098 : i32 to vector<16xi32>
      %parallel_loop3A_2100 = arith.shrsi %parallel_loop3A_2097, %parallel_loop3A_2099 : vector<16xi32>
      %parallel_loop3A_2101 = arith.constant 2147483647 : i32
      %parallel_loop3A_2102 = vector.broadcast %parallel_loop3A_2101 : i32 to vector<16xi32>
      %parallel_loop3A_2103 = arith.andi %parallel_loop3A_2100, %parallel_loop3A_2102 : vector<16xi32>
      %parallel_loop3A_2104 = arith.xori %parallel_loop3A_2097, %parallel_loop3A_2103 : vector<16xi32>
      %parallel_loop3A_2105 = arith.index_cast %parallel_loop3A_2016 : i32 to index
      %parallel_loop3A_2106 = arith.constant 96 : index
      %parallel_loop3A_2107 = tpu.vector_load %arg4[%parallel_loop3A_2105, %parallel_loop3A_2106] {strides = array<i32>} : memref<384x256xi32, #tpu.memory_space<vmem>>, vector<16xi32>,
      tpu.vector_store %arg4[%parallel_loop3A_2105, %parallel_loop3A_2106], %parallel_loop3A_2104 {strides = array<i32>} : memref<384x256xi32, #tpu.memory_space<vmem>>, vector<16xi32>,
      %parallel_loop3A_2108 = arith.index_cast %parallel_loop3A_2016 : i32 to index
      %parallel_loop3A_2109 = arith.constant 112 : index
      %parallel_loop3A_2110 = tpu.vector_load %arg4[%parallel_loop3A_2108, %parallel_loop3A_2109] {strides = array<i32>} : memref<384x256xi32, #tpu.memory_space<vmem>>, vector<16xi32>,
      %parallel_loop3A_2111 = arith.constant 31 : i32
      %parallel_loop3A_2112 = vector.broadcast %parallel_loop3A_2111 : i32 to vector<16xi32>
      %parallel_loop3A_2113 = arith.shrsi %parallel_loop3A_2110, %parallel_loop3A_2112 : vector<16xi32>
      %parallel_loop3A_2114 = arith.constant 2147483647 : i32
      %parallel_loop3A_2115 = vector.broadcast %parallel_loop3A_2114 : i32 to vector<16xi32>
      %parallel_loop3A_2116 = arith.andi %parallel_loop3A_2113, %parallel_loop3A_2115 : vector<16xi32>
      %parallel_loop3A_2117 = arith.xori %parallel_loop3A_2110, %parallel_loop3A_2116 : vector<16xi32>
      %parallel_loop3A_2118 = arith.index_cast %parallel_loop3A_2016 : i32 to index
      %parallel_loop3A_2119 = arith.constant 112 : index
      %parallel_loop3A_2120 = tpu.vector_load %arg4[%parallel_loop3A_2118, %parallel_loop3A_2119] {strides = array<i32>} : memref<384x256xi32, #tpu.memory_space<vmem>>, vector<16xi32>,
      tpu.vector_store %arg4[%parallel_loop3A_2118, %parallel_loop3A_2119], %parallel_loop3A_2117 {strides = array<i32>} : memref<384x256xi32, #tpu.memory_space<vmem>>, vector<16xi32>,
      %parallel_loop3A_2121 = arith.index_cast %parallel_loop3A_2016 : i32 to index
      %parallel_loop3A_2122 = arith.constant 128 : index
      %parallel_loop3A_2123 = tpu.vector_load %arg4[%parallel_loop3A_2121, %parallel_loop3A_2122] {strides = array<i32>} : memref<384x256xi32, #tpu.memory_space<vmem>>, vector<16xi32>,
      %parallel_loop3A_2124 = arith.constant 31 : i32
      %parallel_loop3A_2125 = vector.broadcast %parallel_loop3A_2124 : i32 to vector<16xi32>
      %parallel_loop3A_2126 = arith.shrsi %parallel_loop3A_2123, %parallel_loop3A_2125 : vector<16xi32>
      %parallel_loop3A_2127 = arith.constant 2147483647 : i32
      %parallel_loop3A_2128 = vector.broadcast %parallel_loop3A_2127 : i32 to vector<16xi32>
      %parallel_loop3A_2129 = arith.andi %parallel_loop3A_2126, %parallel_loop3A_2128 : vector<16xi32>
      %parallel_loop3A_2130 = arith.xori %parallel_loop3A_2123, %parallel_loop3A_2129 : vector<16xi32>
      %parallel_loop3A_2131 = arith.index_cast %parallel_loop3A_2016 : i32 to index
      %parallel_loop3A_2132 = arith.constant 128 : index
      %parallel_loop3A_2133 = tpu.vector_load %arg4[%parallel_loop3A_2131, %parallel_loop3A_2132] {strides = array<i32>} : memref<384x256xi32, #tpu.memory_space<vmem>>, vector<16xi32>,
      tpu.vector_store %arg4[%parallel_loop3A_2131, %parallel_loop3A_2132], %parallel_loop3A_2130 {strides = array<i32>} : memref<384x256xi32, #tpu.memory_space<vmem>>, vector<16xi32>,
      %parallel_loop3A_2134 = arith.index_cast %parallel_loop3A_2016 : i32 to index
      %parallel_loop3A_2135 = arith.constant 144 : index
      %parallel_loop3A_2136 = tpu.vector_load %arg4[%parallel_loop3A_2134, %parallel_loop3A_2135] {strides = array<i32>} : memref<384x256xi32, #tpu.memory_space<vmem>>, vector<16xi32>,
      %parallel_loop3A_2137 = arith.constant 31 : i32
      %parallel_loop3A_2138 = vector.broadcast %parallel_loop3A_2137 : i32 to vector<16xi32>
      %parallel_loop3A_2139 = arith.shrsi %parallel_loop3A_2136, %parallel_loop3A_2138 : vector<16xi32>
      %parallel_loop3A_2140 = arith.constant 2147483647 : i32
      %parallel_loop3A_2141 = vector.broadcast %parallel_loop3A_2140 : i32 to vector<16xi32>
      %parallel_loop3A_2142 = arith.andi %parallel_loop3A_2139, %parallel_loop3A_2141 : vector<16xi32>
      %parallel_loop3A_2143 = arith.xori %parallel_loop3A_2136, %parallel_loop3A_2142 : vector<16xi32>
      %parallel_loop3A_2144 = arith.index_cast %parallel_loop3A_2016 : i32 to index
      %parallel_loop3A_2145 = arith.constant 144 : index
      %parallel_loop3A_2146 = tpu.vector_load %arg4[%parallel_loop3A_2144, %parallel_loop3A_2145] {strides = array<i32>} : memref<384x256xi32, #tpu.memory_space<vmem>>, vector<16xi32>,
      tpu.vector_store %arg4[%parallel_loop3A_2144, %parallel_loop3A_2145], %parallel_loop3A_2143 {strides = array<i32>} : memref<384x256xi32, #tpu.memory_space<vmem>>, vector<16xi32>,
      %parallel_loop3A_2147 = arith.index_cast %parallel_loop3A_2016 : i32 to index
      %parallel_loop3A_2148 = arith.constant 160 : index
      %parallel_loop3A_2149 = tpu.vector_load %arg4[%parallel_loop3A_2147, %parallel_loop3A_2148] {strides = array<i32>} : memref<384x256xi32, #tpu.memory_space<vmem>>, vector<16xi32>,
      %parallel_loop3A_2150 = arith.constant 31 : i32
      %parallel_loop3A_2151 = vector.broadcast %parallel_loop3A_2150 : i32 to vector<16xi32>
      %parallel_loop3A_2152 = arith.shrsi %parallel_loop3A_2149, %parallel_loop3A_2151 : vector<16xi32>
      %parallel_loop3A_2153 = arith.constant 2147483647 : i32
      %parallel_loop3A_2154 = vector.broadcast %parallel_loop3A_2153 : i32 to vector<16xi32>
      %parallel_loop3A_2155 = arith.andi %parallel_loop3A_2152, %parallel_loop3A_2154 : vector<16xi32>
      %parallel_loop3A_2156 = arith.xori %parallel_loop3A_2149, %parallel_loop3A_2155 : vector<16xi32>
      %parallel_loop3A_2157 = arith.index_cast %parallel_loop3A_2016 : i32 to index
      %parallel_loop3A_2158 = arith.constant 160 : index
      %parallel_loop3A_2159 = tpu.vector_load %arg4[%parallel_loop3A_2157, %parallel_loop3A_2158] {strides = array<i32>} : memref<384x256xi32, #tpu.memory_space<vmem>>, vector<16xi32>,
      tpu.vector_store %arg4[%parallel_loop3A_2157, %parallel_loop3A_2158], %parallel_loop3A_2156 {strides = array<i32>} : memref<384x256xi32, #tpu.memory_space<vmem>>, vector<16xi32>,
    } {sc.loop_unroll_factor = 2 : i64, sc.parallel_access}
    %broadcast_in_dim3A_8 = arith.constant 1.056760e+05 : f32
    %broadcast_in_dim3A_9 = vector.broadcast %broadcast_in_dim3A_8 : f32 to vector<16xf32>
    %parallel_loop3A_10 = arith.constant 0 : i32
    %parallel_loop3A_11 = arith.constant 256 : i32
    %parallel_loop3A_12 = arith.constant 1 : i32
    scf.for %parallel_loop3A_2016 = %parallel_loop3A_10 to %parallel_loop3A_11 step %parallel_loop3A_12  : i32 {
      %parallel_loop3A_2017 = arith.constant 16 : i32
      %parallel_loop3A_2018 = arith.muli %parallel_loop3A_2016, %parallel_loop3A_2017 : i32
      %parallel_loop3A_2019 = arith.index_cast %parallel_loop3A_2018 : i32 to index
      %parallel_loop3A_2020 = tpu.vector_load %arg5[%parallel_loop3A_2019] {strides = array<i32>} : memref<4096xf32, #tpu.memory_space<vmem>>, vector<16xf32>,
      tpu.vector_store %arg5[%parallel_loop3A_2019], %broadcast_in_dim3A_0 {strides = array<i32>} : memref<4096xf32, #tpu.memory_space<vmem>>, vector<16xf32>,
    } {sc.loop_unroll_factor = 8 : i64, sc.parallel_access}
    %parallel_loop3A_13 = arith.constant 0 : i32
    %parallel_loop3A_14 = arith.constant 384 : i32
    %parallel_loop3A_15 = arith.constant 1 : i32
    scf.for %parallel_loop3A_2016 = %parallel_loop3A_13 to %parallel_loop3A_14 step %parallel_loop3A_15  : i32 {
      %parallel_loop3A_2017 = arith.index_cast %parallel_loop3A_2016 : i32 to index
      %parallel_loop3A_2018 = arith.constant 0 : index
      %parallel_loop3A_2019 = tpu.vector_load %arg4[%parallel_loop3A_2017, %parallel_loop3A_2018] {strides = array<i32>} : memref<384x256xi32, #tpu.memory_space<vmem>>, vector<16xi32>,
      %parallel_loop3A_2020 = arith.constant 20 : i32
      %parallel_loop3A_2021 = vector.broadcast %parallel_loop3A_2020 : i32 to vector<16xi32>
      %parallel_loop3A_2022 = arith.shrsi %parallel_loop3A_2019, %parallel_loop3A_2021 : vector<16xi32>
      %parallel_loop3A_2023 = arith.constant -1 : i32
      %parallel_loop3A_2024 = vector.broadcast %parallel_loop3A_2023 : i32 to vector<16xi32>
      %parallel_loop3A_2025 = arith.andi %parallel_loop3A_2022, %parallel_loop3A_2024 : vector<16xi32>
      %parallel_loop3A_2026 = arith.constant 2048 : i32
      %parallel_loop3A_2027 = vector.broadcast %parallel_loop3A_2026 : i32 to vector<16xi32>
      %parallel_loop3A_2028 = arith.addi %parallel_loop3A_2025, %parallel_loop3A_2027 : vector<16xi32>
      tpu.vector_store_idx %arg5[%parallel_loop3A_2028], %broadcast_in_dim3A_2 {add = true} : memref<4096xf32, #tpu.memory_space<vmem>>[vector<16xi32>], vector<16xf32>,
      %parallel_loop3A_2029 = arith.index_cast %parallel_loop3A_2016 : i32 to index
      %parallel_loop3A_2030 = arith.constant 16 : index
      %parallel_loop3A_2031 = tpu.vector_load %arg4[%parallel_loop3A_2029, %parallel_loop3A_2030] {strides = array<i32>} : memref<384x256xi32, #tpu.memory_space<vmem>>, vector<16xi32>,
      %parallel_loop3A_2032 = arith.constant 20 : i32
      %parallel_loop3A_2033 = vector.broadcast %parallel_loop3A_2032 : i32 to vector<16xi32>
      %parallel_loop3A_2034 = arith.shrsi %parallel_loop3A_2031, %parallel_loop3A_2033 : vector<16xi32>
      %parallel_loop3A_2035 = arith.constant -1 : i32
      %parallel_loop3A_2036 = vector.broadcast %parallel_loop3A_2035 : i32 to vector<16xi32>
      %parallel_loop3A_2037 = arith.andi %parallel_loop3A_2034, %parallel_loop3A_2036 : vector<16xi32>
      %parallel_loop3A_2038 = arith.constant 2048 : i32
      %parallel_loop3A_2039 = vector.broadcast %parallel_loop3A_2038 : i32 to vector<16xi32>
      %parallel_loop3A_2040 = arith.addi %parallel_loop3A_2037, %parallel_loop3A_2039 : vector<16xi32>
      tpu.vector_store_idx %arg5[%parallel_loop3A_2040], %broadcast_in_dim3A_2 {add = true} : memref<4096xf32, #tpu.memory_space<vmem>>[vector<16xi32>], vector<16xf32>,
      %parallel_loop3A_2041 = arith.index_cast %parallel_loop3A_2016 : i32 to index
      %parallel_loop3A_2042 = arith.constant 32 : index
      %parallel_loop3A_2043 = tpu.vector_load %arg4[%parallel_loop3A_2041, %parallel_loop3A_2042] {strides = array<i32>} : memref<384x256xi32, #tpu.memory_space<vmem>>, vector<16xi32>,
      %parallel_loop3A_2044 = arith.constant 20 : i32
      %parallel_loop3A_2045 = vector.broadcast %parallel_loop3A_2044 : i32 to vector<16xi32>
      %parallel_loop3A_2046 = arith.shrsi %parallel_loop3A_2043, %parallel_loop3A_2045 : vector<16xi32>
      %parallel_loop3A_2047 = arith.constant -1 : i32
      %parallel_loop3A_2048 = vector.broadcast %parallel_loop3A_2047 : i32 to vector<16xi32>
      %parallel_loop3A_2049 = arith.andi %parallel_loop3A_2046, %parallel_loop3A_2048 : vector<16xi32>
      %parallel_loop3A_2050 = arith.constant 2048 : i32
      %parallel_loop3A_2051 = vector.broadcast %parallel_loop3A_2050 : i32 to vector<16xi32>
      %parallel_loop3A_2052 = arith.addi %parallel_loop3A_2049, %parallel_loop3A_2051 : vector<16xi32>
      tpu.vector_store_idx %arg5[%parallel_loop3A_2052], %broadcast_in_dim3A_2 {add = true} : memref<4096xf32, #tpu.memory_space<vmem>>[vector<16xi32>], vector<16xf32>,
      %parallel_loop3A_2053 = arith.index_cast %parallel_loop3A_2016 : i32 to index
      %parallel_loop3A_2054 = arith.constant 48 : index
      %parallel_loop3A_2055 = tpu.vector_load %arg4[%parallel_loop3A_2053, %parallel_loop3A_2054] {strides = array<i32>} : memref<384x256xi32, #tpu.memory_space<vmem>>, vector<16xi32>,
      %parallel_loop3A_2056 = arith.constant 20 : i32
      %parallel_loop3A_2057 = vector.broadcast %parallel_loop3A_2056 : i32 to vector<16xi32>
      %parallel_loop3A_2058 = arith.shrsi %parallel_loop3A_2055, %parallel_loop3A_2057 : vector<16xi32>
      %parallel_loop3A_2059 = arith.constant -1 : i32
      %parallel_loop3A_2060 = vector.broadcast %parallel_loop3A_2059 : i32 to vector<16xi32>
      %parallel_loop3A_2061 = arith.andi %parallel_loop3A_2058, %parallel_loop3A_2060 : vector<16xi32>
      %parallel_loop3A_2062 = arith.constant 2048 : i32
      %parallel_loop3A_2063 = vector.broadcast %parallel_loop3A_2062 : i32 to vector<16xi32>
      %parallel_loop3A_2064 = arith.addi %parallel_loop3A_2061, %parallel_loop3A_2063 : vector<16xi32>
      tpu.vector_store_idx %arg5[%parallel_loop3A_2064], %broadcast_in_dim3A_2 {add = true} : memref<4096xf32, #tpu.memory_space<vmem>>[vector<16xi32>], vector<16xf32>,
      %parallel_loop3A_2065 = arith.index_cast %parallel_loop3A_2016 : i32 to index
      %parallel_loop3A_2066 = arith.constant 64 : index
      %parallel_loop3A_2067 = tpu.vector_load %arg4[%parallel_loop3A_2065, %parallel_loop3A_2066] {strides = array<i32>} : memref<384x256xi32, #tpu.memory_space<vmem>>, vector<16xi32>,
      %parallel_loop3A_2068 = arith.constant 20 : i32
      %parallel_loop3A_2069 = vector.broadcast %parallel_loop3A_2068 : i32 to vector<16xi32>
      %parallel_loop3A_2070 = arith.shrsi %parallel_loop3A_2067, %parallel_loop3A_2069 : vector<16xi32>
      %parallel_loop3A_2071 = arith.constant -1 : i32
      %parallel_loop3A_2072 = vector.broadcast %parallel_loop3A_2071 : i32 to vector<16xi32>
      %parallel_loop3A_2073 = arith.andi %parallel_loop3A_2070, %parallel_loop3A_2072 : vector<16xi32>
      %parallel_loop3A_2074 = arith.constant 2048 : i32
      %parallel_loop3A_2075 = vector.broadcast %parallel_loop3A_2074 : i32 to vector<16xi32>
      %parallel_loop3A_2076 = arith.addi %parallel_loop3A_2073, %parallel_loop3A_2075 : vector<16xi32>
      tpu.vector_store_idx %arg5[%parallel_loop3A_2076], %broadcast_in_dim3A_2 {add = true} : memref<4096xf32, #tpu.memory_space<vmem>>[vector<16xi32>], vector<16xf32>,
      %parallel_loop3A_2077 = arith.index_cast %parallel_loop3A_2016 : i32 to index
      %parallel_loop3A_2078 = arith.constant 80 : index
      %parallel_loop3A_2079 = tpu.vector_load %arg4[%parallel_loop3A_2077, %parallel_loop3A_2078] {strides = array<i32>} : memref<384x256xi32, #tpu.memory_space<vmem>>, vector<16xi32>,
      %parallel_loop3A_2080 = arith.constant 20 : i32
      %parallel_loop3A_2081 = vector.broadcast %parallel_loop3A_2080 : i32 to vector<16xi32>
      %parallel_loop3A_2082 = arith.shrsi %parallel_loop3A_2079, %parallel_loop3A_2081 : vector<16xi32>
      %parallel_loop3A_2083 = arith.constant -1 : i32
      %parallel_loop3A_2084 = vector.broadcast %parallel_loop3A_2083 : i32 to vector<16xi32>
      %parallel_loop3A_2085 = arith.andi %parallel_loop3A_2082, %parallel_loop3A_2084 : vector<16xi32>
      %parallel_loop3A_2086 = arith.constant 2048 : i32
      %parallel_loop3A_2087 = vector.broadcast %parallel_loop3A_2086 : i32 to vector<16xi32>
      %parallel_loop3A_2088 = arith.addi %parallel_loop3A_2085, %parallel_loop3A_2087 : vector<16xi32>
      tpu.vector_store_idx %arg5[%parallel_loop3A_2088], %broadcast_in_dim3A_2 {add = true} : memref<4096xf32, #tpu.memory_space<vmem>>[vector<16xi32>], vector<16xf32>,
      %parallel_loop3A_2089 = arith.index_cast %parallel_loop3A_2016 : i32 to index
      %parallel_loop3A_2090 = arith.constant 96 : index
      %parallel_loop3A_2091 = tpu.vector_load %arg4[%parallel_loop3A_2089, %parallel_loop3A_2090] {strides = array<i32>} : memref<384x256xi32, #tpu.memory_space<vmem>>, vector<16xi32>,
      %parallel_loop3A_2092 = arith.constant 20 : i32
      %parallel_loop3A_2093 = vector.broadcast %parallel_loop3A_2092 : i32 to vector<16xi32>
      %parallel_loop3A_2094 = arith.shrsi %parallel_loop3A_2091, %parallel_loop3A_2093 : vector<16xi32>
      %parallel_loop3A_2095 = arith.constant -1 : i32
      %parallel_loop3A_2096 = vector.broadcast %parallel_loop3A_2095 : i32 to vector<16xi32>
      %parallel_loop3A_2097 = arith.andi %parallel_loop3A_2094, %parallel_loop3A_2096 : vector<16xi32>
      %parallel_loop3A_2098 = arith.constant 2048 : i32
      %parallel_loop3A_2099 = vector.broadcast %parallel_loop3A_2098 : i32 to vector<16xi32>
      %parallel_loop3A_2100 = arith.addi %parallel_loop3A_2097, %parallel_loop3A_2099 : vector<16xi32>
      tpu.vector_store_idx %arg5[%parallel_loop3A_2100], %broadcast_in_dim3A_2 {add = true} : memref<4096xf32, #tpu.memory_space<vmem>>[vector<16xi32>], vector<16xf32>,
      %parallel_loop3A_2101 = arith.index_cast %parallel_loop3A_2016 : i32 to index
      %parallel_loop3A_2102 = arith.constant 112 : index
      %parallel_loop3A_2103 = tpu.vector_load %arg4[%parallel_loop3A_2101, %parallel_loop3A_2102] {strides = array<i32>} : memref<384x256xi32, #tpu.memory_space<vmem>>, vector<16xi32>,
      %parallel_loop3A_2104 = arith.constant 20 : i32
      %parallel_loop3A_2105 = vector.broadcast %parallel_loop3A_2104 : i32 to vector<16xi32>
      %parallel_loop3A_2106 = arith.shrsi %parallel_loop3A_2103, %parallel_loop3A_2105 : vector<16xi32>
      %parallel_loop3A_2107 = arith.constant -1 : i32
      %parallel_loop3A_2108 = vector.broadcast %parallel_loop3A_2107 : i32 to vector<16xi32>
      %parallel_loop3A_2109 = arith.andi %parallel_loop3A_2106, %parallel_loop3A_2108 : vector<16xi32>
      %parallel_loop3A_2110 = arith.constant 2048 : i32
      %parallel_loop3A_2111 = vector.broadcast %parallel_loop3A_2110 : i32 to vector<16xi32>
      %parallel_loop3A_2112 = arith.addi %parallel_loop3A_2109, %parallel_loop3A_2111 : vector<16xi32>
      tpu.vector_store_idx %arg5[%parallel_loop3A_2112], %broadcast_in_dim3A_2 {add = true} : memref<4096xf32, #tpu.memory_space<vmem>>[vector<16xi32>], vector<16xf32>,
      %parallel_loop3A_2113 = arith.index_cast %parallel_loop3A_2016 : i32 to index
      %parallel_loop3A_2114 = arith.constant 128 : index
      %parallel_loop3A_2115 = tpu.vector_load %arg4[%parallel_loop3A_2113, %parallel_loop3A_2114] {strides = array<i32>} : memref<384x256xi32, #tpu.memory_space<vmem>>, vector<16xi32>,
      %parallel_loop3A_2116 = arith.constant 20 : i32
      %parallel_loop3A_2117 = vector.broadcast %parallel_loop3A_2116 : i32 to vector<16xi32>
      %parallel_loop3A_2118 = arith.shrsi %parallel_loop3A_2115, %parallel_loop3A_2117 : vector<16xi32>
      %parallel_loop3A_2119 = arith.constant -1 : i32
      %parallel_loop3A_2120 = vector.broadcast %parallel_loop3A_2119 : i32 to vector<16xi32>
      %parallel_loop3A_2121 = arith.andi %parallel_loop3A_2118, %parallel_loop3A_2120 : vector<16xi32>
      %parallel_loop3A_2122 = arith.constant 2048 : i32
      %parallel_loop3A_2123 = vector.broadcast %parallel_loop3A_2122 : i32 to vector<16xi32>
      %parallel_loop3A_2124 = arith.addi %parallel_loop3A_2121, %parallel_loop3A_2123 : vector<16xi32>
      tpu.vector_store_idx %arg5[%parallel_loop3A_2124], %broadcast_in_dim3A_2 {add = true} : memref<4096xf32, #tpu.memory_space<vmem>>[vector<16xi32>], vector<16xf32>,
      %parallel_loop3A_2125 = arith.index_cast %parallel_loop3A_2016 : i32 to index
      %parallel_loop3A_2126 = arith.constant 144 : index
      %parallel_loop3A_2127 = tpu.vector_load %arg4[%parallel_loop3A_2125, %parallel_loop3A_2126] {strides = array<i32>} : memref<384x256xi32, #tpu.memory_space<vmem>>, vector<16xi32>,
      %parallel_loop3A_2128 = arith.constant 20 : i32
      %parallel_loop3A_2129 = vector.broadcast %parallel_loop3A_2128 : i32 to vector<16xi32>
      %parallel_loop3A_2130 = arith.shrsi %parallel_loop3A_2127, %parallel_loop3A_2129 : vector<16xi32>
      %parallel_loop3A_2131 = arith.constant -1 : i32
      %parallel_loop3A_2132 = vector.broadcast %parallel_loop3A_2131 : i32 to vector<16xi32>
      %parallel_loop3A_2133 = arith.andi %parallel_loop3A_2130, %parallel_loop3A_2132 : vector<16xi32>
      %parallel_loop3A_2134 = arith.constant 2048 : i32
      %parallel_loop3A_2135 = vector.broadcast %parallel_loop3A_2134 : i32 to vector<16xi32>
      %parallel_loop3A_2136 = arith.addi %parallel_loop3A_2133, %parallel_loop3A_2135 : vector<16xi32>
      tpu.vector_store_idx %arg5[%parallel_loop3A_2136], %broadcast_in_dim3A_2 {add = true} : memref<4096xf32, #tpu.memory_space<vmem>>[vector<16xi32>], vector<16xf32>,
      %parallel_loop3A_2137 = arith.index_cast %parallel_loop3A_2016 : i32 to index
      %parallel_loop3A_2138 = arith.constant 160 : index
      %parallel_loop3A_2139 = tpu.vector_load %arg4[%parallel_loop3A_2137, %parallel_loop3A_2138] {strides = array<i32>} : memref<384x256xi32, #tpu.memory_space<vmem>>, vector<16xi32>,
      %parallel_loop3A_2140 = arith.constant 20 : i32
      %parallel_loop3A_2141 = vector.broadcast %parallel_loop3A_2140 : i32 to vector<16xi32>
      %parallel_loop3A_2142 = arith.shrsi %parallel_loop3A_2139, %parallel_loop3A_2141 : vector<16xi32>
      %parallel_loop3A_2143 = arith.constant -1 : i32
      %parallel_loop3A_2144 = vector.broadcast %parallel_loop3A_2143 : i32 to vector<16xi32>
      %parallel_loop3A_2145 = arith.andi %parallel_loop3A_2142, %parallel_loop3A_2144 : vector<16xi32>
      %parallel_loop3A_2146 = arith.constant 2048 : i32
      %parallel_loop3A_2147 = vector.broadcast %parallel_loop3A_2146 : i32 to vector<16xi32>
      %parallel_loop3A_2148 = arith.addi %parallel_loop3A_2145, %parallel_loop3A_2147 : vector<16xi32>
      tpu.vector_store_idx %arg5[%parallel_loop3A_2148], %broadcast_in_dim3A_2 masked %lt3A_4 {add = true} : memref<4096xf32, #tpu.memory_space<vmem>>[vector<16xi32>], vector<16xf32>, vector<16xi1>
    } {sc.loop_unroll_factor = 2 : i64, sc.parallel_access}
    "tpu.region"() ({
      %run_scoped3A = tpu.sem_alloc : memref<!tpu.dma_semaphore, #tpu.memory_space<semaphore_mem>>
      %dma_start3A = arith.constant 0 : i32
      %dma_start3A_2016 = tpu.memref_slice %arg5[%dma_start3A] : memref<4096xf32, #tpu.memory_space<vmem>> -> memref<4096xf32, #tpu.memory_space<vmem>>
      %dma_start3A_2017 = arith.constant 0 : i32
      %dma_start3A_2018 = tpu.memref_slice %arg12[%arg1, %dma_start3A_2017] : memref<16x4096xf32, #tpu.memory_space<vmem_shared>> -> memref<1x4096xf32, #tpu.memory_space<vmem_shared>>
      %dma_start3A_2019 = tpu.memref_squeeze %dma_start3A_2018 : memref<1x4096xf32, #tpu.memory_space<vmem_shared>> -> memref<4096xf32, #tpu.memory_space<vmem_shared>>
      %dma_start3A_2020 = arith.constant 0 : i32
      %dma_start3A_2021 = tpu.memref_slice %arg12[%arg1, %dma_start3A_2020] : memref<16x4096xf32, #tpu.memory_space<vmem_shared>> -> memref<1x4096xf32, #tpu.memory_space<vmem_shared>>
      %dma_start3A_2022 = tpu.memref_squeeze %dma_start3A_2021 : memref<1x4096xf32, #tpu.memory_space<vmem_shared>> -> memref<4096xf32, #tpu.memory_space<vmem_shared>>
      %dma_start3A_2023 = arith.constant 0 : i32
      %dma_start3A_2024 = tpu.memref_slice %arg5[%dma_start3A_2023] : memref<4096xf32, #tpu.memory_space<vmem>> -> memref<4096xf32, #tpu.memory_space<vmem>>
      tpu.enqueue_dma source(%dma_start3A_2024 : memref<4096xf32, #tpu.memory_space<vmem>>) target(%dma_start3A_2022 : memref<4096xf32, #tpu.memory_space<vmem_shared>>) target_semaphore(%run_scoped3A : memref<!tpu.dma_semaphore, #tpu.memory_space<semaphore_mem>>)
      %dma_wait3A = arith.constant 0 : i32
      %dma_wait3A_2025 = tpu.memref_slice %arg5[%dma_wait3A] : memref<4096xf32, #tpu.memory_space<vmem>> -> memref<4096xf32, #tpu.memory_space<vmem>>
      %dma_wait3A_2026 = arith.constant 0 : i32
      %dma_wait3A_2027 = tpu.memref_slice %arg12[%arg1, %dma_wait3A_2026] : memref<16x4096xf32, #tpu.memory_space<vmem_shared>> -> memref<1x4096xf32, #tpu.memory_space<vmem_shared>>
      %dma_wait3A_2028 = tpu.memref_squeeze %dma_wait3A_2027 : memref<1x4096xf32, #tpu.memory_space<vmem_shared>> -> memref<4096xf32, #tpu.memory_space<vmem_shared>>
      %dma_wait3A_2029 = arith.constant 0 : i32
      %dma_wait3A_2030 = tpu.memref_slice %arg12[%arg1, %dma_wait3A_2029] : memref<16x4096xf32, #tpu.memory_space<vmem_shared>> -> memref<1x4096xf32, #tpu.memory_space<vmem_shared>>
      %dma_wait3A_2031 = tpu.memref_squeeze %dma_wait3A_2030 : memref<1x4096xf32, #tpu.memory_space<vmem_shared>> -> memref<4096xf32, #tpu.memory_space<vmem_shared>>
      %dma_wait3A_2032 = arith.constant 0 : i32
      %dma_wait3A_2033 = tpu.memref_slice %arg5[%dma_wait3A_2032] : memref<4096xf32, #tpu.memory_space<vmem>> -> memref<4096xf32, #tpu.memory_space<vmem>>
      tpu.wait_dma2 semaphore(%run_scoped3A : memref<!tpu.dma_semaphore, #tpu.memory_space<semaphore_mem>>) src(%dma_wait3A_2033 : memref<4096xf32, #tpu.memory_space<vmem>>) dst(%dma_wait3A_2031 : memref<4096xf32, #tpu.memory_space<vmem_shared>>)
      tpu.yield
    }) : () -> ()
    %barrier3A = arith.constant 0 : index
    tpu.barrier barrier_id(%barrier3A)
    %mul3A_16 = arith.constant 256 : i32
    %mul3A_17 = arith.muli %arg1, %mul3A_16 : i32
    "tpu.region"() ({
      %run_scoped3A = tpu.sem_alloc : memref<!tpu.dma_semaphore, #tpu.memory_space<semaphore_mem>>
      %dma_start3A = arith.constant 0 : i32
      %dma_start3A_2016 = arith.constant 0 : i32
      %dma_start3A_2017 = tpu.memref_slice %arg6[%dma_start3A, %dma_start3A_2016] : memref<16x256xf32, #tpu.memory_space<vmem>> -> memref<16x256xf32, #tpu.memory_space<vmem>>
      %dma_start3A_2018 = arith.constant 0 : i32
      %dma_start3A_2019 = tpu.memref_slice %arg12[%dma_start3A_2018, %mul3A_17] : memref<16x4096xf32, #tpu.memory_space<vmem_shared>> -> memref<16x256xf32, #tpu.memory_space<vmem_shared>>
      %dma_start3A_2020 = arith.constant 0 : i32
      %dma_start3A_2021 = arith.constant 0 : i32
      %dma_start3A_2022 = tpu.memref_slice %arg6[%dma_start3A_2020, %dma_start3A_2021] : memref<16x256xf32, #tpu.memory_space<vmem>> -> memref<16x256xf32, #tpu.memory_space<vmem>>
      %dma_start3A_2023 = arith.constant 0 : i32
      %dma_start3A_2024 = tpu.memref_slice %arg12[%dma_start3A_2023, %mul3A_17] : memref<16x4096xf32, #tpu.memory_space<vmem_shared>> -> memref<16x256xf32, #tpu.memory_space<vmem_shared>>
      tpu.enqueue_dma source(%dma_start3A_2024 : memref<16x256xf32, #tpu.memory_space<vmem_shared>>) target(%dma_start3A_2022 : memref<16x256xf32, #tpu.memory_space<vmem>>) target_semaphore(%run_scoped3A : memref<!tpu.dma_semaphore, #tpu.memory_space<semaphore_mem>>)
      %dma_wait3A = arith.constant 0 : i32
      %dma_wait3A_2025 = arith.constant 0 : i32
      %dma_wait3A_2026 = tpu.memref_slice %arg6[%dma_wait3A, %dma_wait3A_2025] : memref<16x256xf32, #tpu.memory_space<vmem>> -> memref<16x256xf32, #tpu.memory_space<vmem>>
      %dma_wait3A_2027 = arith.constant 0 : i32
      %dma_wait3A_2028 = tpu.memref_slice %arg12[%dma_wait3A_2027, %mul3A_17] : memref<16x4096xf32, #tpu.memory_space<vmem_shared>> -> memref<16x256xf32, #tpu.memory_space<vmem_shared>>
      %dma_wait3A_2029 = arith.constant 0 : i32
      %dma_wait3A_2030 = arith.constant 0 : i32
      %dma_wait3A_2031 = tpu.memref_slice %arg6[%dma_wait3A_2029, %dma_wait3A_2030] : memref<16x256xf32, #tpu.memory_space<vmem>> -> memref<16x256xf32, #tpu.memory_space<vmem>>
      %dma_wait3A_2032 = arith.constant 0 : i32
      %dma_wait3A_2033 = tpu.memref_slice %arg12[%dma_wait3A_2032, %mul3A_17] : memref<16x4096xf32, #tpu.memory_space<vmem_shared>> -> memref<16x256xf32, #tpu.memory_space<vmem_shared>>
      tpu.wait_dma2 semaphore(%run_scoped3A : memref<!tpu.dma_semaphore, #tpu.memory_space<semaphore_mem>>) src(%dma_wait3A_2033 : memref<16x256xf32, #tpu.memory_space<vmem_shared>>) dst(%dma_wait3A_2031 : memref<16x256xf32, #tpu.memory_space<vmem>>)
      tpu.yield
    }) : () -> ()
    %parallel_loop3A_18 = arith.constant 0 : i32
    %parallel_loop3A_19 = arith.constant 16 : i32
    %parallel_loop3A_20 = arith.constant 1 : i32
    scf.for %parallel_loop3A_2016 = %parallel_loop3A_18 to %parallel_loop3A_19 step %parallel_loop3A_20  : i32 {
      %parallel_loop3A_2017 = arith.constant 16 : i32
      %parallel_loop3A_2018 = arith.muli %parallel_loop3A_2016, %parallel_loop3A_2017 : i32
      %parallel_loop3A_2019 = arith.constant 0 : i32
      %parallel_loop3A_2020 = arith.index_cast %parallel_loop3A_2019 : i32 to index
      %parallel_loop3A_2021 = arith.index_cast %parallel_loop3A_2018 : i32 to index
      %parallel_loop3A_2022 = tpu.vector_load %arg6[%parallel_loop3A_2020, %parallel_loop3A_2021] {strides = array<i32>} : memref<16x256xf32, #tpu.memory_space<vmem>>, vector<16xf32>,
      %parallel_loop3A_2023 = arith.addf %broadcast_in_dim3A_0, %parallel_loop3A_2022 : vector<16xf32>
      %parallel_loop3A_2024 = arith.constant 16 : i32
      %parallel_loop3A_2025 = arith.muli %parallel_loop3A_2016, %parallel_loop3A_2024 : i32
      %parallel_loop3A_2026 = arith.constant 1 : i32
      %parallel_loop3A_2027 = arith.index_cast %parallel_loop3A_2026 : i32 to index
      %parallel_loop3A_2028 = arith.index_cast %parallel_loop3A_2025 : i32 to index
      %parallel_loop3A_2029 = tpu.vector_load %arg6[%parallel_loop3A_2027, %parallel_loop3A_2028] {strides = array<i32>} : memref<16x256xf32, #tpu.memory_space<vmem>>, vector<16xf32>,
      %parallel_loop3A_2030 = arith.addf %parallel_loop3A_2023, %parallel_loop3A_2029 : vector<16xf32>
      %parallel_loop3A_2031 = arith.constant 16 : i32
      %parallel_loop3A_2032 = arith.muli %parallel_loop3A_2016, %parallel_loop3A_2031 : i32
      %parallel_loop3A_2033 = arith.constant 2 : i32
      %parallel_loop3A_2034 = arith.index_cast %parallel_loop3A_2033 : i32 to index
      %parallel_loop3A_2035 = arith.index_cast %parallel_loop3A_2032 : i32 to index
      %parallel_loop3A_2036 = tpu.vector_load %arg6[%parallel_loop3A_2034, %parallel_loop3A_2035] {strides = array<i32>} : memref<16x256xf32, #tpu.memory_space<vmem>>, vector<16xf32>,
      %parallel_loop3A_2037 = arith.addf %parallel_loop3A_2030, %parallel_loop3A_2036 : vector<16xf32>
      %parallel_loop3A_2038 = arith.constant 16 : i32
      %parallel_loop3A_2039 = arith.muli %parallel_loop3A_2016, %parallel_loop3A_2038 : i32
      %parallel_loop3A_2040 = arith.constant 3 : i32
      %parallel_loop3A_2041 = arith.index_cast %parallel_loop3A_2040 : i32 to index
      %parallel_loop3A_2042 = arith.index_cast %parallel_loop3A_2039 : i32 to index
      %parallel_loop3A_2043 = tpu.vector_load %arg6[%parallel_loop3A_2041, %parallel_loop3A_2042] {strides = array<i32>} : memref<16x256xf32, #tpu.memory_space<vmem>>, vector<16xf32>,
      %parallel_loop3A_2044 = arith.addf %parallel_loop3A_2037, %parallel_loop3A_2043 : vector<16xf32>
      %parallel_loop3A_2045 = arith.constant 16 : i32
      %parallel_loop3A_2046 = arith.muli %parallel_loop3A_2016, %parallel_loop3A_2045 : i32
      %parallel_loop3A_2047 = arith.constant 4 : i32
      %parallel_loop3A_2048 = arith.index_cast %parallel_loop3A_2047 : i32 to index
      %parallel_loop3A_2049 = arith.index_cast %parallel_loop3A_2046 : i32 to index
      %parallel_loop3A_2050 = tpu.vector_load %arg6[%parallel_loop3A_2048, %parallel_loop3A_2049] {strides = array<i32>} : memref<16x256xf32, #tpu.memory_space<vmem>>, vector<16xf32>,
      %parallel_loop3A_2051 = arith.addf %parallel_loop3A_2044, %parallel_loop3A_2050 : vector<16xf32>
      %parallel_loop3A_2052 = arith.constant 16 : i32
      %parallel_loop3A_2053 = arith.muli %parallel_loop3A_2016, %parallel_loop3A_2052 : i32
      %parallel_loop3A_2054 = arith.constant 5 : i32
      %parallel_loop3A_2055 = arith.index_cast %parallel_loop3A_2054 : i32 to index
      %parallel_loop3A_2056 = arith.index_cast %parallel_loop3A_2053 : i32 to index
      %parallel_loop3A_2057 = tpu.vector_load %arg6[%parallel_loop3A_2055, %parallel_loop3A_2056] {strides = array<i32>} : memref<16x256xf32, #tpu.memory_space<vmem>>, vector<16xf32>,
      %parallel_loop3A_2058 = arith.addf %parallel_loop3A_2051, %parallel_loop3A_2057 : vector<16xf32>
      %parallel_loop3A_2059 = arith.constant 16 : i32
      %parallel_loop3A_2060 = arith.muli %parallel_loop3A_2016, %parallel_loop3A_2059 : i32
      %parallel_loop3A_2061 = arith.constant 6 : i32
      %parallel_loop3A_2062 = arith.index_cast %parallel_loop3A_2061 : i32 to index
      %parallel_loop3A_2063 = arith.index_cast %parallel_loop3A_2060 : i32 to index
      %parallel_loop3A_2064 = tpu.vector_load %arg6[%parallel_loop3A_2062, %parallel_loop3A_2063] {strides = array<i32>} : memref<16x256xf32, #tpu.memory_space<vmem>>, vector<16xf32>,
      %parallel_loop3A_2065 = arith.addf %parallel_loop3A_2058, %parallel_loop3A_2064 : vector<16xf32>
      %parallel_loop3A_2066 = arith.constant 16 : i32
      %parallel_loop3A_2067 = arith.muli %parallel_loop3A_2016, %parallel_loop3A_2066 : i32
      %parallel_loop3A_2068 = arith.constant 7 : i32
      %parallel_loop3A_2069 = arith.index_cast %parallel_loop3A_2068 : i32 to index
      %parallel_loop3A_2070 = arith.index_cast %parallel_loop3A_2067 : i32 to index
      %parallel_loop3A_2071 = tpu.vector_load %arg6[%parallel_loop3A_2069, %parallel_loop3A_2070] {strides = array<i32>} : memref<16x256xf32, #tpu.memory_space<vmem>>, vector<16xf32>,
      %parallel_loop3A_2072 = arith.addf %parallel_loop3A_2065, %parallel_loop3A_2071 : vector<16xf32>
      %parallel_loop3A_2073 = arith.constant 16 : i32
      %parallel_loop3A_2074 = arith.muli %parallel_loop3A_2016, %parallel_loop3A_2073 : i32
      %parallel_loop3A_2075 = arith.constant 8 : i32
      %parallel_loop3A_2076 = arith.index_cast %parallel_loop3A_2075 : i32 to index
      %parallel_loop3A_2077 = arith.index_cast %parallel_loop3A_2074 : i32 to index
      %parallel_loop3A_2078 = tpu.vector_load %arg6[%parallel_loop3A_2076, %parallel_loop3A_2077] {strides = array<i32>} : memref<16x256xf32, #tpu.memory_space<vmem>>, vector<16xf32>,
      %parallel_loop3A_2079 = arith.addf %parallel_loop3A_2072, %parallel_loop3A_2078 : vector<16xf32>
      %parallel_loop3A_2080 = arith.constant 16 : i32
      %parallel_loop3A_2081 = arith.muli %parallel_loop3A_2016, %parallel_loop3A_2080 : i32
      %parallel_loop3A_2082 = arith.constant 9 : i32
      %parallel_loop3A_2083 = arith.index_cast %parallel_loop3A_2082 : i32 to index
      %parallel_loop3A_2084 = arith.index_cast %parallel_loop3A_2081 : i32 to index
      %parallel_loop3A_2085 = tpu.vector_load %arg6[%parallel_loop3A_2083, %parallel_loop3A_2084] {strides = array<i32>} : memref<16x256xf32, #tpu.memory_space<vmem>>, vector<16xf32>,
      %parallel_loop3A_2086 = arith.addf %parallel_loop3A_2079, %parallel_loop3A_2085 : vector<16xf32>
      %parallel_loop3A_2087 = arith.constant 16 : i32
      %parallel_loop3A_2088 = arith.muli %parallel_loop3A_2016, %parallel_loop3A_2087 : i32
      %parallel_loop3A_2089 = arith.constant 10 : i32
      %parallel_loop3A_2090 = arith.index_cast %parallel_loop3A_2089 : i32 to index
      %parallel_loop3A_2091 = arith.index_cast %parallel_loop3A_2088 : i32 to index
      %parallel_loop3A_2092 = tpu.vector_load %arg6[%parallel_loop3A_2090, %parallel_loop3A_2091] {strides = array<i32>} : memref<16x256xf32, #tpu.memory_space<vmem>>, vector<16xf32>,
      %parallel_loop3A_2093 = arith.addf %parallel_loop3A_2086, %parallel_loop3A_2092 : vector<16xf32>
      %parallel_loop3A_2094 = arith.constant 16 : i32
      %parallel_loop3A_2095 = arith.muli %parallel_loop3A_2016, %parallel_loop3A_2094 : i32
      %parallel_loop3A_2096 = arith.constant 11 : i32
      %parallel_loop3A_2097 = arith.index_cast %parallel_loop3A_2096 : i32 to index
      %parallel_loop3A_2098 = arith.index_cast %parallel_loop3A_2095 : i32 to index
      %parallel_loop3A_2099 = tpu.vector_load %arg6[%parallel_loop3A_2097, %parallel_loop3A_2098] {strides = array<i32>} : memref<16x256xf32, #tpu.memory_space<vmem>>, vector<16xf32>,
      %parallel_loop3A_2100 = arith.addf %parallel_loop3A_2093, %parallel_loop3A_2099 : vector<16xf32>
      %parallel_loop3A_2101 = arith.constant 16 : i32
      %parallel_loop3A_2102 = arith.muli %parallel_loop3A_2016, %parallel_loop3A_2101 : i32
      %parallel_loop3A_2103 = arith.constant 12 : i32
      %parallel_loop3A_2104 = arith.index_cast %parallel_loop3A_2103 : i32 to index
      %parallel_loop3A_2105 = arith.index_cast %parallel_loop3A_2102 : i32 to index
      %parallel_loop3A_2106 = tpu.vector_load %arg6[%parallel_loop3A_2104, %parallel_loop3A_2105] {strides = array<i32>} : memref<16x256xf32, #tpu.memory_space<vmem>>, vector<16xf32>,
      %parallel_loop3A_2107 = arith.addf %parallel_loop3A_2100, %parallel_loop3A_2106 : vector<16xf32>
      %parallel_loop3A_2108 = arith.constant 16 : i32
      %parallel_loop3A_2109 = arith.muli %parallel_loop3A_2016, %parallel_loop3A_2108 : i32
      %parallel_loop3A_2110 = arith.constant 13 : i32
      %parallel_loop3A_2111 = arith.index_cast %parallel_loop3A_2110 : i32 to index
      %parallel_loop3A_2112 = arith.index_cast %parallel_loop3A_2109 : i32 to index
      %parallel_loop3A_2113 = tpu.vector_load %arg6[%parallel_loop3A_2111, %parallel_loop3A_2112] {strides = array<i32>} : memref<16x256xf32, #tpu.memory_space<vmem>>, vector<16xf32>,
      %parallel_loop3A_2114 = arith.addf %parallel_loop3A_2107, %parallel_loop3A_2113 : vector<16xf32>
      %parallel_loop3A_2115 = arith.constant 16 : i32
      %parallel_loop3A_2116 = arith.muli %parallel_loop3A_2016, %parallel_loop3A_2115 : i32
      %parallel_loop3A_2117 = arith.constant 14 : i32
      %parallel_loop3A_2118 = arith.index_cast %parallel_loop3A_2117 : i32 to index
      %parallel_loop3A_2119 = arith.index_cast %parallel_loop3A_2116 : i32 to index
      %parallel_loop3A_2120 = tpu.vector_load %arg6[%parallel_loop3A_2118, %parallel_loop3A_2119] {strides = array<i32>} : memref<16x256xf32, #tpu.memory_space<vmem>>, vector<16xf32>,
      %parallel_loop3A_2121 = arith.addf %parallel_loop3A_2114, %parallel_loop3A_2120 : vector<16xf32>
      %parallel_loop3A_2122 = arith.constant 16 : i32
      %parallel_loop3A_2123 = arith.muli %parallel_loop3A_2016, %parallel_loop3A_2122 : i32
      %parallel_loop3A_2124 = arith.constant 15 : i32
      %parallel_loop3A_2125 = arith.index_cast %parallel_loop3A_2124 : i32 to index
      %parallel_loop3A_2126 = arith.index_cast %parallel_loop3A_2123 : i32 to index
      %parallel_loop3A_2127 = tpu.vector_load %arg6[%parallel_loop3A_2125, %parallel_loop3A_2126] {strides = array<i32>} : memref<16x256xf32, #tpu.memory_space<vmem>>, vector<16xf32>,
      %parallel_loop3A_2128 = arith.addf %parallel_loop3A_2121, %parallel_loop3A_2127 : vector<16xf32>
      %parallel_loop3A_2129 = arith.constant 16 : i32
      %parallel_loop3A_2130 = arith.muli %parallel_loop3A_2016, %parallel_loop3A_2129 : i32
      %parallel_loop3A_2131 = arith.index_cast %parallel_loop3A_2130 : i32 to index
      %parallel_loop3A_2132 = tpu.vector_load %arg7[%parallel_loop3A_2131] {strides = array<i32>} : memref<256xf32, #tpu.memory_space<vmem>>, vector<16xf32>,
      tpu.vector_store %arg7[%parallel_loop3A_2131], %parallel_loop3A_2128 {strides = array<i32>} : memref<256xf32, #tpu.memory_space<vmem>>, vector<16xf32>,
    } {sc.loop_unroll_factor = 2 : i64, sc.parallel_access}
    %scan3A = arith.constant 0.000000e+00 : f32
    %scan3A_21 = arith.constant 0 : i32
    %scan3A_22 = arith.constant 16 : i32
    %scan3A_23 = arith.addi %scan3A_21, %scan3A_22 : i32
    %scan3A_24 = arith.constant 1 : i32
    %scan3A_25 = scf.for %scan3A_2016 = %scan3A_21 to %scan3A_23 step %scan3A_24 iter_args(%scan3A_2017 = %scan3A) -> (f32)  : i32 {
      %mul3A_2018 = arith.constant 16 : i32
      %mul3A_2019 = arith.muli %scan3A_2016, %mul3A_2018 : i32
      %get3A_2020 = arith.index_cast %mul3A_2019 : i32 to index
      %get3A_2021 = tpu.vector_load %arg7[%get3A_2020] {strides = array<i32>} : memref<256xf32, #tpu.memory_space<vmem>>, vector<16xf32>,
      %reduce_sum3A_2022 = arith.constant true
      %reduce_sum3A_2023 = vector.broadcast %reduce_sum3A_2022 : i1 to vector<16xi1>
      %reduce_sum3A_2024 = tpu.scan <sum>, %get3A_2021 masked %reduce_sum3A_2023 : vector<16xf32>, vector<16xi1> -> vector<16xf32>
      %reduce_sum3A_2025 = vector.extract %reduce_sum3A_2024[15] : f32 from vector<16xf32>
      %add3A_2026 = arith.addf %scan3A_2017, %reduce_sum3A_2025 : f32
      scf.yield %add3A_2026 : f32
    }
    %scan3A_26 = arith.constant 16 : i32
    %broadcast_in_dim3A_27 = vector.broadcast %scan3A_25 : f32 to vector<16xf32>
    %swap3A = arith.constant 0 : index
    %swap3A_28 = tpu.vector_load %arg10[%swap3A] {strides = array<i32>} : memref<128xf32, #tpu.memory_space<vmem>>, vector<16xf32>,
    tpu.vector_store %arg10[%swap3A], %broadcast_in_dim3A_27 {strides = array<i32>} : memref<128xf32, #tpu.memory_space<vmem>>, vector<16xf32>,
    %broadcast_in_dim3A_29 = vector.broadcast %scan3A_25 : f32 to vector<16xf32>
    %swap3A_30 = arith.constant 16 : index
    %swap3A_31 = tpu.vector_load %arg10[%swap3A_30] {strides = array<i32>} : memref<128xf32, #tpu.memory_space<vmem>>, vector<16xf32>,
    tpu.vector_store %arg10[%swap3A_30], %broadcast_in_dim3A_29 {strides = array<i32>} : memref<128xf32, #tpu.memory_space<vmem>>, vector<16xf32>,
    %broadcast_in_dim3A_32 = vector.broadcast %scan3A_25 : f32 to vector<16xf32>
    %swap3A_33 = arith.constant 32 : index
    %swap3A_34 = tpu.vector_load %arg10[%swap3A_33] {strides = array<i32>} : memref<128xf32, #tpu.memory_space<vmem>>, vector<16xf32>,
    tpu.vector_store %arg10[%swap3A_33], %broadcast_in_dim3A_32 {strides = array<i32>} : memref<128xf32, #tpu.memory_space<vmem>>, vector<16xf32>,
    %broadcast_in_dim3A_35 = vector.broadcast %scan3A_25 : f32 to vector<16xf32>
    %swap3A_36 = arith.constant 48 : index
    %swap3A_37 = tpu.vector_load %arg10[%swap3A_36] {strides = array<i32>} : memref<128xf32, #tpu.memory_space<vmem>>, vector<16xf32>,
    tpu.vector_store %arg10[%swap3A_36], %broadcast_in_dim3A_35 {strides = array<i32>} : memref<128xf32, #tpu.memory_space<vmem>>, vector<16xf32>,
    %broadcast_in_dim3A_38 = vector.broadcast %scan3A_25 : f32 to vector<16xf32>
    %swap3A_39 = arith.constant 64 : index
    %swap3A_40 = tpu.vector_load %arg10[%swap3A_39] {strides = array<i32>} : memref<128xf32, #tpu.memory_space<vmem>>, vector<16xf32>,
    tpu.vector_store %arg10[%swap3A_39], %broadcast_in_dim3A_38 {strides = array<i32>} : memref<128xf32, #tpu.memory_space<vmem>>, vector<16xf32>,
    %broadcast_in_dim3A_41 = vector.broadcast %scan3A_25 : f32 to vector<16xf32>
    %swap3A_42 = arith.constant 80 : index
    %swap3A_43 = tpu.vector_load %arg10[%swap3A_42] {strides = array<i32>} : memref<128xf32, #tpu.memory_space<vmem>>, vector<16xf32>,
    tpu.vector_store %arg10[%swap3A_42], %broadcast_in_dim3A_41 {strides = array<i32>} : memref<128xf32, #tpu.memory_space<vmem>>, vector<16xf32>,
    %broadcast_in_dim3A_44 = vector.broadcast %scan3A_25 : f32 to vector<16xf32>
    %swap3A_45 = arith.constant 96 : index
    %swap3A_46 = tpu.vector_load %arg10[%swap3A_45] {strides = array<i32>} : memref<128xf32, #tpu.memory_space<vmem>>, vector<16xf32>,
    tpu.vector_store %arg10[%swap3A_45], %broadcast_in_dim3A_44 {strides = array<i32>} : memref<128xf32, #tpu.memory_space<vmem>>, vector<16xf32>,
    %broadcast_in_dim3A_47 = vector.broadcast %scan3A_25 : f32 to vector<16xf32>
    %swap3A_48 = arith.constant 112 : index
    %swap3A_49 = tpu.vector_load %arg10[%swap3A_48] {strides = array<i32>} : memref<128xf32, #tpu.memory_space<vmem>>, vector<16xf32>,
    tpu.vector_store %arg10[%swap3A_48], %broadcast_in_dim3A_47 {strides = array<i32>} : memref<128xf32, #tpu.memory_space<vmem>>, vector<16xf32>,
    "tpu.region"() ({
      %run_scoped3A = tpu.sem_alloc : memref<!tpu.dma_semaphore, #tpu.memory_space<semaphore_mem>>
      %dma_start3A = arith.constant 0 : i32
      %dma_start3A_2016 = tpu.memref_slice %arg13[%arg1, %dma_start3A] : memref<16x128xf32, #tpu.memory_space<vmem_shared>> -> memref<1x128xf32, #tpu.memory_space<vmem_shared>>
      %dma_start3A_2017 = tpu.memref_squeeze %dma_start3A_2016 : memref<1x128xf32, #tpu.memory_space<vmem_shared>> -> memref<128xf32, #tpu.memory_space<vmem_shared>>
      %dma_start3A_2018 = arith.constant 0 : i32
      %dma_start3A_2019 = tpu.memref_slice %arg13[%arg1, %dma_start3A_2018] : memref<16x128xf32, #tpu.memory_space<vmem_shared>> -> memref<1x128xf32, #tpu.memory_space<vmem_shared>>
      %dma_start3A_2020 = tpu.memref_squeeze %dma_start3A_2019 : memref<1x128xf32, #tpu.memory_space<vmem_shared>> -> memref<128xf32, #tpu.memory_space<vmem_shared>>
      tpu.enqueue_dma source(%arg10 : memref<128xf32, #tpu.memory_space<vmem>>) target(%dma_start3A_2020 : memref<128xf32, #tpu.memory_space<vmem_shared>>) target_semaphore(%run_scoped3A : memref<!tpu.dma_semaphore, #tpu.memory_space<semaphore_mem>>)
      %dma_wait3A = arith.constant 0 : i32
      %dma_wait3A_2021 = tpu.memref_slice %arg13[%arg1, %dma_wait3A] : memref<16x128xf32, #tpu.memory_space<vmem_shared>> -> memref<1x128xf32, #tpu.memory_space<vmem_shared>>
      %dma_wait3A_2022 = tpu.memref_squeeze %dma_wait3A_2021 : memref<1x128xf32, #tpu.memory_space<vmem_shared>> -> memref<128xf32, #tpu.memory_space<vmem_shared>>
      %dma_wait3A_2023 = arith.constant 0 : i32
      %dma_wait3A_2024 = tpu.memref_slice %arg13[%arg1, %dma_wait3A_2023] : memref<16x128xf32, #tpu.memory_space<vmem_shared>> -> memref<1x128xf32, #tpu.memory_space<vmem_shared>>
      %dma_wait3A_2025 = tpu.memref_squeeze %dma_wait3A_2024 : memref<1x128xf32, #tpu.memory_space<vmem_shared>> -> memref<128xf32, #tpu.memory_space<vmem_shared>>
      tpu.wait_dma2 semaphore(%run_scoped3A : memref<!tpu.dma_semaphore, #tpu.memory_space<semaphore_mem>>) src(%arg10 : memref<128xf32, #tpu.memory_space<vmem>>) dst(%dma_wait3A_2025 : memref<128xf32, #tpu.memory_space<vmem_shared>>)
      tpu.yield
    }) : () -> ()
    %barrier3A_50 = arith.constant 0 : index
    tpu.barrier barrier_id(%barrier3A_50)
    "tpu.region"() ({
      %run_scoped3A = tpu.sem_alloc : memref<!tpu.dma_semaphore, #tpu.memory_space<semaphore_mem>>
      tpu.enqueue_dma source(%arg13 : memref<16x128xf32, #tpu.memory_space<vmem_shared>>) target(%arg9 : memref<16x128xf32, #tpu.memory_space<vmem>>) target_semaphore(%run_scoped3A : memref<!tpu.dma_semaphore, #tpu.memory_space<semaphore_mem>>)
      tpu.wait_dma2 semaphore(%run_scoped3A : memref<!tpu.dma_semaphore, #tpu.memory_space<semaphore_mem>>) src(%arg13 : memref<16x128xf32, #tpu.memory_space<vmem_shared>>) dst(%arg9 : memref<16x128xf32, #tpu.memory_space<vmem>>)
      tpu.yield
    }) : () -> ()
    %eq3A = arith.constant 0 : i32
    %eq3A_51 = vector.broadcast %eq3A : i32 to vector<16xi32>
    %eq3A_52 = arith.cmpi eq, %iota3A, %eq3A_51 : vector<16xi32>
    %get3A = arith.constant 0 : i32
    %get3A_53 = arith.index_cast %get3A : i32 to index
    %get3A_54 = arith.constant 0 : index
    %get3A_55 = tpu.vector_load %arg9[%get3A_53, %get3A_54] {strides = array<i32>} : memref<16x128xf32, #tpu.memory_space<vmem>>, vector<16xf32>,
    %select_n3A = arith.select %eq3A_52, %get3A_55, %broadcast_in_dim3A_0 : vector<16xi1>, vector<16xf32>
    %eq3A_56 = arith.constant 1 : i32
    %eq3A_57 = vector.broadcast %eq3A_56 : i32 to vector<16xi32>
    %eq3A_58 = arith.cmpi eq, %iota3A, %eq3A_57 : vector<16xi32>
    %get3A_59 = arith.constant 1 : i32
    %get3A_60 = arith.index_cast %get3A_59 : i32 to index
    %get3A_61 = arith.constant 0 : index
    %get3A_62 = tpu.vector_load %arg9[%get3A_60, %get3A_61] {strides = array<i32>} : memref<16x128xf32, #tpu.memory_space<vmem>>, vector<16xf32>,
    %select_n3A_63 = arith.select %eq3A_58, %get3A_62, %select_n3A : vector<16xi1>, vector<16xf32>
    %eq3A_64 = arith.constant 2 : i32
    %eq3A_65 = vector.broadcast %eq3A_64 : i32 to vector<16xi32>
    %eq3A_66 = arith.cmpi eq, %iota3A, %eq3A_65 : vector<16xi32>
    %get3A_67 = arith.constant 2 : i32
    %get3A_68 = arith.index_cast %get3A_67 : i32 to index
    %get3A_69 = arith.constant 0 : index
    %get3A_70 = tpu.vector_load %arg9[%get3A_68, %get3A_69] {strides = array<i32>} : memref<16x128xf32, #tpu.memory_space<vmem>>, vector<16xf32>,
    %select_n3A_71 = arith.select %eq3A_66, %get3A_70, %select_n3A_63 : vector<16xi1>, vector<16xf32>
    %eq3A_72 = arith.constant 3 : i32
    %eq3A_73 = vector.broadcast %eq3A_72 : i32 to vector<16xi32>
    %eq3A_74 = arith.cmpi eq, %iota3A, %eq3A_73 : vector<16xi32>
    %get3A_75 = arith.constant 3 : i32
    %get3A_76 = arith.index_cast %get3A_75 : i32 to index
    %get3A_77 = arith.constant 0 : index
    %get3A_78 = tpu.vector_load %arg9[%get3A_76, %get3A_77] {strides = array<i32>} : memref<16x128xf32, #tpu.memory_space<vmem>>, vector<16xf32>,
    %select_n3A_79 = arith.select %eq3A_74, %get3A_78, %select_n3A_71 : vector<16xi1>, vector<16xf32>
    %eq3A_80 = arith.constant 4 : i32
    %eq3A_81 = vector.broadcast %eq3A_80 : i32 to vector<16xi32>
    %eq3A_82 = arith.cmpi eq, %iota3A, %eq3A_81 : vector<16xi32>
    %get3A_83 = arith.constant 4 : i32
    %get3A_84 = arith.index_cast %get3A_83 : i32 to index
    %get3A_85 = arith.constant 0 : index
    %get3A_86 = tpu.vector_load %arg9[%get3A_84, %get3A_85] {strides = array<i32>} : memref<16x128xf32, #tpu.memory_space<vmem>>, vector<16xf32>,
    %select_n3A_87 = arith.select %eq3A_82, %get3A_86, %select_n3A_79 : vector<16xi1>, vector<16xf32>
    %eq3A_88 = arith.constant 5 : i32
    %eq3A_89 = vector.broadcast %eq3A_88 : i32 to vector<16xi32>
    %eq3A_90 = arith.cmpi eq, %iota3A, %eq3A_89 : vector<16xi32>
    %get3A_91 = arith.constant 5 : i32
    %get3A_92 = arith.index_cast %get3A_91 : i32 to index
    %get3A_93 = arith.constant 0 : index
    %get3A_94 = tpu.vector_load %arg9[%get3A_92, %get3A_93] {strides = array<i32>} : memref<16x128xf32, #tpu.memory_space<vmem>>, vector<16xf32>,
    %select_n3A_95 = arith.select %eq3A_90, %get3A_94, %select_n3A_87 : vector<16xi1>, vector<16xf32>
    %eq3A_96 = arith.constant 6 : i32
    %eq3A_97 = vector.broadcast %eq3A_96 : i32 to vector<16xi32>
    %eq3A_98 = arith.cmpi eq, %iota3A, %eq3A_97 : vector<16xi32>
    %get3A_99 = arith.constant 6 : i32
    %get3A_100 = arith.index_cast %get3A_99 : i32 to index
    %get3A_101 = arith.constant 0 : index
    %get3A_102 = tpu.vector_load %arg9[%get3A_100, %get3A_101] {strides = array<i32>} : memref<16x128xf32, #tpu.memory_space<vmem>>, vector<16xf32>,
    %select_n3A_103 = arith.select %eq3A_98, %get3A_102, %select_n3A_95 : vector<16xi1>, vector<16xf32>
    %eq3A_104 = arith.constant 7 : i32
    %eq3A_105 = vector.broadcast %eq3A_104 : i32 to vector<16xi32>
    %eq3A_106 = arith.cmpi eq, %iota3A, %eq3A_105 : vector<16xi32>
    %get3A_107 = arith.constant 7 : i32
    %get3A_108 = arith.index_cast %get3A_107 : i32 to index
    %get3A_109 = arith.constant 0 : index
    %get3A_110 = tpu.vector_load %arg9[%get3A_108, %get3A_109] {strides = array<i32>} : memref<16x128xf32, #tpu.memory_space<vmem>>, vector<16xf32>,
    %select_n3A_111 = arith.select %eq3A_106, %get3A_110, %select_n3A_103 : vector<16xi1>, vector<16xf32>
    %eq3A_112 = arith.constant 8 : i32
    %eq3A_113 = vector.broadcast %eq3A_112 : i32 to vector<16xi32>
    %eq3A_114 = arith.cmpi eq, %iota3A, %eq3A_113 : vector<16xi32>
    %get3A_115 = arith.constant 8 : i32
    %get3A_116 = arith.index_cast %get3A_115 : i32 to index
    %get3A_117 = arith.constant 0 : index
    %get3A_118 = tpu.vector_load %arg9[%get3A_116, %get3A_117] {strides = array<i32>} : memref<16x128xf32, #tpu.memory_space<vmem>>, vector<16xf32>,
    %select_n3A_119 = arith.select %eq3A_114, %get3A_118, %select_n3A_111 : vector<16xi1>, vector<16xf32>
    %eq3A_120 = arith.constant 9 : i32
    %eq3A_121 = vector.broadcast %eq3A_120 : i32 to vector<16xi32>
    %eq3A_122 = arith.cmpi eq, %iota3A, %eq3A_121 : vector<16xi32>
    %get3A_123 = arith.constant 9 : i32
    %get3A_124 = arith.index_cast %get3A_123 : i32 to index
    %get3A_125 = arith.constant 0 : index
    %get3A_126 = tpu.vector_load %arg9[%get3A_124, %get3A_125] {strides = array<i32>} : memref<16x128xf32, #tpu.memory_space<vmem>>, vector<16xf32>,
    %select_n3A_127 = arith.select %eq3A_122, %get3A_126, %select_n3A_119 : vector<16xi1>, vector<16xf32>
    %eq3A_128 = arith.constant 10 : i32
    %eq3A_129 = vector.broadcast %eq3A_128 : i32 to vector<16xi32>
    %eq3A_130 = arith.cmpi eq, %iota3A, %eq3A_129 : vector<16xi32>
    %get3A_131 = arith.constant 10 : i32
    %get3A_132 = arith.index_cast %get3A_131 : i32 to index
    %get3A_133 = arith.constant 0 : index
    %get3A_134 = tpu.vector_load %arg9[%get3A_132, %get3A_133] {strides = array<i32>} : memref<16x128xf32, #tpu.memory_space<vmem>>, vector<16xf32>,
    %select_n3A_135 = arith.select %eq3A_130, %get3A_134, %select_n3A_127 : vector<16xi1>, vector<16xf32>
    %eq3A_136 = arith.constant 11 : i32
    %eq3A_137 = vector.broadcast %eq3A_136 : i32 to vector<16xi32>
    %eq3A_138 = arith.cmpi eq, %iota3A, %eq3A_137 : vector<16xi32>
    %get3A_139 = arith.constant 11 : i32
    %get3A_140 = arith.index_cast %get3A_139 : i32 to index
    %get3A_141 = arith.constant 0 : index
    %get3A_142 = tpu.vector_load %arg9[%get3A_140, %get3A_141] {strides = array<i32>} : memref<16x128xf32, #tpu.memory_space<vmem>>, vector<16xf32>,
    %select_n3A_143 = arith.select %eq3A_138, %get3A_142, %select_n3A_135 : vector<16xi1>, vector<16xf32>
    %eq3A_144 = arith.constant 12 : i32
    %eq3A_145 = vector.broadcast %eq3A_144 : i32 to vector<16xi32>
    %eq3A_146 = arith.cmpi eq, %iota3A, %eq3A_145 : vector<16xi32>
    %get3A_147 = arith.constant 12 : i32
    %get3A_148 = arith.index_cast %get3A_147 : i32 to index
    %get3A_149 = arith.constant 0 : index
    %get3A_150 = tpu.vector_load %arg9[%get3A_148, %get3A_149] {strides = array<i32>} : memref<16x128xf32, #tpu.memory_space<vmem>>, vector<16xf32>,
    %select_n3A_151 = arith.select %eq3A_146, %get3A_150, %select_n3A_143 : vector<16xi1>, vector<16xf32>
    %eq3A_152 = arith.constant 13 : i32
    %eq3A_153 = vector.broadcast %eq3A_152 : i32 to vector<16xi32>
    %eq3A_154 = arith.cmpi eq, %iota3A, %eq3A_153 : vector<16xi32>
    %get3A_155 = arith.constant 13 : i32
    %get3A_156 = arith.index_cast %get3A_155 : i32 to index
    %get3A_157 = arith.constant 0 : index
    %get3A_158 = tpu.vector_load %arg9[%get3A_156, %get3A_157] {strides = array<i32>} : memref<16x128xf32, #tpu.memory_space<vmem>>, vector<16xf32>,
    %select_n3A_159 = arith.select %eq3A_154, %get3A_158, %select_n3A_151 : vector<16xi1>, vector<16xf32>
    %eq3A_160 = arith.constant 14 : i32
    %eq3A_161 = vector.broadcast %eq3A_160 : i32 to vector<16xi32>
    %eq3A_162 = arith.cmpi eq, %iota3A, %eq3A_161 : vector<16xi32>
    %get3A_163 = arith.constant 14 : i32
    %get3A_164 = arith.index_cast %get3A_163 : i32 to index
    %get3A_165 = arith.constant 0 : index
    %get3A_166 = tpu.vector_load %arg9[%get3A_164, %get3A_165] {strides = array<i32>} : memref<16x128xf32, #tpu.memory_space<vmem>>, vector<16xf32>,
    %select_n3A_167 = arith.select %eq3A_162, %get3A_166, %select_n3A_159 : vector<16xi1>, vector<16xf32>
    %eq3A_168 = arith.constant 15 : i32
    %eq3A_169 = vector.broadcast %eq3A_168 : i32 to vector<16xi32>
    %eq3A_170 = arith.cmpi eq, %iota3A, %eq3A_169 : vector<16xi32>
    %get3A_171 = arith.constant 15 : i32
    %get3A_172 = arith.index_cast %get3A_171 : i32 to index
    %get3A_173 = arith.constant 0 : index
    %get3A_174 = tpu.vector_load %arg9[%get3A_172, %get3A_173] {strides = array<i32>} : memref<16x128xf32, #tpu.memory_space<vmem>>, vector<16xf32>,
    %select_n3A_175 = arith.select %eq3A_170, %get3A_174, %select_n3A_167 : vector<16xi1>, vector<16xf32>
    %broadcast_in_dim3A_176 = arith.constant true
    %broadcast_in_dim3A_177 = vector.broadcast %broadcast_in_dim3A_176 : i1 to vector<16xi1>
    %masked_cumsum3A = tpu.scan <sum>, %select_n3A_175 masked %broadcast_in_dim3A_177 : vector<16xf32>, vector<16xi1> -> vector<16xf32>
    %sub3A = arith.subf %masked_cumsum3A, %select_n3A_175 : vector<16xf32>
    %eq3A_178 = vector.broadcast %arg1 : i32 to vector<16xi32>
    %eq3A_179 = arith.cmpi eq, %iota3A, %eq3A_178 : vector<16xi32>
    %select_n3A_180 = arith.select %eq3A_179, %sub3A, %broadcast_in_dim3A_0 : vector<16xi1>, vector<16xf32>
    %reduce_sum3A = arith.constant true
    %reduce_sum3A_181 = vector.broadcast %reduce_sum3A : i1 to vector<16xi1>
    %reduce_sum3A_182 = tpu.scan <sum>, %select_n3A_180 masked %reduce_sum3A_181 : vector<16xf32>, vector<16xi1> -> vector<16xf32>
    %reduce_sum3A_183 = vector.extract %reduce_sum3A_182[15] : f32 from vector<16xf32>
    %eq3A_184 = vector.broadcast %arg1 : i32 to vector<16xi32>
    %eq3A_185 = arith.cmpi eq, %iota3A, %eq3A_184 : vector<16xi32>
    %select_n3A_186 = arith.select %eq3A_185, %select_n3A_175, %broadcast_in_dim3A_0 : vector<16xi1>, vector<16xf32>
    %reduce_sum3A_187 = arith.constant true
    %reduce_sum3A_188 = vector.broadcast %reduce_sum3A_187 : i1 to vector<16xi1>
    %reduce_sum3A_189 = tpu.scan <sum>, %select_n3A_186 masked %reduce_sum3A_188 : vector<16xf32>, vector<16xi1> -> vector<16xf32>
    %reduce_sum3A_190 = vector.extract %reduce_sum3A_189[15] : f32 from vector<16xf32>
    %reduce_max3A = arith.constant true
    %reduce_max3A_191 = vector.broadcast %reduce_max3A : i1 to vector<16xi1>
    %reduce_max3A_192 = tpu.scan <max>, %broadcast_in_dim3A_9 masked %reduce_max3A_191 : vector<16xf32>, vector<16xi1> -> vector<16xf32>
    %reduce_max3A_193 = vector.extract %reduce_max3A_192[15] : f32 from vector<16xf32>
    %le3A = arith.cmpf ole, %reduce_sum3A_183, %reduce_max3A_193 : f32
    %add3A = arith.addf %reduce_sum3A_183, %reduce_sum3A_190 : f32
    %lt3A_194 = arith.cmpf olt, %reduce_max3A_193, %add3A : f32
    %and3A = arith.andi %le3A, %lt3A_194 : i1
    %scan3A_195 = arith.constant 0.000000e+00 : f32
    %scan3A_196 = arith.constant 0 : i32
    %scan3A_197 = arith.constant 16 : i32
    %scan3A_198 = arith.addi %scan3A_196, %scan3A_197 : i32
    %scan3A_199 = arith.constant 1 : i32
    %scan3A_200:3 = scf.for %scan3A_2016 = %scan3A_196 to %scan3A_198 step %scan3A_199 iter_args(%scan3A_2017 = %scan3A_195, %scan3A_2018 = %broadcast_in_dim3A_0, %scan3A_2019 = %broadcast_in_dim3A_0) -> (f32, vector<16xf32>, vector<16xf32>)  : i32 {
      %mul3A_2020 = arith.constant 16 : i32
      %mul3A_2021 = arith.muli %scan3A_2016, %mul3A_2020 : i32
      %get3A_2022 = arith.index_cast %mul3A_2021 : i32 to index
      %get3A_2023 = tpu.vector_load %arg7[%get3A_2022] {strides = array<i32>} : memref<256xf32, #tpu.memory_space<vmem>>, vector<16xf32>,
      %broadcast_in_dim3A_2024 = arith.constant true
      %broadcast_in_dim3A_2025 = vector.broadcast %broadcast_in_dim3A_2024 : i1 to vector<16xi1>
      %masked_cumsum3A_2026 = tpu.scan <sum>, %get3A_2023 masked %broadcast_in_dim3A_2025 : vector<16xf32>, vector<16xi1> -> vector<16xf32>
      %add3A_2027 = arith.addf %scan3A_2017, %reduce_sum3A_183 : f32
      %add3A_2028 = vector.broadcast %add3A_2027 : f32 to vector<16xf32>
      %add3A_2029 = arith.addf %masked_cumsum3A_2026, %add3A_2028 : vector<16xf32>
      %le3A_2030 = arith.cmpf ole, %add3A_2029, %broadcast_in_dim3A_9 : vector<16xf32>
      %all_reduce_population_count3A_2031 = tpu.all_reduce %le3A_2030 {dim = 0 : i64, kind = #tpu.reduction_kind<sum>} : vector<16xi1> -> vector<16xi32>
      %convert_element_type3A_2032 = arith.sitofp %all_reduce_population_count3A_2031 : vector<16xi32> to vector<16xf32>
      %add3A_2033 = arith.addf %scan3A_2018, %convert_element_type3A_2032 : vector<16xf32>
      %select_n3A_2034 = arith.select %le3A_2030, %get3A_2023, %broadcast_in_dim3A_0 : vector<16xi1>, vector<16xf32>
      %reduce_sum3A_2035 = arith.constant true
      %reduce_sum3A_2036 = vector.broadcast %reduce_sum3A_2035 : i1 to vector<16xi1>
      %reduce_sum3A_2037 = tpu.scan <sum>, %select_n3A_2034 masked %reduce_sum3A_2036 : vector<16xf32>, vector<16xi1> -> vector<16xf32>
      %reduce_sum3A_2038 = vector.extract %reduce_sum3A_2037[15] : f32 from vector<16xf32>
      %add3A_2039 = vector.broadcast %reduce_sum3A_2038 : f32 to vector<16xf32>
      %add3A_2040 = arith.addf %scan3A_2019, %add3A_2039 : vector<16xf32>
      %reduce_sum3A_2041 = arith.constant true
      %reduce_sum3A_2042 = vector.broadcast %reduce_sum3A_2041 : i1 to vector<16xi1>
      %reduce_sum3A_2043 = tpu.scan <sum>, %get3A_2023 masked %reduce_sum3A_2042 : vector<16xf32>, vector<16xi1> -> vector<16xf32>
      %reduce_sum3A_2044 = vector.extract %reduce_sum3A_2043[15] : f32 from vector<16xf32>
      %add3A_2045 = arith.addf %scan3A_2017, %reduce_sum3A_2044 : f32
      scf.yield %add3A_2045, %add3A_2033, %add3A_2040 : f32, vector<16xf32>, vector<16xf32>
    }
    %scan3A_201 = arith.constant 16 : i32
    %mul3A_202 = arith.constant 256 : i32
    %mul3A_203 = arith.muli %arg1, %mul3A_202 : i32
    %convert_element_type3A = arith.sitofp %mul3A_203 : i32 to f32
    %add3A_204 = vector.broadcast %convert_element_type3A : f32 to vector<16xf32>
    %add3A_205 = arith.addf %scan3A_200#1, %add3A_204 : vector<16xf32>
    %add3A_206 = vector.broadcast %reduce_sum3A_183 : f32 to vector<16xf32>
    %add3A_207 = arith.addf %scan3A_200#2, %add3A_206 : vector<16xf32>
    %swap3A_208 = arith.constant 0 : i32
    %swap3A_209 = arith.index_cast %swap3A_208 : i32 to index
    %swap3A_210 = arith.constant 0 : index
    %swap3A_211 = tpu.vector_load %arg8[%swap3A_209, %swap3A_210] {strides = array<i32>} : memref<2x128xf32, #tpu.memory_space<vmem>>, vector<16xf32>,
    tpu.vector_store %arg8[%swap3A_209, %swap3A_210], %add3A_205 {strides = array<i32>} : memref<2x128xf32, #tpu.memory_space<vmem>>, vector<16xf32>,
    %swap3A_212 = arith.constant 0 : i32
    %swap3A_213 = arith.index_cast %swap3A_212 : i32 to index
    %swap3A_214 = arith.constant 16 : index
    %swap3A_215 = tpu.vector_load %arg8[%swap3A_213, %swap3A_214] {strides = array<i32>} : memref<2x128xf32, #tpu.memory_space<vmem>>, vector<16xf32>,
    tpu.vector_store %arg8[%swap3A_213, %swap3A_214], %add3A_205 {strides = array<i32>} : memref<2x128xf32, #tpu.memory_space<vmem>>, vector<16xf32>,
    %swap3A_216 = arith.constant 1 : i32
    %swap3A_217 = arith.index_cast %swap3A_216 : i32 to index
    %swap3A_218 = arith.constant 0 : index
    %swap3A_219 = tpu.vector_load %arg8[%swap3A_217, %swap3A_218] {strides = array<i32>} : memref<2x128xf32, #tpu.memory_space<vmem>>, vector<16xf32>,
    tpu.vector_store %arg8[%swap3A_217, %swap3A_218], %add3A_207 {strides = array<i32>} : memref<2x128xf32, #tpu.memory_space<vmem>>, vector<16xf32>,
    %swap3A_220 = arith.constant 1 : i32
    %swap3A_221 = arith.index_cast %swap3A_220 : i32 to index
    %swap3A_222 = arith.constant 16 : index
    %swap3A_223 = tpu.vector_load %arg8[%swap3A_221, %swap3A_222] {strides = array<i32>} : memref<2x128xf32, #tpu.memory_space<vmem>>, vector<16xf32>,
    tpu.vector_store %arg8[%swap3A_221, %swap3A_222], %add3A_207 {strides = array<i32>} : memref<2x128xf32, #tpu.memory_space<vmem>>, vector<16xf32>,
    %convert_element_type3A_224 = arith.extui %and3A : i1 to i32
    %cond3A = arith.constant 0 : i32
    %cond3A_225 = arith.cmpi ne, %convert_element_type3A_224, %cond3A : i32
    scf.if %cond3A_225 {
      "tpu.region"() ({
        %run_scoped3A = tpu.sem_alloc : memref<!tpu.dma_semaphore, #tpu.memory_space<semaphore_mem>>
        tpu.enqueue_dma source(%arg8 : memref<2x128xf32, #tpu.memory_space<vmem>>) target(%arg14 : memref<2x128xf32, #tpu.memory_space<vmem_shared>>) target_semaphore(%run_scoped3A : memref<!tpu.dma_semaphore, #tpu.memory_space<semaphore_mem>>)
        tpu.wait_dma2 semaphore(%run_scoped3A : memref<!tpu.dma_semaphore, #tpu.memory_space<semaphore_mem>>) src(%arg8 : memref<2x128xf32, #tpu.memory_space<vmem>>) dst(%arg14 : memref<2x128xf32, #tpu.memory_space<vmem_shared>>)
        tpu.yield
      }) : () -> ()
    } else {
    }
    %barrier3A_226 = arith.constant 0 : index
    tpu.barrier barrier_id(%barrier3A_226)
    "tpu.region"() ({
      %run_scoped3A = tpu.sem_alloc : memref<!tpu.dma_semaphore, #tpu.memory_space<semaphore_mem>>
      tpu.enqueue_dma source(%arg14 : memref<2x128xf32, #tpu.memory_space<vmem_shared>>) target(%arg8 : memref<2x128xf32, #tpu.memory_space<vmem>>) target_semaphore(%run_scoped3A : memref<!tpu.dma_semaphore, #tpu.memory_space<semaphore_mem>>)
      tpu.wait_dma2 semaphore(%run_scoped3A : memref<!tpu.dma_semaphore, #tpu.memory_space<semaphore_mem>>) src(%arg14 : memref<2x128xf32, #tpu.memory_space<vmem_shared>>) dst(%arg8 : memref<2x128xf32, #tpu.memory_space<vmem>>)
      tpu.yield
    }) : () -> ()
    %get3A_227 = arith.constant 0 : i32
    %get3A_228 = arith.index_cast %get3A_227 : i32 to index
    %get3A_229 = arith.constant 0 : index
    %get3A_230 = tpu.vector_load %arg8[%get3A_228, %get3A_229] {strides = array<i32>} : memref<2x128xf32, #tpu.memory_space<vmem>>, vector<16xf32>,
    %convert_element_type3A_231 = arith.fptosi %get3A_230 : vector<16xf32> to vector<16xi32>
    %get3A_232 = arith.constant 1 : i32
    %get3A_233 = arith.index_cast %get3A_232 : i32 to index
    %get3A_234 = arith.constant 0 : index
    %get3A_235 = tpu.vector_load %arg8[%get3A_233, %get3A_234] {strides = array<i32>} : memref<2x128xf32, #tpu.memory_space<vmem>>, vector<16xf32>,
    %sub3A_236 = arith.subf %broadcast_in_dim3A_9, %get3A_235 : vector<16xf32>
    %sub3A_237 = arith.constant 2048 : i32
    %sub3A_238 = vector.broadcast %sub3A_237 : i32 to vector<16xi32>
    %sub3A_239 = arith.subi %convert_element_type3A_231, %sub3A_238 : vector<16xi32>
    %parallel_loop3A_240 = arith.constant 0 : i32
    %parallel_loop3A_241 = arith.constant 256 : i32
    %parallel_loop3A_242 = arith.constant 1 : i32
    scf.for %parallel_loop3A_2016 = %parallel_loop3A_240 to %parallel_loop3A_241 step %parallel_loop3A_242  : i32 {
      %parallel_loop3A_2017 = arith.constant 16 : i32
      %parallel_loop3A_2018 = arith.muli %parallel_loop3A_2016, %parallel_loop3A_2017 : i32
      %parallel_loop3A_2019 = arith.index_cast %parallel_loop3A_2018 : i32 to index
      %parallel_loop3A_2020 = tpu.vector_load %arg5[%parallel_loop3A_2019] {strides = array<i32>} : memref<4096xf32, #tpu.memory_space<vmem>>, vector<16xf32>,
      tpu.vector_store %arg5[%parallel_loop3A_2019], %broadcast_in_dim3A_0 {strides = array<i32>} : memref<4096xf32, #tpu.memory_space<vmem>>, vector<16xf32>,
    } {sc.loop_unroll_factor = 8 : i64, sc.parallel_access}
    %parallel_loop3A_243 = arith.constant 0 : i32
    %parallel_loop3A_244 = arith.constant 384 : i32
    %parallel_loop3A_245 = arith.constant 1 : i32
    scf.for %parallel_loop3A_2016 = %parallel_loop3A_243 to %parallel_loop3A_244 step %parallel_loop3A_245  : i32 {
      %parallel_loop3A_2017 = arith.index_cast %parallel_loop3A_2016 : i32 to index
      %parallel_loop3A_2018 = arith.constant 0 : index
      %parallel_loop3A_2019 = tpu.vector_load %arg4[%parallel_loop3A_2017, %parallel_loop3A_2018] {strides = array<i32>} : memref<384x256xi32, #tpu.memory_space<vmem>>, vector<16xi32>,
      %parallel_loop3A_2020 = arith.constant 8 : i32
      %parallel_loop3A_2021 = vector.broadcast %parallel_loop3A_2020 : i32 to vector<16xi32>
      %parallel_loop3A_2022 = arith.shrsi %parallel_loop3A_2019, %parallel_loop3A_2021 : vector<16xi32>
      %parallel_loop3A_2023 = arith.constant 4095 : i32
      %parallel_loop3A_2024 = vector.broadcast %parallel_loop3A_2023 : i32 to vector<16xi32>
      %parallel_loop3A_2025 = arith.andi %parallel_loop3A_2022, %parallel_loop3A_2024 : vector<16xi32>
      %parallel_loop3A_2026 = arith.constant 0 : i32
      %parallel_loop3A_2027 = vector.broadcast %parallel_loop3A_2026 : i32 to vector<16xi32>
      %parallel_loop3A_2028 = arith.addi %parallel_loop3A_2025, %parallel_loop3A_2027 : vector<16xi32>
      %parallel_loop3A_2029 = arith.constant 20 : i32
      %parallel_loop3A_2030 = vector.broadcast %parallel_loop3A_2029 : i32 to vector<16xi32>
      %parallel_loop3A_2031 = arith.shrsi %parallel_loop3A_2019, %parallel_loop3A_2030 : vector<16xi32>
      %parallel_loop3A_2032 = arith.cmpi eq, %parallel_loop3A_2031, %sub3A_239 : vector<16xi32>
      tpu.vector_store_idx %arg5[%parallel_loop3A_2028], %broadcast_in_dim3A_2 masked %parallel_loop3A_2032 {add = true} : memref<4096xf32, #tpu.memory_space<vmem>>[vector<16xi32>], vector<16xf32>, vector<16xi1>
      %parallel_loop3A_2033 = arith.index_cast %parallel_loop3A_2016 : i32 to index
      %parallel_loop3A_2034 = arith.constant 16 : index
      %parallel_loop3A_2035 = tpu.vector_load %arg4[%parallel_loop3A_2033, %parallel_loop3A_2034] {strides = array<i32>} : memref<384x256xi32, #tpu.memory_space<vmem>>, vector<16xi32>,
      %parallel_loop3A_2036 = arith.constant 8 : i32
      %parallel_loop3A_2037 = vector.broadcast %parallel_loop3A_2036 : i32 to vector<16xi32>
      %parallel_loop3A_2038 = arith.shrsi %parallel_loop3A_2035, %parallel_loop3A_2037 : vector<16xi32>
      %parallel_loop3A_2039 = arith.constant 4095 : i32
      %parallel_loop3A_2040 = vector.broadcast %parallel_loop3A_2039 : i32 to vector<16xi32>
      %parallel_loop3A_2041 = arith.andi %parallel_loop3A_2038, %parallel_loop3A_2040 : vector<16xi32>
      %parallel_loop3A_2042 = arith.constant 0 : i32
      %parallel_loop3A_2043 = vector.broadcast %parallel_loop3A_2042 : i32 to vector<16xi32>
      %parallel_loop3A_2044 = arith.addi %parallel_loop3A_2041, %parallel_loop3A_2043 : vector<16xi32>
      %parallel_loop3A_2045 = arith.constant 20 : i32
      %parallel_loop3A_2046 = vector.broadcast %parallel_loop3A_2045 : i32 to vector<16xi32>
      %parallel_loop3A_2047 = arith.shrsi %parallel_loop3A_2035, %parallel_loop3A_2046 : vector<16xi32>
      %parallel_loop3A_2048 = arith.cmpi eq, %parallel_loop3A_2047, %sub3A_239 : vector<16xi32>
      tpu.vector_store_idx %arg5[%parallel_loop3A_2044], %broadcast_in_dim3A_2 masked %parallel_loop3A_2048 {add = true} : memref<4096xf32, #tpu.memory_space<vmem>>[vector<16xi32>], vector<16xf32>, vector<16xi1>
      %parallel_loop3A_2049 = arith.index_cast %parallel_loop3A_2016 : i32 to index
      %parallel_loop3A_2050 = arith.constant 32 : index
      %parallel_loop3A_2051 = tpu.vector_load %arg4[%parallel_loop3A_2049, %parallel_loop3A_2050] {strides = array<i32>} : memref<384x256xi32, #tpu.memory_space<vmem>>, vector<16xi32>,
      %parallel_loop3A_2052 = arith.constant 8 : i32
      %parallel_loop3A_2053 = vector.broadcast %parallel_loop3A_2052 : i32 to vector<16xi32>
      %parallel_loop3A_2054 = arith.shrsi %parallel_loop3A_2051, %parallel_loop3A_2053 : vector<16xi32>
      %parallel_loop3A_2055 = arith.constant 4095 : i32
      %parallel_loop3A_2056 = vector.broadcast %parallel_loop3A_2055 : i32 to vector<16xi32>
      %parallel_loop3A_2057 = arith.andi %parallel_loop3A_2054, %parallel_loop3A_2056 : vector<16xi32>
      %parallel_loop3A_2058 = arith.constant 0 : i32
      %parallel_loop3A_2059 = vector.broadcast %parallel_loop3A_2058 : i32 to vector<16xi32>
      %parallel_loop3A_2060 = arith.addi %parallel_loop3A_2057, %parallel_loop3A_2059 : vector<16xi32>
      %parallel_loop3A_2061 = arith.constant 20 : i32
      %parallel_loop3A_2062 = vector.broadcast %parallel_loop3A_2061 : i32 to vector<16xi32>
      %parallel_loop3A_2063 = arith.shrsi %parallel_loop3A_2051, %parallel_loop3A_2062 : vector<16xi32>
      %parallel_loop3A_2064 = arith.cmpi eq, %parallel_loop3A_2063, %sub3A_239 : vector<16xi32>
      tpu.vector_store_idx %arg5[%parallel_loop3A_2060], %broadcast_in_dim3A_2 masked %parallel_loop3A_2064 {add = true} : memref<4096xf32, #tpu.memory_space<vmem>>[vector<16xi32>], vector<16xf32>, vector<16xi1>
      %parallel_loop3A_2065 = arith.index_cast %parallel_loop3A_2016 : i32 to index
      %parallel_loop3A_2066 = arith.constant 48 : index
      %parallel_loop3A_2067 = tpu.vector_load %arg4[%parallel_loop3A_2065, %parallel_loop3A_2066] {strides = array<i32>} : memref<384x256xi32, #tpu.memory_space<vmem>>, vector<16xi32>,
      %parallel_loop3A_2068 = arith.constant 8 : i32
      %parallel_loop3A_2069 = vector.broadcast %parallel_loop3A_2068 : i32 to vector<16xi32>
      %parallel_loop3A_2070 = arith.shrsi %parallel_loop3A_2067, %parallel_loop3A_2069 : vector<16xi32>
      %parallel_loop3A_2071 = arith.constant 4095 : i32
      %parallel_loop3A_2072 = vector.broadcast %parallel_loop3A_2071 : i32 to vector<16xi32>
      %parallel_loop3A_2073 = arith.andi %parallel_loop3A_2070, %parallel_loop3A_2072 : vector<16xi32>
      %parallel_loop3A_2074 = arith.constant 0 : i32
      %parallel_loop3A_2075 = vector.broadcast %parallel_loop3A_2074 : i32 to vector<16xi32>
      %parallel_loop3A_2076 = arith.addi %parallel_loop3A_2073, %parallel_loop3A_2075 : vector<16xi32>
      %parallel_loop3A_2077 = arith.constant 20 : i32
      %parallel_loop3A_2078 = vector.broadcast %parallel_loop3A_2077 : i32 to vector<16xi32>
      %parallel_loop3A_2079 = arith.shrsi %parallel_loop3A_2067, %parallel_loop3A_2078 : vector<16xi32>
      %parallel_loop3A_2080 = arith.cmpi eq, %parallel_loop3A_2079, %sub3A_239 : vector<16xi32>
      tpu.vector_store_idx %arg5[%parallel_loop3A_2076], %broadcast_in_dim3A_2 masked %parallel_loop3A_2080 {add = true} : memref<4096xf32, #tpu.memory_space<vmem>>[vector<16xi32>], vector<16xf32>, vector<16xi1>
      %parallel_loop3A_2081 = arith.index_cast %parallel_loop3A_2016 : i32 to index
      %parallel_loop3A_2082 = arith.constant 64 : index
      %parallel_loop3A_2083 = tpu.vector_load %arg4[%parallel_loop3A_2081, %parallel_loop3A_2082] {strides = array<i32>} : memref<384x256xi32, #tpu.memory_space<vmem>>, vector<16xi32>,
      %parallel_loop3A_2084 = arith.constant 8 : i32
      %parallel_loop3A_2085 = vector.broadcast %parallel_loop3A_2084 : i32 to vector<16xi32>
      %parallel_loop3A_2086 = arith.shrsi %parallel_loop3A_2083, %parallel_loop3A_2085 : vector<16xi32>
      %parallel_loop3A_2087 = arith.constant 4095 : i32
      %parallel_loop3A_2088 = vector.broadcast %parallel_loop3A_2087 : i32 to vector<16xi32>
      %parallel_loop3A_2089 = arith.andi %parallel_loop3A_2086, %parallel_loop3A_2088 : vector<16xi32>
      %parallel_loop3A_2090 = arith.constant 0 : i32
      %parallel_loop3A_2091 = vector.broadcast %parallel_loop3A_2090 : i32 to vector<16xi32>
      %parallel_loop3A_2092 = arith.addi %parallel_loop3A_2089, %parallel_loop3A_2091 : vector<16xi32>
      %parallel_loop3A_2093 = arith.constant 20 : i32
      %parallel_loop3A_2094 = vector.broadcast %parallel_loop3A_2093 : i32 to vector<16xi32>
      %parallel_loop3A_2095 = arith.shrsi %parallel_loop3A_2083, %parallel_loop3A_2094 : vector<16xi32>
      %parallel_loop3A_2096 = arith.cmpi eq, %parallel_loop3A_2095, %sub3A_239 : vector<16xi32>
      tpu.vector_store_idx %arg5[%parallel_loop3A_2092], %broadcast_in_dim3A_2 masked %parallel_loop3A_2096 {add = true} : memref<4096xf32, #tpu.memory_space<vmem>>[vector<16xi32>], vector<16xf32>, vector<16xi1>
      %parallel_loop3A_2097 = arith.index_cast %parallel_loop3A_2016 : i32 to index
      %parallel_loop3A_2098 = arith.constant 80 : index
      %parallel_loop3A_2099 = tpu.vector_load %arg4[%parallel_loop3A_2097, %parallel_loop3A_2098] {strides = array<i32>} : memref<384x256xi32, #tpu.memory_space<vmem>>, vector<16xi32>,
      %parallel_loop3A_2100 = arith.constant 8 : i32
      %parallel_loop3A_2101 = vector.broadcast %parallel_loop3A_2100 : i32 to vector<16xi32>
      %parallel_loop3A_2102 = arith.shrsi %parallel_loop3A_2099, %parallel_loop3A_2101 : vector<16xi32>
      %parallel_loop3A_2103 = arith.constant 4095 : i32
      %parallel_loop3A_2104 = vector.broadcast %parallel_loop3A_2103 : i32 to vector<16xi32>
      %parallel_loop3A_2105 = arith.andi %parallel_loop3A_2102, %parallel_loop3A_2104 : vector<16xi32>
      %parallel_loop3A_2106 = arith.constant 0 : i32
      %parallel_loop3A_2107 = vector.broadcast %parallel_loop3A_2106 : i32 to vector<16xi32>
      %parallel_loop3A_2108 = arith.addi %parallel_loop3A_2105, %parallel_loop3A_2107 : vector<16xi32>
      %parallel_loop3A_2109 = arith.constant 20 : i32
      %parallel_loop3A_2110 = vector.broadcast %parallel_loop3A_2109 : i32 to vector<16xi32>
      %parallel_loop3A_2111 = arith.shrsi %parallel_loop3A_2099, %parallel_loop3A_2110 : vector<16xi32>
      %parallel_loop3A_2112 = arith.cmpi eq, %parallel_loop3A_2111, %sub3A_239 : vector<16xi32>
      tpu.vector_store_idx %arg5[%parallel_loop3A_2108], %broadcast_in_dim3A_2 masked %parallel_loop3A_2112 {add = true} : memref<4096xf32, #tpu.memory_space<vmem>>[vector<16xi32>], vector<16xf32>, vector<16xi1>
      %parallel_loop3A_2113 = arith.index_cast %parallel_loop3A_2016 : i32 to index
      %parallel_loop3A_2114 = arith.constant 96 : index
      %parallel_loop3A_2115 = tpu.vector_load %arg4[%parallel_loop3A_2113, %parallel_loop3A_2114] {strides = array<i32>} : memref<384x256xi32, #tpu.memory_space<vmem>>, vector<16xi32>,
      %parallel_loop3A_2116 = arith.constant 8 : i32
      %parallel_loop3A_2117 = vector.broadcast %parallel_loop3A_2116 : i32 to vector<16xi32>
      %parallel_loop3A_2118 = arith.shrsi %parallel_loop3A_2115, %parallel_loop3A_2117 : vector<16xi32>
      %parallel_loop3A_2119 = arith.constant 4095 : i32
      %parallel_loop3A_2120 = vector.broadcast %parallel_loop3A_2119 : i32 to vector<16xi32>
      %parallel_loop3A_2121 = arith.andi %parallel_loop3A_2118, %parallel_loop3A_2120 : vector<16xi32>
      %parallel_loop3A_2122 = arith.constant 0 : i32
      %parallel_loop3A_2123 = vector.broadcast %parallel_loop3A_2122 : i32 to vector<16xi32>
      %parallel_loop3A_2124 = arith.addi %parallel_loop3A_2121, %parallel_loop3A_2123 : vector<16xi32>
      %parallel_loop3A_2125 = arith.constant 20 : i32
      %parallel_loop3A_2126 = vector.broadcast %parallel_loop3A_2125 : i32 to vector<16xi32>
      %parallel_loop3A_2127 = arith.shrsi %parallel_loop3A_2115, %parallel_loop3A_2126 : vector<16xi32>
      %parallel_loop3A_2128 = arith.cmpi eq, %parallel_loop3A_2127, %sub3A_239 : vector<16xi32>
      tpu.vector_store_idx %arg5[%parallel_loop3A_2124], %broadcast_in_dim3A_2 masked %parallel_loop3A_2128 {add = true} : memref<4096xf32, #tpu.memory_space<vmem>>[vector<16xi32>], vector<16xf32>, vector<16xi1>
      %parallel_loop3A_2129 = arith.index_cast %parallel_loop3A_2016 : i32 to index
      %parallel_loop3A_2130 = arith.constant 112 : index
      %parallel_loop3A_2131 = tpu.vector_load %arg4[%parallel_loop3A_2129, %parallel_loop3A_2130] {strides = array<i32>} : memref<384x256xi32, #tpu.memory_space<vmem>>, vector<16xi32>,
      %parallel_loop3A_2132 = arith.constant 8 : i32
      %parallel_loop3A_2133 = vector.broadcast %parallel_loop3A_2132 : i32 to vector<16xi32>
      %parallel_loop3A_2134 = arith.shrsi %parallel_loop3A_2131, %parallel_loop3A_2133 : vector<16xi32>
      %parallel_loop3A_2135 = arith.constant 4095 : i32
      %parallel_loop3A_2136 = vector.broadcast %parallel_loop3A_2135 : i32 to vector<16xi32>
      %parallel_loop3A_2137 = arith.andi %parallel_loop3A_2134, %parallel_loop3A_2136 : vector<16xi32>
      %parallel_loop3A_2138 = arith.constant 0 : i32
      %parallel_loop3A_2139 = vector.broadcast %parallel_loop3A_2138 : i32 to vector<16xi32>
      %parallel_loop3A_2140 = arith.addi %parallel_loop3A_2137, %parallel_loop3A_2139 : vector<16xi32>
      %parallel_loop3A_2141 = arith.constant 20 : i32
      %parallel_loop3A_2142 = vector.broadcast %parallel_loop3A_2141 : i32 to vector<16xi32>
      %parallel_loop3A_2143 = arith.shrsi %parallel_loop3A_2131, %parallel_loop3A_2142 : vector<16xi32>
      %parallel_loop3A_2144 = arith.cmpi eq, %parallel_loop3A_2143, %sub3A_239 : vector<16xi32>
      tpu.vector_store_idx %arg5[%parallel_loop3A_2140], %broadcast_in_dim3A_2 masked %parallel_loop3A_2144 {add = true} : memref<4096xf32, #tpu.memory_space<vmem>>[vector<16xi32>], vector<16xf32>, vector<16xi1>
      %parallel_loop3A_2145 = arith.index_cast %parallel_loop3A_2016 : i32 to index
      %parallel_loop3A_2146 = arith.constant 128 : index
      %parallel_loop3A_2147 = tpu.vector_load %arg4[%parallel_loop3A_2145, %parallel_loop3A_2146] {strides = array<i32>} : memref<384x256xi32, #tpu.memory_space<vmem>>, vector<16xi32>,
      %parallel_loop3A_2148 = arith.constant 8 : i32
      %parallel_loop3A_2149 = vector.broadcast %parallel_loop3A_2148 : i32 to vector<16xi32>
      %parallel_loop3A_2150 = arith.shrsi %parallel_loop3A_2147, %parallel_loop3A_2149 : vector<16xi32>
      %parallel_loop3A_2151 = arith.constant 4095 : i32
      %parallel_loop3A_2152 = vector.broadcast %parallel_loop3A_2151 : i32 to vector<16xi32>
      %parallel_loop3A_2153 = arith.andi %parallel_loop3A_2150, %parallel_loop3A_2152 : vector<16xi32>
      %parallel_loop3A_2154 = arith.constant 0 : i32
      %parallel_loop3A_2155 = vector.broadcast %parallel_loop3A_2154 : i32 to vector<16xi32>
      %parallel_loop3A_2156 = arith.addi %parallel_loop3A_2153, %parallel_loop3A_2155 : vector<16xi32>
      %parallel_loop3A_2157 = arith.constant 20 : i32
      %parallel_loop3A_2158 = vector.broadcast %parallel_loop3A_2157 : i32 to vector<16xi32>
      %parallel_loop3A_2159 = arith.shrsi %parallel_loop3A_2147, %parallel_loop3A_2158 : vector<16xi32>
      %parallel_loop3A_2160 = arith.cmpi eq, %parallel_loop3A_2159, %sub3A_239 : vector<16xi32>
      tpu.vector_store_idx %arg5[%parallel_loop3A_2156], %broadcast_in_dim3A_2 masked %parallel_loop3A_2160 {add = true} : memref<4096xf32, #tpu.memory_space<vmem>>[vector<16xi32>], vector<16xf32>, vector<16xi1>
      %parallel_loop3A_2161 = arith.index_cast %parallel_loop3A_2016 : i32 to index
      %parallel_loop3A_2162 = arith.constant 144 : index
      %parallel_loop3A_2163 = tpu.vector_load %arg4[%parallel_loop3A_2161, %parallel_loop3A_2162] {strides = array<i32>} : memref<384x256xi32, #tpu.memory_space<vmem>>, vector<16xi32>,
      %parallel_loop3A_2164 = arith.constant 8 : i32
      %parallel_loop3A_2165 = vector.broadcast %parallel_loop3A_2164 : i32 to vector<16xi32>
      %parallel_loop3A_2166 = arith.shrsi %parallel_loop3A_2163, %parallel_loop3A_2165 : vector<16xi32>
      %parallel_loop3A_2167 = arith.constant 4095 : i32
      %parallel_loop3A_2168 = vector.broadcast %parallel_loop3A_2167 : i32 to vector<16xi32>
      %parallel_loop3A_2169 = arith.andi %parallel_loop3A_2166, %parallel_loop3A_2168 : vector<16xi32>
      %parallel_loop3A_2170 = arith.constant 0 : i32
      %parallel_loop3A_2171 = vector.broadcast %parallel_loop3A_2170 : i32 to vector<16xi32>
      %parallel_loop3A_2172 = arith.addi %parallel_loop3A_2169, %parallel_loop3A_2171 : vector<16xi32>
      %parallel_loop3A_2173 = arith.constant 20 : i32
      %parallel_loop3A_2174 = vector.broadcast %parallel_loop3A_2173 : i32 to vector<16xi32>
      %parallel_loop3A_2175 = arith.shrsi %parallel_loop3A_2163, %parallel_loop3A_2174 : vector<16xi32>
      %parallel_loop3A_2176 = arith.cmpi eq, %parallel_loop3A_2175, %sub3A_239 : vector<16xi32>
      tpu.vector_store_idx %arg5[%parallel_loop3A_2172], %broadcast_in_dim3A_2 masked %parallel_loop3A_2176 {add = true} : memref<4096xf32, #tpu.memory_space<vmem>>[vector<16xi32>], vector<16xf32>, vector<16xi1>
      %parallel_loop3A_2177 = arith.index_cast %parallel_loop3A_2016 : i32 to index
      %parallel_loop3A_2178 = arith.constant 160 : index
      %parallel_loop3A_2179 = tpu.vector_load %arg4[%parallel_loop3A_2177, %parallel_loop3A_2178] {strides = array<i32>} : memref<384x256xi32, #tpu.memory_space<vmem>>, vector<16xi32>,
      %parallel_loop3A_2180 = arith.constant 8 : i32
      %parallel_loop3A_2181 = vector.broadcast %parallel_loop3A_2180 : i32 to vector<16xi32>
      %parallel_loop3A_2182 = arith.shrsi %parallel_loop3A_2179, %parallel_loop3A_2181 : vector<16xi32>
      %parallel_loop3A_2183 = arith.constant 4095 : i32
      %parallel_loop3A_2184 = vector.broadcast %parallel_loop3A_2183 : i32 to vector<16xi32>
      %parallel_loop3A_2185 = arith.andi %parallel_loop3A_2182, %parallel_loop3A_2184 : vector<16xi32>
      %parallel_loop3A_2186 = arith.constant 0 : i32
      %parallel_loop3A_2187 = vector.broadcast %parallel_loop3A_2186 : i32 to vector<16xi32>
      %parallel_loop3A_2188 = arith.addi %parallel_loop3A_2185, %parallel_loop3A_2187 : vector<16xi32>
      %parallel_loop3A_2189 = arith.constant 20 : i32
      %parallel_loop3A_2190 = vector.broadcast %parallel_loop3A_2189 : i32 to vector<16xi32>
      %parallel_loop3A_2191 = arith.shrsi %parallel_loop3A_2179, %parallel_loop3A_2190 : vector<16xi32>
      %parallel_loop3A_2192 = arith.cmpi eq, %parallel_loop3A_2191, %sub3A_239 : vector<16xi32>
      %parallel_loop3A_2193 = arith.andi %lt3A_4, %parallel_loop3A_2192 : vector<16xi1>
      tpu.vector_store_idx %arg5[%parallel_loop3A_2188], %broadcast_in_dim3A_2 masked %parallel_loop3A_2193 {add = true} : memref<4096xf32, #tpu.memory_space<vmem>>[vector<16xi32>], vector<16xf32>, vector<16xi1>
    } {sc.loop_unroll_factor = 2 : i64, sc.parallel_access}
    "tpu.region"() ({
      %run_scoped3A = tpu.sem_alloc : memref<!tpu.dma_semaphore, #tpu.memory_space<semaphore_mem>>
      %dma_start3A = arith.constant 0 : i32
      %dma_start3A_2016 = tpu.memref_slice %arg5[%dma_start3A] : memref<4096xf32, #tpu.memory_space<vmem>> -> memref<4096xf32, #tpu.memory_space<vmem>>
      %dma_start3A_2017 = arith.constant 0 : i32
      %dma_start3A_2018 = tpu.memref_slice %arg12[%arg1, %dma_start3A_2017] : memref<16x4096xf32, #tpu.memory_space<vmem_shared>> -> memref<1x4096xf32, #tpu.memory_space<vmem_shared>>
      %dma_start3A_2019 = tpu.memref_squeeze %dma_start3A_2018 : memref<1x4096xf32, #tpu.memory_space<vmem_shared>> -> memref<4096xf32, #tpu.memory_space<vmem_shared>>
      %dma_start3A_2020 = arith.constant 0 : i32
      %dma_start3A_2021 = tpu.memref_slice %arg12[%arg1, %dma_start3A_2020] : memref<16x4096xf32, #tpu.memory_space<vmem_shared>> -> memref<1x4096xf32, #tpu.memory_space<vmem_shared>>
      %dma_start3A_2022 = tpu.memref_squeeze %dma_start3A_2021 : memref<1x4096xf32, #tpu.memory_space<vmem_shared>> -> memref<4096xf32, #tpu.memory_space<vmem_shared>>
      %dma_start3A_2023 = arith.constant 0 : i32
      %dma_start3A_2024 = tpu.memref_slice %arg5[%dma_start3A_2023] : memref<4096xf32, #tpu.memory_space<vmem>> -> memref<4096xf32, #tpu.memory_space<vmem>>
      tpu.enqueue_dma source(%dma_start3A_2024 : memref<4096xf32, #tpu.memory_space<vmem>>) target(%dma_start3A_2022 : memref<4096xf32, #tpu.memory_space<vmem_shared>>) target_semaphore(%run_scoped3A : memref<!tpu.dma_semaphore, #tpu.memory_space<semaphore_mem>>)
      %dma_wait3A = arith.constant 0 : i32
      %dma_wait3A_2025 = tpu.memref_slice %arg5[%dma_wait3A] : memref<4096xf32, #tpu.memory_space<vmem>> -> memref<4096xf32, #tpu.memory_space<vmem>>
      %dma_wait3A_2026 = arith.constant 0 : i32
      %dma_wait3A_2027 = tpu.memref_slice %arg12[%arg1, %dma_wait3A_2026] : memref<16x4096xf32, #tpu.memory_space<vmem_shared>> -> memref<1x4096xf32, #tpu.memory_space<vmem_shared>>
      %dma_wait3A_2028 = tpu.memref_squeeze %dma_wait3A_2027 : memref<1x4096xf32, #tpu.memory_space<vmem_shared>> -> memref<4096xf32, #tpu.memory_space<vmem_shared>>
      %dma_wait3A_2029 = arith.constant 0 : i32
      %dma_wait3A_2030 = tpu.memref_slice %arg12[%arg1, %dma_wait3A_2029] : memref<16x4096xf32, #tpu.memory_space<vmem_shared>> -> memref<1x4096xf32, #tpu.memory_space<vmem_shared>>
      %dma_wait3A_2031 = tpu.memref_squeeze %dma_wait3A_2030 : memref<1x4096xf32, #tpu.memory_space<vmem_shared>> -> memref<4096xf32, #tpu.memory_space<vmem_shared>>
      %dma_wait3A_2032 = arith.constant 0 : i32
      %dma_wait3A_2033 = tpu.memref_slice %arg5[%dma_wait3A_2032] : memref<4096xf32, #tpu.memory_space<vmem>> -> memref<4096xf32, #tpu.memory_space<vmem>>
      tpu.wait_dma2 semaphore(%run_scoped3A : memref<!tpu.dma_semaphore, #tpu.memory_space<semaphore_mem>>) src(%dma_wait3A_2033 : memref<4096xf32, #tpu.memory_space<vmem>>) dst(%dma_wait3A_2031 : memref<4096xf32, #tpu.memory_space<vmem_shared>>)
      tpu.yield
    }) : () -> ()
    %barrier3A_246 = arith.constant 0 : index
    tpu.barrier barrier_id(%barrier3A_246)
    %mul3A_247 = arith.constant 256 : i32
    %mul3A_248 = arith.muli %arg1, %mul3A_247 : i32
    "tpu.region"() ({
      %run_scoped3A = tpu.sem_alloc : memref<!tpu.dma_semaphore, #tpu.memory_space<semaphore_mem>>
      %dma_start3A = arith.constant 0 : i32
      %dma_start3A_2016 = arith.constant 0 : i32
      %dma_start3A_2017 = tpu.memref_slice %arg6[%dma_start3A, %dma_start3A_2016] : memref<16x256xf32, #tpu.memory_space<vmem>> -> memref<16x256xf32, #tpu.memory_space<vmem>>
      %dma_start3A_2018 = arith.constant 0 : i32
      %dma_start3A_2019 = tpu.memref_slice %arg12[%dma_start3A_2018, %mul3A_248] : memref<16x4096xf32, #tpu.memory_space<vmem_shared>> -> memref<16x256xf32, #tpu.memory_space<vmem_shared>>
      %dma_start3A_2020 = arith.constant 0 : i32
      %dma_start3A_2021 = arith.constant 0 : i32
      %dma_start3A_2022 = tpu.memref_slice %arg6[%dma_start3A_2020, %dma_start3A_2021] : memref<16x256xf32, #tpu.memory_space<vmem>> -> memref<16x256xf32, #tpu.memory_space<vmem>>
      %dma_start3A_2023 = arith.constant 0 : i32
      %dma_start3A_2024 = tpu.memref_slice %arg12[%dma_start3A_2023, %mul3A_248] : memref<16x4096xf32, #tpu.memory_space<vmem_shared>> -> memref<16x256xf32, #tpu.memory_space<vmem_shared>>
      tpu.enqueue_dma source(%dma_start3A_2024 : memref<16x256xf32, #tpu.memory_space<vmem_shared>>) target(%dma_start3A_2022 : memref<16x256xf32, #tpu.memory_space<vmem>>) target_semaphore(%run_scoped3A : memref<!tpu.dma_semaphore, #tpu.memory_space<semaphore_mem>>)
      %dma_wait3A = arith.constant 0 : i32
      %dma_wait3A_2025 = arith.constant 0 : i32
      %dma_wait3A_2026 = tpu.memref_slice %arg6[%dma_wait3A, %dma_wait3A_2025] : memref<16x256xf32, #tpu.memory_space<vmem>> -> memref<16x256xf32, #tpu.memory_space<vmem>>
      %dma_wait3A_2027 = arith.constant 0 : i32
      %dma_wait3A_2028 = tpu.memref_slice %arg12[%dma_wait3A_2027, %mul3A_248] : memref<16x4096xf32, #tpu.memory_space<vmem_shared>> -> memref<16x256xf32, #tpu.memory_space<vmem_shared>>
      %dma_wait3A_2029 = arith.constant 0 : i32
      %dma_wait3A_2030 = arith.constant 0 : i32
      %dma_wait3A_2031 = tpu.memref_slice %arg6[%dma_wait3A_2029, %dma_wait3A_2030] : memref<16x256xf32, #tpu.memory_space<vmem>> -> memref<16x256xf32, #tpu.memory_space<vmem>>
      %dma_wait3A_2032 = arith.constant 0 : i32
      %dma_wait3A_2033 = tpu.memref_slice %arg12[%dma_wait3A_2032, %mul3A_248] : memref<16x4096xf32, #tpu.memory_space<vmem_shared>> -> memref<16x256xf32, #tpu.memory_space<vmem_shared>>
      tpu.wait_dma2 semaphore(%run_scoped3A : memref<!tpu.dma_semaphore, #tpu.memory_space<semaphore_mem>>) src(%dma_wait3A_2033 : memref<16x256xf32, #tpu.memory_space<vmem_shared>>) dst(%dma_wait3A_2031 : memref<16x256xf32, #tpu.memory_space<vmem>>)
      tpu.yield
    }) : () -> ()
    %parallel_loop3A_249 = arith.constant 0 : i32
    %parallel_loop3A_250 = arith.constant 16 : i32
    %parallel_loop3A_251 = arith.constant 1 : i32
    scf.for %parallel_loop3A_2016 = %parallel_loop3A_249 to %parallel_loop3A_250 step %parallel_loop3A_251  : i32 {
      %parallel_loop3A_2017 = arith.constant 16 : i32
      %parallel_loop3A_2018 = arith.muli %parallel_loop3A_2016, %parallel_loop3A_2017 : i32
      %parallel_loop3A_2019 = arith.constant 0 : i32
      %parallel_loop3A_2020 = arith.index_cast %parallel_loop3A_2019 : i32 to index
      %parallel_loop3A_2021 = arith.index_cast %parallel_loop3A_2018 : i32 to index
      %parallel_loop3A_2022 = tpu.vector_load %arg6[%parallel_loop3A_2020, %parallel_loop3A_2021] {strides = array<i32>} : memref<16x256xf32, #tpu.memory_space<vmem>>, vector<16xf32>,
      %parallel_loop3A_2023 = arith.addf %broadcast_in_dim3A_0, %parallel_loop3A_2022 : vector<16xf32>
      %parallel_loop3A_2024 = arith.constant 16 : i32
      %parallel_loop3A_2025 = arith.muli %parallel_loop3A_2016, %parallel_loop3A_2024 : i32
      %parallel_loop3A_2026 = arith.constant 1 : i32
      %parallel_loop3A_2027 = arith.index_cast %parallel_loop3A_2026 : i32 to index
      %parallel_loop3A_2028 = arith.index_cast %parallel_loop3A_2025 : i32 to index
      %parallel_loop3A_2029 = tpu.vector_load %arg6[%parallel_loop3A_2027, %parallel_loop3A_2028] {strides = array<i32>} : memref<16x256xf32, #tpu.memory_space<vmem>>, vector<16xf32>,
      %parallel_loop3A_2030 = arith.addf %parallel_loop3A_2023, %parallel_loop3A_2029 : vector<16xf32>
      %parallel_loop3A_2031 = arith.constant 16 : i32
      %parallel_loop3A_2032 = arith.muli %parallel_loop3A_2016, %parallel_loop3A_2031 : i32
      %parallel_loop3A_2033 = arith.constant 2 : i32
      %parallel_loop3A_2034 = arith.index_cast %parallel_loop3A_2033 : i32 to index
      %parallel_loop3A_2035 = arith.index_cast %parallel_loop3A_2032 : i32 to index
      %parallel_loop3A_2036 = tpu.vector_load %arg6[%parallel_loop3A_2034, %parallel_loop3A_2035] {strides = array<i32>} : memref<16x256xf32, #tpu.memory_space<vmem>>, vector<16xf32>,
      %parallel_loop3A_2037 = arith.addf %parallel_loop3A_2030, %parallel_loop3A_2036 : vector<16xf32>
      %parallel_loop3A_2038 = arith.constant 16 : i32
      %parallel_loop3A_2039 = arith.muli %parallel_loop3A_2016, %parallel_loop3A_2038 : i32
      %parallel_loop3A_2040 = arith.constant 3 : i32
      %parallel_loop3A_2041 = arith.index_cast %parallel_loop3A_2040 : i32 to index
      %parallel_loop3A_2042 = arith.index_cast %parallel_loop3A_2039 : i32 to index
      %parallel_loop3A_2043 = tpu.vector_load %arg6[%parallel_loop3A_2041, %parallel_loop3A_2042] {strides = array<i32>} : memref<16x256xf32, #tpu.memory_space<vmem>>, vector<16xf32>,
      %parallel_loop3A_2044 = arith.addf %parallel_loop3A_2037, %parallel_loop3A_2043 : vector<16xf32>
      %parallel_loop3A_2045 = arith.constant 16 : i32
      %parallel_loop3A_2046 = arith.muli %parallel_loop3A_2016, %parallel_loop3A_2045 : i32
      %parallel_loop3A_2047 = arith.constant 4 : i32
      %parallel_loop3A_2048 = arith.index_cast %parallel_loop3A_2047 : i32 to index
      %parallel_loop3A_2049 = arith.index_cast %parallel_loop3A_2046 : i32 to index
      %parallel_loop3A_2050 = tpu.vector_load %arg6[%parallel_loop3A_2048, %parallel_loop3A_2049] {strides = array<i32>} : memref<16x256xf32, #tpu.memory_space<vmem>>, vector<16xf32>,
      %parallel_loop3A_2051 = arith.addf %parallel_loop3A_2044, %parallel_loop3A_2050 : vector<16xf32>
      %parallel_loop3A_2052 = arith.constant 16 : i32
      %parallel_loop3A_2053 = arith.muli %parallel_loop3A_2016, %parallel_loop3A_2052 : i32
      %parallel_loop3A_2054 = arith.constant 5 : i32
      %parallel_loop3A_2055 = arith.index_cast %parallel_loop3A_2054 : i32 to index
      %parallel_loop3A_2056 = arith.index_cast %parallel_loop3A_2053 : i32 to index
      %parallel_loop3A_2057 = tpu.vector_load %arg6[%parallel_loop3A_2055, %parallel_loop3A_2056] {strides = array<i32>} : memref<16x256xf32, #tpu.memory_space<vmem>>, vector<16xf32>,
      %parallel_loop3A_2058 = arith.addf %parallel_loop3A_2051, %parallel_loop3A_2057 : vector<16xf32>
      %parallel_loop3A_2059 = arith.constant 16 : i32
      %parallel_loop3A_2060 = arith.muli %parallel_loop3A_2016, %parallel_loop3A_2059 : i32
      %parallel_loop3A_2061 = arith.constant 6 : i32
      %parallel_loop3A_2062 = arith.index_cast %parallel_loop3A_2061 : i32 to index
      %parallel_loop3A_2063 = arith.index_cast %parallel_loop3A_2060 : i32 to index
      %parallel_loop3A_2064 = tpu.vector_load %arg6[%parallel_loop3A_2062, %parallel_loop3A_2063] {strides = array<i32>} : memref<16x256xf32, #tpu.memory_space<vmem>>, vector<16xf32>,
      %parallel_loop3A_2065 = arith.addf %parallel_loop3A_2058, %parallel_loop3A_2064 : vector<16xf32>
      %parallel_loop3A_2066 = arith.constant 16 : i32
      %parallel_loop3A_2067 = arith.muli %parallel_loop3A_2016, %parallel_loop3A_2066 : i32
      %parallel_loop3A_2068 = arith.constant 7 : i32
      %parallel_loop3A_2069 = arith.index_cast %parallel_loop3A_2068 : i32 to index
      %parallel_loop3A_2070 = arith.index_cast %parallel_loop3A_2067 : i32 to index
      %parallel_loop3A_2071 = tpu.vector_load %arg6[%parallel_loop3A_2069, %parallel_loop3A_2070] {strides = array<i32>} : memref<16x256xf32, #tpu.memory_space<vmem>>, vector<16xf32>,
      %parallel_loop3A_2072 = arith.addf %parallel_loop3A_2065, %parallel_loop3A_2071 : vector<16xf32>
      %parallel_loop3A_2073 = arith.constant 16 : i32
      %parallel_loop3A_2074 = arith.muli %parallel_loop3A_2016, %parallel_loop3A_2073 : i32
      %parallel_loop3A_2075 = arith.constant 8 : i32
      %parallel_loop3A_2076 = arith.index_cast %parallel_loop3A_2075 : i32 to index
      %parallel_loop3A_2077 = arith.index_cast %parallel_loop3A_2074 : i32 to index
      %parallel_loop3A_2078 = tpu.vector_load %arg6[%parallel_loop3A_2076, %parallel_loop3A_2077] {strides = array<i32>} : memref<16x256xf32, #tpu.memory_space<vmem>>, vector<16xf32>,
      %parallel_loop3A_2079 = arith.addf %parallel_loop3A_2072, %parallel_loop3A_2078 : vector<16xf32>
      %parallel_loop3A_2080 = arith.constant 16 : i32
      %parallel_loop3A_2081 = arith.muli %parallel_loop3A_2016, %parallel_loop3A_2080 : i32
      %parallel_loop3A_2082 = arith.constant 9 : i32
      %parallel_loop3A_2083 = arith.index_cast %parallel_loop3A_2082 : i32 to index
      %parallel_loop3A_2084 = arith.index_cast %parallel_loop3A_2081 : i32 to index
      %parallel_loop3A_2085 = tpu.vector_load %arg6[%parallel_loop3A_2083, %parallel_loop3A_2084] {strides = array<i32>} : memref<16x256xf32, #tpu.memory_space<vmem>>, vector<16xf32>,
      %parallel_loop3A_2086 = arith.addf %parallel_loop3A_2079, %parallel_loop3A_2085 : vector<16xf32>
      %parallel_loop3A_2087 = arith.constant 16 : i32
      %parallel_loop3A_2088 = arith.muli %parallel_loop3A_2016, %parallel_loop3A_2087 : i32
      %parallel_loop3A_2089 = arith.constant 10 : i32
      %parallel_loop3A_2090 = arith.index_cast %parallel_loop3A_2089 : i32 to index
      %parallel_loop3A_2091 = arith.index_cast %parallel_loop3A_2088 : i32 to index
      %parallel_loop3A_2092 = tpu.vector_load %arg6[%parallel_loop3A_2090, %parallel_loop3A_2091] {strides = array<i32>} : memref<16x256xf32, #tpu.memory_space<vmem>>, vector<16xf32>,
      %parallel_loop3A_2093 = arith.addf %parallel_loop3A_2086, %parallel_loop3A_2092 : vector<16xf32>
      %parallel_loop3A_2094 = arith.constant 16 : i32
      %parallel_loop3A_2095 = arith.muli %parallel_loop3A_2016, %parallel_loop3A_2094 : i32
      %parallel_loop3A_2096 = arith.constant 11 : i32
      %parallel_loop3A_2097 = arith.index_cast %parallel_loop3A_2096 : i32 to index
      %parallel_loop3A_2098 = arith.index_cast %parallel_loop3A_2095 : i32 to index
      %parallel_loop3A_2099 = tpu.vector_load %arg6[%parallel_loop3A_2097, %parallel_loop3A_2098] {strides = array<i32>} : memref<16x256xf32, #tpu.memory_space<vmem>>, vector<16xf32>,
      %parallel_loop3A_2100 = arith.addf %parallel_loop3A_2093, %parallel_loop3A_2099 : vector<16xf32>
      %parallel_loop3A_2101 = arith.constant 16 : i32
      %parallel_loop3A_2102 = arith.muli %parallel_loop3A_2016, %parallel_loop3A_2101 : i32
      %parallel_loop3A_2103 = arith.constant 12 : i32
      %parallel_loop3A_2104 = arith.index_cast %parallel_loop3A_2103 : i32 to index
      %parallel_loop3A_2105 = arith.index_cast %parallel_loop3A_2102 : i32 to index
      %parallel_loop3A_2106 = tpu.vector_load %arg6[%parallel_loop3A_2104, %parallel_loop3A_2105] {strides = array<i32>} : memref<16x256xf32, #tpu.memory_space<vmem>>, vector<16xf32>,
      %parallel_loop3A_2107 = arith.addf %parallel_loop3A_2100, %parallel_loop3A_2106 : vector<16xf32>
      %parallel_loop3A_2108 = arith.constant 16 : i32
      %parallel_loop3A_2109 = arith.muli %parallel_loop3A_2016, %parallel_loop3A_2108 : i32
      %parallel_loop3A_2110 = arith.constant 13 : i32
      %parallel_loop3A_2111 = arith.index_cast %parallel_loop3A_2110 : i32 to index
      %parallel_loop3A_2112 = arith.index_cast %parallel_loop3A_2109 : i32 to index
      %parallel_loop3A_2113 = tpu.vector_load %arg6[%parallel_loop3A_2111, %parallel_loop3A_2112] {strides = array<i32>} : memref<16x256xf32, #tpu.memory_space<vmem>>, vector<16xf32>,
      %parallel_loop3A_2114 = arith.addf %parallel_loop3A_2107, %parallel_loop3A_2113 : vector<16xf32>
      %parallel_loop3A_2115 = arith.constant 16 : i32
      %parallel_loop3A_2116 = arith.muli %parallel_loop3A_2016, %parallel_loop3A_2115 : i32
      %parallel_loop3A_2117 = arith.constant 14 : i32
      %parallel_loop3A_2118 = arith.index_cast %parallel_loop3A_2117 : i32 to index
      %parallel_loop3A_2119 = arith.index_cast %parallel_loop3A_2116 : i32 to index
      %parallel_loop3A_2120 = tpu.vector_load %arg6[%parallel_loop3A_2118, %parallel_loop3A_2119] {strides = array<i32>} : memref<16x256xf32, #tpu.memory_space<vmem>>, vector<16xf32>,
      %parallel_loop3A_2121 = arith.addf %parallel_loop3A_2114, %parallel_loop3A_2120 : vector<16xf32>
      %parallel_loop3A_2122 = arith.constant 16 : i32
      %parallel_loop3A_2123 = arith.muli %parallel_loop3A_2016, %parallel_loop3A_2122 : i32
      %parallel_loop3A_2124 = arith.constant 15 : i32
      %parallel_loop3A_2125 = arith.index_cast %parallel_loop3A_2124 : i32 to index
      %parallel_loop3A_2126 = arith.index_cast %parallel_loop3A_2123 : i32 to index
      %parallel_loop3A_2127 = tpu.vector_load %arg6[%parallel_loop3A_2125, %parallel_loop3A_2126] {strides = array<i32>} : memref<16x256xf32, #tpu.memory_space<vmem>>, vector<16xf32>,
      %parallel_loop3A_2128 = arith.addf %parallel_loop3A_2121, %parallel_loop3A_2127 : vector<16xf32>
      %parallel_loop3A_2129 = arith.constant 16 : i32
      %parallel_loop3A_2130 = arith.muli %parallel_loop3A_2016, %parallel_loop3A_2129 : i32
      %parallel_loop3A_2131 = arith.index_cast %parallel_loop3A_2130 : i32 to index
      %parallel_loop3A_2132 = tpu.vector_load %arg7[%parallel_loop3A_2131] {strides = array<i32>} : memref<256xf32, #tpu.memory_space<vmem>>, vector<16xf32>,
      tpu.vector_store %arg7[%parallel_loop3A_2131], %parallel_loop3A_2128 {strides = array<i32>} : memref<256xf32, #tpu.memory_space<vmem>>, vector<16xf32>,
    } {sc.loop_unroll_factor = 2 : i64, sc.parallel_access}
    %scan3A_252 = arith.constant 0.000000e+00 : f32
    %scan3A_253 = arith.constant 0 : i32
    %scan3A_254 = arith.constant 16 : i32
    %scan3A_255 = arith.addi %scan3A_253, %scan3A_254 : i32
    %scan3A_256 = arith.constant 1 : i32
    %scan3A_257 = scf.for %scan3A_2016 = %scan3A_253 to %scan3A_255 step %scan3A_256 iter_args(%scan3A_2017 = %scan3A_252) -> (f32)  : i32 {
      %mul3A_2018 = arith.constant 16 : i32
      %mul3A_2019 = arith.muli %scan3A_2016, %mul3A_2018 : i32
      %get3A_2020 = arith.index_cast %mul3A_2019 : i32 to index
      %get3A_2021 = tpu.vector_load %arg7[%get3A_2020] {strides = array<i32>} : memref<256xf32, #tpu.memory_space<vmem>>, vector<16xf32>,
      %reduce_sum3A_2022 = arith.constant true
      %reduce_sum3A_2023 = vector.broadcast %reduce_sum3A_2022 : i1 to vector<16xi1>
      %reduce_sum3A_2024 = tpu.scan <sum>, %get3A_2021 masked %reduce_sum3A_2023 : vector<16xf32>, vector<16xi1> -> vector<16xf32>
      %reduce_sum3A_2025 = vector.extract %reduce_sum3A_2024[15] : f32 from vector<16xf32>
      %add3A_2026 = arith.addf %scan3A_2017, %reduce_sum3A_2025 : f32
      scf.yield %add3A_2026 : f32
    }
    %scan3A_258 = arith.constant 16 : i32
    %broadcast_in_dim3A_259 = vector.broadcast %scan3A_257 : f32 to vector<16xf32>
    %swap3A_260 = arith.constant 0 : index
    %swap3A_261 = tpu.vector_load %arg10[%swap3A_260] {strides = array<i32>} : memref<128xf32, #tpu.memory_space<vmem>>, vector<16xf32>,
    tpu.vector_store %arg10[%swap3A_260], %broadcast_in_dim3A_259 {strides = array<i32>} : memref<128xf32, #tpu.memory_space<vmem>>, vector<16xf32>,
    %broadcast_in_dim3A_262 = vector.broadcast %scan3A_257 : f32 to vector<16xf32>
    %swap3A_263 = arith.constant 16 : index
    %swap3A_264 = tpu.vector_load %arg10[%swap3A_263] {strides = array<i32>} : memref<128xf32, #tpu.memory_space<vmem>>, vector<16xf32>,
    tpu.vector_store %arg10[%swap3A_263], %broadcast_in_dim3A_262 {strides = array<i32>} : memref<128xf32, #tpu.memory_space<vmem>>, vector<16xf32>,
    %broadcast_in_dim3A_265 = vector.broadcast %scan3A_257 : f32 to vector<16xf32>
    %swap3A_266 = arith.constant 32 : index
    %swap3A_267 = tpu.vector_load %arg10[%swap3A_266] {strides = array<i32>} : memref<128xf32, #tpu.memory_space<vmem>>, vector<16xf32>,
    tpu.vector_store %arg10[%swap3A_266], %broadcast_in_dim3A_265 {strides = array<i32>} : memref<128xf32, #tpu.memory_space<vmem>>, vector<16xf32>,
    %broadcast_in_dim3A_268 = vector.broadcast %scan3A_257 : f32 to vector<16xf32>
    %swap3A_269 = arith.constant 48 : index
    %swap3A_270 = tpu.vector_load %arg10[%swap3A_269] {strides = array<i32>} : memref<128xf32, #tpu.memory_space<vmem>>, vector<16xf32>,
    tpu.vector_store %arg10[%swap3A_269], %broadcast_in_dim3A_268 {strides = array<i32>} : memref<128xf32, #tpu.memory_space<vmem>>, vector<16xf32>,
    %broadcast_in_dim3A_271 = vector.broadcast %scan3A_257 : f32 to vector<16xf32>
    %swap3A_272 = arith.constant 64 : index
    %swap3A_273 = tpu.vector_load %arg10[%swap3A_272] {strides = array<i32>} : memref<128xf32, #tpu.memory_space<vmem>>, vector<16xf32>,
    tpu.vector_store %arg10[%swap3A_272], %broadcast_in_dim3A_271 {strides = array<i32>} : memref<128xf32, #tpu.memory_space<vmem>>, vector<16xf32>,
    %broadcast_in_dim3A_274 = vector.broadcast %scan3A_257 : f32 to vector<16xf32>
    %swap3A_275 = arith.constant 80 : index
    %swap3A_276 = tpu.vector_load %arg10[%swap3A_275] {strides = array<i32>} : memref<128xf32, #tpu.memory_space<vmem>>, vector<16xf32>,
    tpu.vector_store %arg10[%swap3A_275], %broadcast_in_dim3A_274 {strides = array<i32>} : memref<128xf32, #tpu.memory_space<vmem>>, vector<16xf32>,
    %broadcast_in_dim3A_277 = vector.broadcast %scan3A_257 : f32 to vector<16xf32>
    %swap3A_278 = arith.constant 96 : index
    %swap3A_279 = tpu.vector_load %arg10[%swap3A_278] {strides = array<i32>} : memref<128xf32, #tpu.memory_space<vmem>>, vector<16xf32>,
    tpu.vector_store %arg10[%swap3A_278], %broadcast_in_dim3A_277 {strides = array<i32>} : memref<128xf32, #tpu.memory_space<vmem>>, vector<16xf32>,
    %broadcast_in_dim3A_280 = vector.broadcast %scan3A_257 : f32 to vector<16xf32>
    %swap3A_281 = arith.constant 112 : index
    %swap3A_282 = tpu.vector_load %arg10[%swap3A_281] {strides = array<i32>} : memref<128xf32, #tpu.memory_space<vmem>>, vector<16xf32>,
    tpu.vector_store %arg10[%swap3A_281], %broadcast_in_dim3A_280 {strides = array<i32>} : memref<128xf32, #tpu.memory_space<vmem>>, vector<16xf32>,
    "tpu.region"() ({
      %run_scoped3A = tpu.sem_alloc : memref<!tpu.dma_semaphore, #tpu.memory_space<semaphore_mem>>
      %dma_start3A = arith.constant 0 : i32
      %dma_start3A_2016 = tpu.memref_slice %arg13[%arg1, %dma_start3A] : memref<16x128xf32, #tpu.memory_space<vmem_shared>> -> memref<1x128xf32, #tpu.memory_space<vmem_shared>>
      %dma_start3A_2017 = tpu.memref_squeeze %dma_start3A_2016 : memref<1x128xf32, #tpu.memory_space<vmem_shared>> -> memref<128xf32, #tpu.memory_space<vmem_shared>>
      %dma_start3A_2018 = arith.constant 0 : i32
      %dma_start3A_2019 = tpu.memref_slice %arg13[%arg1, %dma_start3A_2018] : memref<16x128xf32, #tpu.memory_space<vmem_shared>> -> memref<1x128xf32, #tpu.memory_space<vmem_shared>>
      %dma_start3A_2020 = tpu.memref_squeeze %dma_start3A_2019 : memref<1x128xf32, #tpu.memory_space<vmem_shared>> -> memref<128xf32, #tpu.memory_space<vmem_shared>>
      tpu.enqueue_dma source(%arg10 : memref<128xf32, #tpu.memory_space<vmem>>) target(%dma_start3A_2020 : memref<128xf32, #tpu.memory_space<vmem_shared>>) target_semaphore(%run_scoped3A : memref<!tpu.dma_semaphore, #tpu.memory_space<semaphore_mem>>)
      %dma_wait3A = arith.constant 0 : i32
      %dma_wait3A_2021 = tpu.memref_slice %arg13[%arg1, %dma_wait3A] : memref<16x128xf32, #tpu.memory_space<vmem_shared>> -> memref<1x128xf32, #tpu.memory_space<vmem_shared>>
      %dma_wait3A_2022 = tpu.memref_squeeze %dma_wait3A_2021 : memref<1x128xf32, #tpu.memory_space<vmem_shared>> -> memref<128xf32, #tpu.memory_space<vmem_shared>>
      %dma_wait3A_2023 = arith.constant 0 : i32
      %dma_wait3A_2024 = tpu.memref_slice %arg13[%arg1, %dma_wait3A_2023] : memref<16x128xf32, #tpu.memory_space<vmem_shared>> -> memref<1x128xf32, #tpu.memory_space<vmem_shared>>
      %dma_wait3A_2025 = tpu.memref_squeeze %dma_wait3A_2024 : memref<1x128xf32, #tpu.memory_space<vmem_shared>> -> memref<128xf32, #tpu.memory_space<vmem_shared>>
      tpu.wait_dma2 semaphore(%run_scoped3A : memref<!tpu.dma_semaphore, #tpu.memory_space<semaphore_mem>>) src(%arg10 : memref<128xf32, #tpu.memory_space<vmem>>) dst(%dma_wait3A_2025 : memref<128xf32, #tpu.memory_space<vmem_shared>>)
      tpu.yield
    }) : () -> ()
    %barrier3A_283 = arith.constant 0 : index
    tpu.barrier barrier_id(%barrier3A_283)
    "tpu.region"() ({
      %run_scoped3A = tpu.sem_alloc : memref<!tpu.dma_semaphore, #tpu.memory_space<semaphore_mem>>
      tpu.enqueue_dma source(%arg13 : memref<16x128xf32, #tpu.memory_space<vmem_shared>>) target(%arg9 : memref<16x128xf32, #tpu.memory_space<vmem>>) target_semaphore(%run_scoped3A : memref<!tpu.dma_semaphore, #tpu.memory_space<semaphore_mem>>)
      tpu.wait_dma2 semaphore(%run_scoped3A : memref<!tpu.dma_semaphore, #tpu.memory_space<semaphore_mem>>) src(%arg13 : memref<16x128xf32, #tpu.memory_space<vmem_shared>>) dst(%arg9 : memref<16x128xf32, #tpu.memory_space<vmem>>)
      tpu.yield
    }) : () -> ()
    %eq3A_284 = arith.constant 0 : i32
    %eq3A_285 = vector.broadcast %eq3A_284 : i32 to vector<16xi32>
    %eq3A_286 = arith.cmpi eq, %iota3A, %eq3A_285 : vector<16xi32>
    %get3A_287 = arith.constant 0 : i32
    %get3A_288 = arith.index_cast %get3A_287 : i32 to index
    %get3A_289 = arith.constant 0 : index
    %get3A_290 = tpu.vector_load %arg9[%get3A_288, %get3A_289] {strides = array<i32>} : memref<16x128xf32, #tpu.memory_space<vmem>>, vector<16xf32>,
    %select_n3A_291 = arith.select %eq3A_286, %get3A_290, %broadcast_in_dim3A_0 : vector<16xi1>, vector<16xf32>
    %eq3A_292 = arith.constant 1 : i32
    %eq3A_293 = vector.broadcast %eq3A_292 : i32 to vector<16xi32>
    %eq3A_294 = arith.cmpi eq, %iota3A, %eq3A_293 : vector<16xi32>
    %get3A_295 = arith.constant 1 : i32
    %get3A_296 = arith.index_cast %get3A_295 : i32 to index
    %get3A_297 = arith.constant 0 : index
    %get3A_298 = tpu.vector_load %arg9[%get3A_296, %get3A_297] {strides = array<i32>} : memref<16x128xf32, #tpu.memory_space<vmem>>, vector<16xf32>,
    %select_n3A_299 = arith.select %eq3A_294, %get3A_298, %select_n3A_291 : vector<16xi1>, vector<16xf32>
    %eq3A_300 = arith.constant 2 : i32
    %eq3A_301 = vector.broadcast %eq3A_300 : i32 to vector<16xi32>
    %eq3A_302 = arith.cmpi eq, %iota3A, %eq3A_301 : vector<16xi32>
    %get3A_303 = arith.constant 2 : i32
    %get3A_304 = arith.index_cast %get3A_303 : i32 to index
    %get3A_305 = arith.constant 0 : index
    %get3A_306 = tpu.vector_load %arg9[%get3A_304, %get3A_305] {strides = array<i32>} : memref<16x128xf32, #tpu.memory_space<vmem>>, vector<16xf32>,
    %select_n3A_307 = arith.select %eq3A_302, %get3A_306, %select_n3A_299 : vector<16xi1>, vector<16xf32>
    %eq3A_308 = arith.constant 3 : i32
    %eq3A_309 = vector.broadcast %eq3A_308 : i32 to vector<16xi32>
    %eq3A_310 = arith.cmpi eq, %iota3A, %eq3A_309 : vector<16xi32>
    %get3A_311 = arith.constant 3 : i32
    %get3A_312 = arith.index_cast %get3A_311 : i32 to index
    %get3A_313 = arith.constant 0 : index
    %get3A_314 = tpu.vector_load %arg9[%get3A_312, %get3A_313] {strides = array<i32>} : memref<16x128xf32, #tpu.memory_space<vmem>>, vector<16xf32>,
    %select_n3A_315 = arith.select %eq3A_310, %get3A_314, %select_n3A_307 : vector<16xi1>, vector<16xf32>
    %eq3A_316 = arith.constant 4 : i32
    %eq3A_317 = vector.broadcast %eq3A_316 : i32 to vector<16xi32>
    %eq3A_318 = arith.cmpi eq, %iota3A, %eq3A_317 : vector<16xi32>
    %get3A_319 = arith.constant 4 : i32
    %get3A_320 = arith.index_cast %get3A_319 : i32 to index
    %get3A_321 = arith.constant 0 : index
    %get3A_322 = tpu.vector_load %arg9[%get3A_320, %get3A_321] {strides = array<i32>} : memref<16x128xf32, #tpu.memory_space<vmem>>, vector<16xf32>,
    %select_n3A_323 = arith.select %eq3A_318, %get3A_322, %select_n3A_315 : vector<16xi1>, vector<16xf32>
    %eq3A_324 = arith.constant 5 : i32
    %eq3A_325 = vector.broadcast %eq3A_324 : i32 to vector<16xi32>
    %eq3A_326 = arith.cmpi eq, %iota3A, %eq3A_325 : vector<16xi32>
    %get3A_327 = arith.constant 5 : i32
    %get3A_328 = arith.index_cast %get3A_327 : i32 to index
    %get3A_329 = arith.constant 0 : index
    %get3A_330 = tpu.vector_load %arg9[%get3A_328, %get3A_329] {strides = array<i32>} : memref<16x128xf32, #tpu.memory_space<vmem>>, vector<16xf32>,
    %select_n3A_331 = arith.select %eq3A_326, %get3A_330, %select_n3A_323 : vector<16xi1>, vector<16xf32>
    %eq3A_332 = arith.constant 6 : i32
    %eq3A_333 = vector.broadcast %eq3A_332 : i32 to vector<16xi32>
    %eq3A_334 = arith.cmpi eq, %iota3A, %eq3A_333 : vector<16xi32>
    %get3A_335 = arith.constant 6 : i32
    %get3A_336 = arith.index_cast %get3A_335 : i32 to index
    %get3A_337 = arith.constant 0 : index
    %get3A_338 = tpu.vector_load %arg9[%get3A_336, %get3A_337] {strides = array<i32>} : memref<16x128xf32, #tpu.memory_space<vmem>>, vector<16xf32>,
    %select_n3A_339 = arith.select %eq3A_334, %get3A_338, %select_n3A_331 : vector<16xi1>, vector<16xf32>
    %eq3A_340 = arith.constant 7 : i32
    %eq3A_341 = vector.broadcast %eq3A_340 : i32 to vector<16xi32>
    %eq3A_342 = arith.cmpi eq, %iota3A, %eq3A_341 : vector<16xi32>
    %get3A_343 = arith.constant 7 : i32
    %get3A_344 = arith.index_cast %get3A_343 : i32 to index
    %get3A_345 = arith.constant 0 : index
    %get3A_346 = tpu.vector_load %arg9[%get3A_344, %get3A_345] {strides = array<i32>} : memref<16x128xf32, #tpu.memory_space<vmem>>, vector<16xf32>,
    %select_n3A_347 = arith.select %eq3A_342, %get3A_346, %select_n3A_339 : vector<16xi1>, vector<16xf32>
    %eq3A_348 = arith.constant 8 : i32
    %eq3A_349 = vector.broadcast %eq3A_348 : i32 to vector<16xi32>
    %eq3A_350 = arith.cmpi eq, %iota3A, %eq3A_349 : vector<16xi32>
    %get3A_351 = arith.constant 8 : i32
    %get3A_352 = arith.index_cast %get3A_351 : i32 to index
    %get3A_353 = arith.constant 0 : index
    %get3A_354 = tpu.vector_load %arg9[%get3A_352, %get3A_353] {strides = array<i32>} : memref<16x128xf32, #tpu.memory_space<vmem>>, vector<16xf32>,
    %select_n3A_355 = arith.select %eq3A_350, %get3A_354, %select_n3A_347 : vector<16xi1>, vector<16xf32>
    %eq3A_356 = arith.constant 9 : i32
    %eq3A_357 = vector.broadcast %eq3A_356 : i32 to vector<16xi32>
    %eq3A_358 = arith.cmpi eq, %iota3A, %eq3A_357 : vector<16xi32>
    %get3A_359 = arith.constant 9 : i32
    %get3A_360 = arith.index_cast %get3A_359 : i32 to index
    %get3A_361 = arith.constant 0 : index
    %get3A_362 = tpu.vector_load %arg9[%get3A_360, %get3A_361] {strides = array<i32>} : memref<16x128xf32, #tpu.memory_space<vmem>>, vector<16xf32>,
    %select_n3A_363 = arith.select %eq3A_358, %get3A_362, %select_n3A_355 : vector<16xi1>, vector<16xf32>
    %eq3A_364 = arith.constant 10 : i32
    %eq3A_365 = vector.broadcast %eq3A_364 : i32 to vector<16xi32>
    %eq3A_366 = arith.cmpi eq, %iota3A, %eq3A_365 : vector<16xi32>
    %get3A_367 = arith.constant 10 : i32
    %get3A_368 = arith.index_cast %get3A_367 : i32 to index
    %get3A_369 = arith.constant 0 : index
    %get3A_370 = tpu.vector_load %arg9[%get3A_368, %get3A_369] {strides = array<i32>} : memref<16x128xf32, #tpu.memory_space<vmem>>, vector<16xf32>,
    %select_n3A_371 = arith.select %eq3A_366, %get3A_370, %select_n3A_363 : vector<16xi1>, vector<16xf32>
    %eq3A_372 = arith.constant 11 : i32
    %eq3A_373 = vector.broadcast %eq3A_372 : i32 to vector<16xi32>
    %eq3A_374 = arith.cmpi eq, %iota3A, %eq3A_373 : vector<16xi32>
    %get3A_375 = arith.constant 11 : i32
    %get3A_376 = arith.index_cast %get3A_375 : i32 to index
    %get3A_377 = arith.constant 0 : index
    %get3A_378 = tpu.vector_load %arg9[%get3A_376, %get3A_377] {strides = array<i32>} : memref<16x128xf32, #tpu.memory_space<vmem>>, vector<16xf32>,
    %select_n3A_379 = arith.select %eq3A_374, %get3A_378, %select_n3A_371 : vector<16xi1>, vector<16xf32>
    %eq3A_380 = arith.constant 12 : i32
    %eq3A_381 = vector.broadcast %eq3A_380 : i32 to vector<16xi32>
    %eq3A_382 = arith.cmpi eq, %iota3A, %eq3A_381 : vector<16xi32>
    %get3A_383 = arith.constant 12 : i32
    %get3A_384 = arith.index_cast %get3A_383 : i32 to index
    %get3A_385 = arith.constant 0 : index
    %get3A_386 = tpu.vector_load %arg9[%get3A_384, %get3A_385] {strides = array<i32>} : memref<16x128xf32, #tpu.memory_space<vmem>>, vector<16xf32>,
    %select_n3A_387 = arith.select %eq3A_382, %get3A_386, %select_n3A_379 : vector<16xi1>, vector<16xf32>
    %eq3A_388 = arith.constant 13 : i32
    %eq3A_389 = vector.broadcast %eq3A_388 : i32 to vector<16xi32>
    %eq3A_390 = arith.cmpi eq, %iota3A, %eq3A_389 : vector<16xi32>
    %get3A_391 = arith.constant 13 : i32
    %get3A_392 = arith.index_cast %get3A_391 : i32 to index
    %get3A_393 = arith.constant 0 : index
    %get3A_394 = tpu.vector_load %arg9[%get3A_392, %get3A_393] {strides = array<i32>} : memref<16x128xf32, #tpu.memory_space<vmem>>, vector<16xf32>,
    %select_n3A_395 = arith.select %eq3A_390, %get3A_394, %select_n3A_387 : vector<16xi1>, vector<16xf32>
    %eq3A_396 = arith.constant 14 : i32
    %eq3A_397 = vector.broadcast %eq3A_396 : i32 to vector<16xi32>
    %eq3A_398 = arith.cmpi eq, %iota3A, %eq3A_397 : vector<16xi32>
    %get3A_399 = arith.constant 14 : i32
    %get3A_400 = arith.index_cast %get3A_399 : i32 to index
    %get3A_401 = arith.constant 0 : index
    %get3A_402 = tpu.vector_load %arg9[%get3A_400, %get3A_401] {strides = array<i32>} : memref<16x128xf32, #tpu.memory_space<vmem>>, vector<16xf32>,
    %select_n3A_403 = arith.select %eq3A_398, %get3A_402, %select_n3A_395 : vector<16xi1>, vector<16xf32>
    %eq3A_404 = arith.constant 15 : i32
    %eq3A_405 = vector.broadcast %eq3A_404 : i32 to vector<16xi32>
    %eq3A_406 = arith.cmpi eq, %iota3A, %eq3A_405 : vector<16xi32>
    %get3A_407 = arith.constant 15 : i32
    %get3A_408 = arith.index_cast %get3A_407 : i32 to index
    %get3A_409 = arith.constant 0 : index
    %get3A_410 = tpu.vector_load %arg9[%get3A_408, %get3A_409] {strides = array<i32>} : memref<16x128xf32, #tpu.memory_space<vmem>>, vector<16xf32>,
    %select_n3A_411 = arith.select %eq3A_406, %get3A_410, %select_n3A_403 : vector<16xi1>, vector<16xf32>
    %broadcast_in_dim3A_412 = arith.constant true
    %broadcast_in_dim3A_413 = vector.broadcast %broadcast_in_dim3A_412 : i1 to vector<16xi1>
    %masked_cumsum3A_414 = tpu.scan <sum>, %select_n3A_411 masked %broadcast_in_dim3A_413 : vector<16xf32>, vector<16xi1> -> vector<16xf32>
    %sub3A_415 = arith.subf %masked_cumsum3A_414, %select_n3A_411 : vector<16xf32>
    %eq3A_416 = vector.broadcast %arg1 : i32 to vector<16xi32>
    %eq3A_417 = arith.cmpi eq, %iota3A, %eq3A_416 : vector<16xi32>
    %select_n3A_418 = arith.select %eq3A_417, %sub3A_415, %broadcast_in_dim3A_0 : vector<16xi1>, vector<16xf32>
    %reduce_sum3A_419 = arith.constant true
    %reduce_sum3A_420 = vector.broadcast %reduce_sum3A_419 : i1 to vector<16xi1>
    %reduce_sum3A_421 = tpu.scan <sum>, %select_n3A_418 masked %reduce_sum3A_420 : vector<16xf32>, vector<16xi1> -> vector<16xf32>
    %reduce_sum3A_422 = vector.extract %reduce_sum3A_421[15] : f32 from vector<16xf32>
    %eq3A_423 = vector.broadcast %arg1 : i32 to vector<16xi32>
    %eq3A_424 = arith.cmpi eq, %iota3A, %eq3A_423 : vector<16xi32>
    %select_n3A_425 = arith.select %eq3A_424, %select_n3A_411, %broadcast_in_dim3A_0 : vector<16xi1>, vector<16xf32>
    %reduce_sum3A_426 = arith.constant true
    %reduce_sum3A_427 = vector.broadcast %reduce_sum3A_426 : i1 to vector<16xi1>
    %reduce_sum3A_428 = tpu.scan <sum>, %select_n3A_425 masked %reduce_sum3A_427 : vector<16xf32>, vector<16xi1> -> vector<16xf32>
    %reduce_sum3A_429 = vector.extract %reduce_sum3A_428[15] : f32 from vector<16xf32>
    %reduce_max3A_430 = arith.constant true
    %reduce_max3A_431 = vector.broadcast %reduce_max3A_430 : i1 to vector<16xi1>
    %reduce_max3A_432 = tpu.scan <max>, %sub3A_236 masked %reduce_max3A_431 : vector<16xf32>, vector<16xi1> -> vector<16xf32>
    %reduce_max3A_433 = vector.extract %reduce_max3A_432[15] : f32 from vector<16xf32>
    %le3A_434 = arith.cmpf ole, %reduce_sum3A_422, %reduce_max3A_433 : f32
    %add3A_435 = arith.addf %reduce_sum3A_422, %reduce_sum3A_429 : f32
    %lt3A_436 = arith.cmpf olt, %reduce_max3A_433, %add3A_435 : f32
    %and3A_437 = arith.andi %le3A_434, %lt3A_436 : i1
    %scan3A_438 = arith.constant 0.000000e+00 : f32
    %scan3A_439 = arith.constant 0 : i32
    %scan3A_440 = arith.constant 16 : i32
    %scan3A_441 = arith.addi %scan3A_439, %scan3A_440 : i32
    %scan3A_442 = arith.constant 1 : i32
    %scan3A_443:3 = scf.for %scan3A_2016 = %scan3A_439 to %scan3A_441 step %scan3A_442 iter_args(%scan3A_2017 = %scan3A_438, %scan3A_2018 = %broadcast_in_dim3A_0, %scan3A_2019 = %broadcast_in_dim3A_0) -> (f32, vector<16xf32>, vector<16xf32>)  : i32 {
      %mul3A_2020 = arith.constant 16 : i32
      %mul3A_2021 = arith.muli %scan3A_2016, %mul3A_2020 : i32
      %get3A_2022 = arith.index_cast %mul3A_2021 : i32 to index
      %get3A_2023 = tpu.vector_load %arg7[%get3A_2022] {strides = array<i32>} : memref<256xf32, #tpu.memory_space<vmem>>, vector<16xf32>,
      %broadcast_in_dim3A_2024 = arith.constant true
      %broadcast_in_dim3A_2025 = vector.broadcast %broadcast_in_dim3A_2024 : i1 to vector<16xi1>
      %masked_cumsum3A_2026 = tpu.scan <sum>, %get3A_2023 masked %broadcast_in_dim3A_2025 : vector<16xf32>, vector<16xi1> -> vector<16xf32>
      %add3A_2027 = arith.addf %scan3A_2017, %reduce_sum3A_422 : f32
      %add3A_2028 = vector.broadcast %add3A_2027 : f32 to vector<16xf32>
      %add3A_2029 = arith.addf %masked_cumsum3A_2026, %add3A_2028 : vector<16xf32>
      %le3A_2030 = arith.cmpf ole, %add3A_2029, %sub3A_236 : vector<16xf32>
      %all_reduce_population_count3A_2031 = tpu.all_reduce %le3A_2030 {dim = 0 : i64, kind = #tpu.reduction_kind<sum>} : vector<16xi1> -> vector<16xi32>
      %convert_element_type3A_2032 = arith.sitofp %all_reduce_population_count3A_2031 : vector<16xi32> to vector<16xf32>
      %add3A_2033 = arith.addf %scan3A_2018, %convert_element_type3A_2032 : vector<16xf32>
      %select_n3A_2034 = arith.select %le3A_2030, %get3A_2023, %broadcast_in_dim3A_0 : vector<16xi1>, vector<16xf32>
      %reduce_sum3A_2035 = arith.constant true
      %reduce_sum3A_2036 = vector.broadcast %reduce_sum3A_2035 : i1 to vector<16xi1>
      %reduce_sum3A_2037 = tpu.scan <sum>, %select_n3A_2034 masked %reduce_sum3A_2036 : vector<16xf32>, vector<16xi1> -> vector<16xf32>
      %reduce_sum3A_2038 = vector.extract %reduce_sum3A_2037[15] : f32 from vector<16xf32>
      %add3A_2039 = vector.broadcast %reduce_sum3A_2038 : f32 to vector<16xf32>
      %add3A_2040 = arith.addf %scan3A_2019, %add3A_2039 : vector<16xf32>
      %reduce_sum3A_2041 = arith.constant true
      %reduce_sum3A_2042 = vector.broadcast %reduce_sum3A_2041 : i1 to vector<16xi1>
      %reduce_sum3A_2043 = tpu.scan <sum>, %get3A_2023 masked %reduce_sum3A_2042 : vector<16xf32>, vector<16xi1> -> vector<16xf32>
      %reduce_sum3A_2044 = vector.extract %reduce_sum3A_2043[15] : f32 from vector<16xf32>
      %add3A_2045 = arith.addf %scan3A_2017, %reduce_sum3A_2044 : f32
      scf.yield %add3A_2045, %add3A_2033, %add3A_2040 : f32, vector<16xf32>, vector<16xf32>
    }
    %scan3A_444 = arith.constant 16 : i32
    %mul3A_445 = arith.constant 256 : i32
    %mul3A_446 = arith.muli %arg1, %mul3A_445 : i32
    %convert_element_type3A_447 = arith.sitofp %mul3A_446 : i32 to f32
    %add3A_448 = vector.broadcast %convert_element_type3A_447 : f32 to vector<16xf32>
    %add3A_449 = arith.addf %scan3A_443#1, %add3A_448 : vector<16xf32>
    %add3A_450 = vector.broadcast %reduce_sum3A_422 : f32 to vector<16xf32>
    %add3A_451 = arith.addf %scan3A_443#2, %add3A_450 : vector<16xf32>
    %swap3A_452 = arith.constant 0 : i32
    %swap3A_453 = arith.index_cast %swap3A_452 : i32 to index
    %swap3A_454 = arith.constant 0 : index
    %swap3A_455 = tpu.vector_load %arg8[%swap3A_453, %swap3A_454] {strides = array<i32>} : memref<2x128xf32, #tpu.memory_space<vmem>>, vector<16xf32>,
    tpu.vector_store %arg8[%swap3A_453, %swap3A_454], %add3A_449 {strides = array<i32>} : memref<2x128xf32, #tpu.memory_space<vmem>>, vector<16xf32>,
    %swap3A_456 = arith.constant 0 : i32
    %swap3A_457 = arith.index_cast %swap3A_456 : i32 to index
    %swap3A_458 = arith.constant 16 : index
    %swap3A_459 = tpu.vector_load %arg8[%swap3A_457, %swap3A_458] {strides = array<i32>} : memref<2x128xf32, #tpu.memory_space<vmem>>, vector<16xf32>,
    tpu.vector_store %arg8[%swap3A_457, %swap3A_458], %add3A_449 {strides = array<i32>} : memref<2x128xf32, #tpu.memory_space<vmem>>, vector<16xf32>,
    %swap3A_460 = arith.constant 1 : i32
    %swap3A_461 = arith.index_cast %swap3A_460 : i32 to index
    %swap3A_462 = arith.constant 0 : index
    %swap3A_463 = tpu.vector_load %arg8[%swap3A_461, %swap3A_462] {strides = array<i32>} : memref<2x128xf32, #tpu.memory_space<vmem>>, vector<16xf32>,
    tpu.vector_store %arg8[%swap3A_461, %swap3A_462], %add3A_451 {strides = array<i32>} : memref<2x128xf32, #tpu.memory_space<vmem>>, vector<16xf32>,
    %swap3A_464 = arith.constant 1 : i32
    %swap3A_465 = arith.index_cast %swap3A_464 : i32 to index
    %swap3A_466 = arith.constant 16 : index
    %swap3A_467 = tpu.vector_load %arg8[%swap3A_465, %swap3A_466] {strides = array<i32>} : memref<2x128xf32, #tpu.memory_space<vmem>>, vector<16xf32>,
    tpu.vector_store %arg8[%swap3A_465, %swap3A_466], %add3A_451 {strides = array<i32>} : memref<2x128xf32, #tpu.memory_space<vmem>>, vector<16xf32>,
    %convert_element_type3A_468 = arith.extui %and3A_437 : i1 to i32
    %cond3A_469 = arith.constant 0 : i32
    %cond3A_470 = arith.cmpi ne, %convert_element_type3A_468, %cond3A_469 : i32
    scf.if %cond3A_470 {
      "tpu.region"() ({
        %run_scoped3A = tpu.sem_alloc : memref<!tpu.dma_semaphore, #tpu.memory_space<semaphore_mem>>
        tpu.enqueue_dma source(%arg8 : memref<2x128xf32, #tpu.memory_space<vmem>>) target(%arg14 : memref<2x128xf32, #tpu.memory_space<vmem_shared>>) target_semaphore(%run_scoped3A : memref<!tpu.dma_semaphore, #tpu.memory_space<semaphore_mem>>)
        tpu.wait_dma2 semaphore(%run_scoped3A : memref<!tpu.dma_semaphore, #tpu.memory_space<semaphore_mem>>) src(%arg8 : memref<2x128xf32, #tpu.memory_space<vmem>>) dst(%arg14 : memref<2x128xf32, #tpu.memory_space<vmem_shared>>)
        tpu.yield
      }) : () -> ()
    } else {
    }
    %barrier3A_471 = arith.constant 0 : index
    tpu.barrier barrier_id(%barrier3A_471)
    "tpu.region"() ({
      %run_scoped3A = tpu.sem_alloc : memref<!tpu.dma_semaphore, #tpu.memory_space<semaphore_mem>>
      tpu.enqueue_dma source(%arg14 : memref<2x128xf32, #tpu.memory_space<vmem_shared>>) target(%arg8 : memref<2x128xf32, #tpu.memory_space<vmem>>) target_semaphore(%run_scoped3A : memref<!tpu.dma_semaphore, #tpu.memory_space<semaphore_mem>>)
      tpu.wait_dma2 semaphore(%run_scoped3A : memref<!tpu.dma_semaphore, #tpu.memory_space<semaphore_mem>>) src(%arg14 : memref<2x128xf32, #tpu.memory_space<vmem_shared>>) dst(%arg8 : memref<2x128xf32, #tpu.memory_space<vmem>>)
      tpu.yield
    }) : () -> ()
    %get3A_472 = arith.constant 0 : i32
    %get3A_473 = arith.index_cast %get3A_472 : i32 to index
    %get3A_474 = arith.constant 0 : index
    %get3A_475 = tpu.vector_load %arg8[%get3A_473, %get3A_474] {strides = array<i32>} : memref<2x128xf32, #tpu.memory_space<vmem>>, vector<16xf32>,
    %convert_element_type3A_476 = arith.fptosi %get3A_475 : vector<16xf32> to vector<16xi32>
    %get3A_477 = arith.constant 1 : i32
    %get3A_478 = arith.index_cast %get3A_477 : i32 to index
    %get3A_479 = arith.constant 0 : index
    %get3A_480 = tpu.vector_load %arg8[%get3A_478, %get3A_479] {strides = array<i32>} : memref<2x128xf32, #tpu.memory_space<vmem>>, vector<16xf32>,
    %sub3A_481 = arith.subf %sub3A_236, %get3A_480 : vector<16xf32>
    %shift_left3A = arith.constant 12 : i32
    %shift_left3A_482 = vector.broadcast %shift_left3A : i32 to vector<16xi32>
    %shift_left3A_483 = arith.shli %sub3A_239, %shift_left3A_482 : vector<16xi32>
    %or3A = arith.ori %shift_left3A_483, %convert_element_type3A_476 : vector<16xi32>
    %parallel_loop3A_484 = arith.constant 0 : i32
    %parallel_loop3A_485 = arith.constant 16 : i32
    %parallel_loop3A_486 = arith.constant 1 : i32
    scf.for %parallel_loop3A_2016 = %parallel_loop3A_484 to %parallel_loop3A_485 step %parallel_loop3A_486  : i32 {
      %parallel_loop3A_2017 = arith.constant 16 : i32
      %parallel_loop3A_2018 = arith.muli %parallel_loop3A_2016, %parallel_loop3A_2017 : i32
      %parallel_loop3A_2019 = arith.index_cast %parallel_loop3A_2018 : i32 to index
      %parallel_loop3A_2020 = tpu.vector_load %arg5[%parallel_loop3A_2019] {strides = array<i32>} : memref<4096xf32, #tpu.memory_space<vmem>>, vector<16xf32>,
      tpu.vector_store %arg5[%parallel_loop3A_2019], %broadcast_in_dim3A_0 {strides = array<i32>} : memref<4096xf32, #tpu.memory_space<vmem>>, vector<16xf32>,
    } {sc.loop_unroll_factor = 8 : i64, sc.parallel_access}
    %parallel_loop3A_487 = arith.constant 0 : i32
    %parallel_loop3A_488 = arith.constant 384 : i32
    %parallel_loop3A_489 = arith.constant 1 : i32
    scf.for %parallel_loop3A_2016 = %parallel_loop3A_487 to %parallel_loop3A_488 step %parallel_loop3A_489  : i32 {
      %parallel_loop3A_2017 = arith.index_cast %parallel_loop3A_2016 : i32 to index
      %parallel_loop3A_2018 = arith.constant 0 : index
      %parallel_loop3A_2019 = tpu.vector_load %arg4[%parallel_loop3A_2017, %parallel_loop3A_2018] {strides = array<i32>} : memref<384x256xi32, #tpu.memory_space<vmem>>, vector<16xi32>,
      %parallel_loop3A_2020 = arith.constant 0 : i32
      %parallel_loop3A_2021 = vector.broadcast %parallel_loop3A_2020 : i32 to vector<16xi32>
      %parallel_loop3A_2022 = arith.shrsi %parallel_loop3A_2019, %parallel_loop3A_2021 : vector<16xi32>
      %parallel_loop3A_2023 = arith.constant 255 : i32
      %parallel_loop3A_2024 = vector.broadcast %parallel_loop3A_2023 : i32 to vector<16xi32>
      %parallel_loop3A_2025 = arith.andi %parallel_loop3A_2022, %parallel_loop3A_2024 : vector<16xi32>
      %parallel_loop3A_2026 = arith.constant 0 : i32
      %parallel_loop3A_2027 = vector.broadcast %parallel_loop3A_2026 : i32 to vector<16xi32>
      %parallel_loop3A_2028 = arith.addi %parallel_loop3A_2025, %parallel_loop3A_2027 : vector<16xi32>
      %parallel_loop3A_2029 = arith.constant 8 : i32
      %parallel_loop3A_2030 = vector.broadcast %parallel_loop3A_2029 : i32 to vector<16xi32>
      %parallel_loop3A_2031 = arith.shrsi %parallel_loop3A_2019, %parallel_loop3A_2030 : vector<16xi32>
      %parallel_loop3A_2032 = arith.cmpi eq, %parallel_loop3A_2031, %or3A : vector<16xi32>
      tpu.vector_store_idx %arg5[%parallel_loop3A_2028], %broadcast_in_dim3A_2 masked %parallel_loop3A_2032 {add = true} : memref<4096xf32, #tpu.memory_space<vmem>>[vector<16xi32>], vector<16xf32>, vector<16xi1>
      %parallel_loop3A_2033 = arith.index_cast %parallel_loop3A_2016 : i32 to index
      %parallel_loop3A_2034 = arith.constant 16 : index
      %parallel_loop3A_2035 = tpu.vector_load %arg4[%parallel_loop3A_2033, %parallel_loop3A_2034] {strides = array<i32>} : memref<384x256xi32, #tpu.memory_space<vmem>>, vector<16xi32>,
      %parallel_loop3A_2036 = arith.constant 0 : i32
      %parallel_loop3A_2037 = vector.broadcast %parallel_loop3A_2036 : i32 to vector<16xi32>
      %parallel_loop3A_2038 = arith.shrsi %parallel_loop3A_2035, %parallel_loop3A_2037 : vector<16xi32>
      %parallel_loop3A_2039 = arith.constant 255 : i32
      %parallel_loop3A_2040 = vector.broadcast %parallel_loop3A_2039 : i32 to vector<16xi32>
      %parallel_loop3A_2041 = arith.andi %parallel_loop3A_2038, %parallel_loop3A_2040 : vector<16xi32>
      %parallel_loop3A_2042 = arith.constant 0 : i32
      %parallel_loop3A_2043 = vector.broadcast %parallel_loop3A_2042 : i32 to vector<16xi32>
      %parallel_loop3A_2044 = arith.addi %parallel_loop3A_2041, %parallel_loop3A_2043 : vector<16xi32>
      %parallel_loop3A_2045 = arith.constant 8 : i32
      %parallel_loop3A_2046 = vector.broadcast %parallel_loop3A_2045 : i32 to vector<16xi32>
      %parallel_loop3A_2047 = arith.shrsi %parallel_loop3A_2035, %parallel_loop3A_2046 : vector<16xi32>
      %parallel_loop3A_2048 = arith.cmpi eq, %parallel_loop3A_2047, %or3A : vector<16xi32>
      tpu.vector_store_idx %arg5[%parallel_loop3A_2044], %broadcast_in_dim3A_2 masked %parallel_loop3A_2048 {add = true} : memref<4096xf32, #tpu.memory_space<vmem>>[vector<16xi32>], vector<16xf32>, vector<16xi1>
      %parallel_loop3A_2049 = arith.index_cast %parallel_loop3A_2016 : i32 to index
      %parallel_loop3A_2050 = arith.constant 32 : index
      %parallel_loop3A_2051 = tpu.vector_load %arg4[%parallel_loop3A_2049, %parallel_loop3A_2050] {strides = array<i32>} : memref<384x256xi32, #tpu.memory_space<vmem>>, vector<16xi32>,
      %parallel_loop3A_2052 = arith.constant 0 : i32
      %parallel_loop3A_2053 = vector.broadcast %parallel_loop3A_2052 : i32 to vector<16xi32>
      %parallel_loop3A_2054 = arith.shrsi %parallel_loop3A_2051, %parallel_loop3A_2053 : vector<16xi32>
      %parallel_loop3A_2055 = arith.constant 255 : i32
      %parallel_loop3A_2056 = vector.broadcast %parallel_loop3A_2055 : i32 to vector<16xi32>
      %parallel_loop3A_2057 = arith.andi %parallel_loop3A_2054, %parallel_loop3A_2056 : vector<16xi32>
      %parallel_loop3A_2058 = arith.constant 0 : i32
      %parallel_loop3A_2059 = vector.broadcast %parallel_loop3A_2058 : i32 to vector<16xi32>
      %parallel_loop3A_2060 = arith.addi %parallel_loop3A_2057, %parallel_loop3A_2059 : vector<16xi32>
      %parallel_loop3A_2061 = arith.constant 8 : i32
      %parallel_loop3A_2062 = vector.broadcast %parallel_loop3A_2061 : i32 to vector<16xi32>
      %parallel_loop3A_2063 = arith.shrsi %parallel_loop3A_2051, %parallel_loop3A_2062 : vector<16xi32>
      %parallel_loop3A_2064 = arith.cmpi eq, %parallel_loop3A_2063, %or3A : vector<16xi32>
      tpu.vector_store_idx %arg5[%parallel_loop3A_2060], %broadcast_in_dim3A_2 masked %parallel_loop3A_2064 {add = true} : memref<4096xf32, #tpu.memory_space<vmem>>[vector<16xi32>], vector<16xf32>, vector<16xi1>
      %parallel_loop3A_2065 = arith.index_cast %parallel_loop3A_2016 : i32 to index
      %parallel_loop3A_2066 = arith.constant 48 : index
      %parallel_loop3A_2067 = tpu.vector_load %arg4[%parallel_loop3A_2065, %parallel_loop3A_2066] {strides = array<i32>} : memref<384x256xi32, #tpu.memory_space<vmem>>, vector<16xi32>,
      %parallel_loop3A_2068 = arith.constant 0 : i32
      %parallel_loop3A_2069 = vector.broadcast %parallel_loop3A_2068 : i32 to vector<16xi32>
      %parallel_loop3A_2070 = arith.shrsi %parallel_loop3A_2067, %parallel_loop3A_2069 : vector<16xi32>
      %parallel_loop3A_2071 = arith.constant 255 : i32
      %parallel_loop3A_2072 = vector.broadcast %parallel_loop3A_2071 : i32 to vector<16xi32>
      %parallel_loop3A_2073 = arith.andi %parallel_loop3A_2070, %parallel_loop3A_2072 : vector<16xi32>
      %parallel_loop3A_2074 = arith.constant 0 : i32
      %parallel_loop3A_2075 = vector.broadcast %parallel_loop3A_2074 : i32 to vector<16xi32>
      %parallel_loop3A_2076 = arith.addi %parallel_loop3A_2073, %parallel_loop3A_2075 : vector<16xi32>
      %parallel_loop3A_2077 = arith.constant 8 : i32
      %parallel_loop3A_2078 = vector.broadcast %parallel_loop3A_2077 : i32 to vector<16xi32>
      %parallel_loop3A_2079 = arith.shrsi %parallel_loop3A_2067, %parallel_loop3A_2078 : vector<16xi32>
      %parallel_loop3A_2080 = arith.cmpi eq, %parallel_loop3A_2079, %or3A : vector<16xi32>
      tpu.vector_store_idx %arg5[%parallel_loop3A_2076], %broadcast_in_dim3A_2 masked %parallel_loop3A_2080 {add = true} : memref<4096xf32, #tpu.memory_space<vmem>>[vector<16xi32>], vector<16xf32>, vector<16xi1>
      %parallel_loop3A_2081 = arith.index_cast %parallel_loop3A_2016 : i32 to index
      %parallel_loop3A_2082 = arith.constant 64 : index
      %parallel_loop3A_2083 = tpu.vector_load %arg4[%parallel_loop3A_2081, %parallel_loop3A_2082] {strides = array<i32>} : memref<384x256xi32, #tpu.memory_space<vmem>>, vector<16xi32>,
      %parallel_loop3A_2084 = arith.constant 0 : i32
      %parallel_loop3A_2085 = vector.broadcast %parallel_loop3A_2084 : i32 to vector<16xi32>
      %parallel_loop3A_2086 = arith.shrsi %parallel_loop3A_2083, %parallel_loop3A_2085 : vector<16xi32>
      %parallel_loop3A_2087 = arith.constant 255 : i32
      %parallel_loop3A_2088 = vector.broadcast %parallel_loop3A_2087 : i32 to vector<16xi32>
      %parallel_loop3A_2089 = arith.andi %parallel_loop3A_2086, %parallel_loop3A_2088 : vector<16xi32>
      %parallel_loop3A_2090 = arith.constant 0 : i32
      %parallel_loop3A_2091 = vector.broadcast %parallel_loop3A_2090 : i32 to vector<16xi32>
      %parallel_loop3A_2092 = arith.addi %parallel_loop3A_2089, %parallel_loop3A_2091 : vector<16xi32>
      %parallel_loop3A_2093 = arith.constant 8 : i32
      %parallel_loop3A_2094 = vector.broadcast %parallel_loop3A_2093 : i32 to vector<16xi32>
      %parallel_loop3A_2095 = arith.shrsi %parallel_loop3A_2083, %parallel_loop3A_2094 : vector<16xi32>
      %parallel_loop3A_2096 = arith.cmpi eq, %parallel_loop3A_2095, %or3A : vector<16xi32>
      tpu.vector_store_idx %arg5[%parallel_loop3A_2092], %broadcast_in_dim3A_2 masked %parallel_loop3A_2096 {add = true} : memref<4096xf32, #tpu.memory_space<vmem>>[vector<16xi32>], vector<16xf32>, vector<16xi1>
      %parallel_loop3A_2097 = arith.index_cast %parallel_loop3A_2016 : i32 to index
      %parallel_loop3A_2098 = arith.constant 80 : index
      %parallel_loop3A_2099 = tpu.vector_load %arg4[%parallel_loop3A_2097, %parallel_loop3A_2098] {strides = array<i32>} : memref<384x256xi32, #tpu.memory_space<vmem>>, vector<16xi32>,
      %parallel_loop3A_2100 = arith.constant 0 : i32
      %parallel_loop3A_2101 = vector.broadcast %parallel_loop3A_2100 : i32 to vector<16xi32>
      %parallel_loop3A_2102 = arith.shrsi %parallel_loop3A_2099, %parallel_loop3A_2101 : vector<16xi32>
      %parallel_loop3A_2103 = arith.constant 255 : i32
      %parallel_loop3A_2104 = vector.broadcast %parallel_loop3A_2103 : i32 to vector<16xi32>
      %parallel_loop3A_2105 = arith.andi %parallel_loop3A_2102, %parallel_loop3A_2104 : vector<16xi32>
      %parallel_loop3A_2106 = arith.constant 0 : i32
      %parallel_loop3A_2107 = vector.broadcast %parallel_loop3A_2106 : i32 to vector<16xi32>
      %parallel_loop3A_2108 = arith.addi %parallel_loop3A_2105, %parallel_loop3A_2107 : vector<16xi32>
      %parallel_loop3A_2109 = arith.constant 8 : i32
      %parallel_loop3A_2110 = vector.broadcast %parallel_loop3A_2109 : i32 to vector<16xi32>
      %parallel_loop3A_2111 = arith.shrsi %parallel_loop3A_2099, %parallel_loop3A_2110 : vector<16xi32>
      %parallel_loop3A_2112 = arith.cmpi eq, %parallel_loop3A_2111, %or3A : vector<16xi32>
      tpu.vector_store_idx %arg5[%parallel_loop3A_2108], %broadcast_in_dim3A_2 masked %parallel_loop3A_2112 {add = true} : memref<4096xf32, #tpu.memory_space<vmem>>[vector<16xi32>], vector<16xf32>, vector<16xi1>
      %parallel_loop3A_2113 = arith.index_cast %parallel_loop3A_2016 : i32 to index
      %parallel_loop3A_2114 = arith.constant 96 : index
      %parallel_loop3A_2115 = tpu.vector_load %arg4[%parallel_loop3A_2113, %parallel_loop3A_2114] {strides = array<i32>} : memref<384x256xi32, #tpu.memory_space<vmem>>, vector<16xi32>,
      %parallel_loop3A_2116 = arith.constant 0 : i32
      %parallel_loop3A_2117 = vector.broadcast %parallel_loop3A_2116 : i32 to vector<16xi32>
      %parallel_loop3A_2118 = arith.shrsi %parallel_loop3A_2115, %parallel_loop3A_2117 : vector<16xi32>
      %parallel_loop3A_2119 = arith.constant 255 : i32
      %parallel_loop3A_2120 = vector.broadcast %parallel_loop3A_2119 : i32 to vector<16xi32>
      %parallel_loop3A_2121 = arith.andi %parallel_loop3A_2118, %parallel_loop3A_2120 : vector<16xi32>
      %parallel_loop3A_2122 = arith.constant 0 : i32
      %parallel_loop3A_2123 = vector.broadcast %parallel_loop3A_2122 : i32 to vector<16xi32>
      %parallel_loop3A_2124 = arith.addi %parallel_loop3A_2121, %parallel_loop3A_2123 : vector<16xi32>
      %parallel_loop3A_2125 = arith.constant 8 : i32
      %parallel_loop3A_2126 = vector.broadcast %parallel_loop3A_2125 : i32 to vector<16xi32>
      %parallel_loop3A_2127 = arith.shrsi %parallel_loop3A_2115, %parallel_loop3A_2126 : vector<16xi32>
      %parallel_loop3A_2128 = arith.cmpi eq, %parallel_loop3A_2127, %or3A : vector<16xi32>
      tpu.vector_store_idx %arg5[%parallel_loop3A_2124], %broadcast_in_dim3A_2 masked %parallel_loop3A_2128 {add = true} : memref<4096xf32, #tpu.memory_space<vmem>>[vector<16xi32>], vector<16xf32>, vector<16xi1>
      %parallel_loop3A_2129 = arith.index_cast %parallel_loop3A_2016 : i32 to index
      %parallel_loop3A_2130 = arith.constant 112 : index
      %parallel_loop3A_2131 = tpu.vector_load %arg4[%parallel_loop3A_2129, %parallel_loop3A_2130] {strides = array<i32>} : memref<384x256xi32, #tpu.memory_space<vmem>>, vector<16xi32>,
      %parallel_loop3A_2132 = arith.constant 0 : i32
      %parallel_loop3A_2133 = vector.broadcast %parallel_loop3A_2132 : i32 to vector<16xi32>
      %parallel_loop3A_2134 = arith.shrsi %parallel_loop3A_2131, %parallel_loop3A_2133 : vector<16xi32>
      %parallel_loop3A_2135 = arith.constant 255 : i32
      %parallel_loop3A_2136 = vector.broadcast %parallel_loop3A_2135 : i32 to vector<16xi32>
      %parallel_loop3A_2137 = arith.andi %parallel_loop3A_2134, %parallel_loop3A_2136 : vector<16xi32>
      %parallel_loop3A_2138 = arith.constant 0 : i32
      %parallel_loop3A_2139 = vector.broadcast %parallel_loop3A_2138 : i32 to vector<16xi32>
      %parallel_loop3A_2140 = arith.addi %parallel_loop3A_2137, %parallel_loop3A_2139 : vector<16xi32>
      %parallel_loop3A_2141 = arith.constant 8 : i32
      %parallel_loop3A_2142 = vector.broadcast %parallel_loop3A_2141 : i32 to vector<16xi32>
      %parallel_loop3A_2143 = arith.shrsi %parallel_loop3A_2131, %parallel_loop3A_2142 : vector<16xi32>
      %parallel_loop3A_2144 = arith.cmpi eq, %parallel_loop3A_2143, %or3A : vector<16xi32>
      tpu.vector_store_idx %arg5[%parallel_loop3A_2140], %broadcast_in_dim3A_2 masked %parallel_loop3A_2144 {add = true} : memref<4096xf32, #tpu.memory_space<vmem>>[vector<16xi32>], vector<16xf32>, vector<16xi1>
      %parallel_loop3A_2145 = arith.index_cast %parallel_loop3A_2016 : i32 to index
      %parallel_loop3A_2146 = arith.constant 128 : index
      %parallel_loop3A_2147 = tpu.vector_load %arg4[%parallel_loop3A_2145, %parallel_loop3A_2146] {strides = array<i32>} : memref<384x256xi32, #tpu.memory_space<vmem>>, vector<16xi32>,
      %parallel_loop3A_2148 = arith.constant 0 : i32
      %parallel_loop3A_2149 = vector.broadcast %parallel_loop3A_2148 : i32 to vector<16xi32>
      %parallel_loop3A_2150 = arith.shrsi %parallel_loop3A_2147, %parallel_loop3A_2149 : vector<16xi32>
      %parallel_loop3A_2151 = arith.constant 255 : i32
      %parallel_loop3A_2152 = vector.broadcast %parallel_loop3A_2151 : i32 to vector<16xi32>
      %parallel_loop3A_2153 = arith.andi %parallel_loop3A_2150, %parallel_loop3A_2152 : vector<16xi32>
      %parallel_loop3A_2154 = arith.constant 0 : i32
      %parallel_loop3A_2155 = vector.broadcast %parallel_loop3A_2154 : i32 to vector<16xi32>
      %parallel_loop3A_2156 = arith.addi %parallel_loop3A_2153, %parallel_loop3A_2155 : vector<16xi32>
      %parallel_loop3A_2157 = arith.constant 8 : i32
      %parallel_loop3A_2158 = vector.broadcast %parallel_loop3A_2157 : i32 to vector<16xi32>
      %parallel_loop3A_2159 = arith.shrsi %parallel_loop3A_2147, %parallel_loop3A_2158 : vector<16xi32>
      %parallel_loop3A_2160 = arith.cmpi eq, %parallel_loop3A_2159, %or3A : vector<16xi32>
      tpu.vector_store_idx %arg5[%parallel_loop3A_2156], %broadcast_in_dim3A_2 masked %parallel_loop3A_2160 {add = true} : memref<4096xf32, #tpu.memory_space<vmem>>[vector<16xi32>], vector<16xf32>, vector<16xi1>
      %parallel_loop3A_2161 = arith.index_cast %parallel_loop3A_2016 : i32 to index
      %parallel_loop3A_2162 = arith.constant 144 : index
      %parallel_loop3A_2163 = tpu.vector_load %arg4[%parallel_loop3A_2161, %parallel_loop3A_2162] {strides = array<i32>} : memref<384x256xi32, #tpu.memory_space<vmem>>, vector<16xi32>,
      %parallel_loop3A_2164 = arith.constant 0 : i32
      %parallel_loop3A_2165 = vector.broadcast %parallel_loop3A_2164 : i32 to vector<16xi32>
      %parallel_loop3A_2166 = arith.shrsi %parallel_loop3A_2163, %parallel_loop3A_2165 : vector<16xi32>
      %parallel_loop3A_2167 = arith.constant 255 : i32
      %parallel_loop3A_2168 = vector.broadcast %parallel_loop3A_2167 : i32 to vector<16xi32>
      %parallel_loop3A_2169 = arith.andi %parallel_loop3A_2166, %parallel_loop3A_2168 : vector<16xi32>
      %parallel_loop3A_2170 = arith.constant 0 : i32
      %parallel_loop3A_2171 = vector.broadcast %parallel_loop3A_2170 : i32 to vector<16xi32>
      %parallel_loop3A_2172 = arith.addi %parallel_loop3A_2169, %parallel_loop3A_2171 : vector<16xi32>
      %parallel_loop3A_2173 = arith.constant 8 : i32
      %parallel_loop3A_2174 = vector.broadcast %parallel_loop3A_2173 : i32 to vector<16xi32>
      %parallel_loop3A_2175 = arith.shrsi %parallel_loop3A_2163, %parallel_loop3A_2174 : vector<16xi32>
      %parallel_loop3A_2176 = arith.cmpi eq, %parallel_loop3A_2175, %or3A : vector<16xi32>
      tpu.vector_store_idx %arg5[%parallel_loop3A_2172], %broadcast_in_dim3A_2 masked %parallel_loop3A_2176 {add = true} : memref<4096xf32, #tpu.memory_space<vmem>>[vector<16xi32>], vector<16xf32>, vector<16xi1>
      %parallel_loop3A_2177 = arith.index_cast %parallel_loop3A_2016 : i32 to index
      %parallel_loop3A_2178 = arith.constant 160 : index
      %parallel_loop3A_2179 = tpu.vector_load %arg4[%parallel_loop3A_2177, %parallel_loop3A_2178] {strides = array<i32>} : memref<384x256xi32, #tpu.memory_space<vmem>>, vector<16xi32>,
      %parallel_loop3A_2180 = arith.constant 0 : i32
      %parallel_loop3A_2181 = vector.broadcast %parallel_loop3A_2180 : i32 to vector<16xi32>
      %parallel_loop3A_2182 = arith.shrsi %parallel_loop3A_2179, %parallel_loop3A_2181 : vector<16xi32>
      %parallel_loop3A_2183 = arith.constant 255 : i32
      %parallel_loop3A_2184 = vector.broadcast %parallel_loop3A_2183 : i32 to vector<16xi32>
      %parallel_loop3A_2185 = arith.andi %parallel_loop3A_2182, %parallel_loop3A_2184 : vector<16xi32>
      %parallel_loop3A_2186 = arith.constant 0 : i32
      %parallel_loop3A_2187 = vector.broadcast %parallel_loop3A_2186 : i32 to vector<16xi32>
      %parallel_loop3A_2188 = arith.addi %parallel_loop3A_2185, %parallel_loop3A_2187 : vector<16xi32>
      %parallel_loop3A_2189 = arith.constant 8 : i32
      %parallel_loop3A_2190 = vector.broadcast %parallel_loop3A_2189 : i32 to vector<16xi32>
      %parallel_loop3A_2191 = arith.shrsi %parallel_loop3A_2179, %parallel_loop3A_2190 : vector<16xi32>
      %parallel_loop3A_2192 = arith.cmpi eq, %parallel_loop3A_2191, %or3A : vector<16xi32>
      %parallel_loop3A_2193 = arith.andi %lt3A_4, %parallel_loop3A_2192 : vector<16xi1>
      tpu.vector_store_idx %arg5[%parallel_loop3A_2188], %broadcast_in_dim3A_2 masked %parallel_loop3A_2193 {add = true} : memref<4096xf32, #tpu.memory_space<vmem>>[vector<16xi32>], vector<16xf32>, vector<16xi1>
    } {sc.loop_unroll_factor = 2 : i64, sc.parallel_access}
    "tpu.region"() ({
      %run_scoped3A = tpu.sem_alloc : memref<!tpu.dma_semaphore, #tpu.memory_space<semaphore_mem>>
      %dma_start3A = arith.constant 0 : i32
      %dma_start3A_2016 = tpu.memref_slice %arg5[%dma_start3A] : memref<4096xf32, #tpu.memory_space<vmem>> -> memref<256xf32, #tpu.memory_space<vmem>>
      %dma_start3A_2017 = arith.constant 0 : i32
      %dma_start3A_2018 = tpu.memref_slice %arg12[%arg1, %dma_start3A_2017] : memref<16x4096xf32, #tpu.memory_space<vmem_shared>> -> memref<1x256xf32, #tpu.memory_space<vmem_shared>>
      %dma_start3A_2019 = tpu.memref_squeeze %dma_start3A_2018 : memref<1x256xf32, #tpu.memory_space<vmem_shared>> -> memref<256xf32, #tpu.memory_space<vmem_shared>>
      %dma_start3A_2020 = arith.constant 0 : i32
      %dma_start3A_2021 = tpu.memref_slice %arg12[%arg1, %dma_start3A_2020] : memref<16x4096xf32, #tpu.memory_space<vmem_shared>> -> memref<1x256xf32, #tpu.memory_space<vmem_shared>>
      %dma_start3A_2022 = tpu.memref_squeeze %dma_start3A_2021 : memref<1x256xf32, #tpu.memory_space<vmem_shared>> -> memref<256xf32, #tpu.memory_space<vmem_shared>>
      %dma_start3A_2023 = arith.constant 0 : i32
      %dma_start3A_2024 = tpu.memref_slice %arg5[%dma_start3A_2023] : memref<4096xf32, #tpu.memory_space<vmem>> -> memref<256xf32, #tpu.memory_space<vmem>>
      tpu.enqueue_dma source(%dma_start3A_2024 : memref<256xf32, #tpu.memory_space<vmem>>) target(%dma_start3A_2022 : memref<256xf32, #tpu.memory_space<vmem_shared>>) target_semaphore(%run_scoped3A : memref<!tpu.dma_semaphore, #tpu.memory_space<semaphore_mem>>)
      %dma_wait3A = arith.constant 0 : i32
      %dma_wait3A_2025 = tpu.memref_slice %arg5[%dma_wait3A] : memref<4096xf32, #tpu.memory_space<vmem>> -> memref<256xf32, #tpu.memory_space<vmem>>
      %dma_wait3A_2026 = arith.constant 0 : i32
      %dma_wait3A_2027 = tpu.memref_slice %arg12[%arg1, %dma_wait3A_2026] : memref<16x4096xf32, #tpu.memory_space<vmem_shared>> -> memref<1x256xf32, #tpu.memory_space<vmem_shared>>
      %dma_wait3A_2028 = tpu.memref_squeeze %dma_wait3A_2027 : memref<1x256xf32, #tpu.memory_space<vmem_shared>> -> memref<256xf32, #tpu.memory_space<vmem_shared>>
      %dma_wait3A_2029 = arith.constant 0 : i32
      %dma_wait3A_2030 = tpu.memref_slice %arg12[%arg1, %dma_wait3A_2029] : memref<16x4096xf32, #tpu.memory_space<vmem_shared>> -> memref<1x256xf32, #tpu.memory_space<vmem_shared>>
      %dma_wait3A_2031 = tpu.memref_squeeze %dma_wait3A_2030 : memref<1x256xf32, #tpu.memory_space<vmem_shared>> -> memref<256xf32, #tpu.memory_space<vmem_shared>>
      %dma_wait3A_2032 = arith.constant 0 : i32
      %dma_wait3A_2033 = tpu.memref_slice %arg5[%dma_wait3A_2032] : memref<4096xf32, #tpu.memory_space<vmem>> -> memref<256xf32, #tpu.memory_space<vmem>>
      tpu.wait_dma2 semaphore(%run_scoped3A : memref<!tpu.dma_semaphore, #tpu.memory_space<semaphore_mem>>) src(%dma_wait3A_2033 : memref<256xf32, #tpu.memory_space<vmem>>) dst(%dma_wait3A_2031 : memref<256xf32, #tpu.memory_space<vmem_shared>>)
      tpu.yield
    }) : () -> ()
    %barrier3A_490 = arith.constant 0 : index
    tpu.barrier barrier_id(%barrier3A_490)
    "tpu.region"() ({
      %run_scoped3A = tpu.sem_alloc : memref<!tpu.dma_semaphore, #tpu.memory_space<semaphore_mem>>
      %dma_start3A = arith.constant 0 : i32
      %dma_start3A_2016 = arith.constant 0 : i32
      %dma_start3A_2017 = tpu.memref_slice %arg12[%dma_start3A, %dma_start3A_2016] : memref<16x4096xf32, #tpu.memory_space<vmem_shared>> -> memref<16x256xf32, #tpu.memory_space<vmem_shared>>
      %dma_start3A_2018 = arith.constant 0 : i32
      %dma_start3A_2019 = arith.constant 0 : i32
      %dma_start3A_2020 = tpu.memref_slice %arg12[%dma_start3A_2018, %dma_start3A_2019] : memref<16x4096xf32, #tpu.memory_space<vmem_shared>> -> memref<16x256xf32, #tpu.memory_space<vmem_shared>>
      tpu.enqueue_dma source(%dma_start3A_2020 : memref<16x256xf32, #tpu.memory_space<vmem_shared>>) target(%arg6 : memref<16x256xf32, #tpu.memory_space<vmem>>) target_semaphore(%run_scoped3A : memref<!tpu.dma_semaphore, #tpu.memory_space<semaphore_mem>>)
      %dma_wait3A = arith.constant 0 : i32
      %dma_wait3A_2021 = arith.constant 0 : i32
      %dma_wait3A_2022 = tpu.memref_slice %arg12[%dma_wait3A, %dma_wait3A_2021] : memref<16x4096xf32, #tpu.memory_space<vmem_shared>> -> memref<16x256xf32, #tpu.memory_space<vmem_shared>>
      %dma_wait3A_2023 = arith.constant 0 : i32
      %dma_wait3A_2024 = arith.constant 0 : i32
      %dma_wait3A_2025 = tpu.memref_slice %arg12[%dma_wait3A_2023, %dma_wait3A_2024] : memref<16x4096xf32, #tpu.memory_space<vmem_shared>> -> memref<16x256xf32, #tpu.memory_space<vmem_shared>>
      tpu.wait_dma2 semaphore(%run_scoped3A : memref<!tpu.dma_semaphore, #tpu.memory_space<semaphore_mem>>) src(%dma_wait3A_2025 : memref<16x256xf32, #tpu.memory_space<vmem_shared>>) dst(%arg6 : memref<16x256xf32, #tpu.memory_space<vmem>>)
      tpu.yield
    }) : () -> ()
    %get3A_491 = arith.constant 0 : i32
    %get3A_492 = arith.index_cast %get3A_491 : i32 to index
    %get3A_493 = arith.constant 0 : index
    %get3A_494 = tpu.vector_load %arg6[%get3A_492, %get3A_493] {strides = array<i32>} : memref<16x256xf32, #tpu.memory_space<vmem>>, vector<16xf32>,
    %add3A_495 = arith.addf %broadcast_in_dim3A_0, %get3A_494 : vector<16xf32>
    %get3A_496 = arith.constant 1 : i32
    %get3A_497 = arith.index_cast %get3A_496 : i32 to index
    %get3A_498 = arith.constant 0 : index
    %get3A_499 = tpu.vector_load %arg6[%get3A_497, %get3A_498] {strides = array<i32>} : memref<16x256xf32, #tpu.memory_space<vmem>>, vector<16xf32>,
    %add3A_500 = arith.addf %add3A_495, %get3A_499 : vector<16xf32>
    %get3A_501 = arith.constant 2 : i32
    %get3A_502 = arith.index_cast %get3A_501 : i32 to index
    %get3A_503 = arith.constant 0 : index
    %get3A_504 = tpu.vector_load %arg6[%get3A_502, %get3A_503] {strides = array<i32>} : memref<16x256xf32, #tpu.memory_space<vmem>>, vector<16xf32>,
    %add3A_505 = arith.addf %add3A_500, %get3A_504 : vector<16xf32>
    %get3A_506 = arith.constant 3 : i32
    %get3A_507 = arith.index_cast %get3A_506 : i32 to index
    %get3A_508 = arith.constant 0 : index
    %get3A_509 = tpu.vector_load %arg6[%get3A_507, %get3A_508] {strides = array<i32>} : memref<16x256xf32, #tpu.memory_space<vmem>>, vector<16xf32>,
    %add3A_510 = arith.addf %add3A_505, %get3A_509 : vector<16xf32>
    %get3A_511 = arith.constant 4 : i32
    %get3A_512 = arith.index_cast %get3A_511 : i32 to index
    %get3A_513 = arith.constant 0 : index
    %get3A_514 = tpu.vector_load %arg6[%get3A_512, %get3A_513] {strides = array<i32>} : memref<16x256xf32, #tpu.memory_space<vmem>>, vector<16xf32>,
    %add3A_515 = arith.addf %add3A_510, %get3A_514 : vector<16xf32>
    %get3A_516 = arith.constant 5 : i32
    %get3A_517 = arith.index_cast %get3A_516 : i32 to index
    %get3A_518 = arith.constant 0 : index
    %get3A_519 = tpu.vector_load %arg6[%get3A_517, %get3A_518] {strides = array<i32>} : memref<16x256xf32, #tpu.memory_space<vmem>>, vector<16xf32>,
    %add3A_520 = arith.addf %add3A_515, %get3A_519 : vector<16xf32>
    %get3A_521 = arith.constant 6 : i32
    %get3A_522 = arith.index_cast %get3A_521 : i32 to index
    %get3A_523 = arith.constant 0 : index
    %get3A_524 = tpu.vector_load %arg6[%get3A_522, %get3A_523] {strides = array<i32>} : memref<16x256xf32, #tpu.memory_space<vmem>>, vector<16xf32>,
    %add3A_525 = arith.addf %add3A_520, %get3A_524 : vector<16xf32>
    %get3A_526 = arith.constant 7 : i32
    %get3A_527 = arith.index_cast %get3A_526 : i32 to index
    %get3A_528 = arith.constant 0 : index
    %get3A_529 = tpu.vector_load %arg6[%get3A_527, %get3A_528] {strides = array<i32>} : memref<16x256xf32, #tpu.memory_space<vmem>>, vector<16xf32>,
    %add3A_530 = arith.addf %add3A_525, %get3A_529 : vector<16xf32>
    %get3A_531 = arith.constant 8 : i32
    %get3A_532 = arith.index_cast %get3A_531 : i32 to index
    %get3A_533 = arith.constant 0 : index
    %get3A_534 = tpu.vector_load %arg6[%get3A_532, %get3A_533] {strides = array<i32>} : memref<16x256xf32, #tpu.memory_space<vmem>>, vector<16xf32>,
    %add3A_535 = arith.addf %add3A_530, %get3A_534 : vector<16xf32>
    %get3A_536 = arith.constant 9 : i32
    %get3A_537 = arith.index_cast %get3A_536 : i32 to index
    %get3A_538 = arith.constant 0 : index
    %get3A_539 = tpu.vector_load %arg6[%get3A_537, %get3A_538] {strides = array<i32>} : memref<16x256xf32, #tpu.memory_space<vmem>>, vector<16xf32>,
    %add3A_540 = arith.addf %add3A_535, %get3A_539 : vector<16xf32>
    %get3A_541 = arith.constant 10 : i32
    %get3A_542 = arith.index_cast %get3A_541 : i32 to index
    %get3A_543 = arith.constant 0 : index
    %get3A_544 = tpu.vector_load %arg6[%get3A_542, %get3A_543] {strides = array<i32>} : memref<16x256xf32, #tpu.memory_space<vmem>>, vector<16xf32>,
    %add3A_545 = arith.addf %add3A_540, %get3A_544 : vector<16xf32>
    %get3A_546 = arith.constant 11 : i32
    %get3A_547 = arith.index_cast %get3A_546 : i32 to index
    %get3A_548 = arith.constant 0 : index
    %get3A_549 = tpu.vector_load %arg6[%get3A_547, %get3A_548] {strides = array<i32>} : memref<16x256xf32, #tpu.memory_space<vmem>>, vector<16xf32>,
    %add3A_550 = arith.addf %add3A_545, %get3A_549 : vector<16xf32>
    %get3A_551 = arith.constant 12 : i32
    %get3A_552 = arith.index_cast %get3A_551 : i32 to index
    %get3A_553 = arith.constant 0 : index
    %get3A_554 = tpu.vector_load %arg6[%get3A_552, %get3A_553] {strides = array<i32>} : memref<16x256xf32, #tpu.memory_space<vmem>>, vector<16xf32>,
    %add3A_555 = arith.addf %add3A_550, %get3A_554 : vector<16xf32>
    %get3A_556 = arith.constant 13 : i32
    %get3A_557 = arith.index_cast %get3A_556 : i32 to index
    %get3A_558 = arith.constant 0 : index
    %get3A_559 = tpu.vector_load %arg6[%get3A_557, %get3A_558] {strides = array<i32>} : memref<16x256xf32, #tpu.memory_space<vmem>>, vector<16xf32>,
    %add3A_560 = arith.addf %add3A_555, %get3A_559 : vector<16xf32>
    %get3A_561 = arith.constant 14 : i32
    %get3A_562 = arith.index_cast %get3A_561 : i32 to index
    %get3A_563 = arith.constant 0 : index
    %get3A_564 = tpu.vector_load %arg6[%get3A_562, %get3A_563] {strides = array<i32>} : memref<16x256xf32, #tpu.memory_space<vmem>>, vector<16xf32>,
    %add3A_565 = arith.addf %add3A_560, %get3A_564 : vector<16xf32>
    %get3A_566 = arith.constant 15 : i32
    %get3A_567 = arith.index_cast %get3A_566 : i32 to index
    %get3A_568 = arith.constant 0 : index
    %get3A_569 = tpu.vector_load %arg6[%get3A_567, %get3A_568] {strides = array<i32>} : memref<16x256xf32, #tpu.memory_space<vmem>>, vector<16xf32>,
    %add3A_570 = arith.addf %add3A_565, %get3A_569 : vector<16xf32>
    %broadcast_in_dim3A_571 = arith.constant true
    %broadcast_in_dim3A_572 = vector.broadcast %broadcast_in_dim3A_571 : i1 to vector<16xi1>
    %masked_cumsum3A_573 = tpu.scan <sum>, %add3A_570 masked %broadcast_in_dim3A_572 : vector<16xf32>, vector<16xi1> -> vector<16xf32>
    %add3A_574 = arith.constant 0.000000e+00 : f32
    %add3A_575 = vector.broadcast %add3A_574 : f32 to vector<16xf32>
    %add3A_576 = arith.addf %masked_cumsum3A_573, %add3A_575 : vector<16xf32>
    %le3A_577 = arith.cmpf ole, %add3A_576, %sub3A_481 : vector<16xf32>
    %all_reduce_population_count3A = tpu.all_reduce %le3A_577 {dim = 0 : i64, kind = #tpu.reduction_kind<sum>} : vector<16xi1> -> vector<16xi32>
    %convert_element_type3A_578 = arith.sitofp %all_reduce_population_count3A : vector<16xi32> to vector<16xf32>
    %add3A_579 = arith.addf %broadcast_in_dim3A_0, %convert_element_type3A_578 : vector<16xf32>
    %reduce_sum3A_580 = arith.constant true
    %reduce_sum3A_581 = vector.broadcast %reduce_sum3A_580 : i1 to vector<16xi1>
    %reduce_sum3A_582 = tpu.scan <sum>, %add3A_570 masked %reduce_sum3A_581 : vector<16xf32>, vector<16xi1> -> vector<16xf32>
    %reduce_sum3A_583 = vector.extract %reduce_sum3A_582[15] : f32 from vector<16xf32>
    %add3A_584 = arith.constant 0.000000e+00 : f32
    %add3A_585 = arith.addf %add3A_584, %reduce_sum3A_583 : f32
    %get3A_586 = arith.constant 0 : i32
    %get3A_587 = arith.index_cast %get3A_586 : i32 to index
    %get3A_588 = arith.constant 16 : index
    %get3A_589 = tpu.vector_load %arg6[%get3A_587, %get3A_588] {strides = array<i32>} : memref<16x256xf32, #tpu.memory_space<vmem>>, vector<16xf32>,
    %add3A_590 = arith.addf %broadcast_in_dim3A_0, %get3A_589 : vector<16xf32>
    %get3A_591 = arith.constant 1 : i32
    %get3A_592 = arith.index_cast %get3A_591 : i32 to index
    %get3A_593 = arith.constant 16 : index
    %get3A_594 = tpu.vector_load %arg6[%get3A_592, %get3A_593] {strides = array<i32>} : memref<16x256xf32, #tpu.memory_space<vmem>>, vector<16xf32>,
    %add3A_595 = arith.addf %add3A_590, %get3A_594 : vector<16xf32>
    %get3A_596 = arith.constant 2 : i32
    %get3A_597 = arith.index_cast %get3A_596 : i32 to index
    %get3A_598 = arith.constant 16 : index
    %get3A_599 = tpu.vector_load %arg6[%get3A_597, %get3A_598] {strides = array<i32>} : memref<16x256xf32, #tpu.memory_space<vmem>>, vector<16xf32>,
    %add3A_600 = arith.addf %add3A_595, %get3A_599 : vector<16xf32>
    %get3A_601 = arith.constant 3 : i32
    %get3A_602 = arith.index_cast %get3A_601 : i32 to index
    %get3A_603 = arith.constant 16 : index
    %get3A_604 = tpu.vector_load %arg6[%get3A_602, %get3A_603] {strides = array<i32>} : memref<16x256xf32, #tpu.memory_space<vmem>>, vector<16xf32>,
    %add3A_605 = arith.addf %add3A_600, %get3A_604 : vector<16xf32>
    %get3A_606 = arith.constant 4 : i32
    %get3A_607 = arith.index_cast %get3A_606 : i32 to index
    %get3A_608 = arith.constant 16 : index
    %get3A_609 = tpu.vector_load %arg6[%get3A_607, %get3A_608] {strides = array<i32>} : memref<16x256xf32, #tpu.memory_space<vmem>>, vector<16xf32>,
    %add3A_610 = arith.addf %add3A_605, %get3A_609 : vector<16xf32>
    %get3A_611 = arith.constant 5 : i32
    %get3A_612 = arith.index_cast %get3A_611 : i32 to index
    %get3A_613 = arith.constant 16 : index
    %get3A_614 = tpu.vector_load %arg6[%get3A_612, %get3A_613] {strides = array<i32>} : memref<16x256xf32, #tpu.memory_space<vmem>>, vector<16xf32>,
    %add3A_615 = arith.addf %add3A_610, %get3A_614 : vector<16xf32>
    %get3A_616 = arith.constant 6 : i32
    %get3A_617 = arith.index_cast %get3A_616 : i32 to index
    %get3A_618 = arith.constant 16 : index
    %get3A_619 = tpu.vector_load %arg6[%get3A_617, %get3A_618] {strides = array<i32>} : memref<16x256xf32, #tpu.memory_space<vmem>>, vector<16xf32>,
    %add3A_620 = arith.addf %add3A_615, %get3A_619 : vector<16xf32>
    %get3A_621 = arith.constant 7 : i32
    %get3A_622 = arith.index_cast %get3A_621 : i32 to index
    %get3A_623 = arith.constant 16 : index
    %get3A_624 = tpu.vector_load %arg6[%get3A_622, %get3A_623] {strides = array<i32>} : memref<16x256xf32, #tpu.memory_space<vmem>>, vector<16xf32>,
    %add3A_625 = arith.addf %add3A_620, %get3A_624 : vector<16xf32>
    %get3A_626 = arith.constant 8 : i32
    %get3A_627 = arith.index_cast %get3A_626 : i32 to index
    %get3A_628 = arith.constant 16 : index
    %get3A_629 = tpu.vector_load %arg6[%get3A_627, %get3A_628] {strides = array<i32>} : memref<16x256xf32, #tpu.memory_space<vmem>>, vector<16xf32>,
    %add3A_630 = arith.addf %add3A_625, %get3A_629 : vector<16xf32>
    %get3A_631 = arith.constant 9 : i32
    %get3A_632 = arith.index_cast %get3A_631 : i32 to index
    %get3A_633 = arith.constant 16 : index
    %get3A_634 = tpu.vector_load %arg6[%get3A_632, %get3A_633] {strides = array<i32>} : memref<16x256xf32, #tpu.memory_space<vmem>>, vector<16xf32>,
    %add3A_635 = arith.addf %add3A_630, %get3A_634 : vector<16xf32>
    %get3A_636 = arith.constant 10 : i32
    %get3A_637 = arith.index_cast %get3A_636 : i32 to index
    %get3A_638 = arith.constant 16 : index
    %get3A_639 = tpu.vector_load %arg6[%get3A_637, %get3A_638] {strides = array<i32>} : memref<16x256xf32, #tpu.memory_space<vmem>>, vector<16xf32>,
    %add3A_640 = arith.addf %add3A_635, %get3A_639 : vector<16xf32>
    %get3A_641 = arith.constant 11 : i32
    %get3A_642 = arith.index_cast %get3A_641 : i32 to index
    %get3A_643 = arith.constant 16 : index
    %get3A_644 = tpu.vector_load %arg6[%get3A_642, %get3A_643] {strides = array<i32>} : memref<16x256xf32, #tpu.memory_space<vmem>>, vector<16xf32>,
    %add3A_645 = arith.addf %add3A_640, %get3A_644 : vector<16xf32>
    %get3A_646 = arith.constant 12 : i32
    %get3A_647 = arith.index_cast %get3A_646 : i32 to index
    %get3A_648 = arith.constant 16 : index
    %get3A_649 = tpu.vector_load %arg6[%get3A_647, %get3A_648] {strides = array<i32>} : memref<16x256xf32, #tpu.memory_space<vmem>>, vector<16xf32>,
    %add3A_650 = arith.addf %add3A_645, %get3A_649 : vector<16xf32>
    %get3A_651 = arith.constant 13 : i32
    %get3A_652 = arith.index_cast %get3A_651 : i32 to index
    %get3A_653 = arith.constant 16 : index
    %get3A_654 = tpu.vector_load %arg6[%get3A_652, %get3A_653] {strides = array<i32>} : memref<16x256xf32, #tpu.memory_space<vmem>>, vector<16xf32>,
    %add3A_655 = arith.addf %add3A_650, %get3A_654 : vector<16xf32>
    %get3A_656 = arith.constant 14 : i32
    %get3A_657 = arith.index_cast %get3A_656 : i32 to index
    %get3A_658 = arith.constant 16 : index
    %get3A_659 = tpu.vector_load %arg6[%get3A_657, %get3A_658] {strides = array<i32>} : memref<16x256xf32, #tpu.memory_space<vmem>>, vector<16xf32>,
    %add3A_660 = arith.addf %add3A_655, %get3A_659 : vector<16xf32>
    %get3A_661 = arith.constant 15 : i32
    %get3A_662 = arith.index_cast %get3A_661 : i32 to index
    %get3A_663 = arith.constant 16 : index
    %get3A_664 = tpu.vector_load %arg6[%get3A_662, %get3A_663] {strides = array<i32>} : memref<16x256xf32, #tpu.memory_space<vmem>>, vector<16xf32>,
    %add3A_665 = arith.addf %add3A_660, %get3A_664 : vector<16xf32>
    %broadcast_in_dim3A_666 = arith.constant true
    %broadcast_in_dim3A_667 = vector.broadcast %broadcast_in_dim3A_666 : i1 to vector<16xi1>
    %masked_cumsum3A_668 = tpu.scan <sum>, %add3A_665 masked %broadcast_in_dim3A_667 : vector<16xf32>, vector<16xi1> -> vector<16xf32>
    %add3A_669 = vector.broadcast %add3A_585 : f32 to vector<16xf32>
    %add3A_670 = arith.addf %masked_cumsum3A_668, %add3A_669 : vector<16xf32>
    %le3A_671 = arith.cmpf ole, %add3A_670, %sub3A_481 : vector<16xf32>
    %all_reduce_population_count3A_672 = tpu.all_reduce %le3A_671 {dim = 0 : i64, kind = #tpu.reduction_kind<sum>} : vector<16xi1> -> vector<16xi32>
    %convert_element_type3A_673 = arith.sitofp %all_reduce_population_count3A_672 : vector<16xi32> to vector<16xf32>
    %add3A_674 = arith.addf %add3A_579, %convert_element_type3A_673 : vector<16xf32>
    %reduce_sum3A_675 = arith.constant true
    %reduce_sum3A_676 = vector.broadcast %reduce_sum3A_675 : i1 to vector<16xi1>
    %reduce_sum3A_677 = tpu.scan <sum>, %add3A_665 masked %reduce_sum3A_676 : vector<16xf32>, vector<16xi1> -> vector<16xf32>
    %reduce_sum3A_678 = vector.extract %reduce_sum3A_677[15] : f32 from vector<16xf32>
    %add3A_679 = arith.addf %add3A_585, %reduce_sum3A_678 : f32
    %get3A_680 = arith.constant 0 : i32
    %get3A_681 = arith.index_cast %get3A_680 : i32 to index
    %get3A_682 = arith.constant 32 : index
    %get3A_683 = tpu.vector_load %arg6[%get3A_681, %get3A_682] {strides = array<i32>} : memref<16x256xf32, #tpu.memory_space<vmem>>, vector<16xf32>,
    %add3A_684 = arith.addf %broadcast_in_dim3A_0, %get3A_683 : vector<16xf32>
    %get3A_685 = arith.constant 1 : i32
    %get3A_686 = arith.index_cast %get3A_685 : i32 to index
    %get3A_687 = arith.constant 32 : index
    %get3A_688 = tpu.vector_load %arg6[%get3A_686, %get3A_687] {strides = array<i32>} : memref<16x256xf32, #tpu.memory_space<vmem>>, vector<16xf32>,
    %add3A_689 = arith.addf %add3A_684, %get3A_688 : vector<16xf32>
    %get3A_690 = arith.constant 2 : i32
    %get3A_691 = arith.index_cast %get3A_690 : i32 to index
    %get3A_692 = arith.constant 32 : index
    %get3A_693 = tpu.vector_load %arg6[%get3A_691, %get3A_692] {strides = array<i32>} : memref<16x256xf32, #tpu.memory_space<vmem>>, vector<16xf32>,
    %add3A_694 = arith.addf %add3A_689, %get3A_693 : vector<16xf32>
    %get3A_695 = arith.constant 3 : i32
    %get3A_696 = arith.index_cast %get3A_695 : i32 to index
    %get3A_697 = arith.constant 32 : index
    %get3A_698 = tpu.vector_load %arg6[%get3A_696, %get3A_697] {strides = array<i32>} : memref<16x256xf32, #tpu.memory_space<vmem>>, vector<16xf32>,
    %add3A_699 = arith.addf %add3A_694, %get3A_698 : vector<16xf32>
    %get3A_700 = arith.constant 4 : i32
    %get3A_701 = arith.index_cast %get3A_700 : i32 to index
    %get3A_702 = arith.constant 32 : index
    %get3A_703 = tpu.vector_load %arg6[%get3A_701, %get3A_702] {strides = array<i32>} : memref<16x256xf32, #tpu.memory_space<vmem>>, vector<16xf32>,
    %add3A_704 = arith.addf %add3A_699, %get3A_703 : vector<16xf32>
    %get3A_705 = arith.constant 5 : i32
    %get3A_706 = arith.index_cast %get3A_705 : i32 to index
    %get3A_707 = arith.constant 32 : index
    %get3A_708 = tpu.vector_load %arg6[%get3A_706, %get3A_707] {strides = array<i32>} : memref<16x256xf32, #tpu.memory_space<vmem>>, vector<16xf32>,
    %add3A_709 = arith.addf %add3A_704, %get3A_708 : vector<16xf32>
    %get3A_710 = arith.constant 6 : i32
    %get3A_711 = arith.index_cast %get3A_710 : i32 to index
    %get3A_712 = arith.constant 32 : index
    %get3A_713 = tpu.vector_load %arg6[%get3A_711, %get3A_712] {strides = array<i32>} : memref<16x256xf32, #tpu.memory_space<vmem>>, vector<16xf32>,
    %add3A_714 = arith.addf %add3A_709, %get3A_713 : vector<16xf32>
    %get3A_715 = arith.constant 7 : i32
    %get3A_716 = arith.index_cast %get3A_715 : i32 to index
    %get3A_717 = arith.constant 32 : index
    %get3A_718 = tpu.vector_load %arg6[%get3A_716, %get3A_717] {strides = array<i32>} : memref<16x256xf32, #tpu.memory_space<vmem>>, vector<16xf32>,
    %add3A_719 = arith.addf %add3A_714, %get3A_718 : vector<16xf32>
    %get3A_720 = arith.constant 8 : i32
    %get3A_721 = arith.index_cast %get3A_720 : i32 to index
    %get3A_722 = arith.constant 32 : index
    %get3A_723 = tpu.vector_load %arg6[%get3A_721, %get3A_722] {strides = array<i32>} : memref<16x256xf32, #tpu.memory_space<vmem>>, vector<16xf32>,
    %add3A_724 = arith.addf %add3A_719, %get3A_723 : vector<16xf32>
    %get3A_725 = arith.constant 9 : i32
    %get3A_726 = arith.index_cast %get3A_725 : i32 to index
    %get3A_727 = arith.constant 32 : index
    %get3A_728 = tpu.vector_load %arg6[%get3A_726, %get3A_727] {strides = array<i32>} : memref<16x256xf32, #tpu.memory_space<vmem>>, vector<16xf32>,
    %add3A_729 = arith.addf %add3A_724, %get3A_728 : vector<16xf32>
    %get3A_730 = arith.constant 10 : i32
    %get3A_731 = arith.index_cast %get3A_730 : i32 to index
    %get3A_732 = arith.constant 32 : index
    %get3A_733 = tpu.vector_load %arg6[%get3A_731, %get3A_732] {strides = array<i32>} : memref<16x256xf32, #tpu.memory_space<vmem>>, vector<16xf32>,
    %add3A_734 = arith.addf %add3A_729, %get3A_733 : vector<16xf32>
    %get3A_735 = arith.constant 11 : i32
    %get3A_736 = arith.index_cast %get3A_735 : i32 to index
    %get3A_737 = arith.constant 32 : index
    %get3A_738 = tpu.vector_load %arg6[%get3A_736, %get3A_737] {strides = array<i32>} : memref<16x256xf32, #tpu.memory_space<vmem>>, vector<16xf32>,
    %add3A_739 = arith.addf %add3A_734, %get3A_738 : vector<16xf32>
    %get3A_740 = arith.constant 12 : i32
    %get3A_741 = arith.index_cast %get3A_740 : i32 to index
    %get3A_742 = arith.constant 32 : index
    %get3A_743 = tpu.vector_load %arg6[%get3A_741, %get3A_742] {strides = array<i32>} : memref<16x256xf32, #tpu.memory_space<vmem>>, vector<16xf32>,
    %add3A_744 = arith.addf %add3A_739, %get3A_743 : vector<16xf32>
    %get3A_745 = arith.constant 13 : i32
    %get3A_746 = arith.index_cast %get3A_745 : i32 to index
    %get3A_747 = arith.constant 32 : index
    %get3A_748 = tpu.vector_load %arg6[%get3A_746, %get3A_747] {strides = array<i32>} : memref<16x256xf32, #tpu.memory_space<vmem>>, vector<16xf32>,
    %add3A_749 = arith.addf %add3A_744, %get3A_748 : vector<16xf32>
    %get3A_750 = arith.constant 14 : i32
    %get3A_751 = arith.index_cast %get3A_750 : i32 to index
    %get3A_752 = arith.constant 32 : index
    %get3A_753 = tpu.vector_load %arg6[%get3A_751, %get3A_752] {strides = array<i32>} : memref<16x256xf32, #tpu.memory_space<vmem>>, vector<16xf32>,
    %add3A_754 = arith.addf %add3A_749, %get3A_753 : vector<16xf32>
    %get3A_755 = arith.constant 15 : i32
    %get3A_756 = arith.index_cast %get3A_755 : i32 to index
    %get3A_757 = arith.constant 32 : index
    %get3A_758 = tpu.vector_load %arg6[%get3A_756, %get3A_757] {strides = array<i32>} : memref<16x256xf32, #tpu.memory_space<vmem>>, vector<16xf32>,
    %add3A_759 = arith.addf %add3A_754, %get3A_758 : vector<16xf32>
    %broadcast_in_dim3A_760 = arith.constant true
    %broadcast_in_dim3A_761 = vector.broadcast %broadcast_in_dim3A_760 : i1 to vector<16xi1>
    %masked_cumsum3A_762 = tpu.scan <sum>, %add3A_759 masked %broadcast_in_dim3A_761 : vector<16xf32>, vector<16xi1> -> vector<16xf32>
    %add3A_763 = vector.broadcast %add3A_679 : f32 to vector<16xf32>
    %add3A_764 = arith.addf %masked_cumsum3A_762, %add3A_763 : vector<16xf32>
    %le3A_765 = arith.cmpf ole, %add3A_764, %sub3A_481 : vector<16xf32>
    %all_reduce_population_count3A_766 = tpu.all_reduce %le3A_765 {dim = 0 : i64, kind = #tpu.reduction_kind<sum>} : vector<16xi1> -> vector<16xi32>
    %convert_element_type3A_767 = arith.sitofp %all_reduce_population_count3A_766 : vector<16xi32> to vector<16xf32>
    %add3A_768 = arith.addf %add3A_674, %convert_element_type3A_767 : vector<16xf32>
    %reduce_sum3A_769 = arith.constant true
    %reduce_sum3A_770 = vector.broadcast %reduce_sum3A_769 : i1 to vector<16xi1>
    %reduce_sum3A_771 = tpu.scan <sum>, %add3A_759 masked %reduce_sum3A_770 : vector<16xf32>, vector<16xi1> -> vector<16xf32>
    %reduce_sum3A_772 = vector.extract %reduce_sum3A_771[15] : f32 from vector<16xf32>
    %add3A_773 = arith.addf %add3A_679, %reduce_sum3A_772 : f32
    %get3A_774 = arith.constant 0 : i32
    %get3A_775 = arith.index_cast %get3A_774 : i32 to index
    %get3A_776 = arith.constant 48 : index
    %get3A_777 = tpu.vector_load %arg6[%get3A_775, %get3A_776] {strides = array<i32>} : memref<16x256xf32, #tpu.memory_space<vmem>>, vector<16xf32>,
    %add3A_778 = arith.addf %broadcast_in_dim3A_0, %get3A_777 : vector<16xf32>
    %get3A_779 = arith.constant 1 : i32
    %get3A_780 = arith.index_cast %get3A_779 : i32 to index
    %get3A_781 = arith.constant 48 : index
    %get3A_782 = tpu.vector_load %arg6[%get3A_780, %get3A_781] {strides = array<i32>} : memref<16x256xf32, #tpu.memory_space<vmem>>, vector<16xf32>,
    %add3A_783 = arith.addf %add3A_778, %get3A_782 : vector<16xf32>
    %get3A_784 = arith.constant 2 : i32
    %get3A_785 = arith.index_cast %get3A_784 : i32 to index
    %get3A_786 = arith.constant 48 : index
    %get3A_787 = tpu.vector_load %arg6[%get3A_785, %get3A_786] {strides = array<i32>} : memref<16x256xf32, #tpu.memory_space<vmem>>, vector<16xf32>,
    %add3A_788 = arith.addf %add3A_783, %get3A_787 : vector<16xf32>
    %get3A_789 = arith.constant 3 : i32
    %get3A_790 = arith.index_cast %get3A_789 : i32 to index
    %get3A_791 = arith.constant 48 : index
    %get3A_792 = tpu.vector_load %arg6[%get3A_790, %get3A_791] {strides = array<i32>} : memref<16x256xf32, #tpu.memory_space<vmem>>, vector<16xf32>,
    %add3A_793 = arith.addf %add3A_788, %get3A_792 : vector<16xf32>
    %get3A_794 = arith.constant 4 : i32
    %get3A_795 = arith.index_cast %get3A_794 : i32 to index
    %get3A_796 = arith.constant 48 : index
    %get3A_797 = tpu.vector_load %arg6[%get3A_795, %get3A_796] {strides = array<i32>} : memref<16x256xf32, #tpu.memory_space<vmem>>, vector<16xf32>,
    %add3A_798 = arith.addf %add3A_793, %get3A_797 : vector<16xf32>
    %get3A_799 = arith.constant 5 : i32
    %get3A_800 = arith.index_cast %get3A_799 : i32 to index
    %get3A_801 = arith.constant 48 : index
    %get3A_802 = tpu.vector_load %arg6[%get3A_800, %get3A_801] {strides = array<i32>} : memref<16x256xf32, #tpu.memory_space<vmem>>, vector<16xf32>,
    %add3A_803 = arith.addf %add3A_798, %get3A_802 : vector<16xf32>
    %get3A_804 = arith.constant 6 : i32
    %get3A_805 = arith.index_cast %get3A_804 : i32 to index
    %get3A_806 = arith.constant 48 : index
    %get3A_807 = tpu.vector_load %arg6[%get3A_805, %get3A_806] {strides = array<i32>} : memref<16x256xf32, #tpu.memory_space<vmem>>, vector<16xf32>,
    %add3A_808 = arith.addf %add3A_803, %get3A_807 : vector<16xf32>
    %get3A_809 = arith.constant 7 : i32
    %get3A_810 = arith.index_cast %get3A_809 : i32 to index
    %get3A_811 = arith.constant 48 : index
    %get3A_812 = tpu.vector_load %arg6[%get3A_810, %get3A_811] {strides = array<i32>} : memref<16x256xf32, #tpu.memory_space<vmem>>, vector<16xf32>,
    %add3A_813 = arith.addf %add3A_808, %get3A_812 : vector<16xf32>
    %get3A_814 = arith.constant 8 : i32
    %get3A_815 = arith.index_cast %get3A_814 : i32 to index
    %get3A_816 = arith.constant 48 : index
    %get3A_817 = tpu.vector_load %arg6[%get3A_815, %get3A_816] {strides = array<i32>} : memref<16x256xf32, #tpu.memory_space<vmem>>, vector<16xf32>,
    %add3A_818 = arith.addf %add3A_813, %get3A_817 : vector<16xf32>
    %get3A_819 = arith.constant 9 : i32
    %get3A_820 = arith.index_cast %get3A_819 : i32 to index
    %get3A_821 = arith.constant 48 : index
    %get3A_822 = tpu.vector_load %arg6[%get3A_820, %get3A_821] {strides = array<i32>} : memref<16x256xf32, #tpu.memory_space<vmem>>, vector<16xf32>,
    %add3A_823 = arith.addf %add3A_818, %get3A_822 : vector<16xf32>
    %get3A_824 = arith.constant 10 : i32
    %get3A_825 = arith.index_cast %get3A_824 : i32 to index
    %get3A_826 = arith.constant 48 : index
    %get3A_827 = tpu.vector_load %arg6[%get3A_825, %get3A_826] {strides = array<i32>} : memref<16x256xf32, #tpu.memory_space<vmem>>, vector<16xf32>,
    %add3A_828 = arith.addf %add3A_823, %get3A_827 : vector<16xf32>
    %get3A_829 = arith.constant 11 : i32
    %get3A_830 = arith.index_cast %get3A_829 : i32 to index
    %get3A_831 = arith.constant 48 : index
    %get3A_832 = tpu.vector_load %arg6[%get3A_830, %get3A_831] {strides = array<i32>} : memref<16x256xf32, #tpu.memory_space<vmem>>, vector<16xf32>,
    %add3A_833 = arith.addf %add3A_828, %get3A_832 : vector<16xf32>
    %get3A_834 = arith.constant 12 : i32
    %get3A_835 = arith.index_cast %get3A_834 : i32 to index
    %get3A_836 = arith.constant 48 : index
    %get3A_837 = tpu.vector_load %arg6[%get3A_835, %get3A_836] {strides = array<i32>} : memref<16x256xf32, #tpu.memory_space<vmem>>, vector<16xf32>,
    %add3A_838 = arith.addf %add3A_833, %get3A_837 : vector<16xf32>
    %get3A_839 = arith.constant 13 : i32
    %get3A_840 = arith.index_cast %get3A_839 : i32 to index
    %get3A_841 = arith.constant 48 : index
    %get3A_842 = tpu.vector_load %arg6[%get3A_840, %get3A_841] {strides = array<i32>} : memref<16x256xf32, #tpu.memory_space<vmem>>, vector<16xf32>,
    %add3A_843 = arith.addf %add3A_838, %get3A_842 : vector<16xf32>
    %get3A_844 = arith.constant 14 : i32
    %get3A_845 = arith.index_cast %get3A_844 : i32 to index
    %get3A_846 = arith.constant 48 : index
    %get3A_847 = tpu.vector_load %arg6[%get3A_845, %get3A_846] {strides = array<i32>} : memref<16x256xf32, #tpu.memory_space<vmem>>, vector<16xf32>,
    %add3A_848 = arith.addf %add3A_843, %get3A_847 : vector<16xf32>
    %get3A_849 = arith.constant 15 : i32
    %get3A_850 = arith.index_cast %get3A_849 : i32 to index
    %get3A_851 = arith.constant 48 : index
    %get3A_852 = tpu.vector_load %arg6[%get3A_850, %get3A_851] {strides = array<i32>} : memref<16x256xf32, #tpu.memory_space<vmem>>, vector<16xf32>,
    %add3A_853 = arith.addf %add3A_848, %get3A_852 : vector<16xf32>
    %broadcast_in_dim3A_854 = arith.constant true
    %broadcast_in_dim3A_855 = vector.broadcast %broadcast_in_dim3A_854 : i1 to vector<16xi1>
    %masked_cumsum3A_856 = tpu.scan <sum>, %add3A_853 masked %broadcast_in_dim3A_855 : vector<16xf32>, vector<16xi1> -> vector<16xf32>
    %add3A_857 = vector.broadcast %add3A_773 : f32 to vector<16xf32>
    %add3A_858 = arith.addf %masked_cumsum3A_856, %add3A_857 : vector<16xf32>
    %le3A_859 = arith.cmpf ole, %add3A_858, %sub3A_481 : vector<16xf32>
    %all_reduce_population_count3A_860 = tpu.all_reduce %le3A_859 {dim = 0 : i64, kind = #tpu.reduction_kind<sum>} : vector<16xi1> -> vector<16xi32>
    %convert_element_type3A_861 = arith.sitofp %all_reduce_population_count3A_860 : vector<16xi32> to vector<16xf32>
    %add3A_862 = arith.addf %add3A_768, %convert_element_type3A_861 : vector<16xf32>
    %reduce_sum3A_863 = arith.constant true
    %reduce_sum3A_864 = vector.broadcast %reduce_sum3A_863 : i1 to vector<16xi1>
    %reduce_sum3A_865 = tpu.scan <sum>, %add3A_853 masked %reduce_sum3A_864 : vector<16xf32>, vector<16xi1> -> vector<16xf32>
    %reduce_sum3A_866 = vector.extract %reduce_sum3A_865[15] : f32 from vector<16xf32>
    %add3A_867 = arith.addf %add3A_773, %reduce_sum3A_866 : f32
    %get3A_868 = arith.constant 0 : i32
    %get3A_869 = arith.index_cast %get3A_868 : i32 to index
    %get3A_870 = arith.constant 64 : index
    %get3A_871 = tpu.vector_load %arg6[%get3A_869, %get3A_870] {strides = array<i32>} : memref<16x256xf32, #tpu.memory_space<vmem>>, vector<16xf32>,
    %add3A_872 = arith.addf %broadcast_in_dim3A_0, %get3A_871 : vector<16xf32>
    %get3A_873 = arith.constant 1 : i32
    %get3A_874 = arith.index_cast %get3A_873 : i32 to index
    %get3A_875 = arith.constant 64 : index
    %get3A_876 = tpu.vector_load %arg6[%get3A_874, %get3A_875] {strides = array<i32>} : memref<16x256xf32, #tpu.memory_space<vmem>>, vector<16xf32>,
    %add3A_877 = arith.addf %add3A_872, %get3A_876 : vector<16xf32>
    %get3A_878 = arith.constant 2 : i32
    %get3A_879 = arith.index_cast %get3A_878 : i32 to index
    %get3A_880 = arith.constant 64 : index
    %get3A_881 = tpu.vector_load %arg6[%get3A_879, %get3A_880] {strides = array<i32>} : memref<16x256xf32, #tpu.memory_space<vmem>>, vector<16xf32>,
    %add3A_882 = arith.addf %add3A_877, %get3A_881 : vector<16xf32>
    %get3A_883 = arith.constant 3 : i32
    %get3A_884 = arith.index_cast %get3A_883 : i32 to index
    %get3A_885 = arith.constant 64 : index
    %get3A_886 = tpu.vector_load %arg6[%get3A_884, %get3A_885] {strides = array<i32>} : memref<16x256xf32, #tpu.memory_space<vmem>>, vector<16xf32>,
    %add3A_887 = arith.addf %add3A_882, %get3A_886 : vector<16xf32>
    %get3A_888 = arith.constant 4 : i32
    %get3A_889 = arith.index_cast %get3A_888 : i32 to index
    %get3A_890 = arith.constant 64 : index
    %get3A_891 = tpu.vector_load %arg6[%get3A_889, %get3A_890] {strides = array<i32>} : memref<16x256xf32, #tpu.memory_space<vmem>>, vector<16xf32>,
    %add3A_892 = arith.addf %add3A_887, %get3A_891 : vector<16xf32>
    %get3A_893 = arith.constant 5 : i32
    %get3A_894 = arith.index_cast %get3A_893 : i32 to index
    %get3A_895 = arith.constant 64 : index
    %get3A_896 = tpu.vector_load %arg6[%get3A_894, %get3A_895] {strides = array<i32>} : memref<16x256xf32, #tpu.memory_space<vmem>>, vector<16xf32>,
    %add3A_897 = arith.addf %add3A_892, %get3A_896 : vector<16xf32>
    %get3A_898 = arith.constant 6 : i32
    %get3A_899 = arith.index_cast %get3A_898 : i32 to index
    %get3A_900 = arith.constant 64 : index
    %get3A_901 = tpu.vector_load %arg6[%get3A_899, %get3A_900] {strides = array<i32>} : memref<16x256xf32, #tpu.memory_space<vmem>>, vector<16xf32>,
    %add3A_902 = arith.addf %add3A_897, %get3A_901 : vector<16xf32>
    %get3A_903 = arith.constant 7 : i32
    %get3A_904 = arith.index_cast %get3A_903 : i32 to index
    %get3A_905 = arith.constant 64 : index
    %get3A_906 = tpu.vector_load %arg6[%get3A_904, %get3A_905] {strides = array<i32>} : memref<16x256xf32, #tpu.memory_space<vmem>>, vector<16xf32>,
    %add3A_907 = arith.addf %add3A_902, %get3A_906 : vector<16xf32>
    %get3A_908 = arith.constant 8 : i32
    %get3A_909 = arith.index_cast %get3A_908 : i32 to index
    %get3A_910 = arith.constant 64 : index
    %get3A_911 = tpu.vector_load %arg6[%get3A_909, %get3A_910] {strides = array<i32>} : memref<16x256xf32, #tpu.memory_space<vmem>>, vector<16xf32>,
    %add3A_912 = arith.addf %add3A_907, %get3A_911 : vector<16xf32>
    %get3A_913 = arith.constant 9 : i32
    %get3A_914 = arith.index_cast %get3A_913 : i32 to index
    %get3A_915 = arith.constant 64 : index
    %get3A_916 = tpu.vector_load %arg6[%get3A_914, %get3A_915] {strides = array<i32>} : memref<16x256xf32, #tpu.memory_space<vmem>>, vector<16xf32>,
    %add3A_917 = arith.addf %add3A_912, %get3A_916 : vector<16xf32>
    %get3A_918 = arith.constant 10 : i32
    %get3A_919 = arith.index_cast %get3A_918 : i32 to index
    %get3A_920 = arith.constant 64 : index
    %get3A_921 = tpu.vector_load %arg6[%get3A_919, %get3A_920] {strides = array<i32>} : memref<16x256xf32, #tpu.memory_space<vmem>>, vector<16xf32>,
    %add3A_922 = arith.addf %add3A_917, %get3A_921 : vector<16xf32>
    %get3A_923 = arith.constant 11 : i32
    %get3A_924 = arith.index_cast %get3A_923 : i32 to index
    %get3A_925 = arith.constant 64 : index
    %get3A_926 = tpu.vector_load %arg6[%get3A_924, %get3A_925] {strides = array<i32>} : memref<16x256xf32, #tpu.memory_space<vmem>>, vector<16xf32>,
    %add3A_927 = arith.addf %add3A_922, %get3A_926 : vector<16xf32>
    %get3A_928 = arith.constant 12 : i32
    %get3A_929 = arith.index_cast %get3A_928 : i32 to index
    %get3A_930 = arith.constant 64 : index
    %get3A_931 = tpu.vector_load %arg6[%get3A_929, %get3A_930] {strides = array<i32>} : memref<16x256xf32, #tpu.memory_space<vmem>>, vector<16xf32>,
    %add3A_932 = arith.addf %add3A_927, %get3A_931 : vector<16xf32>
    %get3A_933 = arith.constant 13 : i32
    %get3A_934 = arith.index_cast %get3A_933 : i32 to index
    %get3A_935 = arith.constant 64 : index
    %get3A_936 = tpu.vector_load %arg6[%get3A_934, %get3A_935] {strides = array<i32>} : memref<16x256xf32, #tpu.memory_space<vmem>>, vector<16xf32>,
    %add3A_937 = arith.addf %add3A_932, %get3A_936 : vector<16xf32>
    %get3A_938 = arith.constant 14 : i32
    %get3A_939 = arith.index_cast %get3A_938 : i32 to index
    %get3A_940 = arith.constant 64 : index
    %get3A_941 = tpu.vector_load %arg6[%get3A_939, %get3A_940] {strides = array<i32>} : memref<16x256xf32, #tpu.memory_space<vmem>>, vector<16xf32>,
    %add3A_942 = arith.addf %add3A_937, %get3A_941 : vector<16xf32>
    %get3A_943 = arith.constant 15 : i32
    %get3A_944 = arith.index_cast %get3A_943 : i32 to index
    %get3A_945 = arith.constant 64 : index
    %get3A_946 = tpu.vector_load %arg6[%get3A_944, %get3A_945] {strides = array<i32>} : memref<16x256xf32, #tpu.memory_space<vmem>>, vector<16xf32>,
    %add3A_947 = arith.addf %add3A_942, %get3A_946 : vector<16xf32>
    %broadcast_in_dim3A_948 = arith.constant true
    %broadcast_in_dim3A_949 = vector.broadcast %broadcast_in_dim3A_948 : i1 to vector<16xi1>
    %masked_cumsum3A_950 = tpu.scan <sum>, %add3A_947 masked %broadcast_in_dim3A_949 : vector<16xf32>, vector<16xi1> -> vector<16xf32>
    %add3A_951 = vector.broadcast %add3A_867 : f32 to vector<16xf32>
    %add3A_952 = arith.addf %masked_cumsum3A_950, %add3A_951 : vector<16xf32>
    %le3A_953 = arith.cmpf ole, %add3A_952, %sub3A_481 : vector<16xf32>
    %all_reduce_population_count3A_954 = tpu.all_reduce %le3A_953 {dim = 0 : i64, kind = #tpu.reduction_kind<sum>} : vector<16xi1> -> vector<16xi32>
    %convert_element_type3A_955 = arith.sitofp %all_reduce_population_count3A_954 : vector<16xi32> to vector<16xf32>
    %add3A_956 = arith.addf %add3A_862, %convert_element_type3A_955 : vector<16xf32>
    %reduce_sum3A_957 = arith.constant true
    %reduce_sum3A_958 = vector.broadcast %reduce_sum3A_957 : i1 to vector<16xi1>
    %reduce_sum3A_959 = tpu.scan <sum>, %add3A_947 masked %reduce_sum3A_958 : vector<16xf32>, vector<16xi1> -> vector<16xf32>
    %reduce_sum3A_960 = vector.extract %reduce_sum3A_959[15] : f32 from vector<16xf32>
    %add3A_961 = arith.addf %add3A_867, %reduce_sum3A_960 : f32
    %get3A_962 = arith.constant 0 : i32
    %get3A_963 = arith.index_cast %get3A_962 : i32 to index
    %get3A_964 = arith.constant 80 : index
    %get3A_965 = tpu.vector_load %arg6[%get3A_963, %get3A_964] {strides = array<i32>} : memref<16x256xf32, #tpu.memory_space<vmem>>, vector<16xf32>,
    %add3A_966 = arith.addf %broadcast_in_dim3A_0, %get3A_965 : vector<16xf32>
    %get3A_967 = arith.constant 1 : i32
    %get3A_968 = arith.index_cast %get3A_967 : i32 to index
    %get3A_969 = arith.constant 80 : index
    %get3A_970 = tpu.vector_load %arg6[%get3A_968, %get3A_969] {strides = array<i32>} : memref<16x256xf32, #tpu.memory_space<vmem>>, vector<16xf32>,
    %add3A_971 = arith.addf %add3A_966, %get3A_970 : vector<16xf32>
    %get3A_972 = arith.constant 2 : i32
    %get3A_973 = arith.index_cast %get3A_972 : i32 to index
    %get3A_974 = arith.constant 80 : index
    %get3A_975 = tpu.vector_load %arg6[%get3A_973, %get3A_974] {strides = array<i32>} : memref<16x256xf32, #tpu.memory_space<vmem>>, vector<16xf32>,
    %add3A_976 = arith.addf %add3A_971, %get3A_975 : vector<16xf32>
    %get3A_977 = arith.constant 3 : i32
    %get3A_978 = arith.index_cast %get3A_977 : i32 to index
    %get3A_979 = arith.constant 80 : index
    %get3A_980 = tpu.vector_load %arg6[%get3A_978, %get3A_979] {strides = array<i32>} : memref<16x256xf32, #tpu.memory_space<vmem>>, vector<16xf32>,
    %add3A_981 = arith.addf %add3A_976, %get3A_980 : vector<16xf32>
    %get3A_982 = arith.constant 4 : i32
    %get3A_983 = arith.index_cast %get3A_982 : i32 to index
    %get3A_984 = arith.constant 80 : index
    %get3A_985 = tpu.vector_load %arg6[%get3A_983, %get3A_984] {strides = array<i32>} : memref<16x256xf32, #tpu.memory_space<vmem>>, vector<16xf32>,
    %add3A_986 = arith.addf %add3A_981, %get3A_985 : vector<16xf32>
    %get3A_987 = arith.constant 5 : i32
    %get3A_988 = arith.index_cast %get3A_987 : i32 to index
    %get3A_989 = arith.constant 80 : index
    %get3A_990 = tpu.vector_load %arg6[%get3A_988, %get3A_989] {strides = array<i32>} : memref<16x256xf32, #tpu.memory_space<vmem>>, vector<16xf32>,
    %add3A_991 = arith.addf %add3A_986, %get3A_990 : vector<16xf32>
    %get3A_992 = arith.constant 6 : i32
    %get3A_993 = arith.index_cast %get3A_992 : i32 to index
    %get3A_994 = arith.constant 80 : index
    %get3A_995 = tpu.vector_load %arg6[%get3A_993, %get3A_994] {strides = array<i32>} : memref<16x256xf32, #tpu.memory_space<vmem>>, vector<16xf32>,
    %add3A_996 = arith.addf %add3A_991, %get3A_995 : vector<16xf32>
    %get3A_997 = arith.constant 7 : i32
    %get3A_998 = arith.index_cast %get3A_997 : i32 to index
    %get3A_999 = arith.constant 80 : index
    %get3A_1000 = tpu.vector_load %arg6[%get3A_998, %get3A_999] {strides = array<i32>} : memref<16x256xf32, #tpu.memory_space<vmem>>, vector<16xf32>,
    %add3A_1001 = arith.addf %add3A_996, %get3A_1000 : vector<16xf32>
    %get3A_1002 = arith.constant 8 : i32
    %get3A_1003 = arith.index_cast %get3A_1002 : i32 to index
    %get3A_1004 = arith.constant 80 : index
    %get3A_1005 = tpu.vector_load %arg6[%get3A_1003, %get3A_1004] {strides = array<i32>} : memref<16x256xf32, #tpu.memory_space<vmem>>, vector<16xf32>,
    %add3A_1006 = arith.addf %add3A_1001, %get3A_1005 : vector<16xf32>
    %get3A_1007 = arith.constant 9 : i32
    %get3A_1008 = arith.index_cast %get3A_1007 : i32 to index
    %get3A_1009 = arith.constant 80 : index
    %get3A_1010 = tpu.vector_load %arg6[%get3A_1008, %get3A_1009] {strides = array<i32>} : memref<16x256xf32, #tpu.memory_space<vmem>>, vector<16xf32>,
    %add3A_1011 = arith.addf %add3A_1006, %get3A_1010 : vector<16xf32>
    %get3A_1012 = arith.constant 10 : i32
    %get3A_1013 = arith.index_cast %get3A_1012 : i32 to index
    %get3A_1014 = arith.constant 80 : index
    %get3A_1015 = tpu.vector_load %arg6[%get3A_1013, %get3A_1014] {strides = array<i32>} : memref<16x256xf32, #tpu.memory_space<vmem>>, vector<16xf32>,
    %add3A_1016 = arith.addf %add3A_1011, %get3A_1015 : vector<16xf32>
    %get3A_1017 = arith.constant 11 : i32
    %get3A_1018 = arith.index_cast %get3A_1017 : i32 to index
    %get3A_1019 = arith.constant 80 : index
    %get3A_1020 = tpu.vector_load %arg6[%get3A_1018, %get3A_1019] {strides = array<i32>} : memref<16x256xf32, #tpu.memory_space<vmem>>, vector<16xf32>,
    %add3A_1021 = arith.addf %add3A_1016, %get3A_1020 : vector<16xf32>
    %get3A_1022 = arith.constant 12 : i32
    %get3A_1023 = arith.index_cast %get3A_1022 : i32 to index
    %get3A_1024 = arith.constant 80 : index
    %get3A_1025 = tpu.vector_load %arg6[%get3A_1023, %get3A_1024] {strides = array<i32>} : memref<16x256xf32, #tpu.memory_space<vmem>>, vector<16xf32>,
    %add3A_1026 = arith.addf %add3A_1021, %get3A_1025 : vector<16xf32>
    %get3A_1027 = arith.constant 13 : i32
    %get3A_1028 = arith.index_cast %get3A_1027 : i32 to index
    %get3A_1029 = arith.constant 80 : index
    %get3A_1030 = tpu.vector_load %arg6[%get3A_1028, %get3A_1029] {strides = array<i32>} : memref<16x256xf32, #tpu.memory_space<vmem>>, vector<16xf32>,
    %add3A_1031 = arith.addf %add3A_1026, %get3A_1030 : vector<16xf32>
    %get3A_1032 = arith.constant 14 : i32
    %get3A_1033 = arith.index_cast %get3A_1032 : i32 to index
    %get3A_1034 = arith.constant 80 : index
    %get3A_1035 = tpu.vector_load %arg6[%get3A_1033, %get3A_1034] {strides = array<i32>} : memref<16x256xf32, #tpu.memory_space<vmem>>, vector<16xf32>,
    %add3A_1036 = arith.addf %add3A_1031, %get3A_1035 : vector<16xf32>
    %get3A_1037 = arith.constant 15 : i32
    %get3A_1038 = arith.index_cast %get3A_1037 : i32 to index
    %get3A_1039 = arith.constant 80 : index
    %get3A_1040 = tpu.vector_load %arg6[%get3A_1038, %get3A_1039] {strides = array<i32>} : memref<16x256xf32, #tpu.memory_space<vmem>>, vector<16xf32>,
    %add3A_1041 = arith.addf %add3A_1036, %get3A_1040 : vector<16xf32>
    %broadcast_in_dim3A_1042 = arith.constant true
    %broadcast_in_dim3A_1043 = vector.broadcast %broadcast_in_dim3A_1042 : i1 to vector<16xi1>
    %masked_cumsum3A_1044 = tpu.scan <sum>, %add3A_1041 masked %broadcast_in_dim3A_1043 : vector<16xf32>, vector<16xi1> -> vector<16xf32>
    %add3A_1045 = vector.broadcast %add3A_961 : f32 to vector<16xf32>
    %add3A_1046 = arith.addf %masked_cumsum3A_1044, %add3A_1045 : vector<16xf32>
    %le3A_1047 = arith.cmpf ole, %add3A_1046, %sub3A_481 : vector<16xf32>
    %all_reduce_population_count3A_1048 = tpu.all_reduce %le3A_1047 {dim = 0 : i64, kind = #tpu.reduction_kind<sum>} : vector<16xi1> -> vector<16xi32>
    %convert_element_type3A_1049 = arith.sitofp %all_reduce_population_count3A_1048 : vector<16xi32> to vector<16xf32>
    %add3A_1050 = arith.addf %add3A_956, %convert_element_type3A_1049 : vector<16xf32>
    %reduce_sum3A_1051 = arith.constant true
    %reduce_sum3A_1052 = vector.broadcast %reduce_sum3A_1051 : i1 to vector<16xi1>
    %reduce_sum3A_1053 = tpu.scan <sum>, %add3A_1041 masked %reduce_sum3A_1052 : vector<16xf32>, vector<16xi1> -> vector<16xf32>
    %reduce_sum3A_1054 = vector.extract %reduce_sum3A_1053[15] : f32 from vector<16xf32>
    %add3A_1055 = arith.addf %add3A_961, %reduce_sum3A_1054 : f32
    %get3A_1056 = arith.constant 0 : i32
    %get3A_1057 = arith.index_cast %get3A_1056 : i32 to index
    %get3A_1058 = arith.constant 96 : index
    %get3A_1059 = tpu.vector_load %arg6[%get3A_1057, %get3A_1058] {strides = array<i32>} : memref<16x256xf32, #tpu.memory_space<vmem>>, vector<16xf32>,
    %add3A_1060 = arith.addf %broadcast_in_dim3A_0, %get3A_1059 : vector<16xf32>
    %get3A_1061 = arith.constant 1 : i32
    %get3A_1062 = arith.index_cast %get3A_1061 : i32 to index
    %get3A_1063 = arith.constant 96 : index
    %get3A_1064 = tpu.vector_load %arg6[%get3A_1062, %get3A_1063] {strides = array<i32>} : memref<16x256xf32, #tpu.memory_space<vmem>>, vector<16xf32>,
    %add3A_1065 = arith.addf %add3A_1060, %get3A_1064 : vector<16xf32>
    %get3A_1066 = arith.constant 2 : i32
    %get3A_1067 = arith.index_cast %get3A_1066 : i32 to index
    %get3A_1068 = arith.constant 96 : index
    %get3A_1069 = tpu.vector_load %arg6[%get3A_1067, %get3A_1068] {strides = array<i32>} : memref<16x256xf32, #tpu.memory_space<vmem>>, vector<16xf32>,
    %add3A_1070 = arith.addf %add3A_1065, %get3A_1069 : vector<16xf32>
    %get3A_1071 = arith.constant 3 : i32
    %get3A_1072 = arith.index_cast %get3A_1071 : i32 to index
    %get3A_1073 = arith.constant 96 : index
    %get3A_1074 = tpu.vector_load %arg6[%get3A_1072, %get3A_1073] {strides = array<i32>} : memref<16x256xf32, #tpu.memory_space<vmem>>, vector<16xf32>,
    %add3A_1075 = arith.addf %add3A_1070, %get3A_1074 : vector<16xf32>
    %get3A_1076 = arith.constant 4 : i32
    %get3A_1077 = arith.index_cast %get3A_1076 : i32 to index
    %get3A_1078 = arith.constant 96 : index
    %get3A_1079 = tpu.vector_load %arg6[%get3A_1077, %get3A_1078] {strides = array<i32>} : memref<16x256xf32, #tpu.memory_space<vmem>>, vector<16xf32>,
    %add3A_1080 = arith.addf %add3A_1075, %get3A_1079 : vector<16xf32>
    %get3A_1081 = arith.constant 5 : i32
    %get3A_1082 = arith.index_cast %get3A_1081 : i32 to index
    %get3A_1083 = arith.constant 96 : index
    %get3A_1084 = tpu.vector_load %arg6[%get3A_1082, %get3A_1083] {strides = array<i32>} : memref<16x256xf32, #tpu.memory_space<vmem>>, vector<16xf32>,
    %add3A_1085 = arith.addf %add3A_1080, %get3A_1084 : vector<16xf32>
    %get3A_1086 = arith.constant 6 : i32
    %get3A_1087 = arith.index_cast %get3A_1086 : i32 to index
    %get3A_1088 = arith.constant 96 : index
    %get3A_1089 = tpu.vector_load %arg6[%get3A_1087, %get3A_1088] {strides = array<i32>} : memref<16x256xf32, #tpu.memory_space<vmem>>, vector<16xf32>,
    %add3A_1090 = arith.addf %add3A_1085, %get3A_1089 : vector<16xf32>
    %get3A_1091 = arith.constant 7 : i32
    %get3A_1092 = arith.index_cast %get3A_1091 : i32 to index
    %get3A_1093 = arith.constant 96 : index
    %get3A_1094 = tpu.vector_load %arg6[%get3A_1092, %get3A_1093] {strides = array<i32>} : memref<16x256xf32, #tpu.memory_space<vmem>>, vector<16xf32>,
    %add3A_1095 = arith.addf %add3A_1090, %get3A_1094 : vector<16xf32>
    %get3A_1096 = arith.constant 8 : i32
    %get3A_1097 = arith.index_cast %get3A_1096 : i32 to index
    %get3A_1098 = arith.constant 96 : index
    %get3A_1099 = tpu.vector_load %arg6[%get3A_1097, %get3A_1098] {strides = array<i32>} : memref<16x256xf32, #tpu.memory_space<vmem>>, vector<16xf32>,
    %add3A_1100 = arith.addf %add3A_1095, %get3A_1099 : vector<16xf32>
    %get3A_1101 = arith.constant 9 : i32
    %get3A_1102 = arith.index_cast %get3A_1101 : i32 to index
    %get3A_1103 = arith.constant 96 : index
    %get3A_1104 = tpu.vector_load %arg6[%get3A_1102, %get3A_1103] {strides = array<i32>} : memref<16x256xf32, #tpu.memory_space<vmem>>, vector<16xf32>,
    %add3A_1105 = arith.addf %add3A_1100, %get3A_1104 : vector<16xf32>
    %get3A_1106 = arith.constant 10 : i32
    %get3A_1107 = arith.index_cast %get3A_1106 : i32 to index
    %get3A_1108 = arith.constant 96 : index
    %get3A_1109 = tpu.vector_load %arg6[%get3A_1107, %get3A_1108] {strides = array<i32>} : memref<16x256xf32, #tpu.memory_space<vmem>>, vector<16xf32>,
    %add3A_1110 = arith.addf %add3A_1105, %get3A_1109 : vector<16xf32>
    %get3A_1111 = arith.constant 11 : i32
    %get3A_1112 = arith.index_cast %get3A_1111 : i32 to index
    %get3A_1113 = arith.constant 96 : index
    %get3A_1114 = tpu.vector_load %arg6[%get3A_1112, %get3A_1113] {strides = array<i32>} : memref<16x256xf32, #tpu.memory_space<vmem>>, vector<16xf32>,
    %add3A_1115 = arith.addf %add3A_1110, %get3A_1114 : vector<16xf32>
    %get3A_1116 = arith.constant 12 : i32
    %get3A_1117 = arith.index_cast %get3A_1116 : i32 to index
    %get3A_1118 = arith.constant 96 : index
    %get3A_1119 = tpu.vector_load %arg6[%get3A_1117, %get3A_1118] {strides = array<i32>} : memref<16x256xf32, #tpu.memory_space<vmem>>, vector<16xf32>,
    %add3A_1120 = arith.addf %add3A_1115, %get3A_1119 : vector<16xf32>
    %get3A_1121 = arith.constant 13 : i32
    %get3A_1122 = arith.index_cast %get3A_1121 : i32 to index
    %get3A_1123 = arith.constant 96 : index
    %get3A_1124 = tpu.vector_load %arg6[%get3A_1122, %get3A_1123] {strides = array<i32>} : memref<16x256xf32, #tpu.memory_space<vmem>>, vector<16xf32>,
    %add3A_1125 = arith.addf %add3A_1120, %get3A_1124 : vector<16xf32>
    %get3A_1126 = arith.constant 14 : i32
    %get3A_1127 = arith.index_cast %get3A_1126 : i32 to index
    %get3A_1128 = arith.constant 96 : index
    %get3A_1129 = tpu.vector_load %arg6[%get3A_1127, %get3A_1128] {strides = array<i32>} : memref<16x256xf32, #tpu.memory_space<vmem>>, vector<16xf32>,
    %add3A_1130 = arith.addf %add3A_1125, %get3A_1129 : vector<16xf32>
    %get3A_1131 = arith.constant 15 : i32
    %get3A_1132 = arith.index_cast %get3A_1131 : i32 to index
    %get3A_1133 = arith.constant 96 : index
    %get3A_1134 = tpu.vector_load %arg6[%get3A_1132, %get3A_1133] {strides = array<i32>} : memref<16x256xf32, #tpu.memory_space<vmem>>, vector<16xf32>,
    %add3A_1135 = arith.addf %add3A_1130, %get3A_1134 : vector<16xf32>
    %broadcast_in_dim3A_1136 = arith.constant true
    %broadcast_in_dim3A_1137 = vector.broadcast %broadcast_in_dim3A_1136 : i1 to vector<16xi1>
    %masked_cumsum3A_1138 = tpu.scan <sum>, %add3A_1135 masked %broadcast_in_dim3A_1137 : vector<16xf32>, vector<16xi1> -> vector<16xf32>
    %add3A_1139 = vector.broadcast %add3A_1055 : f32 to vector<16xf32>
    %add3A_1140 = arith.addf %masked_cumsum3A_1138, %add3A_1139 : vector<16xf32>
    %le3A_1141 = arith.cmpf ole, %add3A_1140, %sub3A_481 : vector<16xf32>
    %all_reduce_population_count3A_1142 = tpu.all_reduce %le3A_1141 {dim = 0 : i64, kind = #tpu.reduction_kind<sum>} : vector<16xi1> -> vector<16xi32>
    %convert_element_type3A_1143 = arith.sitofp %all_reduce_population_count3A_1142 : vector<16xi32> to vector<16xf32>
    %add3A_1144 = arith.addf %add3A_1050, %convert_element_type3A_1143 : vector<16xf32>
    %reduce_sum3A_1145 = arith.constant true
    %reduce_sum3A_1146 = vector.broadcast %reduce_sum3A_1145 : i1 to vector<16xi1>
    %reduce_sum3A_1147 = tpu.scan <sum>, %add3A_1135 masked %reduce_sum3A_1146 : vector<16xf32>, vector<16xi1> -> vector<16xf32>
    %reduce_sum3A_1148 = vector.extract %reduce_sum3A_1147[15] : f32 from vector<16xf32>
    %add3A_1149 = arith.addf %add3A_1055, %reduce_sum3A_1148 : f32
    %get3A_1150 = arith.constant 0 : i32
    %get3A_1151 = arith.index_cast %get3A_1150 : i32 to index
    %get3A_1152 = arith.constant 112 : index
    %get3A_1153 = tpu.vector_load %arg6[%get3A_1151, %get3A_1152] {strides = array<i32>} : memref<16x256xf32, #tpu.memory_space<vmem>>, vector<16xf32>,
    %add3A_1154 = arith.addf %broadcast_in_dim3A_0, %get3A_1153 : vector<16xf32>
    %get3A_1155 = arith.constant 1 : i32
    %get3A_1156 = arith.index_cast %get3A_1155 : i32 to index
    %get3A_1157 = arith.constant 112 : index
    %get3A_1158 = tpu.vector_load %arg6[%get3A_1156, %get3A_1157] {strides = array<i32>} : memref<16x256xf32, #tpu.memory_space<vmem>>, vector<16xf32>,
    %add3A_1159 = arith.addf %add3A_1154, %get3A_1158 : vector<16xf32>
    %get3A_1160 = arith.constant 2 : i32
    %get3A_1161 = arith.index_cast %get3A_1160 : i32 to index
    %get3A_1162 = arith.constant 112 : index
    %get3A_1163 = tpu.vector_load %arg6[%get3A_1161, %get3A_1162] {strides = array<i32>} : memref<16x256xf32, #tpu.memory_space<vmem>>, vector<16xf32>,
    %add3A_1164 = arith.addf %add3A_1159, %get3A_1163 : vector<16xf32>
    %get3A_1165 = arith.constant 3 : i32
    %get3A_1166 = arith.index_cast %get3A_1165 : i32 to index
    %get3A_1167 = arith.constant 112 : index
    %get3A_1168 = tpu.vector_load %arg6[%get3A_1166, %get3A_1167] {strides = array<i32>} : memref<16x256xf32, #tpu.memory_space<vmem>>, vector<16xf32>,
    %add3A_1169 = arith.addf %add3A_1164, %get3A_1168 : vector<16xf32>
    %get3A_1170 = arith.constant 4 : i32
    %get3A_1171 = arith.index_cast %get3A_1170 : i32 to index
    %get3A_1172 = arith.constant 112 : index
    %get3A_1173 = tpu.vector_load %arg6[%get3A_1171, %get3A_1172] {strides = array<i32>} : memref<16x256xf32, #tpu.memory_space<vmem>>, vector<16xf32>,
    %add3A_1174 = arith.addf %add3A_1169, %get3A_1173 : vector<16xf32>
    %get3A_1175 = arith.constant 5 : i32
    %get3A_1176 = arith.index_cast %get3A_1175 : i32 to index
    %get3A_1177 = arith.constant 112 : index
    %get3A_1178 = tpu.vector_load %arg6[%get3A_1176, %get3A_1177] {strides = array<i32>} : memref<16x256xf32, #tpu.memory_space<vmem>>, vector<16xf32>,
    %add3A_1179 = arith.addf %add3A_1174, %get3A_1178 : vector<16xf32>
    %get3A_1180 = arith.constant 6 : i32
    %get3A_1181 = arith.index_cast %get3A_1180 : i32 to index
    %get3A_1182 = arith.constant 112 : index
    %get3A_1183 = tpu.vector_load %arg6[%get3A_1181, %get3A_1182] {strides = array<i32>} : memref<16x256xf32, #tpu.memory_space<vmem>>, vector<16xf32>,
    %add3A_1184 = arith.addf %add3A_1179, %get3A_1183 : vector<16xf32>
    %get3A_1185 = arith.constant 7 : i32
    %get3A_1186 = arith.index_cast %get3A_1185 : i32 to index
    %get3A_1187 = arith.constant 112 : index
    %get3A_1188 = tpu.vector_load %arg6[%get3A_1186, %get3A_1187] {strides = array<i32>} : memref<16x256xf32, #tpu.memory_space<vmem>>, vector<16xf32>,
    %add3A_1189 = arith.addf %add3A_1184, %get3A_1188 : vector<16xf32>
    %get3A_1190 = arith.constant 8 : i32
    %get3A_1191 = arith.index_cast %get3A_1190 : i32 to index
    %get3A_1192 = arith.constant 112 : index
    %get3A_1193 = tpu.vector_load %arg6[%get3A_1191, %get3A_1192] {strides = array<i32>} : memref<16x256xf32, #tpu.memory_space<vmem>>, vector<16xf32>,
    %add3A_1194 = arith.addf %add3A_1189, %get3A_1193 : vector<16xf32>
    %get3A_1195 = arith.constant 9 : i32
    %get3A_1196 = arith.index_cast %get3A_1195 : i32 to index
    %get3A_1197 = arith.constant 112 : index
    %get3A_1198 = tpu.vector_load %arg6[%get3A_1196, %get3A_1197] {strides = array<i32>} : memref<16x256xf32, #tpu.memory_space<vmem>>, vector<16xf32>,
    %add3A_1199 = arith.addf %add3A_1194, %get3A_1198 : vector<16xf32>
    %get3A_1200 = arith.constant 10 : i32
    %get3A_1201 = arith.index_cast %get3A_1200 : i32 to index
    %get3A_1202 = arith.constant 112 : index
    %get3A_1203 = tpu.vector_load %arg6[%get3A_1201, %get3A_1202] {strides = array<i32>} : memref<16x256xf32, #tpu.memory_space<vmem>>, vector<16xf32>,
    %add3A_1204 = arith.addf %add3A_1199, %get3A_1203 : vector<16xf32>
    %get3A_1205 = arith.constant 11 : i32
    %get3A_1206 = arith.index_cast %get3A_1205 : i32 to index
    %get3A_1207 = arith.constant 112 : index
    %get3A_1208 = tpu.vector_load %arg6[%get3A_1206, %get3A_1207] {strides = array<i32>} : memref<16x256xf32, #tpu.memory_space<vmem>>, vector<16xf32>,
    %add3A_1209 = arith.addf %add3A_1204, %get3A_1208 : vector<16xf32>
    %get3A_1210 = arith.constant 12 : i32
    %get3A_1211 = arith.index_cast %get3A_1210 : i32 to index
    %get3A_1212 = arith.constant 112 : index
    %get3A_1213 = tpu.vector_load %arg6[%get3A_1211, %get3A_1212] {strides = array<i32>} : memref<16x256xf32, #tpu.memory_space<vmem>>, vector<16xf32>,
    %add3A_1214 = arith.addf %add3A_1209, %get3A_1213 : vector<16xf32>
    %get3A_1215 = arith.constant 13 : i32
    %get3A_1216 = arith.index_cast %get3A_1215 : i32 to index
    %get3A_1217 = arith.constant 112 : index
    %get3A_1218 = tpu.vector_load %arg6[%get3A_1216, %get3A_1217] {strides = array<i32>} : memref<16x256xf32, #tpu.memory_space<vmem>>, vector<16xf32>,
    %add3A_1219 = arith.addf %add3A_1214, %get3A_1218 : vector<16xf32>
    %get3A_1220 = arith.constant 14 : i32
    %get3A_1221 = arith.index_cast %get3A_1220 : i32 to index
    %get3A_1222 = arith.constant 112 : index
    %get3A_1223 = tpu.vector_load %arg6[%get3A_1221, %get3A_1222] {strides = array<i32>} : memref<16x256xf32, #tpu.memory_space<vmem>>, vector<16xf32>,
    %add3A_1224 = arith.addf %add3A_1219, %get3A_1223 : vector<16xf32>
    %get3A_1225 = arith.constant 15 : i32
    %get3A_1226 = arith.index_cast %get3A_1225 : i32 to index
    %get3A_1227 = arith.constant 112 : index
    %get3A_1228 = tpu.vector_load %arg6[%get3A_1226, %get3A_1227] {strides = array<i32>} : memref<16x256xf32, #tpu.memory_space<vmem>>, vector<16xf32>,
    %add3A_1229 = arith.addf %add3A_1224, %get3A_1228 : vector<16xf32>
    %broadcast_in_dim3A_1230 = arith.constant true
    %broadcast_in_dim3A_1231 = vector.broadcast %broadcast_in_dim3A_1230 : i1 to vector<16xi1>
    %masked_cumsum3A_1232 = tpu.scan <sum>, %add3A_1229 masked %broadcast_in_dim3A_1231 : vector<16xf32>, vector<16xi1> -> vector<16xf32>
    %add3A_1233 = vector.broadcast %add3A_1149 : f32 to vector<16xf32>
    %add3A_1234 = arith.addf %masked_cumsum3A_1232, %add3A_1233 : vector<16xf32>
    %le3A_1235 = arith.cmpf ole, %add3A_1234, %sub3A_481 : vector<16xf32>
    %all_reduce_population_count3A_1236 = tpu.all_reduce %le3A_1235 {dim = 0 : i64, kind = #tpu.reduction_kind<sum>} : vector<16xi1> -> vector<16xi32>
    %convert_element_type3A_1237 = arith.sitofp %all_reduce_population_count3A_1236 : vector<16xi32> to vector<16xf32>
    %add3A_1238 = arith.addf %add3A_1144, %convert_element_type3A_1237 : vector<16xf32>
    %reduce_sum3A_1239 = arith.constant true
    %reduce_sum3A_1240 = vector.broadcast %reduce_sum3A_1239 : i1 to vector<16xi1>
    %reduce_sum3A_1241 = tpu.scan <sum>, %add3A_1229 masked %reduce_sum3A_1240 : vector<16xf32>, vector<16xi1> -> vector<16xf32>
    %reduce_sum3A_1242 = vector.extract %reduce_sum3A_1241[15] : f32 from vector<16xf32>
    %add3A_1243 = arith.addf %add3A_1149, %reduce_sum3A_1242 : f32
    %get3A_1244 = arith.constant 0 : i32
    %get3A_1245 = arith.index_cast %get3A_1244 : i32 to index
    %get3A_1246 = arith.constant 128 : index
    %get3A_1247 = tpu.vector_load %arg6[%get3A_1245, %get3A_1246] {strides = array<i32>} : memref<16x256xf32, #tpu.memory_space<vmem>>, vector<16xf32>,
    %add3A_1248 = arith.addf %broadcast_in_dim3A_0, %get3A_1247 : vector<16xf32>
    %get3A_1249 = arith.constant 1 : i32
    %get3A_1250 = arith.index_cast %get3A_1249 : i32 to index
    %get3A_1251 = arith.constant 128 : index
    %get3A_1252 = tpu.vector_load %arg6[%get3A_1250, %get3A_1251] {strides = array<i32>} : memref<16x256xf32, #tpu.memory_space<vmem>>, vector<16xf32>,
    %add3A_1253 = arith.addf %add3A_1248, %get3A_1252 : vector<16xf32>
    %get3A_1254 = arith.constant 2 : i32
    %get3A_1255 = arith.index_cast %get3A_1254 : i32 to index
    %get3A_1256 = arith.constant 128 : index
    %get3A_1257 = tpu.vector_load %arg6[%get3A_1255, %get3A_1256] {strides = array<i32>} : memref<16x256xf32, #tpu.memory_space<vmem>>, vector<16xf32>,
    %add3A_1258 = arith.addf %add3A_1253, %get3A_1257 : vector<16xf32>
    %get3A_1259 = arith.constant 3 : i32
    %get3A_1260 = arith.index_cast %get3A_1259 : i32 to index
    %get3A_1261 = arith.constant 128 : index
    %get3A_1262 = tpu.vector_load %arg6[%get3A_1260, %get3A_1261] {strides = array<i32>} : memref<16x256xf32, #tpu.memory_space<vmem>>, vector<16xf32>,
    %add3A_1263 = arith.addf %add3A_1258, %get3A_1262 : vector<16xf32>
    %get3A_1264 = arith.constant 4 : i32
    %get3A_1265 = arith.index_cast %get3A_1264 : i32 to index
    %get3A_1266 = arith.constant 128 : index
    %get3A_1267 = tpu.vector_load %arg6[%get3A_1265, %get3A_1266] {strides = array<i32>} : memref<16x256xf32, #tpu.memory_space<vmem>>, vector<16xf32>,
    %add3A_1268 = arith.addf %add3A_1263, %get3A_1267 : vector<16xf32>
    %get3A_1269 = arith.constant 5 : i32
    %get3A_1270 = arith.index_cast %get3A_1269 : i32 to index
    %get3A_1271 = arith.constant 128 : index
    %get3A_1272 = tpu.vector_load %arg6[%get3A_1270, %get3A_1271] {strides = array<i32>} : memref<16x256xf32, #tpu.memory_space<vmem>>, vector<16xf32>,
    %add3A_1273 = arith.addf %add3A_1268, %get3A_1272 : vector<16xf32>
    %get3A_1274 = arith.constant 6 : i32
    %get3A_1275 = arith.index_cast %get3A_1274 : i32 to index
    %get3A_1276 = arith.constant 128 : index
    %get3A_1277 = tpu.vector_load %arg6[%get3A_1275, %get3A_1276] {strides = array<i32>} : memref<16x256xf32, #tpu.memory_space<vmem>>, vector<16xf32>,
    %add3A_1278 = arith.addf %add3A_1273, %get3A_1277 : vector<16xf32>
    %get3A_1279 = arith.constant 7 : i32
    %get3A_1280 = arith.index_cast %get3A_1279 : i32 to index
    %get3A_1281 = arith.constant 128 : index
    %get3A_1282 = tpu.vector_load %arg6[%get3A_1280, %get3A_1281] {strides = array<i32>} : memref<16x256xf32, #tpu.memory_space<vmem>>, vector<16xf32>,
    %add3A_1283 = arith.addf %add3A_1278, %get3A_1282 : vector<16xf32>
    %get3A_1284 = arith.constant 8 : i32
    %get3A_1285 = arith.index_cast %get3A_1284 : i32 to index
    %get3A_1286 = arith.constant 128 : index
    %get3A_1287 = tpu.vector_load %arg6[%get3A_1285, %get3A_1286] {strides = array<i32>} : memref<16x256xf32, #tpu.memory_space<vmem>>, vector<16xf32>,
    %add3A_1288 = arith.addf %add3A_1283, %get3A_1287 : vector<16xf32>
    %get3A_1289 = arith.constant 9 : i32
    %get3A_1290 = arith.index_cast %get3A_1289 : i32 to index
    %get3A_1291 = arith.constant 128 : index
    %get3A_1292 = tpu.vector_load %arg6[%get3A_1290, %get3A_1291] {strides = array<i32>} : memref<16x256xf32, #tpu.memory_space<vmem>>, vector<16xf32>,
    %add3A_1293 = arith.addf %add3A_1288, %get3A_1292 : vector<16xf32>
    %get3A_1294 = arith.constant 10 : i32
    %get3A_1295 = arith.index_cast %get3A_1294 : i32 to index
    %get3A_1296 = arith.constant 128 : index
    %get3A_1297 = tpu.vector_load %arg6[%get3A_1295, %get3A_1296] {strides = array<i32>} : memref<16x256xf32, #tpu.memory_space<vmem>>, vector<16xf32>,
    %add3A_1298 = arith.addf %add3A_1293, %get3A_1297 : vector<16xf32>
    %get3A_1299 = arith.constant 11 : i32
    %get3A_1300 = arith.index_cast %get3A_1299 : i32 to index
    %get3A_1301 = arith.constant 128 : index
    %get3A_1302 = tpu.vector_load %arg6[%get3A_1300, %get3A_1301] {strides = array<i32>} : memref<16x256xf32, #tpu.memory_space<vmem>>, vector<16xf32>,
    %add3A_1303 = arith.addf %add3A_1298, %get3A_1302 : vector<16xf32>
    %get3A_1304 = arith.constant 12 : i32
    %get3A_1305 = arith.index_cast %get3A_1304 : i32 to index
    %get3A_1306 = arith.constant 128 : index
    %get3A_1307 = tpu.vector_load %arg6[%get3A_1305, %get3A_1306] {strides = array<i32>} : memref<16x256xf32, #tpu.memory_space<vmem>>, vector<16xf32>,
    %add3A_1308 = arith.addf %add3A_1303, %get3A_1307 : vector<16xf32>
    %get3A_1309 = arith.constant 13 : i32
    %get3A_1310 = arith.index_cast %get3A_1309 : i32 to index
    %get3A_1311 = arith.constant 128 : index
    %get3A_1312 = tpu.vector_load %arg6[%get3A_1310, %get3A_1311] {strides = array<i32>} : memref<16x256xf32, #tpu.memory_space<vmem>>, vector<16xf32>,
    %add3A_1313 = arith.addf %add3A_1308, %get3A_1312 : vector<16xf32>
    %get3A_1314 = arith.constant 14 : i32
    %get3A_1315 = arith.index_cast %get3A_1314 : i32 to index
    %get3A_1316 = arith.constant 128 : index
    %get3A_1317 = tpu.vector_load %arg6[%get3A_1315, %get3A_1316] {strides = array<i32>} : memref<16x256xf32, #tpu.memory_space<vmem>>, vector<16xf32>,
    %add3A_1318 = arith.addf %add3A_1313, %get3A_1317 : vector<16xf32>
    %get3A_1319 = arith.constant 15 : i32
    %get3A_1320 = arith.index_cast %get3A_1319 : i32 to index
    %get3A_1321 = arith.constant 128 : index
    %get3A_1322 = tpu.vector_load %arg6[%get3A_1320, %get3A_1321] {strides = array<i32>} : memref<16x256xf32, #tpu.memory_space<vmem>>, vector<16xf32>,
    %add3A_1323 = arith.addf %add3A_1318, %get3A_1322 : vector<16xf32>
    %broadcast_in_dim3A_1324 = arith.constant true
    %broadcast_in_dim3A_1325 = vector.broadcast %broadcast_in_dim3A_1324 : i1 to vector<16xi1>
    %masked_cumsum3A_1326 = tpu.scan <sum>, %add3A_1323 masked %broadcast_in_dim3A_1325 : vector<16xf32>, vector<16xi1> -> vector<16xf32>
    %add3A_1327 = vector.broadcast %add3A_1243 : f32 to vector<16xf32>
    %add3A_1328 = arith.addf %masked_cumsum3A_1326, %add3A_1327 : vector<16xf32>
    %le3A_1329 = arith.cmpf ole, %add3A_1328, %sub3A_481 : vector<16xf32>
    %all_reduce_population_count3A_1330 = tpu.all_reduce %le3A_1329 {dim = 0 : i64, kind = #tpu.reduction_kind<sum>} : vector<16xi1> -> vector<16xi32>
    %convert_element_type3A_1331 = arith.sitofp %all_reduce_population_count3A_1330 : vector<16xi32> to vector<16xf32>
    %add3A_1332 = arith.addf %add3A_1238, %convert_element_type3A_1331 : vector<16xf32>
    %reduce_sum3A_1333 = arith.constant true
    %reduce_sum3A_1334 = vector.broadcast %reduce_sum3A_1333 : i1 to vector<16xi1>
    %reduce_sum3A_1335 = tpu.scan <sum>, %add3A_1323 masked %reduce_sum3A_1334 : vector<16xf32>, vector<16xi1> -> vector<16xf32>
    %reduce_sum3A_1336 = vector.extract %reduce_sum3A_1335[15] : f32 from vector<16xf32>
    %add3A_1337 = arith.addf %add3A_1243, %reduce_sum3A_1336 : f32
    %get3A_1338 = arith.constant 0 : i32
    %get3A_1339 = arith.index_cast %get3A_1338 : i32 to index
    %get3A_1340 = arith.constant 144 : index
    %get3A_1341 = tpu.vector_load %arg6[%get3A_1339, %get3A_1340] {strides = array<i32>} : memref<16x256xf32, #tpu.memory_space<vmem>>, vector<16xf32>,
    %add3A_1342 = arith.addf %broadcast_in_dim3A_0, %get3A_1341 : vector<16xf32>
    %get3A_1343 = arith.constant 1 : i32
    %get3A_1344 = arith.index_cast %get3A_1343 : i32 to index
    %get3A_1345 = arith.constant 144 : index
    %get3A_1346 = tpu.vector_load %arg6[%get3A_1344, %get3A_1345] {strides = array<i32>} : memref<16x256xf32, #tpu.memory_space<vmem>>, vector<16xf32>,
    %add3A_1347 = arith.addf %add3A_1342, %get3A_1346 : vector<16xf32>
    %get3A_1348 = arith.constant 2 : i32
    %get3A_1349 = arith.index_cast %get3A_1348 : i32 to index
    %get3A_1350 = arith.constant 144 : index
    %get3A_1351 = tpu.vector_load %arg6[%get3A_1349, %get3A_1350] {strides = array<i32>} : memref<16x256xf32, #tpu.memory_space<vmem>>, vector<16xf32>,
    %add3A_1352 = arith.addf %add3A_1347, %get3A_1351 : vector<16xf32>
    %get3A_1353 = arith.constant 3 : i32
    %get3A_1354 = arith.index_cast %get3A_1353 : i32 to index
    %get3A_1355 = arith.constant 144 : index
    %get3A_1356 = tpu.vector_load %arg6[%get3A_1354, %get3A_1355] {strides = array<i32>} : memref<16x256xf32, #tpu.memory_space<vmem>>, vector<16xf32>,
    %add3A_1357 = arith.addf %add3A_1352, %get3A_1356 : vector<16xf32>
    %get3A_1358 = arith.constant 4 : i32
    %get3A_1359 = arith.index_cast %get3A_1358 : i32 to index
    %get3A_1360 = arith.constant 144 : index
    %get3A_1361 = tpu.vector_load %arg6[%get3A_1359, %get3A_1360] {strides = array<i32>} : memref<16x256xf32, #tpu.memory_space<vmem>>, vector<16xf32>,
    %add3A_1362 = arith.addf %add3A_1357, %get3A_1361 : vector<16xf32>
    %get3A_1363 = arith.constant 5 : i32
    %get3A_1364 = arith.index_cast %get3A_1363 : i32 to index
    %get3A_1365 = arith.constant 144 : index
    %get3A_1366 = tpu.vector_load %arg6[%get3A_1364, %get3A_1365] {strides = array<i32>} : memref<16x256xf32, #tpu.memory_space<vmem>>, vector<16xf32>,
    %add3A_1367 = arith.addf %add3A_1362, %get3A_1366 : vector<16xf32>
    %get3A_1368 = arith.constant 6 : i32
    %get3A_1369 = arith.index_cast %get3A_1368 : i32 to index
    %get3A_1370 = arith.constant 144 : index
    %get3A_1371 = tpu.vector_load %arg6[%get3A_1369, %get3A_1370] {strides = array<i32>} : memref<16x256xf32, #tpu.memory_space<vmem>>, vector<16xf32>,
    %add3A_1372 = arith.addf %add3A_1367, %get3A_1371 : vector<16xf32>
    %get3A_1373 = arith.constant 7 : i32
    %get3A_1374 = arith.index_cast %get3A_1373 : i32 to index
    %get3A_1375 = arith.constant 144 : index
    %get3A_1376 = tpu.vector_load %arg6[%get3A_1374, %get3A_1375] {strides = array<i32>} : memref<16x256xf32, #tpu.memory_space<vmem>>, vector<16xf32>,
    %add3A_1377 = arith.addf %add3A_1372, %get3A_1376 : vector<16xf32>
    %get3A_1378 = arith.constant 8 : i32
    %get3A_1379 = arith.index_cast %get3A_1378 : i32 to index
    %get3A_1380 = arith.constant 144 : index
    %get3A_1381 = tpu.vector_load %arg6[%get3A_1379, %get3A_1380] {strides = array<i32>} : memref<16x256xf32, #tpu.memory_space<vmem>>, vector<16xf32>,
    %add3A_1382 = arith.addf %add3A_1377, %get3A_1381 : vector<16xf32>
    %get3A_1383 = arith.constant 9 : i32
    %get3A_1384 = arith.index_cast %get3A_1383 : i32 to index
    %get3A_1385 = arith.constant 144 : index
    %get3A_1386 = tpu.vector_load %arg6[%get3A_1384, %get3A_1385] {strides = array<i32>} : memref<16x256xf32, #tpu.memory_space<vmem>>, vector<16xf32>,
    %add3A_1387 = arith.addf %add3A_1382, %get3A_1386 : vector<16xf32>
    %get3A_1388 = arith.constant 10 : i32
    %get3A_1389 = arith.index_cast %get3A_1388 : i32 to index
    %get3A_1390 = arith.constant 144 : index
    %get3A_1391 = tpu.vector_load %arg6[%get3A_1389, %get3A_1390] {strides = array<i32>} : memref<16x256xf32, #tpu.memory_space<vmem>>, vector<16xf32>,
    %add3A_1392 = arith.addf %add3A_1387, %get3A_1391 : vector<16xf32>
    %get3A_1393 = arith.constant 11 : i32
    %get3A_1394 = arith.index_cast %get3A_1393 : i32 to index
    %get3A_1395 = arith.constant 144 : index
    %get3A_1396 = tpu.vector_load %arg6[%get3A_1394, %get3A_1395] {strides = array<i32>} : memref<16x256xf32, #tpu.memory_space<vmem>>, vector<16xf32>,
    %add3A_1397 = arith.addf %add3A_1392, %get3A_1396 : vector<16xf32>
    %get3A_1398 = arith.constant 12 : i32
    %get3A_1399 = arith.index_cast %get3A_1398 : i32 to index
    %get3A_1400 = arith.constant 144 : index
    %get3A_1401 = tpu.vector_load %arg6[%get3A_1399, %get3A_1400] {strides = array<i32>} : memref<16x256xf32, #tpu.memory_space<vmem>>, vector<16xf32>,
    %add3A_1402 = arith.addf %add3A_1397, %get3A_1401 : vector<16xf32>
    %get3A_1403 = arith.constant 13 : i32
    %get3A_1404 = arith.index_cast %get3A_1403 : i32 to index
    %get3A_1405 = arith.constant 144 : index
    %get3A_1406 = tpu.vector_load %arg6[%get3A_1404, %get3A_1405] {strides = array<i32>} : memref<16x256xf32, #tpu.memory_space<vmem>>, vector<16xf32>,
    %add3A_1407 = arith.addf %add3A_1402, %get3A_1406 : vector<16xf32>
    %get3A_1408 = arith.constant 14 : i32
    %get3A_1409 = arith.index_cast %get3A_1408 : i32 to index
    %get3A_1410 = arith.constant 144 : index
    %get3A_1411 = tpu.vector_load %arg6[%get3A_1409, %get3A_1410] {strides = array<i32>} : memref<16x256xf32, #tpu.memory_space<vmem>>, vector<16xf32>,
    %add3A_1412 = arith.addf %add3A_1407, %get3A_1411 : vector<16xf32>
    %get3A_1413 = arith.constant 15 : i32
    %get3A_1414 = arith.index_cast %get3A_1413 : i32 to index
    %get3A_1415 = arith.constant 144 : index
    %get3A_1416 = tpu.vector_load %arg6[%get3A_1414, %get3A_1415] {strides = array<i32>} : memref<16x256xf32, #tpu.memory_space<vmem>>, vector<16xf32>,
    %add3A_1417 = arith.addf %add3A_1412, %get3A_1416 : vector<16xf32>
    %broadcast_in_dim3A_1418 = arith.constant true
    %broadcast_in_dim3A_1419 = vector.broadcast %broadcast_in_dim3A_1418 : i1 to vector<16xi1>
    %masked_cumsum3A_1420 = tpu.scan <sum>, %add3A_1417 masked %broadcast_in_dim3A_1419 : vector<16xf32>, vector<16xi1> -> vector<16xf32>
    %add3A_1421 = vector.broadcast %add3A_1337 : f32 to vector<16xf32>
    %add3A_1422 = arith.addf %masked_cumsum3A_1420, %add3A_1421 : vector<16xf32>
    %le3A_1423 = arith.cmpf ole, %add3A_1422, %sub3A_481 : vector<16xf32>
    %all_reduce_population_count3A_1424 = tpu.all_reduce %le3A_1423 {dim = 0 : i64, kind = #tpu.reduction_kind<sum>} : vector<16xi1> -> vector<16xi32>
    %convert_element_type3A_1425 = arith.sitofp %all_reduce_population_count3A_1424 : vector<16xi32> to vector<16xf32>
    %add3A_1426 = arith.addf %add3A_1332, %convert_element_type3A_1425 : vector<16xf32>
    %reduce_sum3A_1427 = arith.constant true
    %reduce_sum3A_1428 = vector.broadcast %reduce_sum3A_1427 : i1 to vector<16xi1>
    %reduce_sum3A_1429 = tpu.scan <sum>, %add3A_1417 masked %reduce_sum3A_1428 : vector<16xf32>, vector<16xi1> -> vector<16xf32>
    %reduce_sum3A_1430 = vector.extract %reduce_sum3A_1429[15] : f32 from vector<16xf32>
    %add3A_1431 = arith.addf %add3A_1337, %reduce_sum3A_1430 : f32
    %get3A_1432 = arith.constant 0 : i32
    %get3A_1433 = arith.index_cast %get3A_1432 : i32 to index
    %get3A_1434 = arith.constant 160 : index
    %get3A_1435 = tpu.vector_load %arg6[%get3A_1433, %get3A_1434] {strides = array<i32>} : memref<16x256xf32, #tpu.memory_space<vmem>>, vector<16xf32>,
    %add3A_1436 = arith.addf %broadcast_in_dim3A_0, %get3A_1435 : vector<16xf32>
    %get3A_1437 = arith.constant 1 : i32
    %get3A_1438 = arith.index_cast %get3A_1437 : i32 to index
    %get3A_1439 = arith.constant 160 : index
    %get3A_1440 = tpu.vector_load %arg6[%get3A_1438, %get3A_1439] {strides = array<i32>} : memref<16x256xf32, #tpu.memory_space<vmem>>, vector<16xf32>,
    %add3A_1441 = arith.addf %add3A_1436, %get3A_1440 : vector<16xf32>
    %get3A_1442 = arith.constant 2 : i32
    %get3A_1443 = arith.index_cast %get3A_1442 : i32 to index
    %get3A_1444 = arith.constant 160 : index
    %get3A_1445 = tpu.vector_load %arg6[%get3A_1443, %get3A_1444] {strides = array<i32>} : memref<16x256xf32, #tpu.memory_space<vmem>>, vector<16xf32>,
    %add3A_1446 = arith.addf %add3A_1441, %get3A_1445 : vector<16xf32>
    %get3A_1447 = arith.constant 3 : i32
    %get3A_1448 = arith.index_cast %get3A_1447 : i32 to index
    %get3A_1449 = arith.constant 160 : index
    %get3A_1450 = tpu.vector_load %arg6[%get3A_1448, %get3A_1449] {strides = array<i32>} : memref<16x256xf32, #tpu.memory_space<vmem>>, vector<16xf32>,
    %add3A_1451 = arith.addf %add3A_1446, %get3A_1450 : vector<16xf32>
    %get3A_1452 = arith.constant 4 : i32
    %get3A_1453 = arith.index_cast %get3A_1452 : i32 to index
    %get3A_1454 = arith.constant 160 : index
    %get3A_1455 = tpu.vector_load %arg6[%get3A_1453, %get3A_1454] {strides = array<i32>} : memref<16x256xf32, #tpu.memory_space<vmem>>, vector<16xf32>,
    %add3A_1456 = arith.addf %add3A_1451, %get3A_1455 : vector<16xf32>
    %get3A_1457 = arith.constant 5 : i32
    %get3A_1458 = arith.index_cast %get3A_1457 : i32 to index
    %get3A_1459 = arith.constant 160 : index
    %get3A_1460 = tpu.vector_load %arg6[%get3A_1458, %get3A_1459] {strides = array<i32>} : memref<16x256xf32, #tpu.memory_space<vmem>>, vector<16xf32>,
    %add3A_1461 = arith.addf %add3A_1456, %get3A_1460 : vector<16xf32>
    %get3A_1462 = arith.constant 6 : i32
    %get3A_1463 = arith.index_cast %get3A_1462 : i32 to index
    %get3A_1464 = arith.constant 160 : index
    %get3A_1465 = tpu.vector_load %arg6[%get3A_1463, %get3A_1464] {strides = array<i32>} : memref<16x256xf32, #tpu.memory_space<vmem>>, vector<16xf32>,
    %add3A_1466 = arith.addf %add3A_1461, %get3A_1465 : vector<16xf32>
    %get3A_1467 = arith.constant 7 : i32
    %get3A_1468 = arith.index_cast %get3A_1467 : i32 to index
    %get3A_1469 = arith.constant 160 : index
    %get3A_1470 = tpu.vector_load %arg6[%get3A_1468, %get3A_1469] {strides = array<i32>} : memref<16x256xf32, #tpu.memory_space<vmem>>, vector<16xf32>,
    %add3A_1471 = arith.addf %add3A_1466, %get3A_1470 : vector<16xf32>
    %get3A_1472 = arith.constant 8 : i32
    %get3A_1473 = arith.index_cast %get3A_1472 : i32 to index
    %get3A_1474 = arith.constant 160 : index
    %get3A_1475 = tpu.vector_load %arg6[%get3A_1473, %get3A_1474] {strides = array<i32>} : memref<16x256xf32, #tpu.memory_space<vmem>>, vector<16xf32>,
    %add3A_1476 = arith.addf %add3A_1471, %get3A_1475 : vector<16xf32>
    %get3A_1477 = arith.constant 9 : i32
    %get3A_1478 = arith.index_cast %get3A_1477 : i32 to index
    %get3A_1479 = arith.constant 160 : index
    %get3A_1480 = tpu.vector_load %arg6[%get3A_1478, %get3A_1479] {strides = array<i32>} : memref<16x256xf32, #tpu.memory_space<vmem>>, vector<16xf32>,
    %add3A_1481 = arith.addf %add3A_1476, %get3A_1480 : vector<16xf32>
    %get3A_1482 = arith.constant 10 : i32
    %get3A_1483 = arith.index_cast %get3A_1482 : i32 to index
    %get3A_1484 = arith.constant 160 : index
    %get3A_1485 = tpu.vector_load %arg6[%get3A_1483, %get3A_1484] {strides = array<i32>} : memref<16x256xf32, #tpu.memory_space<vmem>>, vector<16xf32>,
    %add3A_1486 = arith.addf %add3A_1481, %get3A_1485 : vector<16xf32>
    %get3A_1487 = arith.constant 11 : i32
    %get3A_1488 = arith.index_cast %get3A_1487 : i32 to index
    %get3A_1489 = arith.constant 160 : index
    %get3A_1490 = tpu.vector_load %arg6[%get3A_1488, %get3A_1489] {strides = array<i32>} : memref<16x256xf32, #tpu.memory_space<vmem>>, vector<16xf32>,
    %add3A_1491 = arith.addf %add3A_1486, %get3A_1490 : vector<16xf32>
    %get3A_1492 = arith.constant 12 : i32
    %get3A_1493 = arith.index_cast %get3A_1492 : i32 to index
    %get3A_1494 = arith.constant 160 : index
    %get3A_1495 = tpu.vector_load %arg6[%get3A_1493, %get3A_1494] {strides = array<i32>} : memref<16x256xf32, #tpu.memory_space<vmem>>, vector<16xf32>,
    %add3A_1496 = arith.addf %add3A_1491, %get3A_1495 : vector<16xf32>
    %get3A_1497 = arith.constant 13 : i32
    %get3A_1498 = arith.index_cast %get3A_1497 : i32 to index
    %get3A_1499 = arith.constant 160 : index
    %get3A_1500 = tpu.vector_load %arg6[%get3A_1498, %get3A_1499] {strides = array<i32>} : memref<16x256xf32, #tpu.memory_space<vmem>>, vector<16xf32>,
    %add3A_1501 = arith.addf %add3A_1496, %get3A_1500 : vector<16xf32>
    %get3A_1502 = arith.constant 14 : i32
    %get3A_1503 = arith.index_cast %get3A_1502 : i32 to index
    %get3A_1504 = arith.constant 160 : index
    %get3A_1505 = tpu.vector_load %arg6[%get3A_1503, %get3A_1504] {strides = array<i32>} : memref<16x256xf32, #tpu.memory_space<vmem>>, vector<16xf32>,
    %add3A_1506 = arith.addf %add3A_1501, %get3A_1505 : vector<16xf32>
    %get3A_1507 = arith.constant 15 : i32
    %get3A_1508 = arith.index_cast %get3A_1507 : i32 to index
    %get3A_1509 = arith.constant 160 : index
    %get3A_1510 = tpu.vector_load %arg6[%get3A_1508, %get3A_1509] {strides = array<i32>} : memref<16x256xf32, #tpu.memory_space<vmem>>, vector<16xf32>,
    %add3A_1511 = arith.addf %add3A_1506, %get3A_1510 : vector<16xf32>
    %broadcast_in_dim3A_1512 = arith.constant true
    %broadcast_in_dim3A_1513 = vector.broadcast %broadcast_in_dim3A_1512 : i1 to vector<16xi1>
    %masked_cumsum3A_1514 = tpu.scan <sum>, %add3A_1511 masked %broadcast_in_dim3A_1513 : vector<16xf32>, vector<16xi1> -> vector<16xf32>
    %add3A_1515 = vector.broadcast %add3A_1431 : f32 to vector<16xf32>
    %add3A_1516 = arith.addf %masked_cumsum3A_1514, %add3A_1515 : vector<16xf32>
    %le3A_1517 = arith.cmpf ole, %add3A_1516, %sub3A_481 : vector<16xf32>
    %all_reduce_population_count3A_1518 = tpu.all_reduce %le3A_1517 {dim = 0 : i64, kind = #tpu.reduction_kind<sum>} : vector<16xi1> -> vector<16xi32>
    %convert_element_type3A_1519 = arith.sitofp %all_reduce_population_count3A_1518 : vector<16xi32> to vector<16xf32>
    %add3A_1520 = arith.addf %add3A_1426, %convert_element_type3A_1519 : vector<16xf32>
    %reduce_sum3A_1521 = arith.constant true
    %reduce_sum3A_1522 = vector.broadcast %reduce_sum3A_1521 : i1 to vector<16xi1>
    %reduce_sum3A_1523 = tpu.scan <sum>, %add3A_1511 masked %reduce_sum3A_1522 : vector<16xf32>, vector<16xi1> -> vector<16xf32>
    %reduce_sum3A_1524 = vector.extract %reduce_sum3A_1523[15] : f32 from vector<16xf32>
    %add3A_1525 = arith.addf %add3A_1431, %reduce_sum3A_1524 : f32
    %get3A_1526 = arith.constant 0 : i32
    %get3A_1527 = arith.index_cast %get3A_1526 : i32 to index
    %get3A_1528 = arith.constant 176 : index
    %get3A_1529 = tpu.vector_load %arg6[%get3A_1527, %get3A_1528] {strides = array<i32>} : memref<16x256xf32, #tpu.memory_space<vmem>>, vector<16xf32>,
    %add3A_1530 = arith.addf %broadcast_in_dim3A_0, %get3A_1529 : vector<16xf32>
    %get3A_1531 = arith.constant 1 : i32
    %get3A_1532 = arith.index_cast %get3A_1531 : i32 to index
    %get3A_1533 = arith.constant 176 : index
    %get3A_1534 = tpu.vector_load %arg6[%get3A_1532, %get3A_1533] {strides = array<i32>} : memref<16x256xf32, #tpu.memory_space<vmem>>, vector<16xf32>,
    %add3A_1535 = arith.addf %add3A_1530, %get3A_1534 : vector<16xf32>
    %get3A_1536 = arith.constant 2 : i32
    %get3A_1537 = arith.index_cast %get3A_1536 : i32 to index
    %get3A_1538 = arith.constant 176 : index
    %get3A_1539 = tpu.vector_load %arg6[%get3A_1537, %get3A_1538] {strides = array<i32>} : memref<16x256xf32, #tpu.memory_space<vmem>>, vector<16xf32>,
    %add3A_1540 = arith.addf %add3A_1535, %get3A_1539 : vector<16xf32>
    %get3A_1541 = arith.constant 3 : i32
    %get3A_1542 = arith.index_cast %get3A_1541 : i32 to index
    %get3A_1543 = arith.constant 176 : index
    %get3A_1544 = tpu.vector_load %arg6[%get3A_1542, %get3A_1543] {strides = array<i32>} : memref<16x256xf32, #tpu.memory_space<vmem>>, vector<16xf32>,
    %add3A_1545 = arith.addf %add3A_1540, %get3A_1544 : vector<16xf32>
    %get3A_1546 = arith.constant 4 : i32
    %get3A_1547 = arith.index_cast %get3A_1546 : i32 to index
    %get3A_1548 = arith.constant 176 : index
    %get3A_1549 = tpu.vector_load %arg6[%get3A_1547, %get3A_1548] {strides = array<i32>} : memref<16x256xf32, #tpu.memory_space<vmem>>, vector<16xf32>,
    %add3A_1550 = arith.addf %add3A_1545, %get3A_1549 : vector<16xf32>
    %get3A_1551 = arith.constant 5 : i32
    %get3A_1552 = arith.index_cast %get3A_1551 : i32 to index
    %get3A_1553 = arith.constant 176 : index
    %get3A_1554 = tpu.vector_load %arg6[%get3A_1552, %get3A_1553] {strides = array<i32>} : memref<16x256xf32, #tpu.memory_space<vmem>>, vector<16xf32>,
    %add3A_1555 = arith.addf %add3A_1550, %get3A_1554 : vector<16xf32>
    %get3A_1556 = arith.constant 6 : i32
    %get3A_1557 = arith.index_cast %get3A_1556 : i32 to index
    %get3A_1558 = arith.constant 176 : index
    %get3A_1559 = tpu.vector_load %arg6[%get3A_1557, %get3A_1558] {strides = array<i32>} : memref<16x256xf32, #tpu.memory_space<vmem>>, vector<16xf32>,
    %add3A_1560 = arith.addf %add3A_1555, %get3A_1559 : vector<16xf32>
    %get3A_1561 = arith.constant 7 : i32
    %get3A_1562 = arith.index_cast %get3A_1561 : i32 to index
    %get3A_1563 = arith.constant 176 : index
    %get3A_1564 = tpu.vector_load %arg6[%get3A_1562, %get3A_1563] {strides = array<i32>} : memref<16x256xf32, #tpu.memory_space<vmem>>, vector<16xf32>,
    %add3A_1565 = arith.addf %add3A_1560, %get3A_1564 : vector<16xf32>
    %get3A_1566 = arith.constant 8 : i32
    %get3A_1567 = arith.index_cast %get3A_1566 : i32 to index
    %get3A_1568 = arith.constant 176 : index
    %get3A_1569 = tpu.vector_load %arg6[%get3A_1567, %get3A_1568] {strides = array<i32>} : memref<16x256xf32, #tpu.memory_space<vmem>>, vector<16xf32>,
    %add3A_1570 = arith.addf %add3A_1565, %get3A_1569 : vector<16xf32>
    %get3A_1571 = arith.constant 9 : i32
    %get3A_1572 = arith.index_cast %get3A_1571 : i32 to index
    %get3A_1573 = arith.constant 176 : index
    %get3A_1574 = tpu.vector_load %arg6[%get3A_1572, %get3A_1573] {strides = array<i32>} : memref<16x256xf32, #tpu.memory_space<vmem>>, vector<16xf32>,
    %add3A_1575 = arith.addf %add3A_1570, %get3A_1574 : vector<16xf32>
    %get3A_1576 = arith.constant 10 : i32
    %get3A_1577 = arith.index_cast %get3A_1576 : i32 to index
    %get3A_1578 = arith.constant 176 : index
    %get3A_1579 = tpu.vector_load %arg6[%get3A_1577, %get3A_1578] {strides = array<i32>} : memref<16x256xf32, #tpu.memory_space<vmem>>, vector<16xf32>,
    %add3A_1580 = arith.addf %add3A_1575, %get3A_1579 : vector<16xf32>
    %get3A_1581 = arith.constant 11 : i32
    %get3A_1582 = arith.index_cast %get3A_1581 : i32 to index
    %get3A_1583 = arith.constant 176 : index
    %get3A_1584 = tpu.vector_load %arg6[%get3A_1582, %get3A_1583] {strides = array<i32>} : memref<16x256xf32, #tpu.memory_space<vmem>>, vector<16xf32>,
    %add3A_1585 = arith.addf %add3A_1580, %get3A_1584 : vector<16xf32>
    %get3A_1586 = arith.constant 12 : i32
    %get3A_1587 = arith.index_cast %get3A_1586 : i32 to index
    %get3A_1588 = arith.constant 176 : index
    %get3A_1589 = tpu.vector_load %arg6[%get3A_1587, %get3A_1588] {strides = array<i32>} : memref<16x256xf32, #tpu.memory_space<vmem>>, vector<16xf32>,
    %add3A_1590 = arith.addf %add3A_1585, %get3A_1589 : vector<16xf32>
    %get3A_1591 = arith.constant 13 : i32
    %get3A_1592 = arith.index_cast %get3A_1591 : i32 to index
    %get3A_1593 = arith.constant 176 : index
    %get3A_1594 = tpu.vector_load %arg6[%get3A_1592, %get3A_1593] {strides = array<i32>} : memref<16x256xf32, #tpu.memory_space<vmem>>, vector<16xf32>,
    %add3A_1595 = arith.addf %add3A_1590, %get3A_1594 : vector<16xf32>
    %get3A_1596 = arith.constant 14 : i32
    %get3A_1597 = arith.index_cast %get3A_1596 : i32 to index
    %get3A_1598 = arith.constant 176 : index
    %get3A_1599 = tpu.vector_load %arg6[%get3A_1597, %get3A_1598] {strides = array<i32>} : memref<16x256xf32, #tpu.memory_space<vmem>>, vector<16xf32>,
    %add3A_1600 = arith.addf %add3A_1595, %get3A_1599 : vector<16xf32>
    %get3A_1601 = arith.constant 15 : i32
    %get3A_1602 = arith.index_cast %get3A_1601 : i32 to index
    %get3A_1603 = arith.constant 176 : index
    %get3A_1604 = tpu.vector_load %arg6[%get3A_1602, %get3A_1603] {strides = array<i32>} : memref<16x256xf32, #tpu.memory_space<vmem>>, vector<16xf32>,
    %add3A_1605 = arith.addf %add3A_1600, %get3A_1604 : vector<16xf32>
    %broadcast_in_dim3A_1606 = arith.constant true
    %broadcast_in_dim3A_1607 = vector.broadcast %broadcast_in_dim3A_1606 : i1 to vector<16xi1>
    %masked_cumsum3A_1608 = tpu.scan <sum>, %add3A_1605 masked %broadcast_in_dim3A_1607 : vector<16xf32>, vector<16xi1> -> vector<16xf32>
    %add3A_1609 = vector.broadcast %add3A_1525 : f32 to vector<16xf32>
    %add3A_1610 = arith.addf %masked_cumsum3A_1608, %add3A_1609 : vector<16xf32>
    %le3A_1611 = arith.cmpf ole, %add3A_1610, %sub3A_481 : vector<16xf32>
    %all_reduce_population_count3A_1612 = tpu.all_reduce %le3A_1611 {dim = 0 : i64, kind = #tpu.reduction_kind<sum>} : vector<16xi1> -> vector<16xi32>
    %convert_element_type3A_1613 = arith.sitofp %all_reduce_population_count3A_1612 : vector<16xi32> to vector<16xf32>
    %add3A_1614 = arith.addf %add3A_1520, %convert_element_type3A_1613 : vector<16xf32>
    %reduce_sum3A_1615 = arith.constant true
    %reduce_sum3A_1616 = vector.broadcast %reduce_sum3A_1615 : i1 to vector<16xi1>
    %reduce_sum3A_1617 = tpu.scan <sum>, %add3A_1605 masked %reduce_sum3A_1616 : vector<16xf32>, vector<16xi1> -> vector<16xf32>
    %reduce_sum3A_1618 = vector.extract %reduce_sum3A_1617[15] : f32 from vector<16xf32>
    %add3A_1619 = arith.addf %add3A_1525, %reduce_sum3A_1618 : f32
    %get3A_1620 = arith.constant 0 : i32
    %get3A_1621 = arith.index_cast %get3A_1620 : i32 to index
    %get3A_1622 = arith.constant 192 : index
    %get3A_1623 = tpu.vector_load %arg6[%get3A_1621, %get3A_1622] {strides = array<i32>} : memref<16x256xf32, #tpu.memory_space<vmem>>, vector<16xf32>,
    %add3A_1624 = arith.addf %broadcast_in_dim3A_0, %get3A_1623 : vector<16xf32>
    %get3A_1625 = arith.constant 1 : i32
    %get3A_1626 = arith.index_cast %get3A_1625 : i32 to index
    %get3A_1627 = arith.constant 192 : index
    %get3A_1628 = tpu.vector_load %arg6[%get3A_1626, %get3A_1627] {strides = array<i32>} : memref<16x256xf32, #tpu.memory_space<vmem>>, vector<16xf32>,
    %add3A_1629 = arith.addf %add3A_1624, %get3A_1628 : vector<16xf32>
    %get3A_1630 = arith.constant 2 : i32
    %get3A_1631 = arith.index_cast %get3A_1630 : i32 to index
    %get3A_1632 = arith.constant 192 : index
    %get3A_1633 = tpu.vector_load %arg6[%get3A_1631, %get3A_1632] {strides = array<i32>} : memref<16x256xf32, #tpu.memory_space<vmem>>, vector<16xf32>,
    %add3A_1634 = arith.addf %add3A_1629, %get3A_1633 : vector<16xf32>
    %get3A_1635 = arith.constant 3 : i32
    %get3A_1636 = arith.index_cast %get3A_1635 : i32 to index
    %get3A_1637 = arith.constant 192 : index
    %get3A_1638 = tpu.vector_load %arg6[%get3A_1636, %get3A_1637] {strides = array<i32>} : memref<16x256xf32, #tpu.memory_space<vmem>>, vector<16xf32>,
    %add3A_1639 = arith.addf %add3A_1634, %get3A_1638 : vector<16xf32>
    %get3A_1640 = arith.constant 4 : i32
    %get3A_1641 = arith.index_cast %get3A_1640 : i32 to index
    %get3A_1642 = arith.constant 192 : index
    %get3A_1643 = tpu.vector_load %arg6[%get3A_1641, %get3A_1642] {strides = array<i32>} : memref<16x256xf32, #tpu.memory_space<vmem>>, vector<16xf32>,
    %add3A_1644 = arith.addf %add3A_1639, %get3A_1643 : vector<16xf32>
    %get3A_1645 = arith.constant 5 : i32
    %get3A_1646 = arith.index_cast %get3A_1645 : i32 to index
    %get3A_1647 = arith.constant 192 : index
    %get3A_1648 = tpu.vector_load %arg6[%get3A_1646, %get3A_1647] {strides = array<i32>} : memref<16x256xf32, #tpu.memory_space<vmem>>, vector<16xf32>,
    %add3A_1649 = arith.addf %add3A_1644, %get3A_1648 : vector<16xf32>
    %get3A_1650 = arith.constant 6 : i32
    %get3A_1651 = arith.index_cast %get3A_1650 : i32 to index
    %get3A_1652 = arith.constant 192 : index
    %get3A_1653 = tpu.vector_load %arg6[%get3A_1651, %get3A_1652] {strides = array<i32>} : memref<16x256xf32, #tpu.memory_space<vmem>>, vector<16xf32>,
    %add3A_1654 = arith.addf %add3A_1649, %get3A_1653 : vector<16xf32>
    %get3A_1655 = arith.constant 7 : i32
    %get3A_1656 = arith.index_cast %get3A_1655 : i32 to index
    %get3A_1657 = arith.constant 192 : index
    %get3A_1658 = tpu.vector_load %arg6[%get3A_1656, %get3A_1657] {strides = array<i32>} : memref<16x256xf32, #tpu.memory_space<vmem>>, vector<16xf32>,
    %add3A_1659 = arith.addf %add3A_1654, %get3A_1658 : vector<16xf32>
    %get3A_1660 = arith.constant 8 : i32
    %get3A_1661 = arith.index_cast %get3A_1660 : i32 to index
    %get3A_1662 = arith.constant 192 : index
    %get3A_1663 = tpu.vector_load %arg6[%get3A_1661, %get3A_1662] {strides = array<i32>} : memref<16x256xf32, #tpu.memory_space<vmem>>, vector<16xf32>,
    %add3A_1664 = arith.addf %add3A_1659, %get3A_1663 : vector<16xf32>
    %get3A_1665 = arith.constant 9 : i32
    %get3A_1666 = arith.index_cast %get3A_1665 : i32 to index
    %get3A_1667 = arith.constant 192 : index
    %get3A_1668 = tpu.vector_load %arg6[%get3A_1666, %get3A_1667] {strides = array<i32>} : memref<16x256xf32, #tpu.memory_space<vmem>>, vector<16xf32>,
    %add3A_1669 = arith.addf %add3A_1664, %get3A_1668 : vector<16xf32>
    %get3A_1670 = arith.constant 10 : i32
    %get3A_1671 = arith.index_cast %get3A_1670 : i32 to index
    %get3A_1672 = arith.constant 192 : index
    %get3A_1673 = tpu.vector_load %arg6[%get3A_1671, %get3A_1672] {strides = array<i32>} : memref<16x256xf32, #tpu.memory_space<vmem>>, vector<16xf32>,
    %add3A_1674 = arith.addf %add3A_1669, %get3A_1673 : vector<16xf32>
    %get3A_1675 = arith.constant 11 : i32
    %get3A_1676 = arith.index_cast %get3A_1675 : i32 to index
    %get3A_1677 = arith.constant 192 : index
    %get3A_1678 = tpu.vector_load %arg6[%get3A_1676, %get3A_1677] {strides = array<i32>} : memref<16x256xf32, #tpu.memory_space<vmem>>, vector<16xf32>,
    %add3A_1679 = arith.addf %add3A_1674, %get3A_1678 : vector<16xf32>
    %get3A_1680 = arith.constant 12 : i32
    %get3A_1681 = arith.index_cast %get3A_1680 : i32 to index
    %get3A_1682 = arith.constant 192 : index
    %get3A_1683 = tpu.vector_load %arg6[%get3A_1681, %get3A_1682] {strides = array<i32>} : memref<16x256xf32, #tpu.memory_space<vmem>>, vector<16xf32>,
    %add3A_1684 = arith.addf %add3A_1679, %get3A_1683 : vector<16xf32>
    %get3A_1685 = arith.constant 13 : i32
    %get3A_1686 = arith.index_cast %get3A_1685 : i32 to index
    %get3A_1687 = arith.constant 192 : index
    %get3A_1688 = tpu.vector_load %arg6[%get3A_1686, %get3A_1687] {strides = array<i32>} : memref<16x256xf32, #tpu.memory_space<vmem>>, vector<16xf32>,
    %add3A_1689 = arith.addf %add3A_1684, %get3A_1688 : vector<16xf32>
    %get3A_1690 = arith.constant 14 : i32
    %get3A_1691 = arith.index_cast %get3A_1690 : i32 to index
    %get3A_1692 = arith.constant 192 : index
    %get3A_1693 = tpu.vector_load %arg6[%get3A_1691, %get3A_1692] {strides = array<i32>} : memref<16x256xf32, #tpu.memory_space<vmem>>, vector<16xf32>,
    %add3A_1694 = arith.addf %add3A_1689, %get3A_1693 : vector<16xf32>
    %get3A_1695 = arith.constant 15 : i32
    %get3A_1696 = arith.index_cast %get3A_1695 : i32 to index
    %get3A_1697 = arith.constant 192 : index
    %get3A_1698 = tpu.vector_load %arg6[%get3A_1696, %get3A_1697] {strides = array<i32>} : memref<16x256xf32, #tpu.memory_space<vmem>>, vector<16xf32>,
    %add3A_1699 = arith.addf %add3A_1694, %get3A_1698 : vector<16xf32>
    %broadcast_in_dim3A_1700 = arith.constant true
    %broadcast_in_dim3A_1701 = vector.broadcast %broadcast_in_dim3A_1700 : i1 to vector<16xi1>
    %masked_cumsum3A_1702 = tpu.scan <sum>, %add3A_1699 masked %broadcast_in_dim3A_1701 : vector<16xf32>, vector<16xi1> -> vector<16xf32>
    %add3A_1703 = vector.broadcast %add3A_1619 : f32 to vector<16xf32>
    %add3A_1704 = arith.addf %masked_cumsum3A_1702, %add3A_1703 : vector<16xf32>
    %le3A_1705 = arith.cmpf ole, %add3A_1704, %sub3A_481 : vector<16xf32>
    %all_reduce_population_count3A_1706 = tpu.all_reduce %le3A_1705 {dim = 0 : i64, kind = #tpu.reduction_kind<sum>} : vector<16xi1> -> vector<16xi32>
    %convert_element_type3A_1707 = arith.sitofp %all_reduce_population_count3A_1706 : vector<16xi32> to vector<16xf32>
    %add3A_1708 = arith.addf %add3A_1614, %convert_element_type3A_1707 : vector<16xf32>
    %reduce_sum3A_1709 = arith.constant true
    %reduce_sum3A_1710 = vector.broadcast %reduce_sum3A_1709 : i1 to vector<16xi1>
    %reduce_sum3A_1711 = tpu.scan <sum>, %add3A_1699 masked %reduce_sum3A_1710 : vector<16xf32>, vector<16xi1> -> vector<16xf32>
    %reduce_sum3A_1712 = vector.extract %reduce_sum3A_1711[15] : f32 from vector<16xf32>
    %add3A_1713 = arith.addf %add3A_1619, %reduce_sum3A_1712 : f32
    %get3A_1714 = arith.constant 0 : i32
    %get3A_1715 = arith.index_cast %get3A_1714 : i32 to index
    %get3A_1716 = arith.constant 208 : index
    %get3A_1717 = tpu.vector_load %arg6[%get3A_1715, %get3A_1716] {strides = array<i32>} : memref<16x256xf32, #tpu.memory_space<vmem>>, vector<16xf32>,
    %add3A_1718 = arith.addf %broadcast_in_dim3A_0, %get3A_1717 : vector<16xf32>
    %get3A_1719 = arith.constant 1 : i32
    %get3A_1720 = arith.index_cast %get3A_1719 : i32 to index
    %get3A_1721 = arith.constant 208 : index
    %get3A_1722 = tpu.vector_load %arg6[%get3A_1720, %get3A_1721] {strides = array<i32>} : memref<16x256xf32, #tpu.memory_space<vmem>>, vector<16xf32>,
    %add3A_1723 = arith.addf %add3A_1718, %get3A_1722 : vector<16xf32>
    %get3A_1724 = arith.constant 2 : i32
    %get3A_1725 = arith.index_cast %get3A_1724 : i32 to index
    %get3A_1726 = arith.constant 208 : index
    %get3A_1727 = tpu.vector_load %arg6[%get3A_1725, %get3A_1726] {strides = array<i32>} : memref<16x256xf32, #tpu.memory_space<vmem>>, vector<16xf32>,
    %add3A_1728 = arith.addf %add3A_1723, %get3A_1727 : vector<16xf32>
    %get3A_1729 = arith.constant 3 : i32
    %get3A_1730 = arith.index_cast %get3A_1729 : i32 to index
    %get3A_1731 = arith.constant 208 : index
    %get3A_1732 = tpu.vector_load %arg6[%get3A_1730, %get3A_1731] {strides = array<i32>} : memref<16x256xf32, #tpu.memory_space<vmem>>, vector<16xf32>,
    %add3A_1733 = arith.addf %add3A_1728, %get3A_1732 : vector<16xf32>
    %get3A_1734 = arith.constant 4 : i32
    %get3A_1735 = arith.index_cast %get3A_1734 : i32 to index
    %get3A_1736 = arith.constant 208 : index
    %get3A_1737 = tpu.vector_load %arg6[%get3A_1735, %get3A_1736] {strides = array<i32>} : memref<16x256xf32, #tpu.memory_space<vmem>>, vector<16xf32>,
    %add3A_1738 = arith.addf %add3A_1733, %get3A_1737 : vector<16xf32>
    %get3A_1739 = arith.constant 5 : i32
    %get3A_1740 = arith.index_cast %get3A_1739 : i32 to index
    %get3A_1741 = arith.constant 208 : index
    %get3A_1742 = tpu.vector_load %arg6[%get3A_1740, %get3A_1741] {strides = array<i32>} : memref<16x256xf32, #tpu.memory_space<vmem>>, vector<16xf32>,
    %add3A_1743 = arith.addf %add3A_1738, %get3A_1742 : vector<16xf32>
    %get3A_1744 = arith.constant 6 : i32
    %get3A_1745 = arith.index_cast %get3A_1744 : i32 to index
    %get3A_1746 = arith.constant 208 : index
    %get3A_1747 = tpu.vector_load %arg6[%get3A_1745, %get3A_1746] {strides = array<i32>} : memref<16x256xf32, #tpu.memory_space<vmem>>, vector<16xf32>,
    %add3A_1748 = arith.addf %add3A_1743, %get3A_1747 : vector<16xf32>
    %get3A_1749 = arith.constant 7 : i32
    %get3A_1750 = arith.index_cast %get3A_1749 : i32 to index
    %get3A_1751 = arith.constant 208 : index
    %get3A_1752 = tpu.vector_load %arg6[%get3A_1750, %get3A_1751] {strides = array<i32>} : memref<16x256xf32, #tpu.memory_space<vmem>>, vector<16xf32>,
    %add3A_1753 = arith.addf %add3A_1748, %get3A_1752 : vector<16xf32>
    %get3A_1754 = arith.constant 8 : i32
    %get3A_1755 = arith.index_cast %get3A_1754 : i32 to index
    %get3A_1756 = arith.constant 208 : index
    %get3A_1757 = tpu.vector_load %arg6[%get3A_1755, %get3A_1756] {strides = array<i32>} : memref<16x256xf32, #tpu.memory_space<vmem>>, vector<16xf32>,
    %add3A_1758 = arith.addf %add3A_1753, %get3A_1757 : vector<16xf32>
    %get3A_1759 = arith.constant 9 : i32
    %get3A_1760 = arith.index_cast %get3A_1759 : i32 to index
    %get3A_1761 = arith.constant 208 : index
    %get3A_1762 = tpu.vector_load %arg6[%get3A_1760, %get3A_1761] {strides = array<i32>} : memref<16x256xf32, #tpu.memory_space<vmem>>, vector<16xf32>,
    %add3A_1763 = arith.addf %add3A_1758, %get3A_1762 : vector<16xf32>
    %get3A_1764 = arith.constant 10 : i32
    %get3A_1765 = arith.index_cast %get3A_1764 : i32 to index
    %get3A_1766 = arith.constant 208 : index
    %get3A_1767 = tpu.vector_load %arg6[%get3A_1765, %get3A_1766] {strides = array<i32>} : memref<16x256xf32, #tpu.memory_space<vmem>>, vector<16xf32>,
    %add3A_1768 = arith.addf %add3A_1763, %get3A_1767 : vector<16xf32>
    %get3A_1769 = arith.constant 11 : i32
    %get3A_1770 = arith.index_cast %get3A_1769 : i32 to index
    %get3A_1771 = arith.constant 208 : index
    %get3A_1772 = tpu.vector_load %arg6[%get3A_1770, %get3A_1771] {strides = array<i32>} : memref<16x256xf32, #tpu.memory_space<vmem>>, vector<16xf32>,
    %add3A_1773 = arith.addf %add3A_1768, %get3A_1772 : vector<16xf32>
    %get3A_1774 = arith.constant 12 : i32
    %get3A_1775 = arith.index_cast %get3A_1774 : i32 to index
    %get3A_1776 = arith.constant 208 : index
    %get3A_1777 = tpu.vector_load %arg6[%get3A_1775, %get3A_1776] {strides = array<i32>} : memref<16x256xf32, #tpu.memory_space<vmem>>, vector<16xf32>,
    %add3A_1778 = arith.addf %add3A_1773, %get3A_1777 : vector<16xf32>
    %get3A_1779 = arith.constant 13 : i32
    %get3A_1780 = arith.index_cast %get3A_1779 : i32 to index
    %get3A_1781 = arith.constant 208 : index
    %get3A_1782 = tpu.vector_load %arg6[%get3A_1780, %get3A_1781] {strides = array<i32>} : memref<16x256xf32, #tpu.memory_space<vmem>>, vector<16xf32>,
    %add3A_1783 = arith.addf %add3A_1778, %get3A_1782 : vector<16xf32>
    %get3A_1784 = arith.constant 14 : i32
    %get3A_1785 = arith.index_cast %get3A_1784 : i32 to index
    %get3A_1786 = arith.constant 208 : index
    %get3A_1787 = tpu.vector_load %arg6[%get3A_1785, %get3A_1786] {strides = array<i32>} : memref<16x256xf32, #tpu.memory_space<vmem>>, vector<16xf32>,
    %add3A_1788 = arith.addf %add3A_1783, %get3A_1787 : vector<16xf32>
    %get3A_1789 = arith.constant 15 : i32
    %get3A_1790 = arith.index_cast %get3A_1789 : i32 to index
    %get3A_1791 = arith.constant 208 : index
    %get3A_1792 = tpu.vector_load %arg6[%get3A_1790, %get3A_1791] {strides = array<i32>} : memref<16x256xf32, #tpu.memory_space<vmem>>, vector<16xf32>,
    %add3A_1793 = arith.addf %add3A_1788, %get3A_1792 : vector<16xf32>
    %broadcast_in_dim3A_1794 = arith.constant true
    %broadcast_in_dim3A_1795 = vector.broadcast %broadcast_in_dim3A_1794 : i1 to vector<16xi1>
    %masked_cumsum3A_1796 = tpu.scan <sum>, %add3A_1793 masked %broadcast_in_dim3A_1795 : vector<16xf32>, vector<16xi1> -> vector<16xf32>
    %add3A_1797 = vector.broadcast %add3A_1713 : f32 to vector<16xf32>
    %add3A_1798 = arith.addf %masked_cumsum3A_1796, %add3A_1797 : vector<16xf32>
    %le3A_1799 = arith.cmpf ole, %add3A_1798, %sub3A_481 : vector<16xf32>
    %all_reduce_population_count3A_1800 = tpu.all_reduce %le3A_1799 {dim = 0 : i64, kind = #tpu.reduction_kind<sum>} : vector<16xi1> -> vector<16xi32>
    %convert_element_type3A_1801 = arith.sitofp %all_reduce_population_count3A_1800 : vector<16xi32> to vector<16xf32>
    %add3A_1802 = arith.addf %add3A_1708, %convert_element_type3A_1801 : vector<16xf32>
    %reduce_sum3A_1803 = arith.constant true
    %reduce_sum3A_1804 = vector.broadcast %reduce_sum3A_1803 : i1 to vector<16xi1>
    %reduce_sum3A_1805 = tpu.scan <sum>, %add3A_1793 masked %reduce_sum3A_1804 : vector<16xf32>, vector<16xi1> -> vector<16xf32>
    %reduce_sum3A_1806 = vector.extract %reduce_sum3A_1805[15] : f32 from vector<16xf32>
    %add3A_1807 = arith.addf %add3A_1713, %reduce_sum3A_1806 : f32
    %get3A_1808 = arith.constant 0 : i32
    %get3A_1809 = arith.index_cast %get3A_1808 : i32 to index
    %get3A_1810 = arith.constant 224 : index
    %get3A_1811 = tpu.vector_load %arg6[%get3A_1809, %get3A_1810] {strides = array<i32>} : memref<16x256xf32, #tpu.memory_space<vmem>>, vector<16xf32>,
    %add3A_1812 = arith.addf %broadcast_in_dim3A_0, %get3A_1811 : vector<16xf32>
    %get3A_1813 = arith.constant 1 : i32
    %get3A_1814 = arith.index_cast %get3A_1813 : i32 to index
    %get3A_1815 = arith.constant 224 : index
    %get3A_1816 = tpu.vector_load %arg6[%get3A_1814, %get3A_1815] {strides = array<i32>} : memref<16x256xf32, #tpu.memory_space<vmem>>, vector<16xf32>,
    %add3A_1817 = arith.addf %add3A_1812, %get3A_1816 : vector<16xf32>
    %get3A_1818 = arith.constant 2 : i32
    %get3A_1819 = arith.index_cast %get3A_1818 : i32 to index
    %get3A_1820 = arith.constant 224 : index
    %get3A_1821 = tpu.vector_load %arg6[%get3A_1819, %get3A_1820] {strides = array<i32>} : memref<16x256xf32, #tpu.memory_space<vmem>>, vector<16xf32>,
    %add3A_1822 = arith.addf %add3A_1817, %get3A_1821 : vector<16xf32>
    %get3A_1823 = arith.constant 3 : i32
    %get3A_1824 = arith.index_cast %get3A_1823 : i32 to index
    %get3A_1825 = arith.constant 224 : index
    %get3A_1826 = tpu.vector_load %arg6[%get3A_1824, %get3A_1825] {strides = array<i32>} : memref<16x256xf32, #tpu.memory_space<vmem>>, vector<16xf32>,
    %add3A_1827 = arith.addf %add3A_1822, %get3A_1826 : vector<16xf32>
    %get3A_1828 = arith.constant 4 : i32
    %get3A_1829 = arith.index_cast %get3A_1828 : i32 to index
    %get3A_1830 = arith.constant 224 : index
    %get3A_1831 = tpu.vector_load %arg6[%get3A_1829, %get3A_1830] {strides = array<i32>} : memref<16x256xf32, #tpu.memory_space<vmem>>, vector<16xf32>,
    %add3A_1832 = arith.addf %add3A_1827, %get3A_1831 : vector<16xf32>
    %get3A_1833 = arith.constant 5 : i32
    %get3A_1834 = arith.index_cast %get3A_1833 : i32 to index
    %get3A_1835 = arith.constant 224 : index
    %get3A_1836 = tpu.vector_load %arg6[%get3A_1834, %get3A_1835] {strides = array<i32>} : memref<16x256xf32, #tpu.memory_space<vmem>>, vector<16xf32>,
    %add3A_1837 = arith.addf %add3A_1832, %get3A_1836 : vector<16xf32>
    %get3A_1838 = arith.constant 6 : i32
    %get3A_1839 = arith.index_cast %get3A_1838 : i32 to index
    %get3A_1840 = arith.constant 224 : index
    %get3A_1841 = tpu.vector_load %arg6[%get3A_1839, %get3A_1840] {strides = array<i32>} : memref<16x256xf32, #tpu.memory_space<vmem>>, vector<16xf32>,
    %add3A_1842 = arith.addf %add3A_1837, %get3A_1841 : vector<16xf32>
    %get3A_1843 = arith.constant 7 : i32
    %get3A_1844 = arith.index_cast %get3A_1843 : i32 to index
    %get3A_1845 = arith.constant 224 : index
    %get3A_1846 = tpu.vector_load %arg6[%get3A_1844, %get3A_1845] {strides = array<i32>} : memref<16x256xf32, #tpu.memory_space<vmem>>, vector<16xf32>,
    %add3A_1847 = arith.addf %add3A_1842, %get3A_1846 : vector<16xf32>
    %get3A_1848 = arith.constant 8 : i32
    %get3A_1849 = arith.index_cast %get3A_1848 : i32 to index
    %get3A_1850 = arith.constant 224 : index
    %get3A_1851 = tpu.vector_load %arg6[%get3A_1849, %get3A_1850] {strides = array<i32>} : memref<16x256xf32, #tpu.memory_space<vmem>>, vector<16xf32>,
    %add3A_1852 = arith.addf %add3A_1847, %get3A_1851 : vector<16xf32>
    %get3A_1853 = arith.constant 9 : i32
    %get3A_1854 = arith.index_cast %get3A_1853 : i32 to index
    %get3A_1855 = arith.constant 224 : index
    %get3A_1856 = tpu.vector_load %arg6[%get3A_1854, %get3A_1855] {strides = array<i32>} : memref<16x256xf32, #tpu.memory_space<vmem>>, vector<16xf32>,
    %add3A_1857 = arith.addf %add3A_1852, %get3A_1856 : vector<16xf32>
    %get3A_1858 = arith.constant 10 : i32
    %get3A_1859 = arith.index_cast %get3A_1858 : i32 to index
    %get3A_1860 = arith.constant 224 : index
    %get3A_1861 = tpu.vector_load %arg6[%get3A_1859, %get3A_1860] {strides = array<i32>} : memref<16x256xf32, #tpu.memory_space<vmem>>, vector<16xf32>,
    %add3A_1862 = arith.addf %add3A_1857, %get3A_1861 : vector<16xf32>
    %get3A_1863 = arith.constant 11 : i32
    %get3A_1864 = arith.index_cast %get3A_1863 : i32 to index
    %get3A_1865 = arith.constant 224 : index
    %get3A_1866 = tpu.vector_load %arg6[%get3A_1864, %get3A_1865] {strides = array<i32>} : memref<16x256xf32, #tpu.memory_space<vmem>>, vector<16xf32>,
    %add3A_1867 = arith.addf %add3A_1862, %get3A_1866 : vector<16xf32>
    %get3A_1868 = arith.constant 12 : i32
    %get3A_1869 = arith.index_cast %get3A_1868 : i32 to index
    %get3A_1870 = arith.constant 224 : index
    %get3A_1871 = tpu.vector_load %arg6[%get3A_1869, %get3A_1870] {strides = array<i32>} : memref<16x256xf32, #tpu.memory_space<vmem>>, vector<16xf32>,
    %add3A_1872 = arith.addf %add3A_1867, %get3A_1871 : vector<16xf32>
    %get3A_1873 = arith.constant 13 : i32
    %get3A_1874 = arith.index_cast %get3A_1873 : i32 to index
    %get3A_1875 = arith.constant 224 : index
    %get3A_1876 = tpu.vector_load %arg6[%get3A_1874, %get3A_1875] {strides = array<i32>} : memref<16x256xf32, #tpu.memory_space<vmem>>, vector<16xf32>,
    %add3A_1877 = arith.addf %add3A_1872, %get3A_1876 : vector<16xf32>
    %get3A_1878 = arith.constant 14 : i32
    %get3A_1879 = arith.index_cast %get3A_1878 : i32 to index
    %get3A_1880 = arith.constant 224 : index
    %get3A_1881 = tpu.vector_load %arg6[%get3A_1879, %get3A_1880] {strides = array<i32>} : memref<16x256xf32, #tpu.memory_space<vmem>>, vector<16xf32>,
    %add3A_1882 = arith.addf %add3A_1877, %get3A_1881 : vector<16xf32>
    %get3A_1883 = arith.constant 15 : i32
    %get3A_1884 = arith.index_cast %get3A_1883 : i32 to index
    %get3A_1885 = arith.constant 224 : index
    %get3A_1886 = tpu.vector_load %arg6[%get3A_1884, %get3A_1885] {strides = array<i32>} : memref<16x256xf32, #tpu.memory_space<vmem>>, vector<16xf32>,
    %add3A_1887 = arith.addf %add3A_1882, %get3A_1886 : vector<16xf32>
    %broadcast_in_dim3A_1888 = arith.constant true
    %broadcast_in_dim3A_1889 = vector.broadcast %broadcast_in_dim3A_1888 : i1 to vector<16xi1>
    %masked_cumsum3A_1890 = tpu.scan <sum>, %add3A_1887 masked %broadcast_in_dim3A_1889 : vector<16xf32>, vector<16xi1> -> vector<16xf32>
    %add3A_1891 = vector.broadcast %add3A_1807 : f32 to vector<16xf32>
    %add3A_1892 = arith.addf %masked_cumsum3A_1890, %add3A_1891 : vector<16xf32>
    %le3A_1893 = arith.cmpf ole, %add3A_1892, %sub3A_481 : vector<16xf32>
    %all_reduce_population_count3A_1894 = tpu.all_reduce %le3A_1893 {dim = 0 : i64, kind = #tpu.reduction_kind<sum>} : vector<16xi1> -> vector<16xi32>
    %convert_element_type3A_1895 = arith.sitofp %all_reduce_population_count3A_1894 : vector<16xi32> to vector<16xf32>
    %add3A_1896 = arith.addf %add3A_1802, %convert_element_type3A_1895 : vector<16xf32>
    %reduce_sum3A_1897 = arith.constant true
    %reduce_sum3A_1898 = vector.broadcast %reduce_sum3A_1897 : i1 to vector<16xi1>
    %reduce_sum3A_1899 = tpu.scan <sum>, %add3A_1887 masked %reduce_sum3A_1898 : vector<16xf32>, vector<16xi1> -> vector<16xf32>
    %reduce_sum3A_1900 = vector.extract %reduce_sum3A_1899[15] : f32 from vector<16xf32>
    %add3A_1901 = arith.addf %add3A_1807, %reduce_sum3A_1900 : f32
    %get3A_1902 = arith.constant 0 : i32
    %get3A_1903 = arith.index_cast %get3A_1902 : i32 to index
    %get3A_1904 = arith.constant 240 : index
    %get3A_1905 = tpu.vector_load %arg6[%get3A_1903, %get3A_1904] {strides = array<i32>} : memref<16x256xf32, #tpu.memory_space<vmem>>, vector<16xf32>,
    %add3A_1906 = arith.addf %broadcast_in_dim3A_0, %get3A_1905 : vector<16xf32>
    %get3A_1907 = arith.constant 1 : i32
    %get3A_1908 = arith.index_cast %get3A_1907 : i32 to index
    %get3A_1909 = arith.constant 240 : index
    %get3A_1910 = tpu.vector_load %arg6[%get3A_1908, %get3A_1909] {strides = array<i32>} : memref<16x256xf32, #tpu.memory_space<vmem>>, vector<16xf32>,
    %add3A_1911 = arith.addf %add3A_1906, %get3A_1910 : vector<16xf32>
    %get3A_1912 = arith.constant 2 : i32
    %get3A_1913 = arith.index_cast %get3A_1912 : i32 to index
    %get3A_1914 = arith.constant 240 : index
    %get3A_1915 = tpu.vector_load %arg6[%get3A_1913, %get3A_1914] {strides = array<i32>} : memref<16x256xf32, #tpu.memory_space<vmem>>, vector<16xf32>,
    %add3A_1916 = arith.addf %add3A_1911, %get3A_1915 : vector<16xf32>
    %get3A_1917 = arith.constant 3 : i32
    %get3A_1918 = arith.index_cast %get3A_1917 : i32 to index
    %get3A_1919 = arith.constant 240 : index
    %get3A_1920 = tpu.vector_load %arg6[%get3A_1918, %get3A_1919] {strides = array<i32>} : memref<16x256xf32, #tpu.memory_space<vmem>>, vector<16xf32>,
    %add3A_1921 = arith.addf %add3A_1916, %get3A_1920 : vector<16xf32>
    %get3A_1922 = arith.constant 4 : i32
    %get3A_1923 = arith.index_cast %get3A_1922 : i32 to index
    %get3A_1924 = arith.constant 240 : index
    %get3A_1925 = tpu.vector_load %arg6[%get3A_1923, %get3A_1924] {strides = array<i32>} : memref<16x256xf32, #tpu.memory_space<vmem>>, vector<16xf32>,
    %add3A_1926 = arith.addf %add3A_1921, %get3A_1925 : vector<16xf32>
    %get3A_1927 = arith.constant 5 : i32
    %get3A_1928 = arith.index_cast %get3A_1927 : i32 to index
    %get3A_1929 = arith.constant 240 : index
    %get3A_1930 = tpu.vector_load %arg6[%get3A_1928, %get3A_1929] {strides = array<i32>} : memref<16x256xf32, #tpu.memory_space<vmem>>, vector<16xf32>,
    %add3A_1931 = arith.addf %add3A_1926, %get3A_1930 : vector<16xf32>
    %get3A_1932 = arith.constant 6 : i32
    %get3A_1933 = arith.index_cast %get3A_1932 : i32 to index
    %get3A_1934 = arith.constant 240 : index
    %get3A_1935 = tpu.vector_load %arg6[%get3A_1933, %get3A_1934] {strides = array<i32>} : memref<16x256xf32, #tpu.memory_space<vmem>>, vector<16xf32>,
    %add3A_1936 = arith.addf %add3A_1931, %get3A_1935 : vector<16xf32>
    %get3A_1937 = arith.constant 7 : i32
    %get3A_1938 = arith.index_cast %get3A_1937 : i32 to index
    %get3A_1939 = arith.constant 240 : index
    %get3A_1940 = tpu.vector_load %arg6[%get3A_1938, %get3A_1939] {strides = array<i32>} : memref<16x256xf32, #tpu.memory_space<vmem>>, vector<16xf32>,
    %add3A_1941 = arith.addf %add3A_1936, %get3A_1940 : vector<16xf32>
    %get3A_1942 = arith.constant 8 : i32
    %get3A_1943 = arith.index_cast %get3A_1942 : i32 to index
    %get3A_1944 = arith.constant 240 : index
    %get3A_1945 = tpu.vector_load %arg6[%get3A_1943, %get3A_1944] {strides = array<i32>} : memref<16x256xf32, #tpu.memory_space<vmem>>, vector<16xf32>,
    %add3A_1946 = arith.addf %add3A_1941, %get3A_1945 : vector<16xf32>
    %get3A_1947 = arith.constant 9 : i32
    %get3A_1948 = arith.index_cast %get3A_1947 : i32 to index
    %get3A_1949 = arith.constant 240 : index
    %get3A_1950 = tpu.vector_load %arg6[%get3A_1948, %get3A_1949] {strides = array<i32>} : memref<16x256xf32, #tpu.memory_space<vmem>>, vector<16xf32>,
    %add3A_1951 = arith.addf %add3A_1946, %get3A_1950 : vector<16xf32>
    %get3A_1952 = arith.constant 10 : i32
    %get3A_1953 = arith.index_cast %get3A_1952 : i32 to index
    %get3A_1954 = arith.constant 240 : index
    %get3A_1955 = tpu.vector_load %arg6[%get3A_1953, %get3A_1954] {strides = array<i32>} : memref<16x256xf32, #tpu.memory_space<vmem>>, vector<16xf32>,
    %add3A_1956 = arith.addf %add3A_1951, %get3A_1955 : vector<16xf32>
    %get3A_1957 = arith.constant 11 : i32
    %get3A_1958 = arith.index_cast %get3A_1957 : i32 to index
    %get3A_1959 = arith.constant 240 : index
    %get3A_1960 = tpu.vector_load %arg6[%get3A_1958, %get3A_1959] {strides = array<i32>} : memref<16x256xf32, #tpu.memory_space<vmem>>, vector<16xf32>,
    %add3A_1961 = arith.addf %add3A_1956, %get3A_1960 : vector<16xf32>
    %get3A_1962 = arith.constant 12 : i32
    %get3A_1963 = arith.index_cast %get3A_1962 : i32 to index
    %get3A_1964 = arith.constant 240 : index
    %get3A_1965 = tpu.vector_load %arg6[%get3A_1963, %get3A_1964] {strides = array<i32>} : memref<16x256xf32, #tpu.memory_space<vmem>>, vector<16xf32>,
    %add3A_1966 = arith.addf %add3A_1961, %get3A_1965 : vector<16xf32>
    %get3A_1967 = arith.constant 13 : i32
    %get3A_1968 = arith.index_cast %get3A_1967 : i32 to index
    %get3A_1969 = arith.constant 240 : index
    %get3A_1970 = tpu.vector_load %arg6[%get3A_1968, %get3A_1969] {strides = array<i32>} : memref<16x256xf32, #tpu.memory_space<vmem>>, vector<16xf32>,
    %add3A_1971 = arith.addf %add3A_1966, %get3A_1970 : vector<16xf32>
    %get3A_1972 = arith.constant 14 : i32
    %get3A_1973 = arith.index_cast %get3A_1972 : i32 to index
    %get3A_1974 = arith.constant 240 : index
    %get3A_1975 = tpu.vector_load %arg6[%get3A_1973, %get3A_1974] {strides = array<i32>} : memref<16x256xf32, #tpu.memory_space<vmem>>, vector<16xf32>,
    %add3A_1976 = arith.addf %add3A_1971, %get3A_1975 : vector<16xf32>
    %get3A_1977 = arith.constant 15 : i32
    %get3A_1978 = arith.index_cast %get3A_1977 : i32 to index
    %get3A_1979 = arith.constant 240 : index
    %get3A_1980 = tpu.vector_load %arg6[%get3A_1978, %get3A_1979] {strides = array<i32>} : memref<16x256xf32, #tpu.memory_space<vmem>>, vector<16xf32>,
    %add3A_1981 = arith.addf %add3A_1976, %get3A_1980 : vector<16xf32>
    %broadcast_in_dim3A_1982 = arith.constant true
    %broadcast_in_dim3A_1983 = vector.broadcast %broadcast_in_dim3A_1982 : i1 to vector<16xi1>
    %masked_cumsum3A_1984 = tpu.scan <sum>, %add3A_1981 masked %broadcast_in_dim3A_1983 : vector<16xf32>, vector<16xi1> -> vector<16xf32>
    %add3A_1985 = vector.broadcast %add3A_1901 : f32 to vector<16xf32>
    %add3A_1986 = arith.addf %masked_cumsum3A_1984, %add3A_1985 : vector<16xf32>
    %le3A_1987 = arith.cmpf ole, %add3A_1986, %sub3A_481 : vector<16xf32>
    %all_reduce_population_count3A_1988 = tpu.all_reduce %le3A_1987 {dim = 0 : i64, kind = #tpu.reduction_kind<sum>} : vector<16xi1> -> vector<16xi32>
    %convert_element_type3A_1989 = arith.sitofp %all_reduce_population_count3A_1988 : vector<16xi32> to vector<16xf32>
    %add3A_1990 = arith.addf %add3A_1896, %convert_element_type3A_1989 : vector<16xf32>
    %reduce_sum3A_1991 = arith.constant true
    %reduce_sum3A_1992 = vector.broadcast %reduce_sum3A_1991 : i1 to vector<16xi1>
    %reduce_sum3A_1993 = tpu.scan <sum>, %add3A_1981 masked %reduce_sum3A_1992 : vector<16xf32>, vector<16xi1> -> vector<16xf32>
    %reduce_sum3A_1994 = vector.extract %reduce_sum3A_1993[15] : f32 from vector<16xf32>
    %add3A_1995 = arith.addf %add3A_1901, %reduce_sum3A_1994 : f32
    %convert_element_type3A_1996 = arith.fptosi %add3A_1990 : vector<16xf32> to vector<16xi32>
    %shift_left3A_1997 = arith.constant 8 : i32
    %shift_left3A_1998 = vector.broadcast %shift_left3A_1997 : i32 to vector<16xi32>
    %shift_left3A_1999 = arith.shli %or3A, %shift_left3A_1998 : vector<16xi32>
    %or3A_2000 = arith.ori %shift_left3A_1999, %convert_element_type3A_1996 : vector<16xi32>
    %shift_right_arithmetic3A = arith.constant 31 : i32
    %shift_right_arithmetic3A_2001 = vector.broadcast %shift_right_arithmetic3A : i32 to vector<16xi32>
    %shift_right_arithmetic3A_2002 = arith.shrsi %or3A_2000, %shift_right_arithmetic3A_2001 : vector<16xi32>
    %and3A_2003 = arith.constant 2147483647 : i32
    %and3A_2004 = vector.broadcast %and3A_2003 : i32 to vector<16xi32>
    %and3A_2005 = arith.andi %shift_right_arithmetic3A_2002, %and3A_2004 : vector<16xi32>
    %xor3A = arith.xori %or3A_2000, %and3A_2005 : vector<16xi32>
    %swap3A_2006 = arith.constant 0 : index
    %swap3A_2007 = tpu.vector_load %arg11[%swap3A_2006] {strides = array<i32>} : memref<16xi32, #tpu.memory_space<vmem>>, vector<16xi32>,
    tpu.vector_store %arg11[%swap3A_2006], %xor3A {strides = array<i32>} : memref<16xi32, #tpu.memory_space<vmem>>, vector<16xi32>,
    %eq3A_2008 = arith.constant 0 : i32
    %eq3A_2009 = arith.cmpi eq, %arg0, %eq3A_2008 : i32
    %eq3A_2010 = arith.constant 0 : i32
    %eq3A_2011 = arith.cmpi eq, %arg1, %eq3A_2010 : i32
    %and3A_2012 = arith.andi %eq3A_2009, %eq3A_2011 : i1
    %convert_element_type3A_2013 = arith.extui %and3A_2012 : i1 to i32
    %cond3A_2014 = arith.constant 0 : i32
    %cond3A_2015 = arith.cmpi ne, %convert_element_type3A_2013, %cond3A_2014 : i32
    scf.if %cond3A_2015 {
      "tpu.region"() ({
        %run_scoped3A = tpu.sem_alloc : memref<!tpu.dma_semaphore, #tpu.memory_space<semaphore_mem>>
        tpu.enqueue_dma source(%arg11 : memref<16xi32, #tpu.memory_space<vmem>>) target(%arg3 : memref<16xi32, #tpu.memory_space<hbm>>) target_semaphore(%run_scoped3A : memref<!tpu.dma_semaphore, #tpu.memory_space<semaphore_mem>>)
        tpu.wait_dma2 semaphore(%run_scoped3A : memref<!tpu.dma_semaphore, #tpu.memory_space<semaphore_mem>>) src(%arg11 : memref<16xi32, #tpu.memory_space<vmem>>) dst(%arg3 : memref<16xi32, #tpu.memory_space<hbm>>)
        tpu.yield
      }) : () -> ()
    } else {
    }
    return
  }
}

module attributes {stable_mosaic.version = 14 : i64} {
  func.func @_tc_body(%arg0: memref<16xf32, #tpu.memory_space<smem>>, %arg1: memref<6144x512xf32, #tpu.memory_space<vmem>>, %arg2: memref<6144x172xf32, #tpu.memory_space<vmem>>) attributes {dimension_semantics = [], scalar_prefetch = 0 : i64, scratch_operands = 0 : i64, tpu.core_type = #tpu.core_type<tc>} {
    %get3A = arith.constant 0 : index
    %get3A_0 = arith.constant 128 : index
    %get3A_1 = vector.load %arg1[%get3A, %get3A_0] : memref<6144x512xf32, #tpu.memory_space<vmem>>, vector<6144x172xf32>
    %reduce_max3A = vector.shape_cast %get3A_1 : vector<6144x172xf32> to vector<1x6144x172xf32>
    %reduce_max3A_2 = arith.constant dense<0xFF800000> : vector<1xf32>
    %reduce_max3A_3 = vector.multi_reduction <maximumf>, %reduce_max3A, %reduce_max3A_2 [1, 2] : vector<1x6144x172xf32> to vector<1xf32>
    %reduce_max3A_4 = vector.shape_cast %reduce_max3A_3 : vector<1xf32> to vector<1x1x1xf32>
    %reduce_max3A_5 = vector.extract %reduce_max3A_4[0, 0, 0] : f32 from vector<1x1x1xf32>
    %get3A_6 = arith.constant 0 : index
    %get3A_7 = memref.load %arg0[%get3A_6] : memref<16xf32, #tpu.memory_space<smem>>
    %max3A = arith.constant 1.000000e-03 : f32
    %max3A_8 = arith.maximumf %get3A_7, %max3A : f32
    %log3A = math.log %max3A_8 : f32
    %mul3A = arith.constant 0.434294492 : f32
    %mul3A_9 = arith.mulf %log3A, %mul3A : f32
    %max3A_10 = arith.maximumf %reduce_max3A_5, %max3A_8 : f32
    %log3A_11 = math.log %max3A_10 : f32
    %mul3A_12 = arith.constant 0.434294492 : f32
    %mul3A_13 = arith.mulf %log3A_11, %mul3A_12 : f32
    %sub3A = arith.subf %mul3A_13, %mul3A_9 : f32
    %div3A = arith.constant 1.000000e+00 : f32
    %div3A_14 = arith.divf %div3A, %sub3A : f32
    %max3A_15 = vector.broadcast %max3A_8 : f32 to vector<6144x172xf32>
    %max3A_16 = arith.maximumf %get3A_1, %max3A_15 : vector<6144x172xf32>
    %log3A_17 = math.log %max3A_16 : vector<6144x172xf32>
    %mul3A_18 = arith.constant 0.434294492 : f32
    %mul3A_19 = vector.broadcast %mul3A_18 : f32 to vector<6144x172xf32>
    %mul3A_20 = arith.mulf %log3A_17, %mul3A_19 : vector<6144x172xf32>
    %sub3A_21 = vector.broadcast %mul3A_9 : f32 to vector<6144x172xf32>
    %sub3A_22 = arith.subf %mul3A_20, %sub3A_21 : vector<6144x172xf32>
    %mul3A_23 = vector.broadcast %div3A_14 : f32 to vector<6144x172xf32>
    %mul3A_24 = arith.mulf %sub3A_22, %mul3A_23 : vector<6144x172xf32>
    %swap3A = arith.constant 0 : index
    %swap3A_25 = arith.constant 0 : index
    %swap3A_26 = vector.load %arg2[%swap3A, %swap3A_25] : memref<6144x172xf32, #tpu.memory_space<vmem>>, vector<6144x172xf32>
    tpu.vector_store %arg2[%swap3A, %swap3A_25], %mul3A_24 {strides = array<i32>} : memref<6144x172xf32, #tpu.memory_space<vmem>>, vector<6144x172xf32>,
    return
  }
}

</mosaic_0001>

<sc_bundles>
// kernel: kernel.4.cloned.1.call-start
scs
__scs_entry_jumppad:
0x0: {  	(pc) =	sbr.rel $0x88, $3  }
0x1: {  	(tag) =	ssettag $0x0;
	lr =	simm.s32 $0x1  }
0x2: {  	[smem:$0x3FA0] =	sst lr;
	_ =	strace $0xD0000000  }
0x3: {  	_ = 	snop  }
0x4: {  	_ = 	snop  }
0x5: {  	_ = 	snop  }
0x6: {  	_ = 	snop  }
0x7: {  	_ = 	snop  }
__scs_overlays_trampoline_lowered:
0x8: {  	[smem:$0x3FAF] =	sst s0  }
0x9: {  	[smem:$0x3FB0] =	sst s1  }
0xa: {  	[smem:$0x3FB1] =	sst s2  }
0xb: {  	[smem:$0x3FB2] =	sst s3  }
0xc: {  	[smem:$0x3FB3] =	sst s4  }
0xd: {  	[smem:$0x3FB4] =	sst s5  }
0xe: {  	[smem:$0x3FB5] =	sst s6  }
0xf: {  	[smem:$0x3FB6] =	sst s7  }
0x10: {  	[smem:$0x3FB7] =	sst s8  }
0x11: {  	[smem:$0x3FB8] =	sst s9;
	s0 =	simm.s32 @!p0 $0x0  }
0x12: {  	s1 =	sld [smem:$0x3F9E];
	s0 =	simm.s32 @p0 $0x1  }
0x13: {  	[smem:$0x3FB9] =	sst s0;
	s0 =	simm.s32 @!p1 $0x0  }
0x14: {  	s2 =	sld [smem:$0x3F9D];
	s0 =	simm.s32 @p1 $0x1  }
0x15: {  	[smem:$0x3FBA] =	sst s0;
	s0 =	simm.s32 @!p2 $0x0  }
0x16: {  	s3 =	sld [smem:$0x3FDB];
	s0 =	simm.s32 @p2 $0x1  }
0x17: {  	s4 =	simm.s32 $0x1BF5;
	[smem:$0x3FBC] =	sst s0  }
0x18: {  	s0 =	sld [smem:$0x3F9F];
	_ =	swait.ge [sflag:s4], $0x0  }
0x19: {  	s7 =	sld [smem:$0x3FA0]  }
0x1a: {  	s8 =	sadd.s32 $0xFFFFE003, lr  }
0x1b: {  	s9 =	sadd.s32 $0xFFFFFEF7, lr;
	s5 =	simm.s32 $0xFFFFFFFF;
	p2 =	slt.u32 s8, $0xFFFFF086  }
0x1c: {  	p1 =	slt.u32 s9, $0xF7A;
	s5 =	simm.s32 @!p2 $0x0  }
0x1d: {  	s5 =	simm.s32 @p1 $0x1;
	p0 =	seq.s32 s7, s2  }
0x1e: {  	s7 =	smul.u32 @!p0 $0xF7A, s2;
	p2 =	seq.s32 @!p0 s5, $0x0  }
0x1f: {  	s9 =	smul.u32 $0xF7A, s1;
	s8 =	simm.s32 @!p0 $0x1BF5;
	p2 =	por !p2, p0  }
0x20: {  	[sflag:s8] =	ssyncset.s32 @!p0 $0xFFFFF086;
	s6 =	sadd.s32 @!p0 s3, s7;
	s7 =	simm.s32 @!p0 $0x108  }
0x21: {  	s3 =	sadd.s32 s3, s9;
	s6 =	sadd.s32 @!p0 $0x88, s6;
	s7 =	simm.s32 @p2 $0x1082  }
0x22: {  	[simem:s7], [sflag:s8] =	dma.local @!p0 [hbm:s6], $0xF7A  }
0x23: {  	s9 =	sor.u32 $0xD0000000, s2;
	s6 =	simm.s32 $0x108;
	_ =	swait.ge @!p0 [sflag:s8], $0x0  }
0x24: {  	s3 =	sadd.s32 $0x88, s3;
	s6 =	simm.s32 @!p1 $0x1082;
	[sflag:s4] =	ssyncset.s32 $0xFFFFF086  }
0x25: {  	[simem:s6], [sflag:s4] =	dma.local [hbm:s3], $0xF7A  }
0x26: {  	[smem:$0x3FA0] =	sst s1;
	(tag) =	ssettag s2;
	_ =	strace s9  }
0x27: {  	s1 =	sld [smem:$0x3FB0]  }
0x28: {  	s2 =	sld [smem:$0x3FB1]  }
0x29: {  	s4 =	sld [smem:$0x3FB3]  }
0x2a: {  	p0 =	seq.s32 s5, $0x0;
	s5 =	sld [smem:$0x3FB4]  }
0x2b: {  	s6 =	sld [smem:$0x3FB5]  }
0x2c: {  	s7 =	sld [smem:$0x3FB6]  }
0x2d: {  	s3 =	simm.s32 $0x108;
	s8 =	sld [smem:$0x3FB7]  }
0x2e: {  	s3 =	simm.s32 @!p0 $0x1082;
	s9 =	sld [smem:$0x3FB8]  }
0x2f: {  	lr =	sadd.s32 s0, s3;
	s0 =	sld [smem:$0x3FAF]  }
0x30: {  	s3 =	sld [smem:$0x3FB2]  }
0x31: {  	[smem:$0x3FBB] =	sst s10  }
0x32: {  	s10 =	sld [smem:$0x3FB9];
	_ =	sdelay $0x3  }
0x33: {  	p0 =	seq.s32 s10, $0x1;
	s10 =	sld [smem:$0x3FBB];
	_ =	sdelay $0x3  }
0x34: {  	[smem:$0x3FBB] =	sst s10  }
0x35: {  	s10 =	sld [smem:$0x3FBA];
	_ =	sdelay $0x3  }
0x36: {  	p1 =	seq.s32 s10, $0x1;
	s10 =	sld [smem:$0x3FBB];
	_ =	sdelay $0x3  }
0x37: {  	[smem:$0x3FBB] =	sst s10  }
0x38: {  	s10 =	sld [smem:$0x3FBC]  }
0x39: {  	_ = 	snop;
	(pc) =	sbr.ind lr, $3  }
0x3a: {  	_ = 	snop  }
0x3b: {  	_ = 	snop  }
0x3c: {  	p2 =	seq.s32 s10, $0x1;
	s10 =	sld [smem:$0x3FBB]  }
0x3d: {  	_ =	shalt  }
0x3e: {  	_ =	shalt  }
0x3f: {  	_ =	shalt  }
0x40: {  	_ =	shalt  }
0x41: {  	_ =	shalt  }
0x42: {  	_ =	shalt  }
0x43: {  	_ =	shalt  }
0x44: {  	_ =	shalt  }
0x45: {  	_ =	shalt  }
0x46: {  	_ =	shalt  }
0x47: {  	_ =	shalt  }
0x48: {  	_ =	shalt  }
0x49: {  	_ =	shalt  }
0x4a: {  	_ =	shalt  }
0x4b: {  	_ =	shalt  }
0x4c: {  	_ =	shalt  }
0x4d: {  	_ =	shalt  }
0x4e: {  	_ =	shalt  }
0x4f: {  	_ =	shalt  }
0x50: {  	_ =	shalt  }
0x51: {  	_ =	shalt  }
0x52: {  	_ =	shalt  }
0x53: {  	_ =	shalt  }
0x54: {  	_ =	shalt  }
0x55: {  	_ =	shalt  }
0x56: {  	_ =	shalt  }
0x57: {  	_ =	shalt  }
0x58: {  	_ =	shalt  }
0x59: {  	_ =	shalt  }
0x5a: {  	_ =	shalt  }
0x5b: {  	_ =	shalt  }
0x5c: {  	_ =	shalt  }
0x5d: {  	_ =	shalt  }
0x5e: {  	_ =	shalt  }
0x5f: {  	_ =	shalt  }
0x60: {  	_ =	shalt  }
0x61: {  	_ =	shalt  }
0x62: {  	_ =	shalt  }
0x63: {  	_ =	shalt  }
0x64: {  	_ =	shalt  }
0x65: {  	_ =	shalt  }
0x66: {  	_ =	shalt  }
0x67: {  	_ =	shalt  }
0x68: {  	_ =	shalt  }
0x69: {  	_ =	shalt  }
0x6a: {  	_ =	shalt  }
0x6b: {  	_ =	shalt  }
0x6c: {  	_ =	shalt  }
0x6d: {  	_ =	shalt  }
0x6e: {  	_ =	shalt  }
0x6f: {  	_ =	shalt  }
0x70: {  	_ =	shalt  }
0x71: {  	_ =	shalt  }
0x72: {  	_ =	shalt  }
0x73: {  	_ =	shalt  }
0x74: {  	_ =	shalt  }
0x75: {  	_ =	shalt  }
0x76: {  	_ =	shalt  }
0x77: {  	_ =	shalt  }
0x78: {  	_ =	shalt  }
0x79: {  	_ =	shalt  }
0x7a: {  	_ =	shalt  }
0x7b: {  	_ =	shalt  }
0x7c: {  	_ =	shalt  }
0x7d: {  	_ =	shalt  }
0x7e: {  	_ =	shalt  }
0x7f: {  	_ =	shalt  }
0x80: {  	_ =	shalt  }
0x81: {  	_ =	shalt  }
0x82: {  	_ =	shalt  }
0x83: {  	_ =	shalt  }
0x84: {  	_ =	shalt  }
0x85: {  	_ =	shalt  }
0x86: {  	_ =	shalt  }
0x87: {  	_ =	shalt  }
.Lfunc_end0:
.L_simem_size_0:
called_computation_lowered:
.L_overlay_start_0:
0x88: {  	s0 =	sld [smem:$0x3FD9]  }
0x89: {  	s1 =	sld [smem:$0x3FFE];
	_ =	sdelay $0x3  }
0x8a: {  	s0 =	sadd.s32 s1, s0  }
0x8b: {  	[smem:$0x3FC7] =	sst s0  }
0x8c: {  	_ = 	snop  }
0x8d: {  	s0 =	sld [smem:$0x3FD0];
	(tm) =	ssettm $0x1  }
0x8e: {  	s16 =	sld [smem:$0x3FFB];
	_ =	sdelay $0x3  }
0x8f: {  	_ =	strace s16  }
0x90: {  	s1 =	sld [smem:$0x3FFC];
	_ =	sdelay $0x3  }
0x91: {  	_ =	strace s1  }
0x92: {  	s1 =	sld [smem:$0x3FFD];
	_ =	sdelay $0x3  }
0x93: {  	_ =	strace s1  }
0x94: {  	_ =	strace $0x8FFFFFFF  }
0x95: {  	s17 =	sld [smem:$0x3FDB];
	_ =	sdelay $0x1  }
0x96: {  	s2 =	simm.s32 $_scs_section_size  }
0x97: {  	s3 =	simm.s32 $_size__tile_overlayer_lowered;
	s4 =	simm.s32 $_tile_overlayer_lowered  }
0x98: {  	s20 =	simm.s32 $0x1BFF;
	s19 =	sshll.u32 s4, $0x1;
	s1 =	sadd.s32 s2, s17  }
0x99: {  	s5 =	simm.s32 $0x0;
	s18 =	sshll.u32 s3, $0x1;
	s3 =	sadd.s32 s19, s1  }
0x9a: {  	[timem:s5], [sflag:s20] =	dma.local [hbm:s3], s18  }
0x9b: {  	_ =	swait.ge [sflag:s20], s18  }
0x9c: {  	s2 =	ssub.s32 $0x0, s18;
	[sflag:s20] =	ssyncset.done $0x0  }
0x9d: {  	[sflag:s20] =	ssyncadd.s32 s2;
	_ =	sdelay $0x1  }
0x9e: {  	s21 =	simm.s32 $0x1B8B  }
0x9f: {  	_ =	swait.ge [sflag:s21], $0x1  }
0xa0: {  	[sflag:s21] =	ssyncset.done $0x0  }
0xa1: {  	s23 =	simm.s32 $0x1B8E;
	s22 =	sld [smem:$0x3FFE];
	[sflag:s21] =	ssyncadd.s32 $0xFFFFFFFF  }
0xa2: {  	s24 =	simm.s32 $execute0_lowered;
	[smem:$0x3FD2] =	sst s23  }
0xa3: {  	s3 =	sshll.u32 s24, $0x1;
	_ =	strace $0x80000046;
	[dreg:$0x1] =	wrdreg $0xFFFFFFFF  }
0xa4: {  	s25 =	simm.s32 $_size_execute0_lowered;
	s1 =	sadd.s32 s1, s3;
	[dreg:$0x0] =	wrdreg $0x0  }
0xa5: {  	s3 =	sshll.u32 s25, $0x1;
	[dreg:$0x2] =	wrdreg s1  }
0xa6: {  	[dreg:$0x3] =	wrdreg s3  }
0xa7: {  	[dreg:$0x4] =	wrdreg $0xC0  }
0xa8: {  	_ =	task [dreg:s5], $0x5FFFF  }
0xa9: {  	[dreg:$0x1] =	wrdreg $0xFFFFFFFF  }
0xaa: {  	[dreg:$0x0] =	wrdreg $0x60  }
0xab: {  	[dreg:$0x2] =	wrdreg s22  }
0xac: {  	[dreg:$0x3] =	wrdreg s0  }
0xad: {  	[dreg:$0x4] =	wrdreg $0x1BB000  }
0xae: {  	[dreg:$0x5] =	wrdreg $0x1AB000  }
0xaf: {  	[dreg:$0x6] =	wrdreg $0x1BB800  }
0xb0: {  	[dreg:$0x7] =	wrdreg $0x9  }
0xb1: {  	_ =	task.clear_ibuf [dreg:s5], $0x8FFFF;
	_ =	strace $0x90000046  }
0xb2: {  	s26 =	simm.s32 $0x9;
	_ =	strace $0x80000048  }
0xb3: {  	_ =	swait.ge [sflag:s26], $0x1  }
0xb4: {  	[sflag:s26] =	ssyncadd.s32 $0xFFFFFFFF  }
0xb5: {  	_ =	strace $0x90000048  }
0xb6: {  	_ =	sfence  }
0xb7: {  	s28 =	sld [smem:$0x0];
	_ =	sdelay $0x1  }
0xb8: {  	s29 =	srdreg.scid  }
0xb9: {  	s30 =	sshll.u32 s29, $0xD;
	s31 =	sshrl.u32 s29, $0x2  }
0xba: {  	s2 =	sand.u32 $0x4000, s30;
	s1 =	sand.u32 $0x1, s29;
	s0 =	sadd.s32 s31, s28  }
0xbb: {  	s1 =	sor.u32 s2, s1;
	s0 =	sshll.u32 s0, $0x11  }
0xbc: {  	s0 =	sor.u32 s0, s1  }
0xbd: {  	s0 =	sadd.s32 $0x8F2B, s0  }
0xbe: {  	[sflag:s0] =	ssyncadd.remote.s32 $0x1  }
0xbf: {  	_ =	sfence.sel $0xFFFF  }
0xc0: {  	[dreg:$0x0] =	wrdreg $0xFFFFFFFF;
	(pc) =	sbr.abs _section_cstart, $3  }
0xc1: {  	[dreg:$0x1] =	wrdreg $0xFFFFFFFF  }
0xc2: {  	_ =	task.clear_ibuf [dreg:s5], $0x2FFFF;
	_ =	strace $0x9FFFFFFF  }
0xc3: {  	(tm) =	ssettm $0x7FFFFFFF  }
tec
execute0_lowered:
.L_overlay_start_1:
0x0: {  	(tag) =	ssettag $0x1  }
0x1: {  	s6 =	rddreg [dreg:$0x0]  }
0x2: {  	s1 =	rddreg [dreg:$0x1]  }
0x3: {  	s5 =	rddreg [dreg:$0x2]  }
0x4: {  	s3 =	rddreg [dreg:$0x3];
	s2 =	stileid.u32  }
0x5: {  	s4 =	rddreg [dreg:$0x4];
	s8 =	smul.u32 $0x6000, s2  }
0x6: {  	s0 =	rddreg [dreg:$0x5];
	s7 =	simm.s32 $0x0;
	s26 =	simm.s32 $0x800  }
0x7: {  	s9 =	simm.s32 $0x1000;
	[smem:$0x7FF] =	sst s7;
	s6 =	sadd.s32 s8, s6  }
0x8: {  	s28 =	simm.s32 $0x1;
	_ =	strace $0x80000047;
	s6 =	sadd.s32 $0x1080, s6  }
0x9: {  	[tilespmem:s7], [sflag:$0x1] =	stream.strided.gather [hbm4b:s6+s26], $0x18000, s9, s26, $0x38;
	[tilespmem:$0x1BB90] =	vst v63  }
0xa: {  	_ =	swait.ge [sflag:s28], $0x18000  }
0xb: {  	s29 =	sand.u32 $0x1F800, s7;
	s7 =	sand.u32 $0x300, s7;
	[sflag:s28] =	ssyncset.done $0x0  }
0xc: {  	s7 =	sor.u32 s7, s29;
	[sflag:s28] =	ssyncadd.s32 $0xFFFE8000  }
0xd: {  	v0 =	vld [tilespmem:s7+$0x90]  }
0xe: {  	v1 =	vld [tilespmem:s7+$0x80]  }
0xf: {  	v3 =	vld [tilespmem:s7+$0x0]  }
0x10: {  	v5 =	vld [tilespmem:s7+$0xB0]  }
0x11: {  	v4 =	vld [tilespmem:s7+$0x420]  }
0x12: {  	v2 =	vld [tilespmem:s7+$0x410]  }
0x13: {  	v6 =	vld [tilespmem:s7+$0x30]  }
0x14: {  	v7 =	vld [tilespmem:s7+$0x400]  }
0x15: {  	v10 =	vld [tilespmem:s7+$0x70]  }
0x16: {  	v11 =	vld [tilespmem:s7+$0xE0]  }
0x17: {  	v12 =	vld [tilespmem:s7+$0x480]  }
0x18: {  	v14 =	vld [tilespmem:s7+$0x40]  }
0x19: {  	v13 =	vld [tilespmem:s7+$0xF0]  }
0x1a: {  	v8 =	vld [tilespmem:s7+$0x60]  }
0x1b: {  	v15 =	vld [tilespmem:s7+$0x50];
	v9 =	vshra.s32 v7, $0x1F  }
0x1c: {  	v16 =	vld [tilespmem:s7+$0x10];
	v17 =	vshra.s32 v0, $0x1F;
	v18 =	vshra.s32 v2, $0x1F;
	v20 =	vshra.s32 v4, $0x1F  }
0x1d: {  	v19 =	vld [tilespmem:s7+$0xC0];
	v21 =	vshra.s32 v1, $0x1F;
	v24 =	vshra.s32 v6, $0x1F;
	v61 =	vshra.s32 v14, $0x1F  }
0x1e: {  	s30 =	simm.s32 $0x100;
	s31 =	simm.s32 $0x200;
	v22 =	vld [tilespmem:s7+$0x20];
	v26 =	vshra.s32 v3, $0x1F;
	v9 =	vand.u32 $0x7FFFFFFF, v9;
	v18 =	vand.u32 $0x7FFFFFFF, v18  }
0x1f: {  	s8 =	sand.u32 $0x1F800, s31;
	s6 =	sand.u32 $0x300, s30;
	v23 =	vld [tilespmem:s7+$0x4A0];
	v21 =	vand.u32 $0x7FFFFFFF, v21;
	v20 =	vand.u32 $0x7FFFFFFF, v20;
	v17 =	vand.u32 $0x7FFFFFFF, v17  }
0x20: {  	s6 =	sor.u32 s6, s8;
	v27 =	vld [tilespmem:s7+$0xD0];
	v26 =	vand.u32 $0x7FFFFFFF, v26;
	v2 =	vxor.u32 v2, v18;
	v18 =	vshra.s32 v12, $0x1F  }
0x21: {  	v63 =	vld [tilespmem:s6+$0x400];
	v1 =	vxor.u32 v1, v21;
	v7 =	vxor.u32 v7, v9;
	v17 =	vxor.u32 v0, v17  }
0x22: {  	v25 =	vld [tilespmem:s7+$0xA0];
	v0 =	vshra.s32 v16, $0x1F;
	v9 =	vand.u32 $0x7FFFFFFF, v24;
	v24 =	vand.u32 $0x7FFFFFFF, v61;
	[tilespmem:s7+$0x80] =	vst v1  }
0x23: {  	v28 =	vld [tilespmem:s6+$0x90];
	v20 =	vxor.u32 v4, v20;
	v3 =	vxor.u32 v3, v26;
	v1 =	vxor.u32 v6, v9;
	[tilespmem:s7+$0x410] =	vst v2  }
0x24: {  	v29 =	vld [tilespmem:s6+$0x80];
	v6 =	vshra.s32 v15, $0x1F;
	v0 =	vand.u32 $0x7FFFFFFF, v0;
	v2 =	vshra.s32 v19, $0x1F;
	[tilespmem:s7+$0x400] =	vst v7  }
0x25: {  	v30 =	vld [tilespmem:s6+$0x410];
	v9 =	vshra.s32 v22, $0x1F;
	v7 =	vshra.s32 v27, $0x1F;
	[tilespmem:s7+$0x0] =	vst v3;
	v3 =	vxor.u32 v14, v24  }
0x26: {  	v21 =	vld [tilespmem:s7+$0x490];
	v14 =	vshra.s32 v13, $0x1F;
	[tilespmem:s7+$0x90] =	vst v17;
	v17 =	vshra.s32 v63, $0x1F;
	v0 =	vxor.u32 v16, v0  }
0x27: {  	v4 =	vld [tilespmem:s6+$0x420];
	[tilespmem:s7+$0x30] =	vst v1;
	v1 =	vand.u32 $0x7FFFFFFF, v2;
	v9 =	vand.u32 $0x7FFFFFFF, v9;
	v7 =	vand.u32 $0x7FFFFFFF, v7  }
0x28: {  	v2 =	vld [tilespmem:s6+$0x0];
	v62 =	vand.u32 $0x7FFFFFFF, v6;
	[tilespmem:s7+$0x40] =	vst v3;
	v3 =	vshra.s32 v8, $0x1F;
	v14 =	vand.u32 $0x7FFFFFFF, v14  }
0x29: {  	v6 =	vld [tilespmem:s6+$0x70];
	[tilespmem:s7+$0x10] =	vst v0;
	v0 =	vshra.s32 v5, $0x1F;
	v16 =	vxor.u32 v19, v1;
	v19 =	vshra.s32 v23, $0x1F  }
0x2a: {  	[tilespmem:s7+$0x420] =	vst v20;
	v1 =	vld [tilespmem:s6+$0xB0];
	v22 =	vxor.u32 v22, v9;
	v3 =	vand.u32 $0x7FFFFFFF, v3;
	v0 =	vand.u32 $0x7FFFFFFF, v0  }
0x2b: {  	v9 =	vld [tilespmem:s6+$0x30];
	[tilespmem:s7+$0xC0] =	vst v16;
	v31 =	vxor.u32 v8, v3;
	v3 =	vxor.u32 v27, v7;
	v7 =	vand.u32 $0x7FFFFFFF, v19  }
0x2c: {  	v8 =	vld [tilespmem:s6+$0x480];
	v19 =	vshra.s32 v30, $0x1F;
	v16 =	vshra.s32 v21, $0x1F;
	v0 =	vxor.u32 v5, v0;
	[tilespmem:s7+$0xD0] =	vst v3  }
0x2d: {  	v5 =	vshra.s32 v10, $0x1F;
	v3 =	vxor.u32 v13, v14;
	v14 =	vxor.u32 v23, v7;
	v7 =	vld [tilespmem:s6+$0xF0];
	[tilespmem:s7+$0xB0] =	vst v0  }
0x2e: {  	v5 =	vand.u32 $0x7FFFFFFF, v5;
	v0 =	vld [tilespmem:s6+$0xE0];
	v13 =	vand.u32 $0x7FFFFFFF, v16;
	[tilespmem:s7+$0xF0] =	vst v3;
	v3 =	vand.u32 $0x7FFFFFFF, v18  }
0x2f: {  	v16 =	vshra.s32 v28, $0x1F;
	v18 =	vshra.s32 v25, $0x1F;
	[tilespmem:s7+$0x4A0] =	vst v14;
	v14 =	vld [tilespmem:s6+$0x20];
	v10 =	vxor.u32 v10, v5  }
0x30: {  	v13 =	vxor.u32 v21, v13;
	v5 =	vld [tilespmem:s6+$0x60];
	v12 =	vxor.u32 v12, v3;
	v21 =	vand.u32 $0x7FFFFFFF, v17;
	[tilespmem:s7+$0x70] =	vst v10  }
0x31: {  	v17 =	vld [tilespmem:s6+$0x10];
	v23 =	vand.u32 $0x7FFFFFFF, v18;
	v16 =	vand.u32 $0x7FFFFFFF, v16;
	v10 =	vshra.s32 v11, $0x1F;
	[tilespmem:s7+$0x480] =	vst v12  }
0x32: {  	v12 =	vld [tilespmem:s6+$0x40];
	[tilespmem:s7+$0x490] =	vst v13;
	v13 =	vshra.s32 v29, $0x1F;
	v23 =	vxor.u32 v25, v23;
	v10 =	vand.u32 $0x7FFFFFFF, v10  }
0x33: {  	[tilespmem:s7+$0x20] =	vst v22;
	v3 =	vld [tilespmem:s6+$0x50];
	v21 =	vxor.u32 v63, v21;
	v16 =	vxor.u32 v28, v16;
	v11 =	vxor.u32 v11, v10  }
0x34: {  	v18 =	vld [tilespmem:s6+$0xC0];
	v10 =	vand.u32 $0x7FFFFFFF, v19;
	v19 =	vshra.s32 v4, $0x1F;
	[tilespmem:s7+$0xE0] =	vst v11;
	v11 =	vand.u32 $0x7FFFFFFF, v13  }
0x35: {  	s10 =	simm.s32 $0x400;
	[tilespmem:s7+$0x60] =	vst v31;
	v20 =	vxor.u32 v30, v10;
	v13 =	vxor.u32 v15, v62;
	v22 =	vxor.u32 v29, v11;
	v11 =	vld [tilespmem:s6+$0x4A0]  }
0x36: {  	s9 =	simm.s32 $0x200;
	s8 =	simm.s32 $0x2;
	v10 =	vshra.s32 v8, $0x1F;
	v19 =	vand.u32 $0x7FFFFFFF, v19;
	v15 =	vshra.s32 v9, $0x1F;
	[tilespmem:s7+$0x50] =	vst v13;
	v13 =	vld [tilespmem:s6+$0x490]  }
.LBB2_1:
0x37: {  	s11 =	sand.u32 $0x1F800, s10;
	s12 =	sand.u32 $0x300, s9;
	s8 =	sadd.s32 $0x2, s8;
	v24 =	vshra.s32 v17, $0x1F;
	v25 =	vand.u32 $0x7FFFFFFF, v15;
	v26 =	vshra.s32 v12, $0x1F;
	v15 =	vld [tilespmem:s6+$0xA0];
	[tilespmem:s7+$0xA0] =	vst v23  }
0x38: {  	v23 =	vshra.s32 v2, $0x1F;
	s7 =	smov.u32 s6;
	p0 =	slt.u32 s8, $0x17E;
	v9 =	vxor.u32 v9, v25;
	v25 =	vshra.s32 v3, $0x1F;
	[tilespmem:s6+$0x80] =	vst v22;
	v22 =	vld [tilespmem:s6+$0xD0];
	s6 =	sor.u32 s12, s11  }
0x39: {  	v24 =	vand.u32 $0x7FFFFFFF, v24;
	v26 =	vand.u32 $0x7FFFFFFF, v26;
	v27 =	vld [tilespmem:s6+$0x90];
	[tilespmem:s7+$0x410] =	vst v20;
	v20 =	vshra.s32 v18, $0x1F  }
0x3a: {  	v17 =	vxor.u32 v17, v24;
	v24 =	vshra.s32 v14, $0x1F;
	v28 =	vld [tilespmem:s6+$0x80];
	[tilespmem:s7+$0x30] =	vst v9;
	v9 =	vand.u32 $0x7FFFFFFF, v20  }
0x3b: {  	v20 =	vld [tilespmem:s6+$0x0];
	[tilespmem:s7+$0x10] =	vst v17;
	v17 =	vshra.s32 v1, $0x1F;
	v9 =	vxor.u32 v18, v9;
	v18 =	vshra.s32 v11, $0x1F  }
0x3c: {  	v19 =	vxor.u32 v4, v19;
	v24 =	vand.u32 $0x7FFFFFFF, v24;
	v30 =	vshra.s32 v13, $0x1F;
	v29 =	vld [tilespmem:s6+$0xB0];
	[tilespmem:s7+$0xC0] =	vst v9  }
0x3d: {  	v9 =	vand.u32 $0x7FFFFFFF, v23;
	v23 =	vxor.u32 v14, v24;
	v4 =	vld [tilespmem:s6+$0x420];
	[tilespmem:s7+$0x400] =	vst v21;
	v14 =	vshra.s32 v22, $0x1F  }
0x3e: {  	v17 =	vand.u32 $0x7FFFFFFF, v17;
	v32 =	vxor.u32 v2, v9;
	v21 =	vld [tilespmem:s6+$0x410];
	[tilespmem:s7+$0x420] =	vst v19;
	v14 =	vand.u32 $0x7FFFFFFF, v14  }
0x3f: {  	v26 =	vxor.u32 v12, v26;
	v24 =	vand.u32 $0x7FFFFFFF, v25;
	v31 =	vxor.u32 v1, v17;
	v9 =	vld [tilespmem:s6+$0x30];
	[tilespmem:s7+$0x0] =	vst v32  }
0x40: {  	v12 =	vshra.s32 v5, $0x1F;
	v17 =	vshra.s32 v6, $0x1F;
	v19 =	vshra.s32 v7, $0x1F;
	v25 =	vld [tilespmem:s6+$0x400];
	[tilespmem:s7+$0x40] =	vst v26;
	v2 =	vmovc v20  }
0x41: {  	v12 =	vand.u32 $0x7FFFFFFF, v12;
	v17 =	vand.u32 $0x7FFFFFFF, v17;
	v19 =	vand.u32 $0x7FFFFFFF, v19;
	v20 =	vld [tilespmem:s6+$0x70];
	[tilespmem:s7+$0xB0] =	vst v31;
	v1 =	vmovc v29  }
0x42: {  	v29 =	vxor.u32 v5, v12;
	v5 =	vxor.u32 v22, v14;
	v12 =	vand.u32 $0x7FFFFFFF, v18;
	v26 =	vld [tilespmem:s6+$0xE0];
	[tilespmem:s7+$0x90] =	vst v16  }
0x43: {  	v16 =	vand.u32 $0x7FFFFFFF, v30;
	v11 =	vxor.u32 v11, v12;
	v14 =	vld [tilespmem:s6+$0x480];
	[tilespmem:s7+$0xD0] =	vst v5;
	v5 =	vxor.u32 v7, v19  }
0x44: {  	v10 =	vand.u32 $0x7FFFFFFF, v10;
	v19 =	vxor.u32 v6, v17;
	v13 =	vxor.u32 v13, v16;
	v7 =	vld [tilespmem:s6+$0xF0];
	[tilespmem:s7+$0xF0] =	vst v5  }
0x45: {  	v8 =	vxor.u32 v8, v10;
	v12 =	vshra.s32 v0, $0x1F;
	v16 =	vshra.s32 v27, $0x1F;
	v5 =	vld [tilespmem:s6+$0x60];
	[tilespmem:s7+$0x70] =	vst v19  }
0x46: {  	v18 =	vshra.s32 v15, $0x1F;
	v17 =	vand.u32 $0x7FFFFFFF, v12;
	v10 =	vshra.s32 v25, $0x1F;
	v30 =	vld [tilespmem:s6+$0x50];
	[tilespmem:s7+$0x480] =	vst v8;
	v6 =	vmovc v20  }
0x47: {  	v19 =	vxor.u32 v0, v17;
	v31 =	vand.u32 $0x7FFFFFFF, v10;
	v20 =	vshra.s32 v21, $0x1F;
	v12 =	vld [tilespmem:s6+$0x40];
	[tilespmem:s7+$0x4A0] =	vst v11;
	v0 =	vmovc v26  }
.Ltmp0:
0x48: {  	v10 =	vand.u32 $0x7FFFFFFF, v20;
	v11 =	vshra.s32 v4, $0x1F;
	v26 =	vand.u32 $0x7FFFFFFF, v18;
	v17 =	vld [tilespmem:s6+$0x10];
	[tilespmem:s7+$0x490] =	vst v13;
	v8 =	vmovc v14;
	(pc) =	sbr.rel @p0 .LBB2_1-.Ltmp0, $4  }
0x49: {  	v20 =	vxor.u32 v21, v10;
	v13 =	vshra.s32 v28, $0x1F;
	v18 =	vld [tilespmem:s6+$0xC0];
	v10 =	vshra.s32 v8, $0x1F;
	[tilespmem:s7+$0xE0] =	vst v19  }
0x4a: {  	v21 =	vxor.u32 v3, v24;
	v19 =	vand.u32 $0x7FFFFFFF, v11;
	v11 =	vand.u32 $0x7FFFFFFF, v13;
	v14 =	vld [tilespmem:s6+$0x20];
	[tilespmem:s7+$0x20] =	vst v23  }
0x4b: {  	v13 =	vand.u32 $0x7FFFFFFF, v16;
	v22 =	vxor.u32 v28, v11;
	v23 =	vxor.u32 v15, v26;
	v11 =	vld [tilespmem:s6+$0x4A0];
	[tilespmem:s7+$0x50] =	vst v21;
	v3 =	vmovc v30  }
0x4c: {  	s9 =	sadd.s32 $0x100, s9;
	s10 =	sadd.s32 $0x200, s10;
	v15 =	vshra.s32 v9, $0x1F;
	v16 =	vxor.u32 v27, v13;
	v21 =	vxor.u32 v25, v31;
	v13 =	vld [tilespmem:s6+$0x490];
	[tilespmem:s7+$0x60] =	vst v29  }
0x4d: {  	[tilespmem:s7+$0xA0] =	vst v23  }
0x4e: {  	[tilespmem:s6+$0x80] =	vst v22  }
0x4f: {  	[tilespmem:s6+$0x410] =	vst v20  }
0x50: {  	[tilespmem:s6+$0x400] =	vst v21  }
0x51: {  	v47 =	vshra.s32 v17, $0x1F;
	v15 =	vand.u32 $0x7FFFFFFF, v15;
	v4 =	vxor.u32 v4, v19;
	[tilespmem:s6+$0x90] =	vst v16  }
0x52: {  	v54 =	vshra.s32 v1, $0x1F;
	v9 =	vxor.u32 v9, v15;
	v48 =	vand.u32 $0x7FFFFFFF, v47;
	[tilespmem:s6+$0x420] =	vst v4  }
0x53: {  	v51 =	vld [tilespmem:s6+$0xD0];
	v49 =	vshra.s32 v18, $0x1F;
	v55 =	vand.u32 $0x7FFFFFFF, v54;
	v15 =	vxor.u32 v17, v48;
	[tilespmem:s6+$0x30] =	vst v9  }
0x54: {  	v52 =	vshra.s32 v2, $0x1F;
	v50 =	vand.u32 $0x7FFFFFFF, v49;
	v1 =	vxor.u32 v1, v55;
	[tilespmem:s6+$0x10] =	vst v15  }
0x55: {  	v53 =	vshra.s32 v12, $0x1F;
	v9 =	vxor.u32 v18, v50;
	v15 =	vand.u32 $0x7FFFFFFF, v52;
	[tilespmem:s6+$0xB0] =	vst v1  }
0x56: {  	v1 =	vshra.s32 v6, $0x1F;
	[tilespmem:s6+$0xC0] =	vst v9;
	v9 =	vand.u32 $0x7FFFFFFF, v53;
	v2 =	vxor.u32 v2, v15  }
0x57: {  	v60 =	vshra.s32 v0, $0x1F;
	v1 =	vand.u32 $0x7FFFFFFF, v1;
	[tilespmem:s6+$0x0] =	vst v2;
	v2 =	vxor.u32 v12, v9  }
0x58: {  	v56 =	vshra.s32 v51, $0x1F;
	v1 =	vxor.u32 v6, v1;
	v6 =	vand.u32 $0x7FFFFFFF, v60;
	[tilespmem:s6+$0x40] =	vst v2  }
0x59: {  	v57 =	vshra.s32 v7, $0x1F;
	v2 =	vand.u32 $0x7FFFFFFF, v56;
	[tilespmem:s6+$0x70] =	vst v1;
	v0 =	vxor.u32 v0, v6  }
0x5a: {  	v62 =	vshra.s32 v5, $0x1F;
	v4 =	vand.u32 $0x7FFFFFFF, v57;
	v2 =	vxor.u32 v51, v2;
	[tilespmem:s6+$0xE0] =	vst v0  }
0x5b: {  	v24 =	vld [tilespmem:s6+$0xA0];
	v0 =	vand.u32 $0x7FFFFFFF, v62;
	[tilespmem:s6+$0xD0] =	vst v2;
	v2 =	vxor.u32 v7, v4  }
0x5c: {  	v58 =	vshra.s32 v11, $0x1F;
	v0 =	vxor.u32 v5, v0;
	[tilespmem:s6+$0xF0] =	vst v2;
	v2 =	vand.u32 $0x7FFFFFFF, v10  }
0x5d: {  	v59 =	vshra.s32 v13, $0x1F;
	v4 =	vand.u32 $0x7FFFFFFF, v58;
	[tilespmem:s6+$0x60] =	vst v0;
	v1 =	vxor.u32 v8, v2  }
0x5e: {  	v4 =	vxor.u32 v11, v4;
	v2 =	vand.u32 $0x7FFFFFFF, v59;
	[tilespmem:s6+$0x480] =	vst v1;
	v1 =	vshra.s32 v14, $0x1F  }
0x5f: {  	v61 =	vshra.s32 v3, $0x1F;
	[tilespmem:s6+$0x4A0] =	vst v4;
	v2 =	vxor.u32 v13, v2;
	v1 =	vand.u32 $0x7FFFFFFF, v1  }
0x60: {  	v63 =	vshra.s32 v24, $0x1F;
	[tilespmem:s6+$0x490] =	vst v2;
	v2 =	vand.u32 $0x7FFFFFFF, v61;
	v1 =	vxor.u32 v14, v1  }
0x61: {  	[tilespmem:s6+$0x20] =	vst v1;
	v1 =	vxor.u32 v3, v2;
	v2 =	vand.u32 $0x7FFFFFFF, v63  }
0x62: {  	[tilespmem:s6+$0x50] =	vst v1;
	v1 =	vxor.u32 v24, v2  }
0x63: {  	v0 =	vimm.f32 $0.0e+00;
	[tilespmem:s6+$0xA0] =	vst v1;
	s6 =	simm.s32 $0x18040  }
0x64: {  	[tilespmem:s6+$0xFFFFFFC0] =	vst v0  }
0x65: {  	[tilespmem:s6+$0x30] =	vst v0  }
0x66: {  	[tilespmem:s6+$0x20] =	vst v0  }
0x67: {  	[tilespmem:s6+$0x10] =	vst v0  }
0x68: {  	[tilespmem:s6+$0x0] =	vst v0  }
0x69: {  	[tilespmem:s6+$0xFFFFFFF0] =	vst v0  }
0x6a: {  	s7 =	simm.s32 $0x0;
	[tilespmem:s6+$0xFFFFFFE0] =	vst v0  }
.LBB2_3:
0x6b: {  	s7 =	sadd.s32 $0x8, s7;
	[tilespmem:s6+$0xFFFFFFD0] =	vst v0;
	s6 =	sadd.s32 $0x80, s6  }
0x6c: {  	[tilespmem:s6+$0xFFFFFFC0] =	vst v0;
	p0 =	slt.u32 s7, $0xF8  }
0x6d: {  	[tilespmem:s6+$0x30] =	vst v0  }
.Ltmp1:
0x6e: {  	[tilespmem:s6+$0x20] =	vst v0;
	(pc) =	sbr.rel @p0 .LBB2_3-.Ltmp1, $4  }
0x6f: {  	[tilespmem:s6+$0x10] =	vst v0  }
0x70: {  	[tilespmem:s6+$0x0] =	vst v0  }
0x71: {  	[tilespmem:s6+$0xFFFFFFF0] =	vst v0  }
0x72: {  	[tilespmem:s6+$0xFFFFFFE0] =	vst v0  }
0x73: {  	s7 =	simm.s32 $0x0  }
0x74: {  	s8 =	sand.u32 $0x1F800, s7;
	s7 =	sand.u32 $0x300, s7  }
0x75: {  	[tilespmem:s6+$0xFFFFFFD0] =	vst v0;
	s9 =	sor.u32 s7, s8  }
0x76: {  	v0 =	vld [tilespmem:s9+$0x80];
	_ =	sdelay $0x1  }
0x77: {  	v1 =	vld [tilespmem:s9+$0x0];
	_ =	sdelay $0x2  }
0x78: {  	v0 =	vshra.s32 v0, $0x14  }
0x79: {  	v2 =	vadd.s32 $0x800, v0  }
0x7a: {  	v0 =	vshra.s32 v1, $0x14  }
0x7b: {  	v1 =	vadd.s32 $0x800, v0;
	_ =	sdelay $0x1  }
0x7c: {  	s7 =	simm.s32 $0x18000;
	v0 =	vimm.f32 $1.000000000e+00  }
0x7d: {  	[tilespmem:v2+s7+$0x0] =	vst.idx.add.f32.msk $0xffff, v0  }
0x7e: {  	v2 =	vld [tilespmem:s9+$0x90]  }
0x7f: {  	[tilespmem:v1+s7+$0x0] =	vst.idx.add.f32.msk $0xffff, v0  }
0x80: {  	v1 =	vld [tilespmem:s9+$0x10];
	_ =	sdelay $0x2  }
0x81: {  	v2 =	vshra.s32 v2, $0x14  }
0x82: {  	v2 =	vadd.s32 $0x800, v2  }
0x83: {  	v1 =	vshra.s32 v1, $0x14  }
0x84: {  	v1 =	vadd.s32 $0x800, v1;
	_ =	sdelay $0x2  }
0x85: {  	[tilespmem:v2+s7+$0x0] =	vst.idx.add.f32.msk $0xffff, v0  }
0x86: {  	v2 =	vld [tilespmem:s9+$0xA0]  }
0x87: {  	[tilespmem:v1+s7+$0x0] =	vst.idx.add.f32.msk $0xffff, v0  }
0x88: {  	v1 =	vld [tilespmem:s9+$0x20];
	_ =	sdelay $0x2  }
0x89: {  	v2 =	vshra.s32 v2, $0x14  }
0x8a: {  	v2 =	vadd.s32 $0x800, v2  }
0x8b: {  	v1 =	vshra.s32 v1, $0x14  }
0x8c: {  	v1 =	vadd.s32 $0x800, v1;
	_ =	sdelay $0x2  }
0x8d: {  	[tilespmem:v2+s7+$0x0] =	vst.idx.add.f32.msk $0xffff, v0  }
0x8e: {  	v2 =	vld [tilespmem:s9+$0xB0]  }
0x8f: {  	s29 =	simm.s32 $0x100;
	s30 =	simm.s32 $0x200;
	[tilespmem:v1+s7+$0x0] =	vst.idx.add.f32.msk $0xffff, v0  }
0x90: {  	s6 =	sand.u32 $0x300, s29;
	s8 =	sand.u32 $0x1F800, s30;
	v1 =	vld [tilespmem:s9+$0x30]  }
0x91: {  	s6 =	sor.u32 s6, s8  }
0x92: {  	v4 =	vld [tilespmem:s6+$0x0]  }
0x93: {  	v2 =	vshra.s32 v2, $0x14  }
0x94: {  	v2 =	vadd.s32 $0x800, v2  }
0x95: {  	v3 =	vld [tilespmem:s6+$0x80];
	v1 =	vshra.s32 v1, $0x14  }
0x96: {  	v1 =	vadd.s32 $0x800, v1  }
0x97: {  	v4 =	vshra.s32 v4, $0x14  }
0x98: {  	v4 =	vadd.s32 $0x800, v4  }
0x99: {  	[tilespmem:v2+s7+$0x0] =	vst.idx.add.f32.msk $0xffff, v0  }
0x9a: {  	v3 =	vshra.s32 v3, $0x14;
	v2 =	vld [tilespmem:s9+$0xC0]  }
0x9b: {  	[tilespmem:v1+s7+$0x0] =	vst.idx.add.f32.msk $0xffff, v0;
	v1 =	vadd.s32 $0x800, v3  }
0x9c: {  	v3 =	vld [tilespmem:s9+$0x40]  }
0x9d: {  	[tilespmem:v4+s7+$0x0] =	vst.idx.add.f32.msk $0xffff, v0  }
0x9e: {  	v4 =	vld [tilespmem:s6+$0x10]  }
0x9f: {  	v2 =	vshra.s32 v2, $0x14  }
0xa0: {  	[tilespmem:v1+s7+$0x0] =	vst.idx.add.f32.msk $0xffff, v0;
	v2 =	vadd.s32 $0x800, v2  }
0xa1: {  	v1 =	vshra.s32 v3, $0x14;
	v3 =	vld [tilespmem:s6+$0x90]  }
0xa2: {  	v1 =	vadd.s32 $0x800, v1  }
0xa3: {  	v4 =	vshra.s32 v4, $0x14  }
0xa4: {  	v4 =	vadd.s32 $0x800, v4  }
0xa5: {  	[tilespmem:v2+s7+$0x0] =	vst.idx.add.f32.msk $0xffff, v0  }
0xa6: {  	v3 =	vshra.s32 v3, $0x14;
	v2 =	vld [tilespmem:s9+$0xD0]  }
0xa7: {  	[tilespmem:v1+s7+$0x0] =	vst.idx.add.f32.msk $0xffff, v0;
	v1 =	vadd.s32 $0x800, v3  }
0xa8: {  	v3 =	vld [tilespmem:s9+$0x50]  }
0xa9: {  	[tilespmem:v4+s7+$0x0] =	vst.idx.add.f32.msk $0xffff, v0  }
0xaa: {  	v4 =	vld [tilespmem:s6+$0x20]  }
0xab: {  	v2 =	vshra.s32 v2, $0x14  }
0xac: {  	[tilespmem:v1+s7+$0x0] =	vst.idx.add.f32.msk $0xffff, v0;
	v2 =	vadd.s32 $0x800, v2  }
0xad: {  	v1 =	vshra.s32 v3, $0x14;
	v3 =	vld [tilespmem:s6+$0xA0]  }
0xae: {  	v1 =	vadd.s32 $0x800, v1  }
0xaf: {  	v4 =	vshra.s32 v4, $0x14  }
0xb0: {  	v4 =	vadd.s32 $0x800, v4  }
0xb1: {  	[tilespmem:v2+s7+$0x0] =	vst.idx.add.f32.msk $0xffff, v0  }
0xb2: {  	v3 =	vshra.s32 v3, $0x14;
	v2 =	vld [tilespmem:s9+$0xE0]  }
0xb3: {  	[tilespmem:v1+s7+$0x0] =	vst.idx.add.f32.msk $0xffff, v0;
	v1 =	vadd.s32 $0x800, v3  }
0xb4: {  	v3 =	vld [tilespmem:s9+$0x60]  }
0xb5: {  	[tilespmem:v4+s7+$0x0] =	vst.idx.add.f32.msk $0xffff, v0  }
0xb6: {  	v4 =	vld [tilespmem:s6+$0x30]  }
0xb7: {  	v2 =	vshra.s32 v2, $0x14  }
0xb8: {  	[tilespmem:v1+s7+$0x0] =	vst.idx.add.f32.msk $0xffff, v0;
	v2 =	vadd.s32 $0x800, v2  }
0xb9: {  	s31 =	simm.s32 $0x200;
	s10 =	simm.s32 $0x400;
	v1 =	vshra.s32 v3, $0x14;
	v3 =	vld [tilespmem:s6+$0xB0]  }
0xba: {  	s10 =	sand.u32 $0x1F800, s10;
	s8 =	sand.u32 $0x300, s31;
	v1 =	vadd.s32 $0x800, v1  }
0xbb: {  	s8 =	sor.u32 s8, s10;
	v4 =	vshra.s32 v4, $0x14  }
0xbc: {  	v5 =	vld [tilespmem:s8+$0x80];
	v4 =	vadd.s32 $0x800, v4  }
0xbd: {  	[tilespmem:v2+s7+$0x0] =	vst.idx.add.f32.msk $0xffff, v0  }
0xbe: {  	v3 =	vshra.s32 v3, $0x14;
	v2 =	vld [tilespmem:s9+$0xF0]  }
0xbf: {  	[tilespmem:v1+s7+$0x0] =	vst.idx.add.f32.msk $0xffff, v0;
	v1 =	vadd.s32 $0x800, v3  }
0xc0: {  	v3 =	vld [tilespmem:s9+$0x70]  }
0xc1: {  	v5 =	vshra.s32 v5, $0x14;
	[tilespmem:v4+s7+$0x0] =	vst.idx.add.f32.msk $0xffff, v0  }
0xc2: {  	v4 =	vadd.s32 $0x800, v5;
	v5 =	vld [tilespmem:s6+$0x40]  }
0xc3: {  	v6 =	vld [tilespmem:s8+$0x0];
	v2 =	vshra.s32 v2, $0x14  }
0xc4: {  	[tilespmem:v1+s7+$0x0] =	vst.idx.add.f32.msk $0xffff, v0;
	v2 =	vadd.s32 $0x800, v2  }
0xc5: {  	v1 =	vshra.s32 v3, $0x14;
	v3 =	vld [tilespmem:s6+$0xC0]  }
0xc6: {  	v1 =	vadd.s32 $0x800, v1  }
0xc7: {  	[tilespmem:v4+s7+$0x0] =	vst.idx.add.f32.msk $0xffff, v0;
	v4 =	vshra.s32 v5, $0x14  }
0xc8: {  	v6 =	vshra.s32 v6, $0x14;
	v5 =	vld [tilespmem:s8+$0x90];
	v4 =	vadd.s32 $0x800, v4  }
0xc9: {  	[tilespmem:v2+s7+$0x0] =	vst.idx.add.f32.msk $0xffff, v0;
	v2 =	vadd.s32 $0x800, v6  }
0xca: {  	v3 =	vshra.s32 v3, $0x14;
	v6 =	vld [tilespmem:s9+$0x480]  }
0xcb: {  	[tilespmem:v1+s7+$0x0] =	vst.idx.add.f32.msk $0xffff, v0;
	v1 =	vadd.s32 $0x800, v3  }
0xcc: {  	v3 =	vld [tilespmem:s9+$0x400]  }
0xcd: {  	[tilespmem:v4+s7+$0x0] =	vst.idx.add.f32.msk $0xffff, v0  }
0xce: {  	v5 =	vshra.s32 v5, $0x14;
	[tilespmem:v2+s7+$0x0] =	vst.idx.add.f32.msk $0xffff, v0  }
0xcf: {  	v4 =	vadd.s32 $0x800, v5;
	v2 =	vshra.s32 v6, $0x14;
	v6 =	vld [tilespmem:s8+$0x10]  }
0xd0: {  	[tilespmem:v1+s7+$0x0] =	vst.idx.add.f32.msk $0xffff, v0;
	v2 =	vadd.s32 $0x800, v2  }
0xd1: {  	v1 =	vshra.s32 v3, $0x14;
	v3 =	vld [tilespmem:s6+$0xD0]  }
0xd2: {  	v1 =	vadd.s32 $0x800, v1  }
0xd3: {  	v5 =	vld [tilespmem:s6+$0x50]  }
0xd4: {  	[tilespmem:v4+s7+$0x0] =	vst.idx.add.f32.msk $0xffff, v0;
	v6 =	vshra.s32 v6, $0x14  }
0xd5: {  	[tilespmem:v2+s7+$0x0] =	vst.idx.add.f32.msk $0xffff, v0;
	v2 =	vadd.s32 $0x800, v6  }
0xd6: {  	v3 =	vshra.s32 v3, $0x14;
	v6 =	vld [tilespmem:s9+$0x490]  }
0xd7: {  	[tilespmem:v1+s7+$0x0] =	vst.idx.add.f32.msk $0xffff, v0;
	v1 =	vadd.s32 $0x800, v3  }
0xd8: {  	v3 =	vld [tilespmem:s9+$0x410]  }
0xd9: {  	v4 =	vshra.s32 v5, $0x14;
	v5 =	vld [tilespmem:s8+$0xA0]  }
0xda: {  	v4 =	vadd.s32 $0x800, v4;
	[tilespmem:v2+s7+$0x0] =	vst.idx.add.f32.msk $0xffff, v0  }
0xdb: {  	v2 =	vshra.s32 v6, $0x14;
	v6 =	vld [tilespmem:s8+$0x20]  }
0xdc: {  	[tilespmem:v1+s7+$0x0] =	vst.idx.add.f32.msk $0xffff, v0;
	v2 =	vadd.s32 $0x800, v2  }
0xdd: {  	v1 =	vshra.s32 v3, $0x14;
	v3 =	vld [tilespmem:s6+$0xE0]  }
0xde: {  	v5 =	vshra.s32 v5, $0x14;
	v1 =	vadd.s32 $0x800, v1  }
0xdf: {  	[tilespmem:v4+s7+$0x0] =	vst.idx.add.f32.msk $0xffff, v0;
	v4 =	vadd.s32 $0x800, v5  }
0xe0: {  	v5 =	vld [tilespmem:s6+$0x60]  }
0xe1: {  	v6 =	vshra.s32 v6, $0x14;
	[tilespmem:v2+s7+$0x0] =	vst.idx.add.f32.msk $0xffff, v0  }
0xe2: {  	v2 =	vadd.s32 $0x800, v6;
	v3 =	vshra.s32 v3, $0x14;
	v6 =	vld [tilespmem:s9+$0x4A0]  }
0xe3: {  	[tilespmem:v1+s7+$0x0] =	vst.idx.add.f32.msk $0xffff, v0;
	v1 =	vadd.s32 $0x800, v3  }
0xe4: {  	[tilespmem:v4+s7+$0x0] =	vst.idx.add.f32.msk $0xffff, v0  }
0xe5: {  	v4 =	vshra.s32 v5, $0x14;
	v5 =	vld [tilespmem:s8+$0xB0]  }
0xe6: {  	v3 =	vld [tilespmem:s9+$0x420]  }
0xe7: {  	v7 =	vadd.s32 $0x800, v4;
	[tilespmem:v2+s7+$0x0] =	vst.idx.add.f32.msk $0xffff, v0  }
0xe8: {  	[tilespmem:v1+s7+$0x0] =	vst.idx.add.f32.msk $0xffff, v0;
	v1 =	vshra.s32 v6, $0x14  }
0xe9: {  	v4 =	vld [tilespmem:s8+$0x30];
	v2 =	vadd.s32 $0x800, v1;
	_ =	sdelay $0x1  }
0xea: {  	v6 =	vshra.s32 v3, $0x14;
	v3 =	vld [tilespmem:s6+$0xF0]  }
0xeb: {  	s11 =	simm.s32 $0x600;
	s10 =	simm.s32 $0x300;
	v5 =	vshra.s32 v5, $0x14;
	[tilespmem:v7+s7+$0x0] =	vst.idx.add.f32.msk $0xffff, v0;
	s9 =	simm.s32 $0x4;
	v1 =	vadd.s32 $0x800, v6  }
.LBB2_5:
0xec: {  	s12 =	sand.u32 $0x1F800, s11;
	s13 =	sand.u32 $0x300, s10;
	s9 =	sadd.s32 $0x2, s9;
	v5 =	vadd.s32 $0x800, v5;
	v6 =	vld [tilespmem:s6+$0x70]  }
0xed: {  	s12 =	sor.u32 s13, s12;
	p0 =	slt.u32 s9, $0x17E;
	v4 =	vshra.s32 v4, $0x14;
	[tilespmem:v2+s7+$0x0] =	vst.idx.add.f32.msk $0xfff, v0  }
0xee: {  	v2 =	vld [tilespmem:s12+$0x80];
	v4 =	vadd.s32 $0x800, v4  }
0xef: {  	v7 =	vld [tilespmem:s12+$0x0];
	v3 =	vshra.s32 v3, $0x14  }
0xf0: {  	v3 =	vadd.s32 $0x800, v3;
	[tilespmem:v1+s7+$0x0] =	vst.idx.add.f32.msk $0xfff, v0  }
0xf1: {  	[tilespmem:v5+s7+$0x0] =	vst.idx.add.f32.msk $0xffff, v0;
	v1 =	vshra.s32 v6, $0x14  }
0xf2: {  	v5 =	vld [tilespmem:s8+$0xC0];
	v1 =	vadd.s32 $0x800, v1  }
0xf3: {  	v2 =	vshra.s32 v2, $0x14;
	[tilespmem:v4+s7+$0x0] =	vst.idx.add.f32.msk $0xffff, v0  }
0xf4: {  	v4 =	vshra.s32 v7, $0x14;
	v2 =	vadd.s32 $0x800, v2;
	v6 =	vld [tilespmem:s8+$0x40]  }
0xf5: {  	v4 =	vadd.s32 $0x800, v4;
	[tilespmem:v3+s7+$0x0] =	vst.idx.add.f32.msk $0xffff, v0  }
0xf6: {  	v3 =	vld [tilespmem:s6+$0x480]  }
0xf7: {  	v5 =	vshra.s32 v5, $0x14;
	[tilespmem:v1+s7+$0x0] =	vst.idx.add.f32.msk $0xffff, v0  }
0xf8: {  	v1 =	vadd.s32 $0x800, v5;
	v5 =	vld [tilespmem:s6+$0x400]  }
0xf9: {  	[tilespmem:v2+s7+$0x0] =	vst.idx.add.f32.msk $0xffff, v0;
	v2 =	vshra.s32 v6, $0x14  }
0xfa: {  	v6 =	vld [tilespmem:s12+$0x90];
	v2 =	vadd.s32 $0x800, v2  }
0xfb: {  	[tilespmem:v4+s7+$0x0] =	vst.idx.add.f32.msk $0xffff, v0;
	v3 =	vshra.s32 v3, $0x14  }
0xfc: {  	v4 =	vld [tilespmem:s12+$0x10];
	v3 =	vadd.s32 $0x800, v3  }
0xfd: {  	[tilespmem:v1+s7+$0x0] =	vst.idx.add.f32.msk $0xffff, v0;
	v1 =	vshra.s32 v5, $0x14  }
0xfe: {  	v5 =	vld [tilespmem:s8+$0xD0];
	v1 =	vadd.s32 $0x800, v1  }
0xff: {  	v6 =	vshra.s32 v6, $0x14;
	[tilespmem:v2+s7+$0x0] =	vst.idx.add.f32.msk $0xffff, v0  }
0x100: {  	v2 =	vadd.s32 $0x800, v6;
	v6 =	vld [tilespmem:s8+$0x50]  }
0x101: {  	v4 =	vshra.s32 v4, $0x14;
	[tilespmem:v3+s7+$0x0] =	vst.idx.add.f32.msk $0xffff, v0  }
0x102: {  	v3 =	vadd.s32 $0x800, v4;
	v4 =	vld [tilespmem:s6+$0x490]  }
0x103: {  	v5 =	vshra.s32 v5, $0x14;
	[tilespmem:v1+s7+$0x0] =	vst.idx.add.f32.msk $0xffff, v0  }
0x104: {  	v1 =	vadd.s32 $0x800, v5;
	v5 =	vld [tilespmem:s6+$0x410]  }
0x105: {  	[tilespmem:v2+s7+$0x0] =	vst.idx.add.f32.msk $0xffff, v0;
	v2 =	vshra.s32 v6, $0x14  }
0x106: {  	v6 =	vld [tilespmem:s12+$0xA0];
	v2 =	vadd.s32 $0x800, v2  }
0x107: {  	[tilespmem:v3+s7+$0x0] =	vst.idx.add.f32.msk $0xffff, v0;
	v3 =	vshra.s32 v4, $0x14  }
0x108: {  	v4 =	vld [tilespmem:s12+$0x20];
	v3 =	vadd.s32 $0x800, v3  }
0x109: {  	[tilespmem:v1+s7+$0x0] =	vst.idx.add.f32.msk $0xffff, v0;
	v1 =	vshra.s32 v5, $0x14  }
0x10a: {  	v5 =	vld [tilespmem:s8+$0xE0];
	v1 =	vadd.s32 $0x800, v1  }
0x10b: {  	v6 =	vshra.s32 v6, $0x14;
	[tilespmem:v2+s7+$0x0] =	vst.idx.add.f32.msk $0xffff, v0  }
0x10c: {  	v2 =	vadd.s32 $0x800, v6;
	v6 =	vld [tilespmem:s8+$0x60]  }
0x10d: {  	v4 =	vshra.s32 v4, $0x14;
	[tilespmem:v3+s7+$0x0] =	vst.idx.add.f32.msk $0xffff, v0  }
0x10e: {  	v3 =	vadd.s32 $0x800, v4;
	v4 =	vld [tilespmem:s6+$0x4A0]  }
0x10f: {  	v5 =	vshra.s32 v5, $0x14;
	[tilespmem:v1+s7+$0x0] =	vst.idx.add.f32.msk $0xffff, v0  }
0x110: {  	v1 =	vadd.s32 $0x800, v5;
	v5 =	vld [tilespmem:s6+$0x420];
	s6 =	smov.u32 s8;
	s8 =	smov.u32 s12  }
0x111: {  	[tilespmem:v2+s7+$0x0] =	vst.idx.add.f32.msk $0xffff, v0;
	v2 =	vshra.s32 v6, $0x14  }
0x112: {  	v6 =	vld [tilespmem:s8+$0xB0];
	v7 =	vadd.s32 $0x800, v2  }
.Ltmp2:
0x113: {  	[tilespmem:v3+s7+$0x0] =	vst.idx.add.f32.msk $0xffff, v0;
	v2 =	vshra.s32 v4, $0x14;
	(pc) =	sbr.rel @p0 .LBB2_5-.Ltmp2, $4  }
0x114: {  	v4 =	vld [tilespmem:s8+$0x30];
	v2 =	vadd.s32 $0x800, v2  }
0x115: {  	[tilespmem:v1+s7+$0x0] =	vst.idx.add.f32.msk $0xffff, v0;
	v1 =	vshra.s32 v5, $0x14  }
0x116: {  	v3 =	vld [tilespmem:s6+$0xF0];
	v1 =	vadd.s32 $0x800, v1  }
0x117: {  	s10 =	sadd.s32 $0x100, s10;
	s11 =	sadd.s32 $0x200, s11;
	v5 =	vshra.s32 v6, $0x14;
	[tilespmem:v7+s7+$0x0] =	vst.idx.add.f32.msk $0xffff, v0  }
0x118: {  	v5 =	vadd.s32 $0x800, v5  }
0x119: {  	v4 =	vshra.s32 v4, $0x14  }
0x11a: {  	v4 =	vadd.s32 $0x800, v4;
	_ =	sdelay $0x2  }
0x11b: {  	[tilespmem:v5+s7+$0x0] =	vst.idx.add.f32.msk $0xffff, v0  }
0x11c: {  	v5 =	vld [tilespmem:s8+$0xC0]  }
0x11d: {  	[tilespmem:v4+s7+$0x0] =	vst.idx.add.f32.msk $0xffff, v0  }
0x11e: {  	v4 =	vld [tilespmem:s8+$0x40];
	_ =	sdelay $0x2  }
0x11f: {  	v5 =	vshra.s32 v5, $0x14  }
0x120: {  	v5 =	vadd.s32 $0x800, v5  }
0x121: {  	v4 =	vshra.s32 v4, $0x14  }
0x122: {  	v4 =	vadd.s32 $0x800, v4;
	_ =	sdelay $0x2  }
0x123: {  	[tilespmem:v5+s7+$0x0] =	vst.idx.add.f32.msk $0xffff, v0  }
0x124: {  	v5 =	vld [tilespmem:s8+$0xD0]  }
0x125: {  	[tilespmem:v4+s7+$0x0] =	vst.idx.add.f32.msk $0xffff, v0  }
0x126: {  	v4 =	vld [tilespmem:s8+$0x50];
	_ =	sdelay $0x2  }
0x127: {  	v5 =	vshra.s32 v5, $0x14  }
0x128: {  	v5 =	vadd.s32 $0x800, v5  }
0x129: {  	v4 =	vshra.s32 v4, $0x14  }
0x12a: {  	v4 =	vadd.s32 $0x800, v4;
	_ =	sdelay $0x2  }
0x12b: {  	[tilespmem:v5+s7+$0x0] =	vst.idx.add.f32.msk $0xffff, v0  }
0x12c: {  	v5 =	vld [tilespmem:s8+$0xE0]  }
0x12d: {  	[tilespmem:v4+s7+$0x0] =	vst.idx.add.f32.msk $0xffff, v0  }
0x12e: {  	v4 =	vld [tilespmem:s8+$0x60];
	_ =	sdelay $0x2  }
0x12f: {  	v5 =	vshra.s32 v5, $0x14  }
0x130: {  	v5 =	vadd.s32 $0x800, v5  }
0x131: {  	v6 =	vld [tilespmem:s6+$0x70];
	v4 =	vshra.s32 v4, $0x14  }
0x132: {  	v4 =	vadd.s32 $0x800, v4;
	_ =	sdelay $0x2  }
0x133: {  	v3 =	vshra.s32 v3, $0x14;
	[tilespmem:v5+s7+$0x0] =	vst.idx.add.f32.msk $0xffff, v0  }
0x134: {  	v3 =	vadd.s32 $0x800, v3;
	v6 =	vshra.s32 v6, $0x14;
	v5 =	vld [tilespmem:s8+$0xF0]  }
0x135: {  	v6 =	vadd.s32 $0x800, v6;
	[tilespmem:v4+s7+$0x0] =	vst.idx.add.f32.msk $0xffff, v0  }
0x136: {  	v4 =	vld [tilespmem:s8+$0x70];
	_ =	sdelay $0x2  }
0x137: {  	[tilespmem:v3+s7+$0x0] =	vst.idx.add.f32.msk $0xffff, v0;
	v5 =	vshra.s32 v5, $0x14  }
0x138: {  	[tilespmem:v6+s7+$0x0] =	vst.idx.add.f32.msk $0xffff, v0;
	v5 =	vadd.s32 $0x800, v5  }
0x139: {  	v6 =	vld [tilespmem:s6+$0x400];
	v3 =	vshra.s32 v4, $0x14  }
0x13a: {  	v4 =	vld [tilespmem:s6+$0x480];
	v3 =	vadd.s32 $0x800, v3;
	_ =	sdelay $0x2  }
0x13b: {  	[tilespmem:v5+s7+$0x0] =	vst.idx.add.f32.msk $0xffff, v0  }
0x13c: {  	v6 =	vshra.s32 v6, $0x14;
	v5 =	vld [tilespmem:s8+$0x480]  }
0x13d: {  	v6 =	vadd.s32 $0x800, v6;
	v4 =	vshra.s32 v4, $0x14;
	[tilespmem:v3+s7+$0x0] =	vst.idx.add.f32.msk $0xffff, v0  }
0x13e: {  	v3 =	vadd.s32 $0x800, v4;
	v4 =	vld [tilespmem:s8+$0x400];
	_ =	sdelay $0x2  }
0x13f: {  	v5 =	vshra.s32 v5, $0x14  }
0x140: {  	[tilespmem:v6+s7+$0x0] =	vst.idx.add.f32.msk $0xffff, v0;
	v5 =	vadd.s32 $0x800, v5  }
0x141: {  	[tilespmem:v3+s7+$0x0] =	vst.idx.add.f32.msk $0xffff, v0;
	v3 =	vshra.s32 v4, $0x14  }
0x142: {  	v4 =	vld [tilespmem:s6+$0x490];
	v3 =	vadd.s32 $0x800, v3  }
0x143: {  	v6 =	vld [tilespmem:s6+$0x410];
	_ =	sdelay $0x1  }
0x144: {  	[tilespmem:v5+s7+$0x0] =	vst.idx.add.f32.msk $0xffff, v0  }
0x145: {  	v5 =	vld [tilespmem:s8+$0x490]  }
0x146: {  	v4 =	vshra.s32 v4, $0x14;
	[tilespmem:v3+s7+$0x0] =	vst.idx.add.f32.msk $0xffff, v0  }
0x147: {  	v6 =	vshra.s32 v6, $0x14;
	v3 =	vadd.s32 $0x800, v4;
	v4 =	vld [tilespmem:s8+$0x410]  }
0x148: {  	v6 =	vadd.s32 $0x800, v6;
	_ =	sdelay $0x1  }
0x149: {  	v5 =	vshra.s32 v5, $0x14  }
0x14a: {  	v5 =	vadd.s32 $0x800, v5  }
0x14b: {  	[tilespmem:v3+s7+$0x0] =	vst.idx.add.f32.msk $0xffff, v0;
	v3 =	vshra.s32 v4, $0x14  }
0x14c: {  	[tilespmem:v6+s7+$0x0] =	vst.idx.add.f32.msk $0xffff, v0;
	v3 =	vadd.s32 $0x800, v3  }
0x14d: {  	v6 =	vld [tilespmem:s6+$0x420]  }
0x14e: {  	v4 =	vld [tilespmem:s6+$0x4A0]  }
0x14f: {  	[tilespmem:v5+s7+$0x0] =	vst.idx.add.f32.msk $0xffff, v0  }
0x150: {  	v5 =	vld [tilespmem:s8+$0x4A0]  }
0x151: {  	[tilespmem:v3+s7+$0x0] =	vst.idx.add.f32.msk $0xffff, v0  }
0x152: {  	v3 =	vld [tilespmem:s8+$0x420];
	_ =	sdelay $0x1  }
0x153: {  	v6 =	vshra.s32 v6, $0x14  }
0x154: {  	v6 =	vadd.s32 $0x800, v6;
	v4 =	vshra.s32 v4, $0x14  }
0x155: {  	v4 =	vadd.s32 $0x800, v4;
	v5 =	vshra.s32 v5, $0x14  }
0x156: {  	v5 =	vadd.s32 $0x800, v5;
	v3 =	vshra.s32 v3, $0x14  }
0x157: {  	[tilespmem:v2+s7+$0x0] =	vst.idx.add.f32.msk $0xfff, v0;
	v2 =	vadd.s32 $0x800, v3  }
0x158: {  	[tilespmem:v1+s7+$0x0] =	vst.idx.add.f32.msk $0xfff, v0  }
0x159: {  	s14 =	sshll.u32 s2, $0xC;
	[tilespmem:v6+s7+$0x0] =	vst.idx.add.f32.msk $0xfff, v0  }
0x15a: {  	s15 =	simm.s32 $0x80;
	s6 =	sand.u32 $0x8000, s14;
	s8 =	sshll.u32 s2, $0x7;
	[tilespmem:v4+s7+$0x0] =	vst.idx.add.f32.msk $0xfff, v0  }
0x15b: {  	s16 =	simm.s32 $0x400;
	s6 =	sadd.s32 s6, s3;
	s9 =	sand.u32 $0x380, s8;
	[tilespmem:v5+s7+$0x0] =	vst.idx.add.f32.msk $0xfff, v0  }
0x15c: {  	s10 =	simm.s32 $0x18000;
	s17 =	simm.s32 $0x1;
	s6 =	sadd.s32 s9, s6;
	[tilespmem:v2+s7+$0x0] =	vst.idx.add.f32.msk $0xfff, v0  }
0x15d: {  	[spmem:s6] =	stream.strided.scatter [tilespmem:s10], [sflag:$0x1], $0x1000, s16, s15, $0x38;
	[tilespmem:$0x1BB90] =	vst v63  }
0x15e: {  	_ =	swait.ge [sflag:s17], $0x1000  }
0x15f: {  	s18 =	sshll.u32 s2, $0xB;
	s19 =	simm.s32 $0x800;
	[sflag:s17] =	ssyncset.done $0x0  }
0x160: {  	s11 =	simm.s32 $0x8000;
	s12 =	simm.s32 $0x19000;
	[sflag:s17] =	ssyncadd.s32 $0xFFFFF000  }
0x161: {  	s7 =	sadd.s32 s18, s3;
	s15 =	simm.s32 $0x0;
	[bflag:$0x0] =	sbarrier.arrive $0xFFFF  }
0x162: {  	[tilespmem:s12], [sflag:$0x1] =	stream.strided.gather [spmem:s7], $0x1000, s11, s19, $0x38;
	[tilespmem:$0x1BB90] =	vst v63  }
0x163: {  	s10 =	sand.u32 $0x60, s15;
	s11 =	sand.u32 $0x400, s15;
	_ =	swait.ge [sflag:s17], $0x1000  }
0x164: {  	s14 =	sor.u32 $0x10, s10;
	s20 =	sor.u32 $0x19000, s11;
	[sflag:s17] =	ssyncset.done $0x0  }
0x165: {  	s21 =	sor.u32 s14, s20;
	[sflag:s17] =	ssyncadd.s32 $0xFFFFF000  }
0x166: {  	s12 =	sor.u32 s10, s20;
	v0 =	vld [tilespmem:s21+$0x0]  }
0x167: {  	v1 =	vld [tilespmem:s12+$0x0]  }
0x168: {  	v2 =	vld [tilespmem:s21+$0x80]  }
0x169: {  	v3 =	vld [tilespmem:s12+$0x80]  }
0x16a: {  	v4 =	vld [tilespmem:s21+$0x100]  }
0x16b: {  	v5 =	vld [tilespmem:s12+$0x100]  }
0x16c: {  	v6 =	vld [tilespmem:s21+$0x180]  }
0x16d: {  	v7 =	vld [tilespmem:s12+$0x180]  }
0x16e: {  	v8 =	vld [tilespmem:s21+$0x200]  }
0x16f: {  	v9 =	vld [tilespmem:s12+$0x200]  }
0x170: {  	v10 =	vld [tilespmem:s21+$0x280]  }
0x171: {  	v11 =	vld [tilespmem:s12+$0x280]  }
0x172: {  	v12 =	vld [tilespmem:s21+$0x300]  }
0x173: {  	v13 =	vld [tilespmem:s12+$0x300]  }
0x174: {  	s13 =	sor.u32 $0x19800, s11;
	v14 =	vld [tilespmem:s21+$0x380]  }
0x175: {  	s22 =	sor.u32 s14, s13;
	v15 =	vld [tilespmem:s12+$0x380]  }
0x176: {  	s24 =	sor.u32 $0x19880, s11;
	s23 =	sor.u32 s10, s13;
	v16 =	vld [tilespmem:s22+$0x0]  }
0x177: {  	s25 =	sor.u32 s14, s24;
	v17 =	vld [tilespmem:s23+$0x0]  }
0x178: {  	s28 =	sor.u32 $0x19900, s11;
	s26 =	sor.u32 s10, s24;
	v18 =	vld [tilespmem:s25+$0x0]  }
0x179: {  	s29 =	sor.u32 s14, s28;
	v19 =	vld [tilespmem:s26+$0x0]  }
0x17a: {  	s31 =	sor.u32 $0x19980, s11;
	s30 =	sor.u32 s10, s28;
	v20 =	vld [tilespmem:s29+$0x0]  }
0x17b: {  	s16 =	sor.u32 s10, s31;
	s20 =	sor.u32 $0x19A80, s11;
	v21 =	vld [tilespmem:s30+$0x0]  }
0x17c: {  	s13 =	sor.u32 s10, s20;
	v23 =	vld [tilespmem:s16+$0x0]  }
0x17d: {  	s17 =	sor.u32 $0x19A00, s11;
	s12 =	sor.u32 s14, s31;
	v27 =	vld [tilespmem:s13+$0x0]  }
0x17e: {  	s18 =	sor.u32 s14, s17;
	v22 =	vld [tilespmem:s12+$0x0]  }
0x17f: {  	s19 =	sor.u32 s10, s17;
	v24 =	vld [tilespmem:s18+$0x0]  }
0x180: {  	s21 =	sor.u32 s14, s20;
	s22 =	sor.u32 $0x19B00, s11;
	v25 =	vld [tilespmem:s19+$0x0]  }
0x181: {  	v26 =	vld [tilespmem:s21+$0x0];
	s12 =	sor.u32 s14, s22  }
0x182: {  	s24 =	simm.s32 $0x100;
	s20 =	sor.u32 $0x19B80, s11;
	s23 =	sor.u32 s10, s22;
	v28 =	vld [tilespmem:s12+$0x0]  }
0x183: {  	s17 =	simm.s32 $0x20;
	s11 =	sand.u32 $0x400, s24;
	s25 =	sor.u32 s14, s20;
	v29 =	vld [tilespmem:s23+$0x0]  }
0x184: {  	s16 =	sand.u32 $0x60, s17;
	s26 =	sor.u32 $0x19000, s11;
	s20 =	sor.u32 s10, s20;
	v30 =	vld [tilespmem:s25+$0x0]  }
0x185: {  	s12 =	sor.u32 s16, s26;
	v49 =	vld [tilespmem:s20+$0x0]  }
0x186: {  	v32 =	vld [tilespmem:s12+$0x0]  }
0x187: {  	v34 =	vld [tilespmem:s12+$0x80]  }
0x188: {  	s13 =	sor.u32 $0x19800, s11;
	v36 =	vld [tilespmem:s12+$0x100]  }
0x189: {  	s31 =	sor.u32 $0x19880, s11;
	s30 =	sor.u32 s16, s13;
	v38 =	vld [tilespmem:s12+$0x180]  }
0x18a: {  	s21 =	sor.u32 $0x19900, s11;
	s19 =	sor.u32 s16, s31;
	v57 =	vld [tilespmem:s30+$0x0]  }
0x18b: {  	s18 =	sor.u32 $0x10, s16;
	s23 =	sor.u32 s16, s21;
	v59 =	vld [tilespmem:s19+$0x0]  }
0x18c: {  	s28 =	sor.u32 s18, s26;
	v61 =	vld [tilespmem:s23+$0x0];
	v1 =	vadd.f32 $0.0e+00, v1  }
0x18d: {  	v31 =	vld [tilespmem:s28+$0x0];
	v0 =	vadd.f32 $0.0e+00, v0  }
0x18e: {  	v33 =	vld [tilespmem:s28+$0x80];
	v1 =	vadd.f32 v3, v1  }
0x18f: {  	v35 =	vld [tilespmem:s28+$0x100];
	v0 =	vadd.f32 v2, v0  }
0x190: {  	v37 =	vld [tilespmem:s28+$0x180];
	v1 =	vadd.f32 v5, v1  }
0x191: {  	s24 =	sor.u32 $0x19980, s11;
	s22 =	sor.u32 s18, s21;
	v39 =	vld [tilespmem:s28+$0x200];
	v0 =	vadd.f32 v4, v0  }
0x192: {  	s25 =	sor.u32 s18, s24;
	v60 =	vld [tilespmem:s22+$0x0];
	v1 =	vadd.f32 v7, v1  }
0x193: {  	s26 =	sor.u32 s16, s24;
	v62 =	vld [tilespmem:s25+$0x0];
	s22 =	sor.u32 $0x19B00, s11;
	v0 =	vadd.f32 v6, v0  }
0x194: {  	v63 =	vld [tilespmem:s26+$0x0];
	s23 =	sor.u32 s18, s22;
	v1 =	vadd.f32 v9, v1  }
0x195: {  	v46 =	vld [tilespmem:s23+$0x0];
	v0 =	vadd.f32 v8, v0  }
0x196: {  	v2 =	vld [tilespmem:s12+$0x200];
	v1 =	vadd.f32 v11, v1  }
0x197: {  	v3 =	vld [tilespmem:s28+$0x280];
	v0 =	vadd.f32 v10, v0  }
0x198: {  	v4 =	vld [tilespmem:s12+$0x280];
	v1 =	vadd.f32 v13, v1  }
0x199: {  	v5 =	vld [tilespmem:s28+$0x300];
	v0 =	vadd.f32 v12, v0  }
0x19a: {  	v6 =	vld [tilespmem:s12+$0x300];
	v1 =	vadd.f32 v15, v1  }
0x19b: {  	v7 =	vld [tilespmem:s28+$0x380];
	v0 =	vadd.f32 v14, v0  }
0x19c: {  	s29 =	sor.u32 s18, s13;
	s28 =	sor.u32 $0x19A00, s11;
	v8 =	vld [tilespmem:s12+$0x380];
	v1 =	vadd.f32 v17, v1  }
0x19d: {  	s30 =	sor.u32 s16, s28;
	v9 =	vld [tilespmem:s29+$0x0];
	v0 =	vadd.f32 v16, v0  }
0x19e: {  	s12 =	sor.u32 s18, s31;
	v41 =	vld [tilespmem:s30+$0x0];
	v1 =	vadd.f32 v19, v1  }
0x19f: {  	s9 =	simm.s32 $0x40;
	v42 =	vadd.f32 $0.0e+00, v31;
	s29 =	sor.u32 s18, s28;
	s31 =	sor.u32 $0x19A80, s11;
	v58 =	vld [tilespmem:s12+$0x0];
	v0 =	vadd.f32 v18, v0  }
0x1a0: {  	v45 =	vadd.f32 $0.0e+00, v32;
	v40 =	vld [tilespmem:s29+$0x0];
	s19 =	sor.u32 s18, s31;
	s21 =	sor.u32 s16, s31;
	s12 =	simm.s32 $0x200;
	v1 =	vadd.f32 v21, v1  }
0x1a1: {  	v43 =	vld [tilespmem:s19+$0x0];
	s19 =	sor.u32 $0x19B80, s11;
	s11 =	sand.u32 $0x60, s9;
	s13 =	sand.u32 $0x400, s12;
	v19 =	vadd.f32 v33, v42;
	v0 =	vadd.f32 v20, v0  }
0x1a2: {  	v44 =	vld [tilespmem:s21+$0x0];
	s21 =	sor.u32 s16, s22;
	s22 =	sor.u32 $0x19000, s13;
	s10 =	sor.u32 $0x10, s11;
	v21 =	vadd.f32 v34, v45;
	v1 =	vadd.f32 v23, v1  }
0x1a3: {  	v47 =	vld [tilespmem:s21+$0x0];
	s25 =	sor.u32 s10, s22;
	v19 =	vadd.f32 v35, v19;
	v0 =	vadd.f32 v22, v0  }
0x1a4: {  	s24 =	sor.u32 s18, s19;
	v50 =	vld [tilespmem:s25+$0x0];
	v21 =	vadd.f32 v36, v21;
	v1 =	vadd.f32 v25, v1  }
0x1a5: {  	v48 =	vld [tilespmem:s24+$0x0];
	s26 =	sor.u32 s11, s22;
	v19 =	vadd.f32 v37, v19;
	v0 =	vadd.f32 v24, v0  }
0x1a6: {  	v51 =	vld [tilespmem:s26+$0x0];
	v21 =	vadd.f32 v38, v21;
	v1 =	vadd.f32 v27, v1  }
0x1a7: {  	v52 =	vld [tilespmem:s25+$0x80];
	v19 =	vadd.f32 v39, v19;
	v0 =	vadd.f32 v26, v0  }
0x1a8: {  	v2 =	vadd.f32 v2, v21;
	v53 =	vadd.f32 v29, v1;
	v1 =	vld [tilespmem:s26+$0x80]  }
0x1a9: {  	v54 =	vld [tilespmem:s25+$0x100];
	v25 =	vadd.f32 $0.0e+00, v50;
	v3 =	vadd.f32 v3, v19  }
0x1aa: {  	v55 =	vld [tilespmem:s26+$0x100];
	v0 =	vadd.f32 v28, v0;
	v2 =	vadd.f32 v4, v2  }
0x1ab: {  	v3 =	vadd.f32 v5, v3;
	v4 =	vld [tilespmem:s25+$0x180];
	v5 =	vadd.f32 $0.0e+00, v51  }
0x1ac: {  	v56 =	vld [tilespmem:s26+$0x180];
	v25 =	vadd.f32 v52, v25;
	v0 =	vadd.f32 v30, v0  }
0x1ad: {  	v2 =	vadd.f32 v6, v2;
	v6 =	vld [tilespmem:s25+$0x200];
	v1 =	vadd.f32 v1, v5  }
0x1ae: {  	v3 =	vadd.f32 v7, v3;
	v7 =	vld [tilespmem:s26+$0x200];
	v5 =	vadd.f32 v54, v25  }
0x1af: {  	v2 =	vadd.f32 v8, v2;
	v8 =	vld [tilespmem:s25+$0x280];
	v1 =	vadd.f32 v55, v1  }
0x1b0: {  	v3 =	vadd.f32 v9, v3;
	v4 =	vadd.f32 v4, v5;
	v5 =	vld [tilespmem:s26+$0x280]  }
0x1b1: {  	v2 =	vadd.f32 v57, v2;
	v57 =	vld [tilespmem:s25+$0x300];
	v1 =	vadd.f32 v56, v1  }
0x1b2: {  	v3 =	vadd.f32 v58, v3;
	v4 =	vadd.f32 v6, v4;
	v6 =	vld [tilespmem:s26+$0x300]  }
0x1b3: {  	s28 =	sor.u32 $0x19800, s13;
	v58 =	vld [tilespmem:s25+$0x380];
	v2 =	vadd.f32 v59, v2;
	v1 =	vadd.f32 v7, v1  }
0x1b4: {  	s29 =	sor.u32 s10, s28;
	v3 =	vadd.f32 v60, v3;
	v4 =	vadd.f32 v8, v4;
	v7 =	vld [tilespmem:s26+$0x380]  }
0x1b5: {  	s31 =	sor.u32 $0x19880, s13;
	s30 =	sor.u32 s11, s28;
	v2 =	vadd.f32 v61, v2;
	v8 =	vld [tilespmem:s29+$0x0];
	v1 =	vadd.f32 v5, v1  }
0x1b6: {  	s23 =	sor.u32 s10, s31;
	v3 =	vadd.f32 v62, v3;
	v4 =	vadd.f32 v57, v4;
	v5 =	vld [tilespmem:s30+$0x0]  }
0x1b7: {  	s24 =	sor.u32 s11, s31;
	s25 =	sor.u32 $0x19900, s13;
	v59 =	vld [tilespmem:s23+$0x0];
	v2 =	vadd.f32 v63, v2;
	v1 =	vadd.f32 v6, v1  }
0x1b8: {  	s26 =	sor.u32 s10, s25;
	v3 =	vadd.f32 v40, v3;
	v4 =	vadd.f32 v58, v4;
	v6 =	vld [tilespmem:s24+$0x0]  }
0x1b9: {  	s28 =	sor.u32 s11, s25;
	s29 =	sor.u32 $0x19980, s13;
	v60 =	vld [tilespmem:s26+$0x0];
	v2 =	vadd.f32 v41, v2;
	v1 =	vadd.f32 v7, v1  }
0x1ba: {  	s30 =	sor.u32 s10, s29;
	v3 =	vadd.f32 v43, v3;
	v4 =	vadd.f32 v8, v4;
	v7 =	vld [tilespmem:s28+$0x0]  }
0x1bb: {  	s31 =	sand.u32 $0x80, s15;
	s23 =	sor.u32 $0x19A00, s13;
	s22 =	sor.u32 s11, s29;
	v61 =	vld [tilespmem:s30+$0x0];
	v8 =	vadd.f32 v44, v2;
	v5 =	vadd.f32 v5, v1  }
0x1bc: {  	s15 =	simm.s32 $0x1A000;
	s14 =	sor.u32 s14, s31;
	s24 =	sor.u32 s10, s23;
	v2 =	vadd.f32 v46, v3;
	v4 =	vadd.f32 v59, v4;
	v1 =	vld [tilespmem:s22+$0x0]  }
0x1bd: {  	s31 =	sor.u32 $0x19B00, s13;
	v63 =	vadd.f32 v49, v53;
	s26 =	sor.u32 s11, s23;
	s28 =	sor.u32 $0x19A80, s13;
	v3 =	vld [tilespmem:s24+$0x0];
	v6 =	vadd.f32 v6, v5  }
0x1be: {  	[tilespmem:s14+$0x1A000] =	vst v0;
	s14 =	sor.u32 s16, s19;
	s25 =	sand.u32 $0x80, s17;
	s29 =	sor.u32 s10, s28;
	v62 =	vadd.f32 v48, v2;
	v2 =	vld [tilespmem:s26+$0x0];
	v10 =	vadd.f32 v60, v4  }
0x1bf: {  	s19 =	sor.u32 s10, s31;
	s18 =	sor.u32 s18, s25;
	[tilespmem:s15+$0x0] =	vst v63;
	s30 =	sor.u32 s11, s28;
	v5 =	vld [tilespmem:s29+$0x0];
	v7 =	vadd.f32 v7, v6  }
0x1c0: {  	s16 =	simm.s32 $0x60;
	s17 =	simm.s32 $0x4;
	v0 =	vadd.f32 v47, v8;
	[tilespmem:s18+$0x1A000] =	vst v62;
	v4 =	vld [tilespmem:s30+$0x0];
	s18 =	sor.u32 s11, s31;
	v6 =	vadd.f32 v61, v10  }
.LBB2_7:
0x1c1: {  	s20 =	sand.u32 $0x60, s16;
	v1 =	vadd.f32 v1, v7;
	s21 =	sor.u32 $0x19B80, s13;
	v7 =	vld [tilespmem:s19+$0x0];
	s12 =	sadd.s32 $0x100, s12  }
0x1c2: {  	s17 =	sadd.s32 $0x2, s17;
	s13 =	sand.u32 $0x400, s12;
	v8 =	vld [tilespmem:s18+$0x0];
	v3 =	vadd.f32 v3, v6;
	s18 =	sor.u32 s10, s21  }
0x1c3: {  	s22 =	sor.u32 $0x10, s20;
	p0 =	slt.u32 s17, $0xE;
	s19 =	sor.u32 $0x19000, s13;
	v1 =	vadd.f32 v2, v1;
	v2 =	vld [tilespmem:s18+$0x0]  }
0x1c4: {  	s18 =	sor.u32 s20, s19;
	s19 =	sor.u32 s22, s19;
	v3 =	vadd.f32 v5, v3;
	v5 =	vld [tilespmem:s14+$0x0];
	s14 =	sor.u32 s11, s21  }
0x1c5: {  	s11 =	smov.u32 s20;
	v6 =	vld [tilespmem:s19+$0x0];
	v1 =	vadd.f32 v4, v1  }
0x1c6: {  	v4 =	vld [tilespmem:s18+$0x0];
	v3 =	vadd.f32 v7, v3  }
0x1c7: {  	v7 =	vld [tilespmem:s19+$0x80];
	v1 =	vadd.f32 v8, v1  }
0x1c8: {  	s20 =	sand.u32 $0x80, s9;
	s9 =	smov.u32 s16;
	v8 =	vld [tilespmem:s18+$0x80];
	v2 =	vadd.f32 v2, v3  }
0x1c9: {  	s20 =	sor.u32 s10, s20;
	s10 =	smov.u32 s22;
	v3 =	vld [tilespmem:s19+$0x100];
	v5 =	vadd.f32 v5, v0;
	v0 =	vmov v1  }
0x1ca: {  	s15 =	sadd.s32 $0x20, s15;
	v1 =	vld [tilespmem:s18+$0x100];
	v6 =	vadd.f32 $0.0e+00, v6;
	[tilespmem:s20+$0x1A000] =	vst v2  }
0x1cb: {  	v2 =	vadd.f32 $0.0e+00, v4;
	v4 =	vld [tilespmem:s19+$0x180];
	[tilespmem:s15+$0x0] =	vst v5  }
0x1cc: {  	v5 =	vld [tilespmem:s18+$0x180];
	v6 =	vadd.f32 v7, v6  }
0x1cd: {  	v2 =	vadd.f32 v8, v2;
	v7 =	vld [tilespmem:s19+$0x200]  }
0x1ce: {  	v8 =	vld [tilespmem:s18+$0x200];
	v3 =	vadd.f32 v3, v6  }
0x1cf: {  	v1 =	vadd.f32 v1, v2;
	v2 =	vld [tilespmem:s19+$0x280]  }
0x1d0: {  	v6 =	vld [tilespmem:s18+$0x280];
	v3 =	vadd.f32 v4, v3  }
0x1d1: {  	v1 =	vadd.f32 v5, v1;
	v4 =	vld [tilespmem:s19+$0x300]  }
0x1d2: {  	v5 =	vld [tilespmem:s18+$0x300];
	v3 =	vadd.f32 v7, v3  }
0x1d3: {  	s20 =	sor.u32 $0x19800, s13;
	v1 =	vadd.f32 v8, v1;
	v7 =	vld [tilespmem:s19+$0x380]  }
0x1d4: {  	s19 =	sor.u32 s10, s20;
	v8 =	vld [tilespmem:s18+$0x380];
	s18 =	sor.u32 s11, s20;
	v2 =	vadd.f32 v2, v3  }
0x1d5: {  	s20 =	sor.u32 $0x19880, s13;
	v1 =	vadd.f32 v6, v1;
	v3 =	vld [tilespmem:s19+$0x0]  }
0x1d6: {  	s19 =	sor.u32 s10, s20;
	v6 =	vld [tilespmem:s18+$0x0];
	s18 =	sor.u32 s11, s20;
	v2 =	vadd.f32 v4, v2  }
0x1d7: {  	s20 =	sor.u32 $0x19900, s13;
	v1 =	vadd.f32 v5, v1;
	v4 =	vld [tilespmem:s19+$0x0]  }
0x1d8: {  	s19 =	sor.u32 s10, s20;
	v5 =	vld [tilespmem:s18+$0x0];
	s18 =	sor.u32 s11, s20;
	v2 =	vadd.f32 v7, v2  }
0x1d9: {  	s20 =	sor.u32 $0x19980, s13;
	v1 =	vadd.f32 v8, v1;
	v7 =	vld [tilespmem:s19+$0x0]  }
0x1da: {  	s19 =	sor.u32 s10, s20;
	v8 =	vld [tilespmem:s18+$0x0];
	s18 =	sor.u32 s11, s20;
	v2 =	vadd.f32 v3, v2  }
0x1db: {  	s20 =	sor.u32 $0x19A00, s13;
	v3 =	vadd.f32 v6, v1;
	v6 =	vld [tilespmem:s19+$0x0]  }
.Ltmp3:
0x1dc: {  	s19 =	sor.u32 s10, s20;
	v1 =	vld [tilespmem:s18+$0x0];
	s18 =	sor.u32 s11, s20;
	v4 =	vadd.f32 v4, v2;
	(pc) =	sbr.rel @p0 .LBB2_7-.Ltmp3, $4  }
0x1dd: {  	s20 =	sor.u32 $0x19A80, s13;
	v5 =	vadd.f32 v5, v3;
	v3 =	vld [tilespmem:s19+$0x0]  }
0x1de: {  	s19 =	sor.u32 s10, s20;
	v2 =	vld [tilespmem:s18+$0x0];
	s18 =	sor.u32 s11, s20;
	v9 =	vadd.f32 v7, v4  }
0x1df: {  	s20 =	sor.u32 $0x19B00, s13;
	v7 =	vadd.f32 v8, v5;
	v5 =	vld [tilespmem:s19+$0x0]  }
0x1e0: {  	s16 =	sadd.s32 $0x20, s16;
	s19 =	sor.u32 s10, s20;
	v4 =	vld [tilespmem:s18+$0x0];
	s18 =	sor.u32 s11, s20;
	v6 =	vadd.f32 v6, v9  }
0x1e1: {  	s12 =	sor.u32 $0x19B80, s13;
	v8 =	vld [tilespmem:s19+$0x0]  }
0x1e2: {  	v1 =	vadd.f32 v1, v7;
	v7 =	vld [tilespmem:s18+$0x0];
	v3 =	vadd.f32 v3, v6;
	s13 =	sor.u32 s10, s12  }
0x1e3: {  	v6 =	vld [tilespmem:s13+$0x0]  }
0x1e4: {  	s11 =	sor.u32 s11, s12;
	v1 =	vadd.f32 v2, v1;
	v2 =	vadd.f32 v5, v3;
	v3 =	vld [tilespmem:s14+$0x0]  }
0x1e5: {  	v5 =	vld [tilespmem:s11+$0x0]  }
0x1e6: {  	v1 =	vadd.f32 v4, v1;
	v2 =	vadd.f32 v8, v2;
	_ =	sdelay $0x1  }
0x1e7: {  	s9 =	sand.u32 $0x80, s9;
	v1 =	vadd.f32 v7, v1;
	v2 =	vadd.f32 v6, v2  }
0x1e8: {  	s9 =	sor.u32 s10, s9;
	v0 =	vadd.f32 v3, v0  }
0x1e9: {  	s17 =	sadd.s32 $0x20, s15;
	v1 =	vadd.f32 v5, v1;
	[tilespmem:s9+$0x1A000] =	vst v2  }
0x1ea: {  	s9 =	sadd.s32 $0x20, s17;
	[tilespmem:s17+$0x0] =	vst v0  }
0x1eb: {  	[tilespmem:s9+$0x0] =	vst v1  }
0x1ec: {  	v0 =	vld [tilespmem:$0x1A000];
	_ =	sdelay $0x1  }
0x1ed: {  	v1 =	vld [tilespmem:$0x1A010];
	_ =	sdelay $0x1  }
0x1ee: {  	v2 =	vld [tilespmem:$0x1A020]  }
0x1ef: {  	(xrf2) =	vadd.scan.msk.f32 $0xffff, v0  }
0x1f0: {  	v0 =	vld [tilespmem:$0x1A030]  }
0x1f1: {  	(xrf2) =	vadd.scan.msk.f32 $0xffff, v1  }
0x1f2: {  	v1 =	vld [tilespmem:$0x1A040]  }
0x1f3: {  	(xrf2) =	vadd.scan.msk.f32 $0xffff, v2  }
0x1f4: {  	v2 =	vld [tilespmem:$0x1A050]  }
0x1f5: {  	(xrf2) =	vadd.scan.msk.f32 $0xffff, v0  }
0x1f6: {  	v0 =	vld [tilespmem:$0x1A060]  }
0x1f7: {  	(xrf2) =	vadd.scan.msk.f32 $0xffff, v1  }
0x1f8: {  	v1 =	vld [tilespmem:$0x1A070]  }
0x1f9: {  	v3, _, _ =	vpop (xrf2);
	(xrf2) =	vadd.scan.msk.f32 $0xffff, v2  }
0x1fa: {  	v2 =	vld [tilespmem:$0x1A080];
	(v2sf) =	vpush v3, $0xF  }
0x1fb: {  	v3, _, _ =	vpop (xrf2);
	(xrf2) =	vadd.scan.msk.f32 $0xffff, v0  }
0x1fc: {  	v0 =	vld [tilespmem:$0x1A090];
	(v2sf) =	vpush v3, $0xF  }
0x1fd: {  	v3, _, _ =	vpop (xrf2);
	(xrf2) =	vadd.scan.msk.f32 $0xffff, v1  }
0x1fe: {  	v1 =	vld [tilespmem:$0x1A0A0];
	(v2sf) =	vpush v3, $0xF  }
0x1ff: {  	v3, _, _ =	vpop (xrf2);
	(xrf2) =	vadd.scan.msk.f32 $0xffff, v2  }
0x200: {  	v2 =	vld [tilespmem:$0x1A0B0];
	(v2sf) =	vpush v3, $0xF  }
0x201: {  	v3, _, _ =	vpop (xrf2);
	(xrf2) =	vadd.scan.msk.f32 $0xffff, v0  }
0x202: {  	v0 =	vld [tilespmem:$0x1A0C0];
	(v2sf) =	vpush v3, $0xF  }
0x203: {  	v3, _, _ =	vpop (xrf2);
	(xrf2) =	vadd.scan.msk.f32 $0xffff, v1  }
0x204: {  	v1 =	vld [tilespmem:$0x1A0D0];
	(v2sf) =	vpush v3, $0xF  }
0x205: {  	v3, _, _ =	vpop (xrf2);
	(xrf2) =	vadd.scan.msk.f32 $0xffff, v2  }
0x206: {  	v2 =	vld [tilespmem:$0x1A0E0];
	(v2sf) =	vpush v3, $0xF  }
0x207: {  	v3, _, _ =	vpop (xrf2);
	(xrf2) =	vadd.scan.msk.f32 $0xffff, v0  }
0x208: {  	v0 =	vld [tilespmem:$0x1A0F0];
	(v2sf) =	vpush v3, $0xF  }
0x209: {  	v3, _, _ =	vpop (xrf2);
	(xrf2) =	vadd.scan.msk.f32 $0xffff, v1;
	s18 =	spop (v2sf)  }
0x20a: {  	(v2sf) =	vpush v3, $0xF;
	s9 =	sadd.f32 $0.0e+00, s18  }
0x20b: {  	v1, _, _ =	vpop (xrf2);
	(xrf2) =	vadd.scan.msk.f32 $0xffff, v2;
	s19 =	spop (v2sf)  }
0x20c: {  	(v2sf) =	vpush v1, $0xF;
	s9 =	sadd.f32 s19, s9  }
0x20d: {  	s20 =	spop (v2sf);
	v1, _, _ =	vpop (xrf2);
	(xrf2) =	vadd.scan.msk.f32 $0xffff, v0  }
0x20e: {  	s9 =	sadd.f32 s20, s9;
	(v2sf) =	vpush v1, $0xF  }
0x20f: {  	v0, _, _ =	vpop (xrf2);
	s21 =	spop (v2sf)  }
0x210: {  	(v2sf) =	vpush v0, $0xF;
	s9 =	sadd.f32 s21, s9  }
0x211: {  	s22 =	spop (v2sf);
	v0, _, _ =	vpop (xrf2)  }
0x212: {  	(v2sf) =	vpush v0, $0xF;
	s9 =	sadd.f32 s22, s9  }
0x213: {  	v0, _, _ =	vpop (xrf2);
	s23 =	spop (v2sf)  }
0x214: {  	(v2sf) =	vpush v0, $0xF;
	s9 =	sadd.f32 s23, s9  }
0x215: {  	v0, _, _ =	vpop (xrf2);
	s24 =	spop (v2sf)  }
0x216: {  	(v2sf) =	vpush v0, $0xF;
	s9 =	sadd.f32 s24, s9  }
0x217: {  	s25 =	spop (v2sf);
	v0, _, _ =	vpop (xrf2)  }
0x218: {  	s9 =	sadd.f32 s25, s9;
	(v2sf) =	vpush v0, $0xF  }
0x219: {  	s26 =	spop (v2sf)  }
0x21a: {  	s9 =	sadd.f32 s26, s9  }
0x21b: {  	s28 =	spop (v2sf)  }
0x21c: {  	s9 =	sadd.f32 s28, s9  }
0x21d: {  	s29 =	spop (v2sf)  }
0x21e: {  	s9 =	sadd.f32 s29, s9  }
0x21f: {  	s30 =	spop (v2sf)  }
0x220: {  	s9 =	sadd.f32 s30, s9  }
0x221: {  	s31 =	spop (v2sf)  }
0x222: {  	s9 =	sadd.f32 s31, s9  }
0x223: {  	s11 =	spop (v2sf)  }
0x224: {  	s9 =	sadd.f32 s11, s9  }
0x225: {  	s12 =	spop (v2sf)  }
0x226: {  	s9 =	sadd.f32 s12, s9  }
0x227: {  	s13 =	spop (v2sf)  }
0x228: {  	s9 =	sadd.f32 s13, s9;
	_ =	sdelay $0x1  }
0x229: {  	v0 =	vmov s9  }
0x22a: {  	[tilespmem:$0x1AA00] =	vst v0  }
0x22b: {  	[tilespmem:$0x1AA10] =	vst v0  }
0x22c: {  	[tilespmem:$0x1AA20] =	vst v0  }
0x22d: {  	[tilespmem:$0x1AA30] =	vst v0  }
0x22e: {  	[tilespmem:$0x1AA40] =	vst v0  }
0x22f: {  	[tilespmem:$0x1AA50] =	vst v0  }
0x230: {  	[tilespmem:$0x1AA60] =	vst v0  }
0x231: {  	s8 =	sadd.s32 s8, s5;
	s15 =	simm.s32 $0x1;
	s14 =	simm.s32 $0x1AA00;
	[tilespmem:$0x1AA70] =	vst v0  }
0x232: {  	[spmem:s8] =	stream.linear.scatter [tilespmem:s14], [sflag:$0x1], $0x80, $0x38;
	[tilespmem:$0x1BB90] =	vst v63  }
0x233: {  	_ =	swait.ge [sflag:s15], $0x80  }
0x234: {  	[sflag:s15] =	ssyncset.done $0x0  }
0x235: {  	[sflag:s15] =	ssyncadd.s32 $0xFFFFFF80  }
0x236: {  	s16 =	simm.s32 $0x1A200;
	[bflag:$0x0] =	sbarrier.arrive $0xFFFF  }
0x237: {  	[tilespmem:s16], [sflag:$0x1] =	stream.linear.gather [spmem:s5], $0x800, $0x38;
	[tilespmem:$0x1BB90] =	vst v63  }
0x238: {  	_ =	swait.ge [sflag:s15], $0x800  }
0x239: {  	[sflag:s15] =	ssyncset.done $0x0  }
0x23a: {  	[sflag:s15] =	ssyncadd.s32 $0xFFFFF800  }
0x23b: {  	v0 =	vld [tilespmem:$0x1A200]  }
0x23c: {  	v1 =	vld [tilespmem:$0x1A280];
	_ =	sdelay $0x1  }
0x23d: {  	v2 =	vld [tilespmem:$0x1A300]  }
0x23e: {  	vm0 =	vmmov $0x1;
	v6 =	vimm.s32 $0x0  }
0x23f: {  	v6 =	vsel vm0, $0xFFFFFFFF, v6;
	v3 =	vld [tilespmem:$0x1A380]  }
0x240: {  	[tilespmem:$0x1FF90] =	vst v6;
	v6 =	vimm.s32 $0x0;
	v0 =	vsel vm0, v0, v1;
	vm0 =	vmmov $0x3  }
0x241: {  	v4 =	vld [tilespmem:$0x1A400];
	v6 =	vsel vm0, $0xFFFFFFFF, v6  }
0x242: {  	v0 =	vsel vm0, v0, v2;
	vm0 =	vmmov $0x7;
	[tilespmem:$0x1FFA0] =	vst v6;
	v6 =	vimm.s32 $0x0  }
0x243: {  	v5 =	vld [tilespmem:$0x1A480];
	v6 =	vsel vm0, $0xFFFFFFFF, v6  }
0x244: {  	v1 =	vld [tilespmem:$0x1A500];
	v0 =	vsel vm0, v0, v3;
	vm0 =	vmmov $0xf;
	[tilespmem:$0x1FFB0] =	vst v6;
	v6 =	vimm.s32 $0x0  }
0x245: {  	v2 =	vld [tilespmem:$0x1A580];
	v6 =	vsel vm0, $0xFFFFFFFF, v6  }
0x246: {  	v3 =	vld [tilespmem:$0x1A600];
	v0 =	vsel vm0, v0, v4;
	vm0 =	vmmov $0x1f;
	[tilespmem:$0x1FFC0] =	vst v6;
	v6 =	vimm.s32 $0x0  }
0x247: {  	v4 =	vld [tilespmem:$0x1A680];
	v6 =	vsel vm0, $0xFFFFFFFF, v6  }
0x248: {  	v0 =	vsel vm0, v0, v5;
	v5 =	vld [tilespmem:$0x1A700];
	vm0 =	vmmov $0x3f;
	[tilespmem:$0x1FFD0] =	vst v6;
	v6 =	vimm.s32 $0x0  }
0x249: {  	v0 =	vsel vm0, v0, v1;
	v1 =	vld [tilespmem:$0x1A780];
	v6 =	vsel vm0, $0xFFFFFFFF, v6;
	vm0 =	vmmov $0x7f  }
0x24a: {  	vm8 =	vmmov $0xff;
	v0 =	vsel vm0, v0, v2;
	v2 =	vld [tilespmem:$0x1A800]  }
0x24b: {  	vm9 =	vmmov $0x1ff;
	v0 =	vsel vm8, v0, v3;
	v3 =	vld [tilespmem:$0x1A880]  }
0x24c: {  	vm10 =	vmmov $0x3ff;
	v0 =	vsel vm9, v0, v4;
	v4 =	vld [tilespmem:$0x1A900]  }
0x24d: {  	vm11 =	vmmov $0x7ff;
	[tilespmem:$0x1FFE0] =	vst v6;
	v6 =	vimm.s32 $0x0;
	v0 =	vsel vm10, v0, v5;
	v5 =	vld [tilespmem:$0x1A980]  }
0x24e: {  	v6 =	vsel vm0, $0xFFFFFFFF, v6;
	vm0 =	vmmov $0xfff;
	v0 =	vsel vm11, v0, v1  }
0x24f: {  	vm12 =	vmmov $0x1fff;
	v0 =	vsel vm0, v0, v2  }
0x250: {  	vm13 =	vmmov $0x3fff;
	v0 =	vsel vm12, v0, v3  }
0x251: {  	vm14 =	vmmov $0x7fff;
	v0 =	vsel vm13, v0, v4  }
0x252: {  	v2 =	vsel vm14, v0, v5  }
0x253: {  	(xrf2) =	vadd.scan.msk.f32 $0xffff, v2;
	_ =	sdelay $0x9  }
0x254: {  	v1, _, _ =	vpop (xrf2)  }
0x255: {  	s17 =	simm.s32 $0x0;
	v4 =	vlaneseq.u32;
	v0 =	vmov s2;
	v1 =	vsub.f32 v1, v2  }
0x256: {  	v3 =	vld [tilespmem:s17+$0x1A000];
	vm1 =	veq.s32 v0, v4  }
0x257: {  	v1 =	vnsel vm1, $0x0, v1  }
0x258: {  	(xrf2) =	vadd.scan.msk.f32 $0xffff, v1;
	_ =	sdelay $0x2  }
0x259: {  	(xrf2) =	vadd.scan.msk.f32 $0xffff, v3;
	_ =	sdelay $0x4  }
0x25a: {  	s18 =	simm.s32 $0x10  }
0x25b: {  	[tilespmem:$0x1FFF0] =	vst v6;
	v6 =	vld [tilespmem:s18+$0x1A000]  }
0x25c: {  	v1, _, _ =	vpop (xrf2)  }
0x25d: {  	(v2sf) =	vpush v1, $0xF;
	_ =	sdelay $0x1  }
0x25e: {  	s19 =	simm.s32 $0x20;
	v8, _, _ =	vpop (xrf2)  }
0x25f: {  	v9 =	vld [tilespmem:s19+$0x1A000];
	(xrf2) =	vadd.scan.msk.f32 $0xffff, v6;
	(v2sf) =	vpush v8, $0xF;
	_ =	sdelay $0x4  }
0x260: {  	(xrf2) =	vadd.scan.msk.f32 $0xffff, v9  }
0x261: {  	s20 =	simm.s32 $0x30  }
0x262: {  	s21 =	simm.s32 $0x40;
	v7 =	vld [tilespmem:s20+$0x1A000]  }
0x263: {  	v5 =	vld [tilespmem:s21+$0x1A000];
	_ =	sdelay $0x1  }
0x264: {  	v10, _, _ =	vpop (xrf2)  }
0x265: {  	(v2sf) =	vpush v10, $0xF  }
0x266: {  	s23 =	simm.f32 $0.0e+00;
	(xrf2) =	vadd.scan.msk.f32 $0xffff, v7;
	s9 =	spop (v2sf)  }
0x267: {  	(xrf2) =	vadd.scan.msk.f32 $0xffff, v5;
	s24 =	sadd.f32 s23, s9;
	_ =	sdelay $0x1  }
0x268: {  	s22 =	simm.s32 $0x50;
	v14, _, _ =	vpop (xrf2);
	s25 =	spop (v2sf);
	v8 =	vadd.f32 s24, v8  }
0x269: {  	v4 =	vld [tilespmem:s22+$0x1A000];
	(v2sf) =	vpush v14, $0xF;
	s10 =	sadd.f32 s25, s23  }
0x26a: {  	vm1 =	vle.f32 v8, $1.056760000e+05  }
0x26b: {  	s26 =	sadd.f32 s10, s9;
	v11 =	vmpcnt.ones.xlane vm1;
	_ =	sdelay $0x1  }
0x26c: {  	v10 =	vadd.f32 s26, v10;
	v12 =	vnsel vm1, $0x0, v3  }
0x26d: {  	s28 =	simm.s32 $0x60;
	(xrf2) =	vadd.scan.msk.f32 $0xffff, v4  }
0x26e: {  	v8 =	vld [tilespmem:s28+$0x1A000];
	vm2 =	vle.f32 v10, $1.056760000e+05;
	v10 =	vcvt.s32.f32 v11;
	v11, _, _ =	vpop (xrf2)  }
0x26f: {  	(xrf2) =	vadd.scan.msk.f32 $0xffff, v12;
	(v2sf) =	vpush v11, $0xF;
	v12, _, _ =	vpop (xrf2)  }
0x270: {  	(v2sf) =	vpush v12, $0xF;
	_ =	sdelay $0x1  }
0x271: {  	s29 =	spop (v2sf)  }
0x272: {  	s31 =	simm.s32 $0x70;
	s10 =	sadd.f32 s29, s10;
	v3 =	vimm.f32 $0.0e+00;
	v13 =	vmpcnt.ones.xlane vm2;
	(xrf2) =	vadd.scan.msk.f32 $0xffff, v8  }
0x273: {  	v6 =	vnsel vm2, $0x0, v6;
	v15 =	vadd.f32 v10, v3;
	v10 =	vld [tilespmem:s31+$0x1A000]  }
0x274: {  	s30 =	sadd.f32 s10, s9;
	v16 =	vcvt.s32.f32 v13;
	(xrf2) =	vadd.scan.msk.f32 $0xffff, v6;
	_ =	sdelay $0x1  }
0x275: {  	s11 =	simm.s32 $0x200;
	s13 =	simm.s32 $0x240;
	v14 =	vadd.f32 s30, v14;
	s12 =	spop (v2sf);
	v13, _, _ =	vpop (xrf2);
	v6 =	vadd.f32 v16, v15  }
.LBB2_9:
0x276: {  	s14 =	sshra.s32 s11, $0x2;
	s10 =	sadd.f32 s12, s10  }
0x277: {  	(xrf2) =	vadd.scan.msk.f32 $0xffff, v10;
	vm1 =	vle.f32 v14, $1.056760000e+05;
	v14 =	vmov v10;
	s11 =	smov.u32 s13;
	s15 =	sadd.s32 $0x40, s13;
	p0 =	sne.s32 s13, $0x3C0  }
.Ltmp4:
0x278: {  	v10 =	vld [tilespmem:s14+$0x1A000];
	v15 =	vmpcnt.ones.xlane vm1;
	v16 =	vnsel vm1, $0x0, v9;
	v17, _, _ =	vpop (xrf2);
	v9 =	vmov v7;
	(pc) =	sbr.rel @p0 .LBB2_9-.Ltmp4, $4  }
0x279: {  	v7 =	vmovc v5;
	v5 =	vmovc v4;
	v4 =	vmov v8;
	(v2sf) =	vpush v13, $0xF;
	s12 =	sadd.f32 s10, s9;
	v17 =	vbroadcast v17, $0xF  }
0x27a: {  	v8 =	vmov v14;
	v15 =	vcvt.s32.f32 v15;
	(xrf2) =	vadd.scan.msk.f32 $0xffff, v16  }
0x27b: {  	v16, _, _ =	vpop (xrf2);
	v14 =	vadd.f32 s12, v11;
	v3 =	vadd.f32 v17, v3;
	v11 =	vmov v12;
	_ =	sdelay $0x1  }
0x27c: {  	s13 =	smov.u32 s15;
	v12 =	vmov v13;
	s12 =	spop (v2sf);
	v6 =	vadd.f32 v15, v6;
	v13 =	vmov v16  }
0x27d: {  	(xrf2) =	vadd.scan.msk.f32 $0xffff, v10;
	_ =	sdelay $0x5  }
0x27e: {  	v15, _, _ =	vpop (xrf2);
	(v2sf) =	vpush v13, $0xF  }
0x27f: {  	v16, _, _ =	vpop (xrf2)  }
0x280: {  	(v2sf) =	vpush v16, $0xF  }
0x281: {  	v17, _, _ =	vpop (xrf2)  }
0x282: {  	v18, _, _ =	vpop (xrf2)  }
0x283: {  	(v2sf) =	vpush v18, $0xF;
	_ =	sdelay $0x2  }
0x284: {  	s11 =	sshra.s32 s11, $0x2  }
0x285: {  	v19 =	vld [tilespmem:s11+$0x1A000]  }
0x286: {  	s10 =	sadd.f32 s12, s10  }
0x287: {  	vm1 =	vle.f32 v14, $1.056760000e+05;
	s20 =	spop (v2sf)  }
0x288: {  	v9 =	vnsel vm1, $0x0, v9;
	s11 =	sadd.f32 s20, s10  }
0x289: {  	(xrf2) =	vadd.scan.msk.f32 $0xffff, v9;
	s10 =	sadd.f32 s10, s9;
	s21 =	spop (v2sf)  }
0x28a: {  	(xrf2) =	vadd.scan.msk.f32 $0xffff, v19;
	s12 =	sadd.f32 s21, s11  }
0x28b: {  	s11 =	sadd.f32 s11, s9;
	s13 =	spop (v2sf)  }
0x28c: {  	s13 =	sadd.f32 s13, s12  }
0x28d: {  	s12 =	sadd.f32 s12, s9;
	s14 =	spop (v2sf)  }
0x28e: {  	v48 =	vadd.f32 s10, v11;
	s14 =	sadd.f32 s14, s13  }
0x28f: {  	s22 =	sadd.f32 s13, s9  }
0x290: {  	vm6 =	vle.f32 v48, $1.056760000e+05;
	v49 =	vadd.f32 s11, v12;
	s25 =	sadd.f32 s14, s9;
	s23 =	spop (v2sf)  }
0x291: {  	v7 =	vnsel vm6, $0x0, v7;
	v50 =	vadd.f32 s12, v13;
	s24 =	sadd.f32 s23, s14  }
0x292: {  	vm3 =	vle.f32 v49, $1.056760000e+05;
	v52 =	vadd.f32 s22, v16  }
0x293: {  	(xrf2) =	vadd.scan.msk.f32 $0xffff, v7;
	v51, _, _ =	vpop (xrf2);
	v5 =	vnsel vm3, $0x0, v5;
	vm5 =	vle.f32 v50, $1.056760000e+05;
	v53 =	vadd.f32 s25, v18;
	s26 =	sadd.f32 s24, s9  }
0x294: {  	v7, _, _ =	vpop (xrf2);
	(xrf2) =	vadd.scan.msk.f32 $0xffff, v5;
	v4 =	vnsel vm5, $0x0, v4;
	vm4 =	vle.f32 v52, $1.056760000e+05  }
0x295: {  	(xrf2) =	vadd.scan.msk.f32 $0xffff, v4;
	v4 =	vnsel vm4, $0x0, v8;
	vm2 =	vle.f32 v53, $1.056760000e+05;
	v5 =	vadd.f32 s26, v7  }
0x296: {  	(xrf2) =	vadd.scan.msk.f32 $0xffff, v4;
	v4 =	vnsel vm2, $0x0, v10  }
0x297: {  	(xrf2) =	vadd.scan.msk.f32 $0xffff, v4;
	vm15 =	vle.f32 v5, $1.056760000e+05;
	v5 =	vlaneseq.u32  }
0x298: {  	v4 =	vnsel vm15, $0x0, v19;
	vm7 =	veq.s32 v0, v5  }
0x299: {  	(xrf2) =	vadd.scan.msk.f32 $0xffff, v4;
	v2 =	vnsel vm7, $0x0, v2  }
0x29a: {  	(xrf2) =	vadd.scan.msk.f32 $0xffff, v2  }
0x29b: {  	v2 =	vimm.f32 $1.056760000e+05  }
0x29c: {  	(xrf0) =	vmax.scan.msk.f32 $0xffff, v2  }
0x29d: {  	v4, _, _ =	vpop (xrf2)  }
0x29e: {  	v2, _, _ =	vpop (xrf2)  }
0x29f: {  	v5, _, _ =	vpop (xrf2)  }
0x2a0: {  	v54, _, _ =	vpop (xrf2)  }
0x2a1: {  	v55, _, _ =	vpop (xrf2)  }
0x2a2: {  	v56 =	vmpcnt.ones.xlane vm1;
	(v2sf) =	vpush v7, $0xF;
	v7, _, _ =	vpop (xrf0)  }
0x2a3: {  	v58 =	vbroadcast v15, $0xF;
	v57, _, _ =	vpop (xrf2)  }
0x2a4: {  	v11 =	vcvt.s32.f32 v56;
	v59 =	vmpcnt.ones.xlane vm6;
	(v2sf) =	vpush v7, $0xF;
	v7, _, _ =	vpop (xrf2)  }
0x2a5: {  	v3 =	vadd.f32 v58, v3;
	(v2sf) =	vpush v7, $0xF;
	v7 =	vbroadcast v17, $0xF  }
0x2a6: {  	v6 =	vadd.f32 v11, v6;
	v61 =	vcvt.s32.f32 v59;
	v60 =	vmpcnt.ones.xlane vm3  }
0x2a7: {  	v3 =	vadd.f32 v7, v3;
	v7 =	vbroadcast v51, $0xF  }
0x2a8: {  	v6 =	vadd.f32 v61, v6;
	v63 =	vcvt.s32.f32 v60;
	v62 =	vmpcnt.ones.xlane vm5  }
0x2a9: {  	v4 =	vbroadcast v4, $0xF;
	v3 =	vadd.f32 v7, v3  }
0x2aa: {  	v6 =	vadd.f32 v63, v6;
	v9 =	vcvt.s32.f32 v62;
	v7 =	vmpcnt.ones.xlane vm4  }
0x2ab: {  	v2 =	vbroadcast v2, $0xF;
	v3 =	vadd.f32 v4, v3  }
0x2ac: {  	v6 =	vadd.f32 v9, v6;
	v4 =	vmpcnt.ones.xlane vm2;
	v7 =	vcvt.s32.f32 v7  }
0x2ad: {  	v2 =	vadd.f32 v2, v3;
	v3 =	vbroadcast v5, $0xF  }
0x2ae: {  	v5 =	vadd.f32 v7, v6;
	v4 =	vcvt.s32.f32 v4  }
0x2af: {  	v6 =	vbroadcast v54, $0xF;
	v2 =	vadd.f32 v3, v2;
	v3 =	vmpcnt.ones.xlane vm15  }
0x2b0: {  	v4 =	vadd.f32 v4, v5  }
0x2b1: {  	v5 =	vbroadcast v55, $0xF;
	v3 =	vcvt.s32.f32 v3;
	v2 =	vadd.f32 v6, v2  }
0x2b2: {  	s10 =	sshll.u32 s2, $0x8;
	s28 =	spop (v2sf)  }
0x2b3: {  	s10 =	scvt.s32.f32 s10;
	s11 =	spop (v2sf);
	v3 =	vadd.f32 v3, v4;
	v2 =	vadd.f32 v5, v2;
	v4 =	vbroadcast v57, $0xF  }
0x2b4: {  	s29 =	spop (v2sf)  }
0x2b5: {  	v1 =	vbroadcast v1, $0xF;
	p0 =	sle.f32 s9, s11;
	v2 =	vadd.f32 v4, v2;
	s9 =	sadd.f32 s9, s29;
	v3 =	vadd.f32 s10, v3  }
0x2b6: {  	_ = 	snop  }
0x2b7: {  	v1 =	vadd.f32 v2, v1;
	[tilespmem:$0x1A100] =	vst v3;
	p1 =	slt.f32 @p0 s11, s9  }
0x2b8: {  	[tilespmem:$0x1A110] =	vst v3  }
0x2b9: {  	[tilespmem:$0x1A180] =	vst v1;
	p0 =	por !p1, !p0  }
0x2ba: {  	[tilespmem:$0x1A190] =	vst v1;
	s9 =	simm.s32 @!p0 $0x1A100  }
0x2bb: {  	[spmem:s4] =	stream.linear.scatter @!p0 [tilespmem:s9], [sflag:$0x1], $0x100, $0x38;
	[tilespmem:$0x1BB90] =	vst v63  }
0x2bc: {  	s9 =	simm.s32 @!p0 $0x1  }
0x2bd: {  	_ =	swait.ge @!p0 [sflag:s9], $0x100  }
0x2be: {  	[sflag:s9] =	ssyncset.done @!p0 $0x0  }
0x2bf: {  	[sflag:s9] =	ssyncadd.s32 @!p0 $0xFFFFFF00  }
0x2c0: {  	s30 =	simm.s32 $0x1A100;
	s31 =	simm.s32 $0x1;
	[bflag:$0x0] =	sbarrier.arrive $0xFFFF  }
0x2c1: {  	[tilespmem:s30], [sflag:$0x1] =	stream.linear.gather [spmem:s4], $0x100, $0x38;
	[tilespmem:$0x1BB90] =	vst v63  }
0x2c2: {  	_ =	swait.ge [sflag:s31], $0x100  }
0x2c3: {  	[sflag:s31] =	ssyncset.done $0x0  }
0x2c4: {  	[sflag:s31] =	ssyncadd.s32 $0xFFFFFF00  }
0x2c5: {  	v4 =	vimm.f32 $0.0e+00;
	s9 =	simm.s32 $0x18040;
	v1 =	vld [tilespmem:$0x1A100]  }
0x2c6: {  	v3 =	vld [tilespmem:$0x1A180];
	[tilespmem:s9+$0xFFFFFFC0] =	vst v4  }
0x2c7: {  	[tilespmem:s9+$0x30] =	vst v4  }
0x2c8: {  	[tilespmem:s9+$0x20] =	vst v4  }
0x2c9: {  	[tilespmem:s9+$0x10] =	vst v4  }
0x2ca: {  	[tilespmem:s9+$0x0] =	vst v4  }
0x2cb: {  	[tilespmem:s9+$0xFFFFFFF0] =	vst v4  }
0x2cc: {  	v2 =	vmov s10;
	s10 =	simm.s32 $0x0;
	[tilespmem:s9+$0xFFFFFFE0] =	vst v4  }
.LBB2_11:
0x2cd: {  	s10 =	sadd.s32 $0x8, s10;
	[tilespmem:s9+$0xFFFFFFD0] =	vst v4;
	s9 =	sadd.s32 $0x80, s9  }
0x2ce: {  	[tilespmem:s9+$0xFFFFFFC0] =	vst v4;
	p0 =	slt.u32 s10, $0xF8  }
0x2cf: {  	[tilespmem:s9+$0x30] =	vst v4  }
.Ltmp5:
0x2d0: {  	[tilespmem:s9+$0x20] =	vst v4;
	(pc) =	sbr.rel @p0 .LBB2_11-.Ltmp5, $4  }
0x2d1: {  	[tilespmem:s9+$0x10] =	vst v4  }
0x2d2: {  	[tilespmem:s9+$0x0] =	vst v4  }
0x2d3: {  	[tilespmem:s9+$0xFFFFFFF0] =	vst v4  }
0x2d4: {  	[tilespmem:s9+$0xFFFFFFE0] =	vst v4  }
0x2d5: {  	s10 =	simm.s32 $0x0  }
0x2d6: {  	s11 =	sand.u32 $0x1F800, s10;
	s10 =	sand.u32 $0x300, s10  }
0x2d7: {  	[tilespmem:s9+$0xFFFFFFD0] =	vst v4;
	s10 =	sor.u32 s10, s11  }
0x2d8: {  	v4 =	vld [tilespmem:s10+$0x80];
	_ =	sdelay $0x1  }
0x2d9: {  	v1 =	vtrunc.f32 v1  }
0x2da: {  	v1 =	vcvt.f32.s32 v1;
	_ =	sdelay $0x1  }
0x2db: {  	v1 =	vadd.s32 $0xFFFFF800, v1;
	v5 =	vshra.s32 v4, $0x14  }
0x2dc: {  	v4 =	vshrl.u32 v4, $0x8;
	vm1 =	veq.s32 v5, v1  }
0x2dd: {  	v5 =	vand.u32 $0xFFF, v4;
	_ =	sdelay $0x3  }
0x2de: {  	s9 =	simm.s32 $0x18000;
	v4 =	vimm.f32 $1.000000000e+00  }
0x2df: {  	[tilespmem:v5+s9+$0x0] =	vst.idx.add.f32.msk vm1, v4  }
0x2e0: {  	v5 =	vld [tilespmem:s10+$0x90];
	_ =	sdelay $0x4  }
0x2e1: {  	v6 =	vshra.s32 v5, $0x14  }
0x2e2: {  	v5 =	vshrl.u32 v5, $0x8;
	vm1 =	veq.s32 v6, v1  }
0x2e3: {  	v5 =	vand.u32 $0xFFF, v5  }
0x2e4: {  	v6 =	vld [tilespmem:s10+$0x0];
	_ =	sdelay $0x3  }
0x2e5: {  	[tilespmem:v5+s9+$0x0] =	vst.idx.add.f32.msk vm1, v4  }
0x2e6: {  	v5 =	vshra.s32 v6, $0x14;
	v7 =	vld [tilespmem:s10+$0xA0]  }
0x2e7: {  	v6 =	vshrl.u32 v6, $0x8;
	vm1 =	veq.s32 v5, v1  }
0x2e8: {  	v5 =	vand.u32 $0xFFF, v6;
	_ =	sdelay $0x2  }
0x2e9: {  	v6 =	vshra.s32 v7, $0x14  }
0x2ea: {  	v7 =	vshrl.u32 v7, $0x8;
	vm2 =	veq.s32 v6, v1  }
0x2eb: {  	[tilespmem:v5+s9+$0x0] =	vst.idx.add.f32.msk vm1, v4;
	v5 =	vand.u32 $0xFFF, v7  }
0x2ec: {  	v6 =	vld [tilespmem:s10+$0x10];
	_ =	sdelay $0x3  }
0x2ed: {  	[tilespmem:v5+s9+$0x0] =	vst.idx.add.f32.msk vm2, v4  }
0x2ee: {  	v5 =	vshra.s32 v6, $0x14;
	v7 =	vld [tilespmem:s10+$0xB0]  }
0x2ef: {  	v6 =	vshrl.u32 v6, $0x8;
	vm1 =	veq.s32 v5, v1  }
0x2f0: {  	s30 =	simm.s32 $0x100;
	s12 =	simm.s32 $0x200;
	v5 =	vand.u32 $0xFFF, v6  }
0x2f1: {  	s12 =	sand.u32 $0x1F800, s12;
	s11 =	sand.u32 $0x300, s30  }
0x2f2: {  	s11 =	sor.u32 s11, s12  }
0x2f3: {  	v6 =	vld [tilespmem:s11+$0x80];
	v8 =	vshra.s32 v7, $0x14  }
0x2f4: {  	v7 =	vshrl.u32 v7, $0x8;
	vm2 =	veq.s32 v8, v1  }
0x2f5: {  	[tilespmem:v5+s9+$0x0] =	vst.idx.add.f32.msk vm1, v4;
	v5 =	vand.u32 $0xFFF, v7  }
0x2f6: {  	v7 =	vld [tilespmem:s10+$0x20];
	_ =	sdelay $0x1  }
0x2f7: {  	v8 =	vshra.s32 v6, $0x14  }
0x2f8: {  	v6 =	vshrl.u32 v6, $0x8;
	vm1 =	veq.s32 v8, v1  }
0x2f9: {  	v6 =	vand.u32 $0xFFF, v6;
	[tilespmem:v5+s9+$0x0] =	vst.idx.add.f32.msk vm2, v4  }
0x2fa: {  	v5 =	vshra.s32 v7, $0x14;
	v8 =	vld [tilespmem:s10+$0xC0]  }
0x2fb: {  	v7 =	vshrl.u32 v7, $0x8;
	vm2 =	veq.s32 v5, v1  }
0x2fc: {  	v5 =	vand.u32 $0xFFF, v7  }
0x2fd: {  	v7 =	vld [tilespmem:s11+$0x0]  }
0x2fe: {  	[tilespmem:v6+s9+$0x0] =	vst.idx.add.f32.msk vm1, v4  }
0x2ff: {  	v6 =	vld [tilespmem:s11+$0x90];
	v9 =	vshra.s32 v8, $0x14  }
0x300: {  	v8 =	vshrl.u32 v8, $0x8;
	vm1 =	veq.s32 v9, v1  }
0x301: {  	[tilespmem:v5+s9+$0x0] =	vst.idx.add.f32.msk vm2, v4;
	v5 =	vand.u32 $0xFFF, v8  }
0x302: {  	v9 =	vshra.s32 v7, $0x14;
	v8 =	vld [tilespmem:s10+$0x30]  }
0x303: {  	v7 =	vshrl.u32 v7, $0x8;
	vm2 =	veq.s32 v9, v1  }
0x304: {  	v7 =	vand.u32 $0xFFF, v7;
	v9 =	vshra.s32 v6, $0x14  }
0x305: {  	v6 =	vshrl.u32 v6, $0x8;
	vm3 =	veq.s32 v9, v1  }
0x306: {  	v6 =	vand.u32 $0xFFF, v6;
	[tilespmem:v5+s9+$0x0] =	vst.idx.add.f32.msk vm1, v4  }
0x307: {  	v5 =	vshra.s32 v8, $0x14;
	v9 =	vld [tilespmem:s10+$0xD0]  }
0x308: {  	v8 =	vshrl.u32 v8, $0x8;
	vm1 =	veq.s32 v5, v1  }
0x309: {  	v5 =	vand.u32 $0xFFF, v8;
	[tilespmem:v7+s9+$0x0] =	vst.idx.add.f32.msk vm2, v4  }
0x30a: {  	v7 =	vld [tilespmem:s11+$0x10]  }
0x30b: {  	[tilespmem:v6+s9+$0x0] =	vst.idx.add.f32.msk vm3, v4  }
0x30c: {  	v6 =	vld [tilespmem:s11+$0xA0];
	v8 =	vshra.s32 v9, $0x14  }
0x30d: {  	v9 =	vshrl.u32 v9, $0x8;
	vm2 =	veq.s32 v8, v1  }
0x30e: {  	[tilespmem:v5+s9+$0x0] =	vst.idx.add.f32.msk vm1, v4;
	v5 =	vand.u32 $0xFFF, v9  }
0x30f: {  	v9 =	vshra.s32 v7, $0x14;
	v8 =	vld [tilespmem:s10+$0x40]  }
0x310: {  	v7 =	vshrl.u32 v7, $0x8;
	vm1 =	veq.s32 v9, v1  }
0x311: {  	v7 =	vand.u32 $0xFFF, v7;
	v9 =	vshra.s32 v6, $0x14  }
0x312: {  	v6 =	vshrl.u32 v6, $0x8;
	vm3 =	veq.s32 v9, v1  }
0x313: {  	v6 =	vand.u32 $0xFFF, v6;
	[tilespmem:v5+s9+$0x0] =	vst.idx.add.f32.msk vm2, v4  }
0x314: {  	v5 =	vshra.s32 v8, $0x14;
	v9 =	vld [tilespmem:s10+$0xE0]  }
0x315: {  	v8 =	vshrl.u32 v8, $0x8;
	vm2 =	veq.s32 v5, v1  }
0x316: {  	v5 =	vand.u32 $0xFFF, v8;
	[tilespmem:v7+s9+$0x0] =	vst.idx.add.f32.msk vm1, v4  }
0x317: {  	v7 =	vld [tilespmem:s11+$0x20]  }
0x318: {  	[tilespmem:v6+s9+$0x0] =	vst.idx.add.f32.msk vm3, v4  }
0x319: {  	v6 =	vld [tilespmem:s11+$0xB0];
	v8 =	vshra.s32 v9, $0x14  }
0x31a: {  	v9 =	vshrl.u32 v9, $0x8;
	vm1 =	veq.s32 v8, v1  }
0x31b: {  	s31 =	simm.s32 $0x200;
	s13 =	simm.s32 $0x400;
	[tilespmem:v5+s9+$0x0] =	vst.idx.add.f32.msk vm2, v4;
	v5 =	vand.u32 $0xFFF, v9  }
0x31c: {  	s13 =	sand.u32 $0x1F800, s13;
	s12 =	sand.u32 $0x300, s31;
	v9 =	vshra.s32 v7, $0x14;
	v8 =	vld [tilespmem:s10+$0x50]  }
0x31d: {  	s12 =	sor.u32 s12, s13;
	v7 =	vshrl.u32 v7, $0x8;
	vm2 =	veq.s32 v9, v1  }
0x31e: {  	v7 =	vand.u32 $0xFFF, v7;
	v9 =	vld [tilespmem:s12+$0x80];
	v10 =	vshra.s32 v6, $0x14  }
0x31f: {  	v11 =	vld [tilespmem:s12+$0x0];
	v6 =	vshrl.u32 v6, $0x8;
	vm3 =	veq.s32 v10, v1  }
0x320: {  	v6 =	vand.u32 $0xFFF, v6;
	[tilespmem:v5+s9+$0x0] =	vst.idx.add.f32.msk vm1, v4  }
0x321: {  	v5 =	vshra.s32 v8, $0x14;
	v10 =	vld [tilespmem:s10+$0xF0]  }
0x322: {  	v8 =	vshrl.u32 v8, $0x8;
	vm1 =	veq.s32 v5, v1  }
0x323: {  	v5 =	vand.u32 $0xFFF, v8;
	[tilespmem:v7+s9+$0x0] =	vst.idx.add.f32.msk vm2, v4;
	v7 =	vshra.s32 v9, $0x14  }
0x324: {  	v9 =	vshrl.u32 v9, $0x8;
	v8 =	vld [tilespmem:s11+$0x30];
	vm2 =	veq.s32 v7, v1  }
0x325: {  	v7 =	vshra.s32 v11, $0x14;
	v9 =	vand.u32 $0xFFF, v9;
	[tilespmem:v6+s9+$0x0] =	vst.idx.add.f32.msk vm3, v4  }
0x326: {  	v6 =	vshrl.u32 v11, $0x8;
	vm3 =	veq.s32 v7, v1;
	v7 =	vld [tilespmem:s11+$0xC0];
	v11 =	vshra.s32 v10, $0x14  }
0x327: {  	v6 =	vand.u32 $0xFFF, v6;
	v10 =	vshrl.u32 v10, $0x8;
	vm4 =	veq.s32 v11, v1  }
0x328: {  	[tilespmem:v5+s9+$0x0] =	vst.idx.add.f32.msk vm1, v4;
	v5 =	vand.u32 $0xFFF, v10  }
0x329: {  	v11 =	vshra.s32 v8, $0x14;
	v10 =	vld [tilespmem:s10+$0x60]  }
0x32a: {  	v8 =	vshrl.u32 v8, $0x8;
	vm1 =	veq.s32 v11, v1;
	[tilespmem:v9+s9+$0x0] =	vst.idx.add.f32.msk vm2, v4  }
0x32b: {  	v8 =	vand.u32 $0xFFF, v8;
	v11 =	vshra.s32 v7, $0x14;
	v9 =	vld [tilespmem:s12+$0x90]  }
0x32c: {  	[tilespmem:v6+s9+$0x0] =	vst.idx.add.f32.msk vm3, v4;
	v6 =	vshrl.u32 v7, $0x8;
	vm2 =	veq.s32 v11, v1  }
0x32d: {  	v6 =	vand.u32 $0xFFF, v6;
	[tilespmem:v5+s9+$0x0] =	vst.idx.add.f32.msk vm4, v4  }
0x32e: {  	v7 =	vshra.s32 v10, $0x14;
	v5 =	vld [tilespmem:s10+$0x480]  }
0x32f: {  	v11 =	vld [tilespmem:s12+$0x10];
	v10 =	vshrl.u32 v10, $0x8;
	vm3 =	veq.s32 v7, v1  }
0x330: {  	[tilespmem:v8+s9+$0x0] =	vst.idx.add.f32.msk vm1, v4;
	v7 =	vand.u32 $0xFFF, v10;
	v8 =	vshra.s32 v9, $0x14  }
0x331: {  	v9 =	vshrl.u32 v9, $0x8;
	v10 =	vld [tilespmem:s11+$0x40];
	vm1 =	veq.s32 v8, v1  }
0x332: {  	[tilespmem:v6+s9+$0x0] =	vst.idx.add.f32.msk vm2, v4;
	v6 =	vand.u32 $0xFFF, v9  }
0x333: {  	v8 =	vld [tilespmem:s11+$0xD0];
	v9 =	vshra.s32 v5, $0x14  }
0x334: {  	v5 =	vshrl.u32 v5, $0x8;
	vm2 =	veq.s32 v9, v1  }
0x335: {  	v9 =	vshra.s32 v11, $0x14;
	v5 =	vand.u32 $0xFFF, v5;
	[tilespmem:v7+s9+$0x0] =	vst.idx.add.f32.msk vm3, v4  }
0x336: {  	v7 =	vshrl.u32 v11, $0x8;
	vm3 =	veq.s32 v9, v1;
	v9 =	vld [tilespmem:s10+$0x70]  }
0x337: {  	v11 =	vshra.s32 v10, $0x14;
	v7 =	vand.u32 $0xFFF, v7;
	[tilespmem:v6+s9+$0x0] =	vst.idx.add.f32.msk vm1, v4  }
0x338: {  	v10 =	vshrl.u32 v10, $0x8;
	vm1 =	veq.s32 v11, v1;
	v6 =	vshra.s32 v8, $0x14;
	v11 =	vld [tilespmem:s12+$0xA0]  }
0x339: {  	v10 =	vand.u32 $0xFFF, v10;
	v8 =	vshrl.u32 v8, $0x8;
	vm4 =	veq.s32 v6, v1  }
0x33a: {  	v6 =	vand.u32 $0xFFF, v8;
	[tilespmem:v5+s9+$0x0] =	vst.idx.add.f32.msk vm2, v4  }
0x33b: {  	v8 =	vshra.s32 v9, $0x14;
	v5 =	vld [tilespmem:s10+$0x490]  }
0x33c: {  	[tilespmem:v7+s9+$0x0] =	vst.idx.add.f32.msk vm3, v4;
	v7 =	vshrl.u32 v9, $0x8;
	vm2 =	veq.s32 v8, v1  }
0x33d: {  	v9 =	vshra.s32 v11, $0x14;
	v8 =	vld [tilespmem:s12+$0x20];
	v7 =	vand.u32 $0xFFF, v7  }
0x33e: {  	[tilespmem:v10+s9+$0x0] =	vst.idx.add.f32.msk vm1, v4;
	v10 =	vshrl.u32 v11, $0x8;
	vm1 =	veq.s32 v9, v1  }
0x33f: {  	[tilespmem:v6+s9+$0x0] =	vst.idx.add.f32.msk vm4, v4;
	v6 =	vand.u32 $0xFFF, v10  }
0x340: {  	v9 =	vld [tilespmem:s11+$0xE0];
	v10 =	vshra.s32 v5, $0x14  }
0x341: {  	v11 =	vld [tilespmem:s11+$0x50];
	v5 =	vshrl.u32 v5, $0x8;
	vm3 =	veq.s32 v10, v1  }
0x342: {  	v10 =	vand.u32 $0xFFF, v5;
	[tilespmem:v7+s9+$0x0] =	vst.idx.add.f32.msk vm2, v4;
	v7 =	vshrl.u32 v8, $0x8;
	v8 =	vshra.s32 v8, $0x14  }
0x343: {  	v5 =	vld [tilespmem:s10+$0x400];
	vm2 =	veq.s32 v8, v1  }
0x344: {  	v8 =	vand.u32 $0xFFF, v7;
	[tilespmem:v6+s9+$0x0] =	vst.idx.add.f32.msk vm1, v4  }
0x345: {  	v6 =	vshra.s32 v9, $0x14;
	v7 =	vld [tilespmem:s12+$0xB0]  }
0x346: {  	v12 =	vshra.s32 v11, $0x14;
	v13 =	vshrl.u32 v9, $0x8;
	vm15 =	veq.s32 v6, v1  }
0x347: {  	s14 =	simm.s32 $0x300;
	s15 =	simm.s32 $0x600;
	s13 =	simm.s32 $0x4;
	v9 =	vshrl.u32 v11, $0x8;
	vm1 =	veq.s32 v12, v1;
	v6 =	vand.u32 $0xFFF, v13;
	[tilespmem:v10+s9+$0x0] =	vst.idx.add.f32.msk vm3, v4  }
.LBB2_13:
0x348: {  	s16 =	sand.u32 $0x1F800, s15;
	s17 =	sand.u32 $0x300, s14;
	s13 =	sadd.s32 $0x2, s13;
	v9 =	vand.u32 $0xFFF, v9;
	v10 =	vshrl.u32 v5, $0x8;
	v5 =	vshra.s32 v5, $0x14;
	v11 =	vld [tilespmem:s10+$0x4A0]  }
0x349: {  	s16 =	sor.u32 s17, s16;
	p0 =	slt.u32 s13, $0x17E;
	[tilespmem:v8+s9+$0x0] =	vst.idx.add.f32.msk vm2, v4;
	vm2 =	veq.s32 v5, v1;
	v5 =	vand.u32 $0xFFF, v10  }
0x34a: {  	v8 =	vld [tilespmem:s16+$0x80];
	v10 =	vshra.s32 v7, $0x14  }
0x34b: {  	v7 =	vshrl.u32 v7, $0x8;
	v12 =	vld [tilespmem:s16+$0x0];
	vm3 =	veq.s32 v10, v1  }
0x34c: {  	v7 =	vand.u32 $0xFFF, v7;
	[tilespmem:v6+s9+$0x0] =	vst.idx.add.f32.msk vm15, v4  }
0x34d: {  	v6 =	vld [tilespmem:s11+$0xF0];
	v10 =	vshra.s32 v11, $0x14  }
0x34e: {  	v13 =	vld [tilespmem:s12+$0x30];
	vm4 =	veq.s32 v10, v1  }
0x34f: {  	v10 =	vshra.s32 v8, $0x14;
	[tilespmem:v9+s9+$0x0] =	vst.idx.add.f32.msk vm1, v4;
	v9 =	vshrl.u32 v11, $0x8;
	vm1 =	vmand vm4, vm0  }
0x350: {  	v8 =	vshrl.u32 v8, $0x8;
	vm4 =	veq.s32 v10, v1;
	v10 =	vld [tilespmem:s11+$0x60];
	v9 =	vand.u32 $0xFFF, v9  }
0x351: {  	v11 =	vshrl.u32 v12, $0x8;
	v12 =	vshra.s32 v12, $0x14;
	v8 =	vand.u32 $0xFFF, v8;
	[tilespmem:v7+s9+$0x0] =	vst.idx.add.f32.msk vm3, v4  }
0x352: {  	vm3 =	veq.s32 v12, v1;
	v7 =	vand.u32 $0xFFF, v11;
	v11 =	vld [tilespmem:s12+$0xC0];
	v12 =	vshra.s32 v6, $0x14  }
0x353: {  	v6 =	vshrl.u32 v6, $0x8;
	v14 =	vshra.s32 v13, $0x14;
	vm5 =	veq.s32 v12, v1;
	[tilespmem:v5+s9+$0x0] =	vst.idx.add.f32.msk vm2, v4  }
0x354: {  	v5 =	vshrl.u32 v13, $0x8;
	v6 =	vand.u32 $0xFFF, v6;
	vm2 =	veq.s32 v14, v1;
	v12 =	vld [tilespmem:s10+$0x410]  }
0x355: {  	v5 =	vand.u32 $0xFFF, v5;
	v13 =	vshrl.u32 v10, $0x8;
	v10 =	vshra.s32 v10, $0x14;
	[tilespmem:v9+s9+$0x0] =	vst.idx.add.f32.msk vm1, v4  }
0x356: {  	[tilespmem:v8+s9+$0x0] =	vst.idx.add.f32.msk vm4, v4;
	vm1 =	veq.s32 v10, v1;
	v8 =	vand.u32 $0xFFF, v13  }
0x357: {  	v9 =	vld [tilespmem:s16+$0x90];
	v10 =	vshra.s32 v11, $0x14  }
0x358: {  	[tilespmem:v7+s9+$0x0] =	vst.idx.add.f32.msk vm3, v4;
	v7 =	vshrl.u32 v11, $0x8;
	vm3 =	veq.s32 v10, v1  }
0x359: {  	v7 =	vand.u32 $0xFFF, v7;
	[tilespmem:v6+s9+$0x0] =	vst.idx.add.f32.msk vm5, v4;
	v6 =	vshrl.u32 v12, $0x8;
	v10 =	vshra.s32 v12, $0x14  }
0x35a: {  	v11 =	vld [tilespmem:s11+$0x480];
	vm4 =	veq.s32 v10, v1;
	v6 =	vand.u32 $0xFFF, v6  }
0x35b: {  	v10 =	vld [tilespmem:s16+$0x10]  }
0x35c: {  	v12 =	vshra.s32 v9, $0x14;
	[tilespmem:v5+s9+$0x0] =	vst.idx.add.f32.msk vm2, v4  }
0x35d: {  	v5 =	vshrl.u32 v9, $0x8;
	vm2 =	veq.s32 v12, v1;
	v9 =	vld [tilespmem:s12+$0x40]  }
0x35e: {  	v5 =	vand.u32 $0xFFF, v5;
	[tilespmem:v7+s9+$0x0] =	vst.idx.add.f32.msk vm3, v4  }
0x35f: {  	v7 =	vld [tilespmem:s12+$0xD0];
	v12 =	vshra.s32 v11, $0x14  }
0x360: {  	v13 =	vshra.s32 v10, $0x14;
	[tilespmem:v8+s9+$0x0] =	vst.idx.add.f32.msk vm1, v4;
	v8 =	vshrl.u32 v11, $0x8;
	vm1 =	veq.s32 v12, v1  }
0x361: {  	v10 =	vshrl.u32 v10, $0x8;
	vm3 =	veq.s32 v13, v1;
	v11 =	vld [tilespmem:s11+$0x70];
	v8 =	vand.u32 $0xFFF, v8  }
0x362: {  	v10 =	vand.u32 $0xFFF, v10;
	v12 =	vshrl.u32 v9, $0x8;
	v9 =	vshra.s32 v9, $0x14;
	[tilespmem:v6+s9+$0x0] =	vst.idx.add.f32.msk vm4, v4  }
0x363: {  	[tilespmem:v5+s9+$0x0] =	vst.idx.add.f32.msk vm2, v4;
	vm2 =	veq.s32 v9, v1;
	v5 =	vand.u32 $0xFFF, v12  }
0x364: {  	v6 =	vld [tilespmem:s16+$0xA0];
	v9 =	vshra.s32 v7, $0x14  }
0x365: {  	v7 =	vshrl.u32 v7, $0x8;
	vm4 =	veq.s32 v9, v1;
	v9 =	vld [tilespmem:s10+$0x420];
	s10 =	smov.u32 s11;
	s11 =	smov.u32 s12;
	s12 =	smov.u32 s16  }
0x366: {  	v7 =	vand.u32 $0xFFF, v7;
	v12 =	vshrl.u32 v11, $0x8;
	v11 =	vshra.s32 v11, $0x14;
	[tilespmem:v8+s9+$0x0] =	vst.idx.add.f32.msk vm1, v4  }
0x367: {  	vm1 =	veq.s32 v11, v1;
	v8 =	vand.u32 $0xFFF, v12;
	v11 =	vld [tilespmem:s10+$0x490]  }
0x368: {  	[tilespmem:v10+s9+$0x0] =	vst.idx.add.f32.msk vm3, v4  }
0x369: {  	v10 =	vld [tilespmem:s12+$0x20];
	v12 =	vshra.s32 v6, $0x14  }
0x36a: {  	v6 =	vshrl.u32 v6, $0x8;
	vm3 =	veq.s32 v12, v1;
	[tilespmem:v5+s9+$0x0] =	vst.idx.add.f32.msk vm2, v4;
	v5 =	vshra.s32 v9, $0x14  }
0x36b: {  	v6 =	vand.u32 $0xFFF, v6;
	[tilespmem:v7+s9+$0x0] =	vst.idx.add.f32.msk vm4, v4;
	v7 =	vshrl.u32 v9, $0x8;
	vm2 =	veq.s32 v5, v1  }
0x36c: {  	v9 =	vld [tilespmem:s11+$0xE0];
	v5 =	vshra.s32 v11, $0x14;
	vm4 =	vmand vm2, vm0;
	v12 =	vand.u32 $0xFFF, v7  }
0x36d: {  	v7 =	vshrl.u32 v11, $0x8;
	v13 =	vld [tilespmem:s11+$0x50];
	vm5 =	veq.s32 v5, v1  }
0x36e: {  	v11 =	vand.u32 $0xFFF, v7;
	v5 =	vshrl.u32 v10, $0x8;
	v10 =	vshra.s32 v10, $0x14;
	[tilespmem:v8+s9+$0x0] =	vst.idx.add.f32.msk vm1, v4  }
.Ltmp6:
0x36f: {  	vm2 =	veq.s32 v10, v1;
	v8 =	vand.u32 $0xFFF, v5;
	v5 =	vld [tilespmem:s10+$0x400];
	(pc) =	sbr.rel @p0 .LBB2_13-.Ltmp6, $4  }
0x370: {  	[tilespmem:v6+s9+$0x0] =	vst.idx.add.f32.msk vm3, v4  }
0x371: {  	v7 =	vld [tilespmem:s12+$0xB0];
	v6 =	vshra.s32 v9, $0x14  }
0x372: {  	v14 =	vshrl.u32 v9, $0x8;
	v10 =	vshra.s32 v13, $0x14;
	vm15 =	veq.s32 v6, v1;
	[tilespmem:v12+s9+$0x0] =	vst.idx.add.f32.msk vm4, v4  }
0x373: {  	s14 =	sadd.s32 $0x100, s14;
	s15 =	sadd.s32 $0x200, s15;
	v9 =	vshrl.u32 v13, $0x8;
	v6 =	vand.u32 $0xFFF, v14;
	vm1 =	veq.s32 v10, v1;
	[tilespmem:v11+s9+$0x0] =	vst.idx.add.f32.msk vm5, v4  }
0x374: {  	_ =	sdelay $0x4  }
0x375: {  	[tilespmem:v8+s9+$0x0] =	vst.idx.add.f32.msk vm2, v4  }
0x376: {  	v8 =	vld [tilespmem:s12+$0x30];
	_ =	sdelay $0x2  }
0x377: {  	v10 =	vshra.s32 v7, $0x14  }
0x378: {  	v7 =	vshrl.u32 v7, $0x8;
	vm2 =	veq.s32 v10, v1  }
0x379: {  	v7 =	vand.u32 $0xFFF, v7;
	v10 =	vshra.s32 v8, $0x14  }
0x37a: {  	v8 =	vshrl.u32 v8, $0x8;
	vm3 =	veq.s32 v10, v1  }
0x37b: {  	v8 =	vand.u32 $0xFFF, v8;
	_ =	sdelay $0x2  }
0x37c: {  	[tilespmem:v7+s9+$0x0] =	vst.idx.add.f32.msk vm2, v4  }
0x37d: {  	v7 =	vld [tilespmem:s12+$0xC0]  }
0x37e: {  	[tilespmem:v8+s9+$0x0] =	vst.idx.add.f32.msk vm3, v4  }
0x37f: {  	v8 =	vld [tilespmem:s12+$0x40];
	_ =	sdelay $0x2  }
0x380: {  	v10 =	vshra.s32 v7, $0x14  }
0x381: {  	v7 =	vshrl.u32 v7, $0x8;
	vm2 =	veq.s32 v10, v1  }
0x382: {  	v7 =	vand.u32 $0xFFF, v7;
	v10 =	vshra.s32 v8, $0x14  }
0x383: {  	v8 =	vshrl.u32 v8, $0x8;
	vm3 =	veq.s32 v10, v1  }
0x384: {  	v8 =	vand.u32 $0xFFF, v8;
	_ =	sdelay $0x2  }
0x385: {  	[tilespmem:v7+s9+$0x0] =	vst.idx.add.f32.msk vm2, v4  }
0x386: {  	v7 =	vld [tilespmem:s12+$0xD0]  }
0x387: {  	[tilespmem:v8+s9+$0x0] =	vst.idx.add.f32.msk vm3, v4  }
0x388: {  	v8 =	vld [tilespmem:s12+$0x50];
	_ =	sdelay $0x2  }
0x389: {  	v9 =	vand.u32 $0xFFF, v9;
	v10 =	vshra.s32 v7, $0x14  }
0x38a: {  	v7 =	vshrl.u32 v7, $0x8;
	vm2 =	veq.s32 v10, v1  }
0x38b: {  	v7 =	vand.u32 $0xFFF, v7;
	v10 =	vshra.s32 v8, $0x14  }
0x38c: {  	v8 =	vshrl.u32 v8, $0x8;
	vm3 =	veq.s32 v10, v1  }
0x38d: {  	v8 =	vand.u32 $0xFFF, v8  }
0x38e: {  	[tilespmem:v9+s9+$0x0] =	vst.idx.add.f32.msk vm1, v4  }
0x38f: {  	v9 =	vld [tilespmem:s11+$0x60]  }
0x390: {  	[tilespmem:v7+s9+$0x0] =	vst.idx.add.f32.msk vm2, v4  }
0x391: {  	v7 =	vld [tilespmem:s12+$0xE0]  }
0x392: {  	[tilespmem:v8+s9+$0x0] =	vst.idx.add.f32.msk vm3, v4  }
0x393: {  	v8 =	vld [tilespmem:s12+$0x60]  }
0x394: {  	v10 =	vshra.s32 v9, $0x14  }
0x395: {  	v9 =	vshrl.u32 v9, $0x8;
	vm1 =	veq.s32 v10, v1  }
0x396: {  	v9 =	vand.u32 $0xFFF, v9;
	v10 =	vshra.s32 v7, $0x14  }
0x397: {  	v7 =	vshrl.u32 v7, $0x8;
	vm2 =	veq.s32 v10, v1  }
0x398: {  	v7 =	vand.u32 $0xFFF, v7;
	v10 =	vshra.s32 v8, $0x14  }
0x399: {  	[tilespmem:v6+s9+$0x0] =	vst.idx.add.f32.msk vm15, v4;
	v6 =	vshrl.u32 v8, $0x8;
	vm3 =	veq.s32 v10, v1  }
0x39a: {  	v8 =	vld [tilespmem:s11+$0xF0];
	v6 =	vand.u32 $0xFFF, v6  }
0x39b: {  	[tilespmem:v9+s9+$0x0] =	vst.idx.add.f32.msk vm1, v4  }
0x39c: {  	v9 =	vld [tilespmem:s11+$0x70]  }
0x39d: {  	[tilespmem:v7+s9+$0x0] =	vst.idx.add.f32.msk vm2, v4  }
0x39e: {  	v7 =	vld [tilespmem:s12+$0xF0]  }
0x39f: {  	v10 =	vshra.s32 v8, $0x14;
	[tilespmem:v6+s9+$0x0] =	vst.idx.add.f32.msk vm3, v4  }
0x3a0: {  	vm1 =	veq.s32 v10, v1;
	v6 =	vshrl.u32 v8, $0x8;
	v8 =	vld [tilespmem:s12+$0x70]  }
0x3a1: {  	v10 =	vshra.s32 v9, $0x14;
	v6 =	vand.u32 $0xFFF, v6  }
0x3a2: {  	v9 =	vshrl.u32 v9, $0x8;
	vm2 =	veq.s32 v10, v1  }
0x3a3: {  	v9 =	vand.u32 $0xFFF, v9;
	v10 =	vshra.s32 v7, $0x14  }
0x3a4: {  	v7 =	vshrl.u32 v7, $0x8;
	vm3 =	veq.s32 v10, v1  }
0x3a5: {  	v7 =	vand.u32 $0xFFF, v7;
	v10 =	vshra.s32 v8, $0x14  }
0x3a6: {  	[tilespmem:v6+s9+$0x0] =	vst.idx.add.f32.msk vm1, v4;
	v6 =	vshrl.u32 v8, $0x8;
	vm1 =	veq.s32 v10, v1  }
0x3a7: {  	v8 =	vld [tilespmem:s11+$0x480];
	v6 =	vand.u32 $0xFFF, v6  }
0x3a8: {  	[tilespmem:v9+s9+$0x0] =	vst.idx.add.f32.msk vm2, v4  }
0x3a9: {  	v9 =	vld [tilespmem:s11+$0x400]  }
0x3aa: {  	v10 =	vshra.s32 v5, $0x14;
	[tilespmem:v7+s9+$0x0] =	vst.idx.add.f32.msk vm3, v4  }
0x3ab: {  	v5 =	vshrl.u32 v5, $0x8;
	vm2 =	veq.s32 v10, v1;
	v7 =	vld [tilespmem:s12+$0x480]  }
0x3ac: {  	v5 =	vand.u32 $0xFFF, v5;
	v10 =	vshra.s32 v8, $0x14;
	[tilespmem:v6+s9+$0x0] =	vst.idx.add.f32.msk vm1, v4  }
0x3ad: {  	v6 =	vshrl.u32 v8, $0x8;
	vm1 =	veq.s32 v10, v1;
	v8 =	vld [tilespmem:s12+$0x400]  }
0x3ae: {  	v10 =	vshra.s32 v9, $0x14;
	v6 =	vand.u32 $0xFFF, v6  }
0x3af: {  	v9 =	vshrl.u32 v9, $0x8;
	vm3 =	veq.s32 v10, v1  }
0x3b0: {  	v9 =	vand.u32 $0xFFF, v9;
	v10 =	vshra.s32 v7, $0x14  }
0x3b1: {  	[tilespmem:v5+s9+$0x0] =	vst.idx.add.f32.msk vm2, v4;
	v5 =	vshrl.u32 v7, $0x8;
	vm2 =	veq.s32 v10, v1  }
0x3b2: {  	v7 =	vld [tilespmem:s10+$0x410];
	v5 =	vand.u32 $0xFFF, v5;
	v10 =	vshra.s32 v8, $0x14  }
0x3b3: {  	[tilespmem:v6+s9+$0x0] =	vst.idx.add.f32.msk vm1, v4;
	v6 =	vshrl.u32 v8, $0x8;
	vm1 =	veq.s32 v10, v1  }
0x3b4: {  	v8 =	vld [tilespmem:s11+$0x490];
	v6 =	vand.u32 $0xFFF, v6  }
0x3b5: {  	[tilespmem:v9+s9+$0x0] =	vst.idx.add.f32.msk vm3, v4  }
0x3b6: {  	v9 =	vld [tilespmem:s11+$0x410]  }
0x3b7: {  	v10 =	vshra.s32 v7, $0x14;
	[tilespmem:v5+s9+$0x0] =	vst.idx.add.f32.msk vm2, v4  }
0x3b8: {  	v5 =	vshrl.u32 v7, $0x8;
	vm2 =	veq.s32 v10, v1;
	v7 =	vld [tilespmem:s12+$0x490]  }
0x3b9: {  	v5 =	vand.u32 $0xFFF, v5;
	v10 =	vshra.s32 v8, $0x14;
	[tilespmem:v6+s9+$0x0] =	vst.idx.add.f32.msk vm1, v4  }
0x3ba: {  	v6 =	vshrl.u32 v8, $0x8;
	vm1 =	veq.s32 v10, v1;
	v8 =	vld [tilespmem:s12+$0x410]  }
0x3bb: {  	v10 =	vshra.s32 v9, $0x14;
	v6 =	vand.u32 $0xFFF, v6  }
0x3bc: {  	v9 =	vshrl.u32 v9, $0x8;
	vm3 =	veq.s32 v10, v1  }
0x3bd: {  	v10 =	vld [tilespmem:s10+$0x4A0];
	v9 =	vand.u32 $0xFFF, v9;
	v11 =	vshra.s32 v7, $0x14  }
0x3be: {  	[tilespmem:v5+s9+$0x0] =	vst.idx.add.f32.msk vm2, v4;
	v5 =	vshrl.u32 v7, $0x8;
	vm2 =	veq.s32 v11, v1  }
0x3bf: {  	v7 =	vld [tilespmem:s10+$0x420];
	v5 =	vand.u32 $0xFFF, v5;
	v11 =	vshra.s32 v8, $0x14  }
0x3c0: {  	[tilespmem:v6+s9+$0x0] =	vst.idx.add.f32.msk vm1, v4;
	v6 =	vshrl.u32 v8, $0x8;
	vm1 =	veq.s32 v11, v1  }
0x3c1: {  	v8 =	vld [tilespmem:s11+$0x4A0];
	v6 =	vand.u32 $0xFFF, v6  }
0x3c2: {  	[tilespmem:v9+s9+$0x0] =	vst.idx.add.f32.msk vm3, v4  }
0x3c3: {  	v9 =	vld [tilespmem:s11+$0x420]  }
0x3c4: {  	[tilespmem:v5+s9+$0x0] =	vst.idx.add.f32.msk vm2, v4  }
0x3c5: {  	v11 =	vshra.s32 v10, $0x14;
	v10 =	vshrl.u32 v10, $0x8;
	v5 =	vld [tilespmem:s12+$0x4A0]  }
0x3c6: {  	vm2 =	veq.s32 v11, v1;
	v11 =	vshra.s32 v7, $0x14;
	v7 =	vshrl.u32 v7, $0x8;
	[tilespmem:v6+s9+$0x0] =	vst.idx.add.f32.msk vm1, v4  }
0x3c7: {  	vm2 =	vmand vm2, vm0;
	v7 =	vand.u32 $0xFFF, v7;
	v6 =	vand.u32 $0xFFF, v10;
	v10 =	vld [tilespmem:s12+$0x420]  }
0x3c8: {  	vm1 =	veq.s32 v11, v1;
	v11 =	vshra.s32 v8, $0x14;
	v8 =	vshrl.u32 v8, $0x8  }
0x3c9: {  	vm1 =	vmand vm1, vm0;
	vm3 =	veq.s32 v11, v1;
	v11 =	vshra.s32 v9, $0x14  }
0x3ca: {  	v8 =	vand.u32 $0xFFF, v8;
	v9 =	vshrl.u32 v9, $0x8;
	vm3 =	vmand vm3, vm0  }
0x3cb: {  	vm4 =	veq.s32 v11, v1;
	v11 =	vshra.s32 v5, $0x14;
	v9 =	vand.u32 $0xFFF, v9  }
0x3cc: {  	vm4 =	vmand vm4, vm0;
	vm5 =	veq.s32 v11, v1;
	v11 =	vshra.s32 v10, $0x14  }
0x3cd: {  	v5 =	vshrl.u32 v5, $0x8;
	vm5 =	vmand vm5, vm0;
	vm6 =	veq.s32 v11, v1  }
0x3ce: {  	v5 =	vand.u32 $0xFFF, v5;
	v10 =	vshrl.u32 v10, $0x8;
	vm6 =	vmand vm6, vm0  }
0x3cf: {  	[tilespmem:v6+s9+$0x0] =	vst.idx.add.f32.msk vm2, v4;
	v6 =	vand.u32 $0xFFF, v10  }
0x3d0: {  	[tilespmem:v7+s9+$0x0] =	vst.idx.add.f32.msk vm1, v4  }
0x3d1: {  	[tilespmem:v8+s9+$0x0] =	vst.idx.add.f32.msk vm3, v4  }
0x3d2: {  	[tilespmem:v9+s9+$0x0] =	vst.idx.add.f32.msk vm4, v4  }
0x3d3: {  	s21 =	simm.s32 $0x80;
	[tilespmem:v5+s9+$0x0] =	vst.idx.add.f32.msk vm5, v4  }
0x3d4: {  	s22 =	simm.s32 $0x400;
	s23 =	simm.s32 $0x18000;
	s24 =	simm.s32 $0x1;
	[tilespmem:v6+s9+$0x0] =	vst.idx.add.f32.msk vm6, v4  }
0x3d5: {  	[spmem:s6] =	stream.strided.scatter [tilespmem:s23], [sflag:$0x1], $0x1000, s22, s21, $0x38;
	[tilespmem:$0x1BB90] =	vst v63  }
0x3d6: {  	_ =	swait.ge [sflag:s24], $0x1000  }
0x3d7: {  	[sflag:s24] =	ssyncset.done $0x0  }
0x3d8: {  	s25 =	simm.s32 $0x800;
	s26 =	simm.s32 $0x8000;
	[sflag:s24] =	ssyncadd.s32 $0xFFFFF000  }
0x3d9: {  	s28 =	simm.s32 $0x19000;
	s14 =	simm.s32 $0x0;
	[bflag:$0x0] =	sbarrier.arrive $0xFFFF  }
0x3da: {  	[tilespmem:s28], [sflag:$0x1] =	stream.strided.gather [spmem:s7], $0x1000, s26, s25, $0x38;
	[tilespmem:$0x1BB90] =	vst v63  }
0x3db: {  	s9 =	sand.u32 $0x60, s14;
	s7 =	sand.u32 $0x400, s14;
	_ =	swait.ge [sflag:s24], $0x1000  }
0x3dc: {  	s13 =	sor.u32 $0x10, s9;
	s29 =	sor.u32 $0x19000, s7;
	[sflag:s24] =	ssyncset.done $0x0  }
0x3dd: {  	s30 =	sor.u32 s13, s29;
	[sflag:s24] =	ssyncadd.s32 $0xFFFFF000  }
0x3de: {  	s11 =	sor.u32 s9, s29;
	v4 =	vld [tilespmem:s30+$0x0]  }
0x3df: {  	v5 =	vld [tilespmem:s11+$0x0]  }
0x3e0: {  	v6 =	vld [tilespmem:s30+$0x80]  }
0x3e1: {  	v7 =	vld [tilespmem:s11+$0x80]  }
0x3e2: {  	v8 =	vld [tilespmem:s30+$0x100]  }
0x3e3: {  	v9 =	vld [tilespmem:s11+$0x100]  }
0x3e4: {  	v10 =	vld [tilespmem:s30+$0x180]  }
0x3e5: {  	v11 =	vld [tilespmem:s11+$0x180]  }
0x3e6: {  	v12 =	vld [tilespmem:s30+$0x200]  }
0x3e7: {  	v13 =	vld [tilespmem:s11+$0x200]  }
0x3e8: {  	v14 =	vld [tilespmem:s30+$0x280]  }
0x3e9: {  	v15 =	vld [tilespmem:s11+$0x280]  }
0x3ea: {  	v16 =	vld [tilespmem:s30+$0x300]  }
0x3eb: {  	v17 =	vld [tilespmem:s11+$0x300]  }
0x3ec: {  	s31 =	sor.u32 $0x19800, s7;
	v18 =	vld [tilespmem:s30+$0x380]  }
0x3ed: {  	s16 =	sor.u32 $0x19880, s7;
	s15 =	sor.u32 s9, s31;
	v19 =	vld [tilespmem:s11+$0x380]  }
0x3ee: {  	s17 =	sor.u32 s13, s16;
	v21 =	vld [tilespmem:s15+$0x0]  }
0x3ef: {  	s19 =	sor.u32 $0x19900, s7;
	s18 =	sor.u32 s9, s16;
	v22 =	vld [tilespmem:s17+$0x0]  }
0x3f0: {  	s20 =	sor.u32 s13, s19;
	v23 =	vld [tilespmem:s18+$0x0]  }
0x3f1: {  	s22 =	sor.u32 $0x19980, s7;
	s21 =	sor.u32 s9, s19;
	v24 =	vld [tilespmem:s20+$0x0]  }
0x3f2: {  	s23 =	sor.u32 s13, s22;
	v25 =	vld [tilespmem:s21+$0x0]  }
0x3f3: {  	s25 =	sor.u32 $0x19A00, s7;
	s24 =	sor.u32 s9, s22;
	v26 =	vld [tilespmem:s23+$0x0]  }
0x3f4: {  	s26 =	sor.u32 s13, s25;
	v27 =	vld [tilespmem:s24+$0x0]  }
0x3f5: {  	s28 =	sor.u32 s9, s25;
	s29 =	sor.u32 $0x19A80, s7;
	v28 =	vld [tilespmem:s26+$0x0]  }
0x3f6: {  	s12 =	sor.u32 s9, s29;
	v29 =	vld [tilespmem:s28+$0x0]  }
0x3f7: {  	s11 =	sor.u32 s13, s31;
	v31 =	vld [tilespmem:s12+$0x0]  }
0x3f8: {  	s19 =	sor.u32 $0x19B80, s7;
	s30 =	sor.u32 s13, s29;
	v20 =	vld [tilespmem:s11+$0x0]  }
0x3f9: {  	s31 =	sor.u32 $0x19B00, s7;
	s7 =	sor.u32 s13, s19;
	v30 =	vld [tilespmem:s30+$0x0]  }
0x3fa: {  	s16 =	simm.s32 $0x20;
	s18 =	simm.s32 $0x100;
	s19 =	sor.u32 s9, s19;
	v34 =	vld [tilespmem:s7+$0x0]  }
0x3fb: {  	s15 =	sand.u32 $0x60, s16;
	s17 =	sor.u32 s9, s31;
	s10 =	sand.u32 $0x400, s18;
	v46 =	vld [tilespmem:s19+$0x0]  }
0x3fc: {  	s12 =	sor.u32 s13, s31;
	v33 =	vld [tilespmem:s17+$0x0];
	s11 =	sor.u32 $0x19000, s10;
	s17 =	sor.u32 $0x10, s15  }
0x3fd: {  	v32 =	vld [tilespmem:s12+$0x0];
	s20 =	sor.u32 s17, s11  }
0x3fe: {  	s11 =	sor.u32 s15, s11;
	v35 =	vld [tilespmem:s20+$0x0]  }
0x3ff: {  	v36 =	vld [tilespmem:s11+$0x0]  }
0x400: {  	v37 =	vld [tilespmem:s20+$0x80]  }
0x401: {  	v38 =	vld [tilespmem:s11+$0x80]  }
0x402: {  	v39 =	vld [tilespmem:s20+$0x100]  }
0x403: {  	v40 =	vld [tilespmem:s11+$0x100]  }
0x404: {  	v41 =	vld [tilespmem:s20+$0x180];
	v5 =	vadd.f32 $0.0e+00, v5  }
0x405: {  	s21 =	sor.u32 $0x19800, s10;
	v42 =	vld [tilespmem:s11+$0x180];
	v4 =	vadd.f32 $0.0e+00, v4  }
0x406: {  	s24 =	sor.u32 $0x19880, s10;
	s22 =	sor.u32 s17, s21;
	v43 =	vld [tilespmem:s20+$0x200];
	v5 =	vadd.f32 v7, v5  }
0x407: {  	s28 =	sor.u32 $0x19900, s10;
	s25 =	sor.u32 s17, s24;
	v54 =	vld [tilespmem:s22+$0x0];
	v4 =	vadd.f32 v6, v4  }
0x408: {  	s29 =	sor.u32 s17, s28;
	v55 =	vld [tilespmem:s25+$0x0];
	s22 =	sor.u32 $0x19A80, s10;
	v5 =	vadd.f32 v9, v5  }
0x409: {  	s26 =	sor.u32 s15, s24;
	v56 =	vld [tilespmem:s29+$0x0];
	s24 =	sor.u32 s15, s22;
	v4 =	vadd.f32 v8, v4  }
0x40a: {  	v61 =	vld [tilespmem:s24+$0x0];
	v5 =	vadd.f32 v11, v5  }
0x40b: {  	v6 =	vld [tilespmem:s11+$0x200];
	v4 =	vadd.f32 v10, v4  }
0x40c: {  	v7 =	vld [tilespmem:s20+$0x280];
	v5 =	vadd.f32 v13, v5  }
0x40d: {  	v8 =	vld [tilespmem:s11+$0x280];
	v4 =	vadd.f32 v12, v4  }
0x40e: {  	v9 =	vld [tilespmem:s20+$0x300];
	v5 =	vadd.f32 v15, v5  }
0x40f: {  	s18 =	sor.u32 $0x19A00, s10;
	v10 =	vld [tilespmem:s11+$0x300];
	v4 =	vadd.f32 v14, v4  }
0x410: {  	v11 =	vld [tilespmem:s20+$0x380];
	s20 =	sor.u32 s17, s18;
	v5 =	vadd.f32 v17, v5  }
0x411: {  	s23 =	sor.u32 s15, s21;
	s25 =	sor.u32 $0x19B00, s10;
	v58 =	vld [tilespmem:s20+$0x0];
	v4 =	vadd.f32 v16, v4  }
0x412: {  	s21 =	sor.u32 s15, s18;
	s18 =	sor.u32 $0x19B80, s10;
	s20 =	sor.u32 s15, s25;
	v12 =	vld [tilespmem:s11+$0x380];
	v5 =	vadd.f32 v19, v5  }
0x413: {  	s31 =	sor.u32 $0x19980, s10;
	s30 =	sor.u32 s15, s28;
	s28 =	sor.u32 s17, s18;
	v44 =	vld [tilespmem:s20+$0x0];
	v4 =	vadd.f32 v18, v4  }
0x414: {  	s11 =	sor.u32 s17, s31;
	v45 =	vld [tilespmem:s28+$0x0];
	v5 =	vadd.f32 v21, v5  }
0x415: {  	v57 =	vld [tilespmem:s11+$0x0];
	v4 =	vadd.f32 v20, v4  }
0x416: {  	s7 =	simm.s32 $0x40;
	s12 =	sor.u32 s15, s31;
	s11 =	simm.s32 $0x200;
	v14 =	vld [tilespmem:s23+$0x0];
	v5 =	vadd.f32 v23, v5  }
0x417: {  	v59 =	vadd.f32 $0.0e+00, v35;
	s10 =	sand.u32 $0x60, s7;
	v20 =	vld [tilespmem:s12+$0x0];
	s12 =	sand.u32 $0x400, s11;
	v4 =	vadd.f32 v22, v4  }
0x418: {  	v62 =	vadd.f32 $0.0e+00, v36;
	s9 =	sor.u32 $0x10, s10;
	s23 =	sor.u32 s17, s22;
	v22 =	vld [tilespmem:s21+$0x0];
	s21 =	sor.u32 $0x19000, s12;
	v5 =	vadd.f32 v25, v5  }
0x419: {  	v60 =	vld [tilespmem:s23+$0x0];
	v23 =	vadd.f32 v37, v59;
	s29 =	sor.u32 s9, s21;
	v4 =	vadd.f32 v24, v4  }
0x41a: {  	v25 =	vadd.f32 v38, v62;
	v47 =	vld [tilespmem:s29+$0x0];
	v5 =	vadd.f32 v27, v5  }
0x41b: {  	v16 =	vld [tilespmem:s26+$0x0];
	v23 =	vadd.f32 v39, v23;
	v4 =	vadd.f32 v26, v4  }
0x41c: {  	v18 =	vld [tilespmem:s30+$0x0];
	v25 =	vadd.f32 v40, v25;
	v5 =	vadd.f32 v29, v5  }
0x41d: {  	s30 =	sor.u32 s10, s21;
	v49 =	vld [tilespmem:s29+$0x80];
	v23 =	vadd.f32 v41, v23;
	v4 =	vadd.f32 v28, v4  }
0x41e: {  	s26 =	sor.u32 s17, s25;
	v48 =	vld [tilespmem:s30+$0x0];
	v25 =	vadd.f32 v42, v25;
	v5 =	vadd.f32 v31, v5  }
0x41f: {  	v63 =	vld [tilespmem:s26+$0x0];
	v23 =	vadd.f32 v43, v23;
	v29 =	vadd.f32 $0.0e+00, v47  }
0x420: {  	v6 =	vadd.f32 v6, v25;
	v50 =	vadd.f32 v33, v5;
	v5 =	vld [tilespmem:s30+$0x80]  }
0x421: {  	v51 =	vld [tilespmem:s29+$0x100];
	v4 =	vadd.f32 v30, v4;
	v7 =	vadd.f32 v7, v23  }
0x422: {  	v52 =	vld [tilespmem:s30+$0x100];
	v29 =	vadd.f32 v49, v29;
	v6 =	vadd.f32 v8, v6  }
0x423: {  	v7 =	vadd.f32 v9, v7;
	v8 =	vld [tilespmem:s29+$0x180];
	v9 =	vadd.f32 $0.0e+00, v48  }
0x424: {  	v53 =	vld [tilespmem:s30+$0x180];
	v4 =	vadd.f32 v32, v4;
	v6 =	vadd.f32 v10, v6  }
0x425: {  	v7 =	vadd.f32 v11, v7;
	v10 =	vld [tilespmem:s29+$0x200];
	v5 =	vadd.f32 v5, v9  }
0x426: {  	v11 =	vld [tilespmem:s30+$0x200];
	v6 =	vadd.f32 v12, v6;
	v9 =	vadd.f32 v51, v29  }
0x427: {  	v7 =	vadd.f32 v54, v7;
	v54 =	vld [tilespmem:s29+$0x280];
	v5 =	vadd.f32 v52, v5  }
0x428: {  	v6 =	vadd.f32 v14, v6;
	v8 =	vadd.f32 v8, v9;
	v9 =	vld [tilespmem:s30+$0x280]  }
0x429: {  	v7 =	vadd.f32 v55, v7;
	v55 =	vld [tilespmem:s29+$0x300];
	v5 =	vadd.f32 v53, v5  }
0x42a: {  	v6 =	vadd.f32 v16, v6;
	v8 =	vadd.f32 v10, v8;
	v10 =	vld [tilespmem:s30+$0x300]  }
0x42b: {  	s31 =	sor.u32 $0x19800, s12;
	v7 =	vadd.f32 v56, v7;
	v56 =	vld [tilespmem:s29+$0x380];
	v5 =	vadd.f32 v11, v5  }
0x42c: {  	s22 =	sor.u32 s9, s31;
	v6 =	vadd.f32 v18, v6;
	v8 =	vadd.f32 v54, v8;
	v11 =	vld [tilespmem:s30+$0x380]  }
0x42d: {  	s24 =	sor.u32 $0x19880, s12;
	s23 =	sor.u32 s10, s31;
	v7 =	vadd.f32 v57, v7;
	v57 =	vld [tilespmem:s22+$0x0];
	v5 =	vadd.f32 v9, v5  }
0x42e: {  	s25 =	sor.u32 s9, s24;
	v6 =	vadd.f32 v20, v6;
	v8 =	vadd.f32 v55, v8;
	v9 =	vld [tilespmem:s23+$0x0]  }
0x42f: {  	s28 =	sor.u32 $0x19900, s12;
	s26 =	sor.u32 s10, s24;
	v7 =	vadd.f32 v58, v7;
	v58 =	vld [tilespmem:s25+$0x0];
	v5 =	vadd.f32 v10, v5  }
0x430: {  	v4 =	vadd.f32 v34, v4;
	s29 =	sor.u32 s9, s28;
	v8 =	vadd.f32 v56, v8;
	v10 =	vld [tilespmem:s26+$0x0]  }
0x431: {  	s31 =	sor.u32 $0x19980, s12;
	v59 =	vld [tilespmem:s29+$0x0];
	s30 =	sor.u32 s10, s28;
	v6 =	vadd.f32 v22, v6;
	v5 =	vadd.f32 v11, v5  }
0x432: {  	s20 =	sor.u32 s9, s31;
	v7 =	vadd.f32 v60, v7;
	v8 =	vadd.f32 v57, v8;
	v11 =	vld [tilespmem:s30+$0x0]  }
0x433: {  	s21 =	sor.u32 s10, s31;
	s31 =	sor.u32 $0x19B00, s12;
	s22 =	sor.u32 $0x19A00, s12;
	v60 =	vadd.f32 v61, v6;
	v61 =	vld [tilespmem:s20+$0x0];
	v9 =	vadd.f32 v9, v5  }
0x434: {  	s24 =	sor.u32 s9, s22;
	s28 =	sor.u32 $0x19A80, s12;
	s23 =	sand.u32 $0x80, s14;
	v6 =	vadd.f32 v63, v7;
	v8 =	vadd.f32 v58, v8;
	v5 =	vld [tilespmem:s21+$0x0]  }
0x435: {  	s25 =	sand.u32 $0x80, s16;
	s13 =	sor.u32 s13, s23;
	s26 =	sor.u32 s10, s22;
	v63 =	vadd.f32 v46, v50;
	v7 =	vld [tilespmem:s24+$0x0];
	v10 =	vadd.f32 v10, v9  }
0x436: {  	s16 =	simm.s32 $0x4;
	s29 =	sor.u32 s9, s28;
	s14 =	simm.s32 $0x1A000;
	[tilespmem:s13+$0x1A000] =	vst v4;
	v62 =	vadd.f32 v45, v6;
	v6 =	vld [tilespmem:s26+$0x0];
	v14 =	vadd.f32 v59, v8  }
0x437: {  	s17 =	sor.u32 s17, s25;
	s13 =	sor.u32 s15, s18;
	s30 =	sor.u32 s10, s28;
	[tilespmem:s14+$0x0] =	vst v63;
	v9 =	vld [tilespmem:s29+$0x0];
	v11 =	vadd.f32 v11, v10  }
0x438: {  	s18 =	sor.u32 s9, s31;
	s15 =	simm.s32 $0x60;
	v4 =	vadd.f32 v44, v60;
	[tilespmem:s17+$0x1A000] =	vst v62;
	s17 =	sor.u32 s10, s31;
	v8 =	vld [tilespmem:s30+$0x0];
	v10 =	vadd.f32 v61, v14  }
.LBB2_15:
0x439: {  	s19 =	sand.u32 $0x60, s15;
	v5 =	vadd.f32 v5, v11;
	s20 =	sor.u32 $0x19B80, s12;
	v11 =	vld [tilespmem:s18+$0x0];
	s11 =	sadd.s32 $0x100, s11  }
0x43a: {  	s16 =	sadd.s32 $0x2, s16;
	s12 =	sand.u32 $0x400, s11;
	v12 =	vld [tilespmem:s17+$0x0];
	v7 =	vadd.f32 v7, v10;
	s17 =	sor.u32 s9, s20  }
0x43b: {  	s21 =	sor.u32 $0x10, s19;
	p0 =	slt.u32 s16, $0xE;
	s18 =	sor.u32 $0x19000, s12;
	v5 =	vadd.f32 v6, v5;
	v6 =	vld [tilespmem:s17+$0x0]  }
0x43c: {  	s17 =	sor.u32 s19, s18;
	s18 =	sor.u32 s21, s18;
	v7 =	vadd.f32 v9, v7;
	v9 =	vld [tilespmem:s13+$0x0];
	s13 =	sor.u32 s10, s20  }
0x43d: {  	s10 =	smov.u32 s19;
	v10 =	vld [tilespmem:s18+$0x0];
	v5 =	vadd.f32 v8, v5  }
0x43e: {  	v8 =	vld [tilespmem:s17+$0x0];
	v7 =	vadd.f32 v11, v7  }
0x43f: {  	v11 =	vld [tilespmem:s18+$0x80];
	v5 =	vadd.f32 v12, v5  }
0x440: {  	s19 =	sand.u32 $0x80, s7;
	s7 =	smov.u32 s15;
	v12 =	vld [tilespmem:s17+$0x80];
	v6 =	vadd.f32 v6, v7  }
0x441: {  	s19 =	sor.u32 s9, s19;
	s9 =	smov.u32 s21;
	v7 =	vld [tilespmem:s18+$0x100];
	v9 =	vadd.f32 v9, v4;
	v4 =	vmov v5  }
0x442: {  	s14 =	sadd.s32 $0x20, s14;
	v5 =	vld [tilespmem:s17+$0x100];
	v10 =	vadd.f32 $0.0e+00, v10;
	[tilespmem:s19+$0x1A000] =	vst v6  }
0x443: {  	v6 =	vadd.f32 $0.0e+00, v8;
	v8 =	vld [tilespmem:s18+$0x180];
	[tilespmem:s14+$0x0] =	vst v9  }
0x444: {  	v9 =	vld [tilespmem:s17+$0x180];
	v10 =	vadd.f32 v11, v10  }
0x445: {  	v6 =	vadd.f32 v12, v6;
	v11 =	vld [tilespmem:s18+$0x200]  }
0x446: {  	v12 =	vld [tilespmem:s17+$0x200];
	v7 =	vadd.f32 v7, v10  }
0x447: {  	v5 =	vadd.f32 v5, v6;
	v6 =	vld [tilespmem:s18+$0x280]  }
0x448: {  	v10 =	vld [tilespmem:s17+$0x280];
	v7 =	vadd.f32 v8, v7  }
0x449: {  	v5 =	vadd.f32 v9, v5;
	v8 =	vld [tilespmem:s18+$0x300]  }
0x44a: {  	v9 =	vld [tilespmem:s17+$0x300];
	v7 =	vadd.f32 v11, v7  }
0x44b: {  	s19 =	sor.u32 $0x19800, s12;
	v5 =	vadd.f32 v12, v5;
	v11 =	vld [tilespmem:s18+$0x380]  }
0x44c: {  	s18 =	sor.u32 s9, s19;
	v12 =	vld [tilespmem:s17+$0x380];
	s17 =	sor.u32 s10, s19;
	v6 =	vadd.f32 v6, v7  }
0x44d: {  	s19 =	sor.u32 $0x19880, s12;
	v5 =	vadd.f32 v10, v5;
	v7 =	vld [tilespmem:s18+$0x0]  }
0x44e: {  	s18 =	sor.u32 s9, s19;
	v10 =	vld [tilespmem:s17+$0x0];
	s17 =	sor.u32 s10, s19;
	v6 =	vadd.f32 v8, v6  }
0x44f: {  	s19 =	sor.u32 $0x19900, s12;
	v5 =	vadd.f32 v9, v5;
	v8 =	vld [tilespmem:s18+$0x0]  }
0x450: {  	s18 =	sor.u32 s9, s19;
	v9 =	vld [tilespmem:s17+$0x0];
	s17 =	sor.u32 s10, s19;
	v6 =	vadd.f32 v11, v6  }
0x451: {  	s19 =	sor.u32 $0x19980, s12;
	v5 =	vadd.f32 v12, v5;
	v11 =	vld [tilespmem:s18+$0x0]  }
0x452: {  	s18 =	sor.u32 s9, s19;
	v12 =	vld [tilespmem:s17+$0x0];
	s17 =	sor.u32 s10, s19;
	v6 =	vadd.f32 v7, v6  }
0x453: {  	s19 =	sor.u32 $0x19A00, s12;
	v7 =	vadd.f32 v10, v5;
	v10 =	vld [tilespmem:s18+$0x0]  }
.Ltmp7:
0x454: {  	s18 =	sor.u32 s9, s19;
	v5 =	vld [tilespmem:s17+$0x0];
	s17 =	sor.u32 s10, s19;
	v8 =	vadd.f32 v8, v6;
	(pc) =	sbr.rel @p0 .LBB2_15-.Ltmp7, $4  }
0x455: {  	s19 =	sor.u32 $0x19A80, s12;
	v9 =	vadd.f32 v9, v7;
	v7 =	vld [tilespmem:s18+$0x0]  }
0x456: {  	s18 =	sor.u32 s9, s19;
	v6 =	vld [tilespmem:s17+$0x0];
	s17 =	sor.u32 s10, s19;
	v13 =	vadd.f32 v11, v8  }
0x457: {  	s19 =	sor.u32 $0x19B00, s12;
	v11 =	vadd.f32 v12, v9;
	v9 =	vld [tilespmem:s18+$0x0]  }
0x458: {  	s15 =	sadd.s32 $0x20, s15;
	s18 =	sor.u32 s9, s19;
	v8 =	vld [tilespmem:s17+$0x0];
	s17 =	sor.u32 s10, s19;
	v10 =	vadd.f32 v10, v13  }
0x459: {  	s11 =	sor.u32 $0x19B80, s12;
	v12 =	vld [tilespmem:s18+$0x0]  }
0x45a: {  	v5 =	vadd.f32 v5, v11;
	v11 =	vld [tilespmem:s17+$0x0];
	v7 =	vadd.f32 v7, v10;
	s12 =	sor.u32 s9, s11  }
0x45b: {  	v10 =	vld [tilespmem:s12+$0x0]  }
0x45c: {  	s10 =	sor.u32 s10, s11;
	v5 =	vadd.f32 v6, v5;
	v6 =	vadd.f32 v9, v7;
	v7 =	vld [tilespmem:s13+$0x0]  }
0x45d: {  	v9 =	vld [tilespmem:s10+$0x0]  }
0x45e: {  	v5 =	vadd.f32 v8, v5;
	v6 =	vadd.f32 v12, v6;
	_ =	sdelay $0x1  }
0x45f: {  	s7 =	sand.u32 $0x80, s7;
	v5 =	vadd.f32 v11, v5;
	v6 =	vadd.f32 v10, v6  }
0x460: {  	s7 =	sor.u32 s9, s7;
	v4 =	vadd.f32 v7, v4  }
0x461: {  	s18 =	sadd.s32 $0x20, s14;
	v5 =	vadd.f32 v9, v5;
	[tilespmem:s7+$0x1A000] =	vst v6  }
0x462: {  	s7 =	sadd.s32 $0x20, s18;
	[tilespmem:s18+$0x0] =	vst v4  }
0x463: {  	[tilespmem:s7+$0x0] =	vst v5  }
0x464: {  	v4 =	vld [tilespmem:$0x1A000];
	_ =	sdelay $0x1  }
0x465: {  	v5 =	vld [tilespmem:$0x1A010];
	_ =	sdelay $0x1  }
0x466: {  	v6 =	vld [tilespmem:$0x1A020]  }
0x467: {  	(xrf2) =	vadd.scan.msk.f32 $0xffff, v4  }
0x468: {  	v4 =	vld [tilespmem:$0x1A030]  }
0x469: {  	(xrf2) =	vadd.scan.msk.f32 $0xffff, v5  }
0x46a: {  	v5 =	vld [tilespmem:$0x1A040]  }
0x46b: {  	(xrf2) =	vadd.scan.msk.f32 $0xffff, v6  }
0x46c: {  	v6 =	vld [tilespmem:$0x1A050]  }
0x46d: {  	(xrf2) =	vadd.scan.msk.f32 $0xffff, v4  }
0x46e: {  	v4 =	vld [tilespmem:$0x1A060]  }
0x46f: {  	(xrf2) =	vadd.scan.msk.f32 $0xffff, v5  }
0x470: {  	v5 =	vld [tilespmem:$0x1A070]  }
0x471: {  	v7, _, _ =	vpop (xrf2);
	(xrf2) =	vadd.scan.msk.f32 $0xffff, v6  }
0x472: {  	v6 =	vld [tilespmem:$0x1A080];
	(v2sf) =	vpush v7, $0xF  }
0x473: {  	v7, _, _ =	vpop (xrf2);
	(xrf2) =	vadd.scan.msk.f32 $0xffff, v4  }
0x474: {  	v4 =	vld [tilespmem:$0x1A090];
	(v2sf) =	vpush v7, $0xF  }
0x475: {  	v7, _, _ =	vpop (xrf2);
	(xrf2) =	vadd.scan.msk.f32 $0xffff, v5  }
0x476: {  	v5 =	vld [tilespmem:$0x1A0A0];
	(v2sf) =	vpush v7, $0xF  }
0x477: {  	v7, _, _ =	vpop (xrf2);
	(xrf2) =	vadd.scan.msk.f32 $0xffff, v6  }
0x478: {  	v6 =	vld [tilespmem:$0x1A0B0];
	(v2sf) =	vpush v7, $0xF  }
0x479: {  	v7, _, _ =	vpop (xrf2);
	(xrf2) =	vadd.scan.msk.f32 $0xffff, v4  }
0x47a: {  	v4 =	vld [tilespmem:$0x1A0C0];
	(v2sf) =	vpush v7, $0xF  }
0x47b: {  	v7, _, _ =	vpop (xrf2);
	(xrf2) =	vadd.scan.msk.f32 $0xffff, v5  }
0x47c: {  	v5 =	vld [tilespmem:$0x1A0D0];
	(v2sf) =	vpush v7, $0xF  }
0x47d: {  	v7, _, _ =	vpop (xrf2);
	(xrf2) =	vadd.scan.msk.f32 $0xffff, v6  }
0x47e: {  	v6 =	vld [tilespmem:$0x1A0E0];
	(v2sf) =	vpush v7, $0xF  }
0x47f: {  	v7, _, _ =	vpop (xrf2);
	(xrf2) =	vadd.scan.msk.f32 $0xffff, v4  }
0x480: {  	v4 =	vld [tilespmem:$0x1A0F0];
	(v2sf) =	vpush v7, $0xF  }
0x481: {  	v7, _, _ =	vpop (xrf2);
	(xrf2) =	vadd.scan.msk.f32 $0xffff, v5;
	s19 =	spop (v2sf)  }
0x482: {  	(v2sf) =	vpush v7, $0xF;
	s7 =	sadd.f32 $0.0e+00, s19  }
0x483: {  	v5, _, _ =	vpop (xrf2);
	(xrf2) =	vadd.scan.msk.f32 $0xffff, v6;
	s20 =	spop (v2sf)  }
0x484: {  	(v2sf) =	vpush v5, $0xF;
	s7 =	sadd.f32 s20, s7  }
0x485: {  	s21 =	spop (v2sf);
	v5, _, _ =	vpop (xrf2);
	(xrf2) =	vadd.scan.msk.f32 $0xffff, v4  }
0x486: {  	s7 =	sadd.f32 s21, s7;
	(v2sf) =	vpush v5, $0xF  }
0x487: {  	v4, _, _ =	vpop (xrf2);
	s22 =	spop (v2sf)  }
0x488: {  	(v2sf) =	vpush v4, $0xF;
	s7 =	sadd.f32 s22, s7  }
0x489: {  	s23 =	spop (v2sf);
	v4, _, _ =	vpop (xrf2)  }
0x48a: {  	(v2sf) =	vpush v4, $0xF;
	s7 =	sadd.f32 s23, s7  }
0x48b: {  	v4, _, _ =	vpop (xrf2);
	s24 =	spop (v2sf)  }
0x48c: {  	(v2sf) =	vpush v4, $0xF;
	s7 =	sadd.f32 s24, s7  }
0x48d: {  	v4, _, _ =	vpop (xrf2);
	s25 =	spop (v2sf)  }
0x48e: {  	(v2sf) =	vpush v4, $0xF;
	s7 =	sadd.f32 s25, s7  }
0x48f: {  	s26 =	spop (v2sf);
	v4, _, _ =	vpop (xrf2)  }
0x490: {  	s7 =	sadd.f32 s26, s7;
	(v2sf) =	vpush v4, $0xF  }
0x491: {  	s28 =	spop (v2sf)  }
0x492: {  	s7 =	sadd.f32 s28, s7  }
0x493: {  	s29 =	spop (v2sf)  }
0x494: {  	s7 =	sadd.f32 s29, s7  }
0x495: {  	s30 =	spop (v2sf)  }
0x496: {  	s7 =	sadd.f32 s30, s7  }
0x497: {  	s31 =	spop (v2sf)  }
0x498: {  	s7 =	sadd.f32 s31, s7  }
0x499: {  	s10 =	spop (v2sf)  }
0x49a: {  	s7 =	sadd.f32 s10, s7  }
0x49b: {  	s11 =	spop (v2sf)  }
0x49c: {  	s7 =	sadd.f32 s11, s7  }
0x49d: {  	s12 =	spop (v2sf)  }
0x49e: {  	s7 =	sadd.f32 s12, s7  }
0x49f: {  	s13 =	spop (v2sf)  }
0x4a0: {  	s7 =	sadd.f32 s13, s7;
	_ =	sdelay $0x1  }
0x4a1: {  	v4 =	vmov s7  }
0x4a2: {  	[tilespmem:$0x1AA00] =	vst v4  }
0x4a3: {  	[tilespmem:$0x1AA10] =	vst v4  }
0x4a4: {  	[tilespmem:$0x1AA20] =	vst v4  }
0x4a5: {  	[tilespmem:$0x1AA30] =	vst v4  }
0x4a6: {  	[tilespmem:$0x1AA40] =	vst v4  }
0x4a7: {  	[tilespmem:$0x1AA50] =	vst v4  }
0x4a8: {  	[tilespmem:$0x1AA60] =	vst v4  }
0x4a9: {  	s14 =	simm.s32 $0x1AA00;
	s15 =	simm.s32 $0x1;
	[tilespmem:$0x1AA70] =	vst v4  }
0x4aa: {  	[spmem:s8] =	stream.linear.scatter [tilespmem:s14], [sflag:$0x1], $0x80, $0x38;
	[tilespmem:$0x1BB90] =	vst v63  }
0x4ab: {  	_ =	swait.ge [sflag:s15], $0x80  }
0x4ac: {  	[sflag:s15] =	ssyncset.done $0x0  }
0x4ad: {  	[sflag:s15] =	ssyncadd.s32 $0xFFFFFF80  }
0x4ae: {  	s16 =	simm.s32 $0x1A200;
	[bflag:$0x0] =	sbarrier.arrive $0xFFFF  }
0x4af: {  	[tilespmem:s16], [sflag:$0x1] =	stream.linear.gather [spmem:s5], $0x800, $0x38;
	[tilespmem:$0x1BB90] =	vst v63  }
0x4b0: {  	_ =	swait.ge [sflag:s15], $0x800  }
0x4b1: {  	v10 =	vld [tilespmem:$0x1FF90]  }
0x4b2: {  	[sflag:s15] =	ssyncset.done $0x0  }
0x4b3: {  	[sflag:s15] =	ssyncadd.s32 $0xFFFFF800  }
0x4b4: {  	v4 =	vld [tilespmem:$0x1A200]  }
0x4b5: {  	v5 =	vld [tilespmem:$0x1A280]  }
0x4b6: {  	vm1 =	vnez.u8 v10;
	v10 =	vld [tilespmem:$0x1FFA0];
	_ =	sdelay $0x3  }
0x4b7: {  	v6 =	vld [tilespmem:$0x1A300]  }
0x4b8: {  	v4 =	vsel vm1, v4, v5;
	vm1 =	vnez.u8 v10;
	v10 =	vld [tilespmem:$0x1FFB0];
	_ =	sdelay $0x3  }
0x4b9: {  	v7 =	vld [tilespmem:$0x1A380]  }
0x4ba: {  	v4 =	vsel vm1, v4, v6;
	vm1 =	vnez.u8 v10;
	v10 =	vld [tilespmem:$0x1FFC0];
	_ =	sdelay $0x3  }
0x4bb: {  	v8 =	vld [tilespmem:$0x1A400]  }
0x4bc: {  	v4 =	vsel vm1, v4, v7;
	vm1 =	vnez.u8 v10;
	v10 =	vld [tilespmem:$0x1FFD0];
	_ =	sdelay $0x3  }
0x4bd: {  	v9 =	vld [tilespmem:$0x1A480]  }
0x4be: {  	v4 =	vsel vm1, v4, v8;
	vm1 =	vnez.u8 v10;
	v10 =	vld [tilespmem:$0x1FFE0];
	_ =	sdelay $0x3  }
0x4bf: {  	v5 =	vld [tilespmem:$0x1A500]  }
0x4c0: {  	v4 =	vsel vm1, v4, v9;
	vm1 =	vnez.u8 v10;
	v10 =	vld [tilespmem:$0x1FFF0]  }
0x4c1: {  	v6 =	vld [tilespmem:$0x1A580]  }
0x4c2: {  	v7 =	vld [tilespmem:$0x1A600]  }
0x4c3: {  	v8 =	vld [tilespmem:$0x1A680]  }
0x4c4: {  	v9 =	vld [tilespmem:$0x1A700]  }
0x4c5: {  	v4 =	vsel vm1, v4, v5;
	v5 =	vld [tilespmem:$0x1A780];
	vm1 =	vnez.u8 v10  }
0x4c6: {  	v4 =	vsel vm1, v4, v6;
	v6 =	vld [tilespmem:$0x1A800]  }
0x4c7: {  	v4 =	vsel vm8, v4, v7;
	v7 =	vld [tilespmem:$0x1A880]  }
0x4c8: {  	v4 =	vsel vm9, v4, v8;
	v8 =	vld [tilespmem:$0x1A900]  }
0x4c9: {  	v4 =	vsel vm10, v4, v9;
	v9 =	vld [tilespmem:$0x1A980]  }
0x4ca: {  	v4 =	vsel vm11, v4, v5  }
0x4cb: {  	v4 =	vsel vm0, v4, v6  }
0x4cc: {  	v4 =	vsel vm12, v4, v7  }
0x4cd: {  	v4 =	vsel vm13, v4, v8  }
0x4ce: {  	v5 =	vsel vm14, v4, v9  }
0x4cf: {  	(xrf2) =	vadd.scan.msk.f32 $0xffff, v5;
	_ =	sdelay $0x9  }
0x4d0: {  	v4, _, _ =	vpop (xrf2)  }
0x4d1: {  	v6 =	vlaneseq.u32;
	v4 =	vsub.f32 v4, v5  }
0x4d2: {  	vm1 =	veq.s32 v0, v6  }
0x4d3: {  	s17 =	simm.s32 $0x0;
	v4 =	vnsel vm1, $0x0, v4  }
0x4d4: {  	v9 =	vld [tilespmem:s17+$0x1A000];
	(xrf2) =	vadd.scan.msk.f32 $0xffff, v4;
	_ =	sdelay $0x4  }
0x4d5: {  	(xrf2) =	vadd.scan.msk.f32 $0xffff, v9;
	_ =	sdelay $0x2  }
0x4d6: {  	s18 =	simm.s32 $0x10  }
0x4d7: {  	v13 =	vld [tilespmem:s18+$0x1A000]  }
0x4d8: {  	v4, _, _ =	vpop (xrf2)  }
0x4d9: {  	(v2sf) =	vpush v4, $0xF;
	_ =	sdelay $0x1  }
0x4da: {  	s19 =	simm.s32 $0x20  }
0x4db: {  	v12 =	vld [tilespmem:s19+$0x1A000];
	(xrf2) =	vadd.scan.msk.f32 $0xffff, v13  }
0x4dc: {  	v6, _, _ =	vpop (xrf2)  }
0x4dd: {  	(v2sf) =	vpush v6, $0xF;
	_ =	sdelay $0x2  }
0x4de: {  	(xrf2) =	vadd.scan.msk.f32 $0xffff, v12  }
0x4df: {  	s20 =	simm.s32 $0x30  }
0x4e0: {  	s21 =	simm.s32 $0x40;
	v10 =	vld [tilespmem:s20+$0x1A000]  }
0x4e1: {  	v8 =	vld [tilespmem:s21+$0x1A000];
	_ =	sdelay $0x1  }
0x4e2: {  	v11, _, _ =	vpop (xrf2)  }
0x4e3: {  	(v2sf) =	vpush v11, $0xF  }
0x4e4: {  	s23 =	simm.f32 $0.0e+00;
	(xrf2) =	vadd.scan.msk.f32 $0xffff, v10;
	s5 =	spop (v2sf)  }
0x4e5: {  	(xrf2) =	vadd.scan.msk.f32 $0xffff, v8;
	s24 =	sadd.f32 s23, s5;
	_ =	sdelay $0x1  }
0x4e6: {  	v3 =	vsub.f32 $1.056760000e+05, v3;
	s22 =	simm.s32 $0x50;
	v17, _, _ =	vpop (xrf2);
	v6 =	vadd.f32 s24, v6  }
0x4e7: {  	v7 =	vld [tilespmem:s22+$0x1A000];
	(v2sf) =	vpush v17, $0xF  }
0x4e8: {  	s25 =	spop (v2sf);
	vm1 =	vle.f32 v6, v3  }
0x4e9: {  	s7 =	sadd.f32 s25, s23;
	v14 =	vmpcnt.ones.xlane vm1;
	_ =	sdelay $0x1  }
0x4ea: {  	s26 =	sadd.f32 s7, s5  }
0x4eb: {  	s28 =	simm.s32 $0x60;
	(xrf2) =	vadd.scan.msk.f32 $0xffff, v7  }
0x4ec: {  	v6 =	vadd.f32 s26, v11;
	v11 =	vld [tilespmem:s28+$0x1A000];
	v16 =	vcvt.s32.f32 v14;
	v14, _, _ =	vpop (xrf2)  }
0x4ed: {  	v9 =	vnsel vm1, $0x0, v9;
	(v2sf) =	vpush v14, $0xF;
	v15, _, _ =	vpop (xrf2)  }
0x4ee: {  	(xrf2) =	vadd.scan.msk.f32 $0xffff, v9;
	(v2sf) =	vpush v15, $0xF;
	_ =	sdelay $0x1  }
0x4ef: {  	s29 =	spop (v2sf);
	vm2 =	vle.f32 v6, v3  }
0x4f0: {  	s31 =	simm.s32 $0x70;
	s7 =	sadd.f32 s29, s7;
	v6 =	vimm.f32 $0.0e+00;
	v18 =	vmpcnt.ones.xlane vm2;
	(xrf2) =	vadd.scan.msk.f32 $0xffff, v11  }
0x4f1: {  	v9 =	vadd.f32 v16, v6;
	v16 =	vnsel vm2, $0x0, v13;
	v13 =	vld [tilespmem:s31+$0x1A000]  }
0x4f2: {  	s30 =	sadd.f32 s7, s5;
	v18 =	vcvt.s32.f32 v18;
	(xrf2) =	vadd.scan.msk.f32 $0xffff, v16;
	_ =	sdelay $0x1  }
0x4f3: {  	s10 =	simm.s32 $0x240;
	s8 =	simm.s32 $0x200;
	v17 =	vadd.f32 s30, v17;
	s9 =	spop (v2sf);
	v16, _, _ =	vpop (xrf2);
	v9 =	vadd.f32 v18, v9  }
.LBB2_17:
0x4f4: {  	s11 =	sshra.s32 s8, $0x2;
	s7 =	sadd.f32 s9, s7  }
0x4f5: {  	(xrf2) =	vadd.scan.msk.f32 $0xffff, v13;
	vm1 =	vle.f32 v17, v3;
	v17 =	vmov v13;
	s8 =	smov.u32 s10;
	s12 =	sadd.s32 $0x40, s10;
	p0 =	sne.s32 s10, $0x3C0  }
.Ltmp8:
0x4f6: {  	v13 =	vld [tilespmem:s11+$0x1A000];
	v18 =	vmpcnt.ones.xlane vm1;
	v19 =	vnsel vm1, $0x0, v12;
	v20, _, _ =	vpop (xrf2);
	v12 =	vmov v10;
	(pc) =	sbr.rel @p0 .LBB2_17-.Ltmp8, $4  }
0x4f7: {  	v10 =	vmovc v8;
	v8 =	vmovc v7;
	v7 =	vmov v11;
	(v2sf) =	vpush v16, $0xF;
	s9 =	sadd.f32 s7, s5;
	v20 =	vbroadcast v20, $0xF  }
0x4f8: {  	v11 =	vmov v17;
	v18 =	vcvt.s32.f32 v18;
	(xrf2) =	vadd.scan.msk.f32 $0xffff, v19  }
0x4f9: {  	v19, _, _ =	vpop (xrf2);
	v17 =	vadd.f32 s9, v14;
	v6 =	vadd.f32 v20, v6;
	v14 =	vmov v15;
	_ =	sdelay $0x1  }
0x4fa: {  	s10 =	smov.u32 s12;
	v15 =	vmov v16;
	s9 =	spop (v2sf);
	v9 =	vadd.f32 v18, v9;
	v16 =	vmov v19  }
0x4fb: {  	(xrf2) =	vadd.scan.msk.f32 $0xffff, v13;
	_ =	sdelay $0x6  }
0x4fc: {  	v18, _, _ =	vpop (xrf2);
	(v2sf) =	vpush v16, $0xF  }
0x4fd: {  	v19, _, _ =	vpop (xrf2)  }
0x4fe: {  	(v2sf) =	vpush v19, $0xF;
	v20, _, _ =	vpop (xrf2)  }
0x4ff: {  	v21, _, _ =	vpop (xrf2)  }
0x500: {  	(v2sf) =	vpush v21, $0xF;
	_ =	sdelay $0x2  }
0x501: {  	s8 =	sshra.s32 s8, $0x2  }
0x502: {  	v22 =	vld [tilespmem:s8+$0x1A000];
	_ =	sdelay $0x1  }
0x503: {  	vm1 =	vle.f32 v17, v3;
	s7 =	sadd.f32 s9, s7  }
0x504: {  	s21 =	spop (v2sf);
	v12 =	vnsel vm1, $0x0, v12  }
0x505: {  	(xrf2) =	vadd.scan.msk.f32 $0xffff, v12;
	s8 =	sadd.f32 s21, s7  }
0x506: {  	s7 =	sadd.f32 s7, s5;
	(xrf2) =	vadd.scan.msk.f32 $0xffff, v22;
	s22 =	spop (v2sf)  }
0x507: {  	s9 =	sadd.f32 s22, s8  }
0x508: {  	s8 =	sadd.f32 s8, s5;
	s10 =	spop (v2sf)  }
0x509: {  	s10 =	sadd.f32 s10, s9  }
0x50a: {  	s9 =	sadd.f32 s9, s5;
	s11 =	spop (v2sf)  }
0x50b: {  	s11 =	sadd.f32 s11, s10  }
0x50c: {  	v32 =	vadd.f32 s7, v14;
	s23 =	sadd.f32 s10, s5;
	s24 =	spop (v2sf)  }
0x50d: {  	v33 =	vadd.f32 s8, v15;
	s25 =	sadd.f32 s24, s11  }
0x50e: {  	vm7 =	vle.f32 v32, v3;
	v34 =	vadd.f32 s9, v16;
	s26 =	sadd.f32 s11, s5  }
0x50f: {  	v10 =	vnsel vm7, $0x0, v10;
	v35, _, _ =	vpop (xrf2);
	vm4 =	vle.f32 v33, v3;
	v36 =	vadd.f32 s23, v19;
	s28 =	sadd.f32 s25, s5  }
0x510: {  	(xrf2) =	vadd.scan.msk.f32 $0xffff, v10;
	v8 =	vnsel vm4, $0x0, v8;
	v37, _, _ =	vpop (xrf2);
	vm6 =	vle.f32 v34, v3;
	v38 =	vadd.f32 s26, v21  }
0x511: {  	(xrf2) =	vadd.scan.msk.f32 $0xffff, v8;
	v7 =	vnsel vm6, $0x0, v7;
	vm5 =	vle.f32 v36, v3;
	v39 =	vadd.f32 s28, v37  }
0x512: {  	(xrf2) =	vadd.scan.msk.f32 $0xffff, v7;
	v40 =	vnsel vm5, $0x0, v11;
	vm3 =	vle.f32 v38, v3  }
0x513: {  	v42 =	vlaneseq.u32;
	(xrf2) =	vadd.scan.msk.f32 $0xffff, v40;
	v41 =	vnsel vm3, $0x0, v13;
	vm2 =	vle.f32 v39, v3  }
0x514: {  	vm8 =	veq.s32 v0, v42;
	(xrf2) =	vadd.scan.msk.f32 $0xffff, v41;
	v43 =	vnsel vm2, $0x0, v22  }
0x515: {  	v0 =	vnsel vm8, $0x0, v5;
	(xrf2) =	vadd.scan.msk.f32 $0xffff, v43  }
0x516: {  	(xrf2) =	vadd.scan.msk.f32 $0xffff, v0;
	_ =	sdelay $0x3  }
0x517: {  	v0, _, _ =	vpop (xrf2)  }
0x518: {  	(xrf0) =	vmax.scan.msk.f32 $0xffff, v3;
	v5, _, _ =	vpop (xrf2)  }
0x519: {  	v44, _, _ =	vpop (xrf2)  }
0x51a: {  	v45, _, _ =	vpop (xrf2)  }
0x51b: {  	v46, _, _ =	vpop (xrf2)  }
0x51c: {  	v47 =	vmpcnt.ones.xlane vm1;
	v48, _, _ =	vpop (xrf2)  }
0x51d: {  	v49 =	vbroadcast v18, $0xF;
	(v2sf) =	vpush v37, $0xF;
	v50, _, _ =	vpop (xrf2)  }
0x51e: {  	v52, _, _ =	vpop (xrf0);
	v51 =	vmpcnt.ones.xlane vm7;
	v13 =	vcvt.s32.f32 v47;
	(v2sf) =	vpush v50, $0xF  }
0x51f: {  	v6 =	vadd.f32 v49, v6;
	v53 =	vbroadcast v20, $0xF;
	(v2sf) =	vpush v52, $0xF  }
0x520: {  	v55 =	vcvt.s32.f32 v51;
	v54 =	vmpcnt.ones.xlane vm4;
	v9 =	vadd.f32 v13, v9  }
0x521: {  	v6 =	vadd.f32 v53, v6;
	v56 =	vbroadcast v35, $0xF  }
0x522: {  	v58 =	vcvt.s32.f32 v54;
	v57 =	vmpcnt.ones.xlane vm6;
	v9 =	vadd.f32 v55, v9  }
0x523: {  	v6 =	vadd.f32 v56, v6;
	v0 =	vbroadcast v0, $0xF  }
0x524: {  	v59 =	vmpcnt.ones.xlane vm5;
	v12 =	vcvt.s32.f32 v57;
	v9 =	vadd.f32 v58, v9  }
0x525: {  	v5 =	vbroadcast v5, $0xF;
	v0 =	vadd.f32 v0, v6  }
0x526: {  	v10 =	vcvt.s32.f32 v59;
	v60 =	vmpcnt.ones.xlane vm3;
	v9 =	vadd.f32 v12, v9  }
0x527: {  	v0 =	vadd.f32 v5, v0;
	v5 =	vbroadcast v44, $0xF  }
0x528: {  	v61 =	vadd.f32 v10, v9;
	v6 =	vcvt.s32.f32 v60  }
0x529: {  	v8 =	vbroadcast v45, $0xF;
	v0 =	vadd.f32 v5, v0;
	v5 =	vmpcnt.ones.xlane vm2  }
0x52a: {  	v6 =	vadd.f32 v6, v61  }
0x52b: {  	v62 =	vbroadcast v46, $0xF;
	v5 =	vcvt.s32.f32 v5;
	v0 =	vadd.f32 v8, v0  }
0x52c: {  	s29 =	spop (v2sf)  }
0x52d: {  	v63 =	vbroadcast v48, $0xF;
	v5 =	vadd.f32 v5, v6;
	v0 =	vadd.f32 v62, v0;
	s7 =	spop (v2sf)  }
0x52e: {  	s8 =	spop (v2sf)  }
0x52f: {  	v4 =	vbroadcast v4, $0xF;
	v0 =	vadd.f32 v63, v0;
	v2 =	vadd.f32 v5, v2;
	p0 =	sle.f32 s5, s8;
	s5 =	sadd.f32 s5, s7  }
0x530: {  	_ = 	snop  }
0x531: {  	v0 =	vadd.f32 v0, v4;
	[tilespmem:$0x1A100] =	vst v2;
	p1 =	slt.f32 @p0 s8, s5  }
0x532: {  	[tilespmem:$0x1A110] =	vst v2  }
0x533: {  	[tilespmem:$0x1A180] =	vst v0;
	p0 =	por !p1, !p0  }
0x534: {  	[tilespmem:$0x1A190] =	vst v0;
	s5 =	simm.s32 @!p0 $0x1A100  }
0x535: {  	[spmem:s4] =	stream.linear.scatter @!p0 [tilespmem:s5], [sflag:$0x1], $0x100, $0x38;
	[tilespmem:$0x1BB90] =	vst v63  }
0x536: {  	s5 =	simm.s32 @!p0 $0x1  }
0x537: {  	_ =	swait.ge @!p0 [sflag:s5], $0x100  }
0x538: {  	[sflag:s5] =	ssyncset.done @!p0 $0x0  }
0x539: {  	[sflag:s5] =	ssyncadd.s32 @!p0 $0xFFFFFF00  }
0x53a: {  	s30 =	simm.s32 $0x1A100;
	s31 =	simm.s32 $0x1;
	[bflag:$0x0] =	sbarrier.arrive $0xFFFF  }
0x53b: {  	[tilespmem:s30], [sflag:$0x1] =	stream.linear.gather [spmem:s4], $0x100, $0x38;
	[tilespmem:$0x1BB90] =	vst v63  }
0x53c: {  	_ =	swait.ge [sflag:s31], $0x100  }
0x53d: {  	[sflag:s31] =	ssyncset.done $0x0  }
0x53e: {  	[sflag:s31] =	ssyncadd.s32 $0xFFFFFF00  }
0x53f: {  	v2 =	vld [tilespmem:$0x1A180];
	_ =	sdelay $0x4  }
0x540: {  	p0 =	por $0x1, $0x1;
	s4 =	simm.s32 $0x0;
	v0 =	vld [tilespmem:$0x1A100];
	[tilespmem:$0x1FF80] =	vst v2;
	v2 =	vimm.f32 $0.0e+00  }
.LBB2_19:
0x541: {  	s4 =	sshra.s32 s4, $0x2  }
0x542: {  	[tilespmem:s4+$0x18000] =	vst v2  }
0x543: {  	[tilespmem:s4+$0x18010] =	vst v2  }
0x544: {  	p1 =	por p0, p0;
	[tilespmem:s4+$0x18020] =	vst v2  }
.Ltmp9:
0x545: {  	[tilespmem:s4+$0x18030] =	vst v2;
	(pc) =	sbr.rel @p1 .LBB2_19-.Ltmp9, $4  }
0x546: {  	[tilespmem:s4+$0x18040] =	vst v2  }
0x547: {  	[tilespmem:s4+$0x18050] =	vst v2  }
0x548: {  	[tilespmem:s4+$0x18060] =	vst v2  }
0x549: {  	p0 =	por $0x0, $0x0;
	[tilespmem:s4+$0x18070] =	vst v2;
	s4 =	simm.s32 $0x200  }
0x54a: {  	s4 =	simm.s32 $0x0  }
0x54b: {  	s5 =	sand.u32 $0x1F800, s4;
	s4 =	sand.u32 $0x300, s4  }
0x54c: {  	s5 =	sor.u32 s4, s5  }
0x54d: {  	v2 =	vld [tilespmem:s5+$0x80];
	_ =	sdelay $0x1  }
0x54e: {  	v0 =	vtrunc.f32 v0  }
0x54f: {  	v0 =	vcvt.f32.s32 v0  }
0x550: {  	v1 =	vshll.u32 v1, $0xC  }
0x551: {  	v0 =	vor.u32 v0, v1;
	v1 =	vshra.s32 v2, $0x8  }
0x552: {  	vm1 =	veq.s32 v1, v0  }
0x553: {  	v2 =	vand.u32 $0xFF, v2;
	_ =	sdelay $0x3  }
0x554: {  	s4 =	simm.s32 $0x18000;
	v1 =	vimm.f32 $1.000000000e+00  }
0x555: {  	[tilespmem:v2+s4+$0x0] =	vst.idx.add.f32.msk vm1, v1  }
0x556: {  	v2 =	vld [tilespmem:s5+$0x90];
	_ =	sdelay $0x4  }
0x557: {  	v4 =	vshra.s32 v2, $0x8  }
0x558: {  	vm1 =	veq.s32 v4, v0  }
0x559: {  	v2 =	vand.u32 $0xFF, v2  }
0x55a: {  	v4 =	vld [tilespmem:s5+$0x0];
	_ =	sdelay $0x3  }
0x55b: {  	[tilespmem:v2+s4+$0x0] =	vst.idx.add.f32.msk vm1, v1  }
0x55c: {  	v2 =	vshra.s32 v4, $0x8;
	v5 =	vld [tilespmem:s5+$0xA0]  }
0x55d: {  	vm1 =	veq.s32 v2, v0  }
0x55e: {  	v2 =	vand.u32 $0xFF, v4;
	_ =	sdelay $0x2  }
0x55f: {  	v4 =	vshra.s32 v5, $0x8  }
0x560: {  	vm2 =	veq.s32 v4, v0  }
0x561: {  	[tilespmem:v2+s4+$0x0] =	vst.idx.add.f32.msk vm1, v1;
	v2 =	vand.u32 $0xFF, v5  }
0x562: {  	v4 =	vld [tilespmem:s5+$0x10];
	_ =	sdelay $0x3  }
0x563: {  	[tilespmem:v2+s4+$0x0] =	vst.idx.add.f32.msk vm2, v1  }
0x564: {  	v2 =	vshra.s32 v4, $0x8;
	v5 =	vld [tilespmem:s5+$0xB0]  }
0x565: {  	vm1 =	veq.s32 v2, v0  }
0x566: {  	s7 =	simm.s32 $0x100;
	s8 =	simm.s32 $0x200;
	v2 =	vand.u32 $0xFF, v4  }
0x567: {  	s8 =	sand.u32 $0x1F800, s8;
	s7 =	sand.u32 $0x300, s7  }
0x568: {  	s7 =	sor.u32 s7, s8  }
0x569: {  	v4 =	vld [tilespmem:s7+$0x80];
	v6 =	vshra.s32 v5, $0x8  }
0x56a: {  	vm2 =	veq.s32 v6, v0  }
0x56b: {  	[tilespmem:v2+s4+$0x0] =	vst.idx.add.f32.msk vm1, v1;
	v2 =	vand.u32 $0xFF, v5  }
0x56c: {  	v5 =	vld [tilespmem:s5+$0x20];
	_ =	sdelay $0x1  }
0x56d: {  	v6 =	vshra.s32 v4, $0x8  }
0x56e: {  	vm1 =	veq.s32 v6, v0  }
0x56f: {  	v4 =	vand.u32 $0xFF, v4;
	[tilespmem:v2+s4+$0x0] =	vst.idx.add.f32.msk vm2, v1  }
0x570: {  	v2 =	vshra.s32 v5, $0x8;
	v6 =	vld [tilespmem:s5+$0xC0]  }
0x571: {  	vm2 =	veq.s32 v2, v0  }
0x572: {  	v2 =	vand.u32 $0xFF, v5  }
0x573: {  	v5 =	vld [tilespmem:s7+$0x0]  }
0x574: {  	[tilespmem:v4+s4+$0x0] =	vst.idx.add.f32.msk vm1, v1  }
0x575: {  	v4 =	vld [tilespmem:s7+$0x90];
	v7 =	vshra.s32 v6, $0x8  }
0x576: {  	vm1 =	veq.s32 v7, v0  }
0x577: {  	[tilespmem:v2+s4+$0x0] =	vst.idx.add.f32.msk vm2, v1;
	v2 =	vand.u32 $0xFF, v6  }
0x578: {  	v7 =	vshra.s32 v5, $0x8;
	v6 =	vld [tilespmem:s5+$0x30]  }
0x579: {  	vm2 =	veq.s32 v7, v0  }
0x57a: {  	v5 =	vand.u32 $0xFF, v5;
	v7 =	vshra.s32 v4, $0x8  }
0x57b: {  	vm3 =	veq.s32 v7, v0  }
0x57c: {  	v4 =	vand.u32 $0xFF, v4;
	[tilespmem:v2+s4+$0x0] =	vst.idx.add.f32.msk vm1, v1  }
0x57d: {  	v2 =	vshra.s32 v6, $0x8;
	v7 =	vld [tilespmem:s5+$0xD0]  }
0x57e: {  	vm1 =	veq.s32 v2, v0  }
0x57f: {  	v2 =	vand.u32 $0xFF, v6;
	[tilespmem:v5+s4+$0x0] =	vst.idx.add.f32.msk vm2, v1  }
0x580: {  	v5 =	vld [tilespmem:s7+$0x10]  }
0x581: {  	[tilespmem:v4+s4+$0x0] =	vst.idx.add.f32.msk vm3, v1  }
0x582: {  	v4 =	vld [tilespmem:s7+$0xA0];
	v6 =	vshra.s32 v7, $0x8  }
0x583: {  	vm2 =	veq.s32 v6, v0  }
0x584: {  	[tilespmem:v2+s4+$0x0] =	vst.idx.add.f32.msk vm1, v1;
	v2 =	vand.u32 $0xFF, v7  }
0x585: {  	v7 =	vshra.s32 v5, $0x8;
	v6 =	vld [tilespmem:s5+$0x40]  }
0x586: {  	vm1 =	veq.s32 v7, v0  }
0x587: {  	v5 =	vand.u32 $0xFF, v5;
	v7 =	vshra.s32 v4, $0x8  }
0x588: {  	vm3 =	veq.s32 v7, v0  }
0x589: {  	v4 =	vand.u32 $0xFF, v4;
	[tilespmem:v2+s4+$0x0] =	vst.idx.add.f32.msk vm2, v1  }
0x58a: {  	v2 =	vshra.s32 v6, $0x8;
	v7 =	vld [tilespmem:s5+$0xE0]  }
0x58b: {  	vm2 =	veq.s32 v2, v0  }
0x58c: {  	v2 =	vand.u32 $0xFF, v6;
	[tilespmem:v5+s4+$0x0] =	vst.idx.add.f32.msk vm1, v1  }
0x58d: {  	v5 =	vld [tilespmem:s7+$0x20]  }
0x58e: {  	[tilespmem:v4+s4+$0x0] =	vst.idx.add.f32.msk vm3, v1  }
0x58f: {  	v4 =	vld [tilespmem:s7+$0xB0];
	v6 =	vshra.s32 v7, $0x8  }
0x590: {  	vm1 =	veq.s32 v6, v0  }
0x591: {  	s31 =	simm.s32 $0x200;
	s9 =	simm.s32 $0x400;
	[tilespmem:v2+s4+$0x0] =	vst.idx.add.f32.msk vm2, v1;
	v2 =	vand.u32 $0xFF, v7  }
0x592: {  	s9 =	sand.u32 $0x1F800, s9;
	s8 =	sand.u32 $0x300, s31;
	v7 =	vshra.s32 v5, $0x8;
	v6 =	vld [tilespmem:s5+$0x50]  }
0x593: {  	s8 =	sor.u32 s8, s9;
	vm2 =	veq.s32 v7, v0  }
0x594: {  	v5 =	vand.u32 $0xFF, v5;
	v7 =	vld [tilespmem:s8+$0x80];
	v8 =	vshra.s32 v4, $0x8  }
0x595: {  	v9 =	vld [tilespmem:s8+$0x0];
	vm3 =	veq.s32 v8, v0  }
0x596: {  	v4 =	vand.u32 $0xFF, v4;
	[tilespmem:v2+s4+$0x0] =	vst.idx.add.f32.msk vm1, v1  }
0x597: {  	v2 =	vshra.s32 v6, $0x8;
	v8 =	vld [tilespmem:s5+$0xF0]  }
0x598: {  	vm1 =	veq.s32 v2, v0  }
0x599: {  	v2 =	vand.u32 $0xFF, v6;
	[tilespmem:v5+s4+$0x0] =	vst.idx.add.f32.msk vm2, v1;
	v5 =	vshra.s32 v7, $0x8  }
0x59a: {  	v6 =	vld [tilespmem:s7+$0x30];
	vm2 =	veq.s32 v5, v0  }
0x59b: {  	v7 =	vand.u32 $0xFF, v7;
	v5 =	vshra.s32 v9, $0x8;
	[tilespmem:v4+s4+$0x0] =	vst.idx.add.f32.msk vm3, v1  }
0x59c: {  	vm3 =	veq.s32 v5, v0;
	v4 =	vld [tilespmem:s7+$0xC0];
	v5 =	vshra.s32 v8, $0x8  }
0x59d: {  	v9 =	vand.u32 $0xFF, v9;
	vm4 =	veq.s32 v5, v0  }
0x59e: {  	[tilespmem:v2+s4+$0x0] =	vst.idx.add.f32.msk vm1, v1;
	v2 =	vand.u32 $0xFF, v8  }
0x59f: {  	v8 =	vshra.s32 v6, $0x8;
	v5 =	vld [tilespmem:s5+$0x60]  }
0x5a0: {  	vm1 =	veq.s32 v8, v0;
	[tilespmem:v7+s4+$0x0] =	vst.idx.add.f32.msk vm2, v1  }
0x5a1: {  	v6 =	vand.u32 $0xFF, v6;
	v8 =	vshra.s32 v4, $0x8;
	v7 =	vld [tilespmem:s8+$0x90]  }
0x5a2: {  	[tilespmem:v9+s4+$0x0] =	vst.idx.add.f32.msk vm3, v1;
	vm2 =	veq.s32 v8, v0  }
0x5a3: {  	v4 =	vand.u32 $0xFF, v4;
	[tilespmem:v2+s4+$0x0] =	vst.idx.add.f32.msk vm4, v1  }
0x5a4: {  	v8 =	vshra.s32 v5, $0x8;
	v2 =	vld [tilespmem:s5+$0x480]  }
0x5a5: {  	v9 =	vld [tilespmem:s8+$0x10];
	vm3 =	veq.s32 v8, v0  }
0x5a6: {  	v5 =	vand.u32 $0xFF, v5;
	[tilespmem:v6+s4+$0x0] =	vst.idx.add.f32.msk vm1, v1;
	v6 =	vshra.s32 v7, $0x8  }
0x5a7: {  	v8 =	vld [tilespmem:s7+$0x40];
	vm1 =	veq.s32 v6, v0  }
0x5a8: {  	[tilespmem:v4+s4+$0x0] =	vst.idx.add.f32.msk vm2, v1;
	v4 =	vand.u32 $0xFF, v7  }
0x5a9: {  	v6 =	vld [tilespmem:s7+$0xD0];
	v7 =	vshra.s32 v2, $0x8  }
0x5aa: {  	vm2 =	veq.s32 v7, v0  }
0x5ab: {  	v2 =	vand.u32 $0xFF, v2;
	v7 =	vshra.s32 v9, $0x8;
	[tilespmem:v5+s4+$0x0] =	vst.idx.add.f32.msk vm3, v1  }
0x5ac: {  	vm3 =	veq.s32 v7, v0;
	v7 =	vld [tilespmem:s5+$0x70]  }
0x5ad: {  	v5 =	vand.u32 $0xFF, v9;
	v61 =	vshra.s32 v8, $0x8;
	[tilespmem:v4+s4+$0x0] =	vst.idx.add.f32.msk vm1, v1  }
0x5ae: {  	vm1 =	veq.s32 v61, v0;
	v4 =	vshra.s32 v6, $0x8;
	v62 =	vld [tilespmem:s8+$0xA0]  }
0x5af: {  	v8 =	vand.u32 $0xFF, v8;
	vm4 =	veq.s32 v4, v0  }
0x5b0: {  	v4 =	vand.u32 $0xFF, v6;
	[tilespmem:v2+s4+$0x0] =	vst.idx.add.f32.msk vm2, v1  }
0x5b1: {  	v6 =	vshra.s32 v7, $0x8;
	v2 =	vld [tilespmem:s5+$0x490]  }
0x5b2: {  	[tilespmem:v5+s4+$0x0] =	vst.idx.add.f32.msk vm3, v1;
	vm2 =	veq.s32 v6, v0  }
0x5b3: {  	v6 =	vand.u32 $0xFF, v7;
	v7 =	vshra.s32 v62, $0x8;
	v5 =	vld [tilespmem:s8+$0x20]  }
0x5b4: {  	[tilespmem:v8+s4+$0x0] =	vst.idx.add.f32.msk vm1, v1;
	vm1 =	veq.s32 v7, v0  }
0x5b5: {  	[tilespmem:v4+s4+$0x0] =	vst.idx.add.f32.msk vm4, v1;
	v4 =	vand.u32 $0xFF, v62  }
0x5b6: {  	v8 =	vld [tilespmem:s7+$0xE0];
	v7 =	vshra.s32 v2, $0x8  }
0x5b7: {  	v63 =	vld [tilespmem:s7+$0x50];
	vm4 =	veq.s32 v7, v0  }
0x5b8: {  	v10 =	vand.u32 $0xFF, v2;
	[tilespmem:v6+s4+$0x0] =	vst.idx.add.f32.msk vm2, v1;
	v6 =	vshra.s32 v5, $0x8  }
0x5b9: {  	v2 =	vld [tilespmem:s5+$0x400];
	vm3 =	veq.s32 v6, v0  }
0x5ba: {  	v7 =	vand.u32 $0xFF, v5;
	[tilespmem:v4+s4+$0x0] =	vst.idx.add.f32.msk vm1, v1  }
0x5bb: {  	v5 =	vshra.s32 v8, $0x8;
	v6 =	vld [tilespmem:s8+$0xB0]  }
0x5bc: {  	v11 =	vshra.s32 v63, $0x8;
	vm1 =	veq.s32 v5, v0  }
0x5bd: {  	s10 =	simm.s32 $0x300;
	s11 =	simm.s32 $0x600;
	s9 =	simm.s32 $0x4;
	v4 =	vand.u32 $0xFF, v63;
	vm2 =	veq.s32 v11, v0;
	v5 =	vand.u32 $0xFF, v8;
	[tilespmem:v10+s4+$0x0] =	vst.idx.add.f32.msk vm4, v1  }
.LBB2_21:
0x5be: {  	s12 =	sand.u32 $0x1F800, s11;
	s13 =	sand.u32 $0x300, s10;
	s9 =	sadd.s32 $0x2, s9;
	v8 =	vshra.s32 v2, $0x8;
	v2 =	vand.u32 $0xFF, v2;
	v9 =	vld [tilespmem:s5+$0x4A0]  }
0x5bf: {  	s12 =	sor.u32 s13, s12;
	p0 =	slt.u32 s9, $0x17E;
	[tilespmem:v7+s4+$0x0] =	vst.idx.add.f32.msk vm3, v1;
	vm3 =	veq.s32 v8, v0  }
0x5c0: {  	v7 =	vld [tilespmem:s12+$0x80];
	v8 =	vshra.s32 v6, $0x8  }
0x5c1: {  	v10 =	vld [tilespmem:s12+$0x0];
	vm4 =	veq.s32 v8, v0  }
0x5c2: {  	v6 =	vand.u32 $0xFF, v6;
	[tilespmem:v5+s4+$0x0] =	vst.idx.add.f32.msk vm1, v1  }
0x5c3: {  	v5 =	vld [tilespmem:s7+$0xF0];
	v8 =	vshra.s32 v9, $0x8  }
0x5c4: {  	v11 =	vld [tilespmem:s8+$0x30];
	vm1 =	veq.s32 v8, v0  }
0x5c5: {  	v8 =	vshra.s32 v7, $0x8;
	[tilespmem:v4+s4+$0x0] =	vst.idx.add.f32.msk vm2, v1;
	vm1 =	vmand vm1, vm0  }
0x5c6: {  	v9 =	vand.u32 $0xFF, v9;
	v4 =	vshra.s32 v10, $0x8;
	vm2 =	veq.s32 v8, v0;
	v8 =	vld [tilespmem:s7+$0x60]  }
0x5c7: {  	v7 =	vand.u32 $0xFF, v7;
	vm5 =	veq.s32 v4, v0;
	v4 =	vand.u32 $0xFF, v10;
	[tilespmem:v6+s4+$0x0] =	vst.idx.add.f32.msk vm4, v1  }
0x5c8: {  	v6 =	vld [tilespmem:s8+$0xC0];
	v10 =	vshra.s32 v5, $0x8  }
0x5c9: {  	v12 =	vshra.s32 v11, $0x8;
	v11 =	vand.u32 $0xFF, v11;
	vm4 =	veq.s32 v10, v0;
	[tilespmem:v2+s4+$0x0] =	vst.idx.add.f32.msk vm3, v1  }
0x5ca: {  	v2 =	vand.u32 $0xFF, v5;
	vm3 =	veq.s32 v12, v0;
	v5 =	vld [tilespmem:s5+$0x410]  }
0x5cb: {  	v10 =	vshra.s32 v8, $0x8;
	v8 =	vand.u32 $0xFF, v8;
	[tilespmem:v9+s4+$0x0] =	vst.idx.add.f32.msk vm1, v1  }
0x5cc: {  	[tilespmem:v7+s4+$0x0] =	vst.idx.add.f32.msk vm2, v1;
	vm1 =	veq.s32 v10, v0  }
0x5cd: {  	v7 =	vld [tilespmem:s12+$0x90];
	v9 =	vshra.s32 v6, $0x8  }
0x5ce: {  	[tilespmem:v4+s4+$0x0] =	vst.idx.add.f32.msk vm5, v1;
	vm2 =	veq.s32 v9, v0  }
0x5cf: {  	v4 =	vand.u32 $0xFF, v6;
	[tilespmem:v2+s4+$0x0] =	vst.idx.add.f32.msk vm4, v1;
	v2 =	vshra.s32 v5, $0x8;
	v5 =	vand.u32 $0xFF, v5  }
0x5d0: {  	v6 =	vld [tilespmem:s7+$0x480];
	vm4 =	veq.s32 v2, v0  }
0x5d1: {  	v2 =	vld [tilespmem:s12+$0x10]  }
0x5d2: {  	v9 =	vshra.s32 v7, $0x8;
	[tilespmem:v11+s4+$0x0] =	vst.idx.add.f32.msk vm3, v1  }
0x5d3: {  	vm3 =	veq.s32 v9, v0;
	v9 =	vld [tilespmem:s8+$0x40]  }
0x5d4: {  	v7 =	vand.u32 $0xFF, v7;
	[tilespmem:v4+s4+$0x0] =	vst.idx.add.f32.msk vm2, v1  }
0x5d5: {  	v4 =	vld [tilespmem:s8+$0xD0];
	v10 =	vshra.s32 v6, $0x8  }
0x5d6: {  	v11 =	vshra.s32 v2, $0x8;
	v2 =	vand.u32 $0xFF, v2;
	[tilespmem:v8+s4+$0x0] =	vst.idx.add.f32.msk vm1, v1;
	vm1 =	veq.s32 v10, v0  }
0x5d7: {  	v6 =	vand.u32 $0xFF, v6;
	vm2 =	veq.s32 v11, v0;
	v8 =	vld [tilespmem:s7+$0x70]  }
0x5d8: {  	v10 =	vshra.s32 v9, $0x8;
	v9 =	vand.u32 $0xFF, v9;
	[tilespmem:v5+s4+$0x0] =	vst.idx.add.f32.msk vm4, v1  }
0x5d9: {  	[tilespmem:v7+s4+$0x0] =	vst.idx.add.f32.msk vm3, v1;
	vm3 =	veq.s32 v10, v0  }
0x5da: {  	v5 =	vld [tilespmem:s12+$0xA0];
	v7 =	vshra.s32 v4, $0x8  }
0x5db: {  	vm4 =	veq.s32 v7, v0;
	v7 =	vld [tilespmem:s5+$0x420];
	s5 =	smov.u32 s7;
	s7 =	smov.u32 s8;
	s8 =	smov.u32 s12  }
0x5dc: {  	v4 =	vand.u32 $0xFF, v4;
	v10 =	vshra.s32 v8, $0x8;
	v8 =	vand.u32 $0xFF, v8;
	[tilespmem:v6+s4+$0x0] =	vst.idx.add.f32.msk vm1, v1  }
0x5dd: {  	vm1 =	veq.s32 v10, v0;
	v6 =	vld [tilespmem:s5+$0x490]  }
0x5de: {  	[tilespmem:v2+s4+$0x0] =	vst.idx.add.f32.msk vm2, v1  }
0x5df: {  	v2 =	vld [tilespmem:s8+$0x20];
	v10 =	vshra.s32 v5, $0x8  }
0x5e0: {  	vm2 =	veq.s32 v10, v0;
	[tilespmem:v9+s4+$0x0] =	vst.idx.add.f32.msk vm3, v1;
	v9 =	vshra.s32 v7, $0x8;
	v10 =	vand.u32 $0xFF, v7  }
0x5e1: {  	v5 =	vand.u32 $0xFF, v5;
	[tilespmem:v4+s4+$0x0] =	vst.idx.add.f32.msk vm4, v1;
	vm3 =	veq.s32 v9, v0  }
0x5e2: {  	v9 =	vld [tilespmem:s7+$0xE0];
	v4 =	vshra.s32 v6, $0x8;
	vm4 =	vmand vm3, vm0  }
0x5e3: {  	v11 =	vld [tilespmem:s7+$0x50];
	vm5 =	veq.s32 v4, v0  }
0x5e4: {  	v4 =	vshra.s32 v2, $0x8;
	v7 =	vand.u32 $0xFF, v2;
	[tilespmem:v8+s4+$0x0] =	vst.idx.add.f32.msk vm1, v1;
	v8 =	vand.u32 $0xFF, v6  }
.Ltmp10:
0x5e5: {  	vm3 =	veq.s32 v4, v0;
	v2 =	vld [tilespmem:s5+$0x400];
	(pc) =	sbr.rel @p0 .LBB2_21-.Ltmp10, $4  }
0x5e6: {  	[tilespmem:v5+s4+$0x0] =	vst.idx.add.f32.msk vm2, v1  }
0x5e7: {  	v6 =	vld [tilespmem:s8+$0xB0];
	v5 =	vshra.s32 v9, $0x8  }
0x5e8: {  	v12 =	vshra.s32 v11, $0x8;
	v4 =	vand.u32 $0xFF, v11;
	vm1 =	veq.s32 v5, v0;
	[tilespmem:v10+s4+$0x0] =	vst.idx.add.f32.msk vm4, v1  }
0x5e9: {  	s10 =	sadd.s32 $0x100, s10;
	s11 =	sadd.s32 $0x200, s11;
	v5 =	vand.u32 $0xFF, v9;
	vm2 =	veq.s32 v12, v0;
	[tilespmem:v8+s4+$0x0] =	vst.idx.add.f32.msk vm5, v1  }
0x5ea: {  	_ =	sdelay $0x4  }
0x5eb: {  	[tilespmem:v7+s4+$0x0] =	vst.idx.add.f32.msk vm3, v1  }
0x5ec: {  	v7 =	vld [tilespmem:s8+$0x30];
	_ =	sdelay $0x2  }
0x5ed: {  	v8 =	vshra.s32 v6, $0x8  }
0x5ee: {  	vm11 =	veq.s32 v8, v0  }
0x5ef: {  	v28 =	vand.u32 $0xFF, v6;
	v29 =	vshra.s32 v7, $0x8  }
0x5f0: {  	vm4 =	veq.s32 v29, v0  }
0x5f1: {  	v7 =	vand.u32 $0xFF, v7;
	_ =	sdelay $0x2  }
0x5f2: {  	[tilespmem:v28+s4+$0x0] =	vst.idx.add.f32.msk vm11, v1  }
0x5f3: {  	v6 =	vld [tilespmem:s8+$0xC0]  }
0x5f4: {  	[tilespmem:v7+s4+$0x0] =	vst.idx.add.f32.msk vm4, v1  }
0x5f5: {  	v7 =	vld [tilespmem:s8+$0x40];
	_ =	sdelay $0x2  }
0x5f6: {  	v30 =	vshra.s32 v6, $0x8  }
0x5f7: {  	vm12 =	veq.s32 v30, v0  }
0x5f8: {  	v6 =	vand.u32 $0xFF, v6;
	v31 =	vshra.s32 v7, $0x8  }
0x5f9: {  	vm13 =	veq.s32 v31, v0  }
0x5fa: {  	v7 =	vand.u32 $0xFF, v7;
	_ =	sdelay $0x2  }
0x5fb: {  	[tilespmem:v6+s4+$0x0] =	vst.idx.add.f32.msk vm12, v1  }
0x5fc: {  	v6 =	vld [tilespmem:s8+$0xD0]  }
0x5fd: {  	[tilespmem:v7+s4+$0x0] =	vst.idx.add.f32.msk vm13, v1  }
0x5fe: {  	v7 =	vld [tilespmem:s8+$0x50];
	_ =	sdelay $0x2  }
0x5ff: {  	v32 =	vshra.s32 v6, $0x8  }
0x600: {  	[tilespmem:v4+s4+$0x0] =	vst.idx.add.f32.msk vm2, v1;
	vm14 =	veq.s32 v32, v0  }
0x601: {  	v4 =	vld [tilespmem:s7+$0x60];
	v6 =	vand.u32 $0xFF, v6;
	v33 =	vshra.s32 v7, $0x8  }
0x602: {  	vm15 =	veq.s32 v33, v0  }
0x603: {  	v7 =	vand.u32 $0xFF, v7;
	_ =	sdelay $0x2  }
0x604: {  	v34 =	vshra.s32 v4, $0x8;
	[tilespmem:v6+s4+$0x0] =	vst.idx.add.f32.msk vm14, v1  }
0x605: {  	vm7 =	veq.s32 v34, v0;
	v6 =	vld [tilespmem:s8+$0xE0]  }
0x606: {  	v4 =	vand.u32 $0xFF, v4;
	[tilespmem:v7+s4+$0x0] =	vst.idx.add.f32.msk vm15, v1  }
0x607: {  	v7 =	vld [tilespmem:s8+$0x60];
	_ =	sdelay $0x1  }
0x608: {  	[tilespmem:v5+s4+$0x0] =	vst.idx.add.f32.msk vm1, v1  }
0x609: {  	v5 =	vld [tilespmem:s7+$0xF0];
	v35 =	vshra.s32 v6, $0x8  }
0x60a: {  	[tilespmem:v4+s4+$0x0] =	vst.idx.add.f32.msk vm7, v1;
	vm8 =	veq.s32 v35, v0  }
0x60b: {  	v4 =	vld [tilespmem:s7+$0x70];
	v6 =	vand.u32 $0xFF, v6;
	v36 =	vshra.s32 v7, $0x8  }
0x60c: {  	vm9 =	veq.s32 v36, v0  }
0x60d: {  	v7 =	vand.u32 $0xFF, v7  }
0x60e: {  	v37 =	vshra.s32 v5, $0x8  }
0x60f: {  	vm10 =	veq.s32 v37, v0  }
0x610: {  	v5 =	vand.u32 $0xFF, v5;
	v38 =	vshra.s32 v4, $0x8;
	[tilespmem:v6+s4+$0x0] =	vst.idx.add.f32.msk vm8, v1  }
0x611: {  	vm11 =	veq.s32 v38, v0;
	v6 =	vld [tilespmem:s8+$0xF0]  }
0x612: {  	v4 =	vand.u32 $0xFF, v4;
	[tilespmem:v7+s4+$0x0] =	vst.idx.add.f32.msk vm9, v1  }
0x613: {  	v7 =	vld [tilespmem:s8+$0x70];
	_ =	sdelay $0x1  }
0x614: {  	[tilespmem:v5+s4+$0x0] =	vst.idx.add.f32.msk vm10, v1  }
0x615: {  	v5 =	vld [tilespmem:s7+$0x480];
	v39 =	vshra.s32 v6, $0x8  }
0x616: {  	[tilespmem:v4+s4+$0x0] =	vst.idx.add.f32.msk vm11, v1;
	vm12 =	veq.s32 v39, v0  }
0x617: {  	v4 =	vld [tilespmem:s7+$0x400];
	v6 =	vand.u32 $0xFF, v6;
	v40 =	vshra.s32 v7, $0x8  }
0x618: {  	vm13 =	veq.s32 v40, v0  }
0x619: {  	v7 =	vand.u32 $0xFF, v7  }
0x61a: {  	v41 =	vshra.s32 v2, $0x8  }
0x61b: {  	v43 =	vshra.s32 v5, $0x8;
	vm14 =	veq.s32 v41, v0  }
0x61c: {  	v42 =	vand.u32 $0xFF, v2;
	v44 =	vshra.s32 v4, $0x8;
	vm15 =	veq.s32 v43, v0;
	[tilespmem:v6+s4+$0x0] =	vst.idx.add.f32.msk vm12, v1  }
0x61d: {  	v5 =	vand.u32 $0xFF, v5;
	vm6 =	veq.s32 v44, v0;
	v6 =	vld [tilespmem:s8+$0x480]  }
0x61e: {  	v4 =	vand.u32 $0xFF, v4;
	[tilespmem:v7+s4+$0x0] =	vst.idx.add.f32.msk vm13, v1  }
0x61f: {  	v7 =	vld [tilespmem:s8+$0x400];
	_ =	sdelay $0x1  }
0x620: {  	[tilespmem:v42+s4+$0x0] =	vst.idx.add.f32.msk vm14, v1  }
0x621: {  	[tilespmem:v5+s4+$0x0] =	vst.idx.add.f32.msk vm15, v1;
	v45 =	vshra.s32 v6, $0x8  }
0x622: {  	[tilespmem:v4+s4+$0x0] =	vst.idx.add.f32.msk vm6, v1;
	vm7 =	veq.s32 v45, v0  }
0x623: {  	v2 =	vld [tilespmem:s5+$0x410];
	v6 =	vand.u32 $0xFF, v6;
	v46 =	vshra.s32 v7, $0x8  }
0x624: {  	v5 =	vld [tilespmem:s7+$0x490];
	vm8 =	veq.s32 v46, v0  }
0x625: {  	v4 =	vld [tilespmem:s7+$0x410];
	v7 =	vand.u32 $0xFF, v7;
	_ =	sdelay $0x2  }
0x626: {  	v47 =	vshra.s32 v2, $0x8;
	[tilespmem:v6+s4+$0x0] =	vst.idx.add.f32.msk vm7, v1  }
0x627: {  	v48 =	vshra.s32 v5, $0x8;
	vm9 =	veq.s32 v47, v0;
	v6 =	vld [tilespmem:s8+$0x490]  }
0x628: {  	v2 =	vand.u32 $0xFF, v2;
	v49 =	vshra.s32 v4, $0x8;
	vm10 =	veq.s32 v48, v0;
	[tilespmem:v7+s4+$0x0] =	vst.idx.add.f32.msk vm8, v1  }
0x629: {  	v5 =	vand.u32 $0xFF, v5;
	vm11 =	veq.s32 v49, v0;
	v7 =	vld [tilespmem:s8+$0x410]  }
0x62a: {  	v4 =	vand.u32 $0xFF, v4;
	_ =	sdelay $0x1  }
0x62b: {  	v50 =	vld [tilespmem:s5+$0x4A0];
	v9 =	vshra.s32 v6, $0x8  }
0x62c: {  	[tilespmem:v2+s4+$0x0] =	vst.idx.add.f32.msk vm9, v1;
	vm12 =	veq.s32 v9, v0  }
0x62d: {  	[tilespmem:v5+s4+$0x0] =	vst.idx.add.f32.msk vm10, v1;
	v6 =	vand.u32 $0xFF, v6;
	v51 =	vshra.s32 v7, $0x8  }
0x62e: {  	[tilespmem:v4+s4+$0x0] =	vst.idx.add.f32.msk vm11, v1;
	vm13 =	veq.s32 v51, v0  }
0x62f: {  	v2 =	vld [tilespmem:s5+$0x420];
	v7 =	vand.u32 $0xFF, v7  }
0x630: {  	v5 =	vld [tilespmem:s7+$0x4A0]  }
0x631: {  	v4 =	vld [tilespmem:s7+$0x420]  }
0x632: {  	[tilespmem:v6+s4+$0x0] =	vst.idx.add.f32.msk vm12, v1  }
0x633: {  	v53 =	vld [tilespmem:s8+$0x4A0]  }
0x634: {  	v52 =	vshra.s32 v50, $0x8;
	[tilespmem:v7+s4+$0x0] =	vst.idx.add.f32.msk vm13, v1  }
0x635: {  	v55 =	vand.u32 $0xFF, v50;
	vm14 =	veq.s32 v52, v0;
	v54 =	vld [tilespmem:s8+$0x420]  }
0x636: {  	vm15 =	vmand vm14, vm0;
	v56 =	vshra.s32 v2, $0x8;
	v10 =	vshra.s32 v5, $0x8  }
0x637: {  	v2 =	vand.u32 $0xFF, v2;
	v57 =	vshra.s32 v4, $0x8;
	vm8 =	veq.s32 v56, v0  }
0x638: {  	v5 =	vand.u32 $0xFF, v5;
	vm9 =	veq.s32 v10, v0;
	vm2 =	vmand vm8, vm0  }
0x639: {  	vm10 =	veq.s32 v57, v0;
	vm3 =	vmand vm9, vm0;
	v58 =	vshra.s32 v53, $0x8  }
0x63a: {  	vm4 =	vmand vm10, vm0;
	vm5 =	veq.s32 v58, v0;
	v59 =	vshra.s32 v54, $0x8  }
0x63b: {  	v4 =	vand.u32 $0xFF, v4;
	vm5 =	vmand vm5, vm0;
	vm6 =	veq.s32 v59, v0  }
0x63c: {  	v60 =	vand.u32 $0xFF, v53;
	vm11 =	vmand vm6, vm0  }
0x63d: {  	[tilespmem:v55+s4+$0x0] =	vst.idx.add.f32.msk vm15, v1;
	v6 =	vand.u32 $0xFF, v54  }
0x63e: {  	[tilespmem:v2+s4+$0x0] =	vst.idx.add.f32.msk vm2, v1  }
0x63f: {  	[tilespmem:v5+s4+$0x0] =	vst.idx.add.f32.msk vm3, v1  }
0x640: {  	[tilespmem:v4+s4+$0x0] =	vst.idx.add.f32.msk vm4, v1  }
0x641: {  	s9 =	simm.s32 $0x80;
	[tilespmem:v60+s4+$0x0] =	vst.idx.add.f32.msk vm5, v1  }
0x642: {  	s10 =	simm.s32 $0x400;
	s11 =	simm.s32 $0x18000;
	s12 =	simm.s32 $0x1;
	[tilespmem:v6+s4+$0x0] =	vst.idx.add.f32.msk vm11, v1  }
0x643: {  	[spmem:s6] =	stream.strided.scatter [tilespmem:s11], [sflag:$0x1], $0x100, s10, s9, $0x38;
	[tilespmem:$0x1BB90] =	vst v63  }
0x644: {  	_ =	swait.ge [sflag:s12], $0x100  }
0x645: {  	[sflag:s12] =	ssyncset.done $0x0  }
0x646: {  	s13 =	simm.s32 $0x800;
	[sflag:s12] =	ssyncadd.s32 $0xFFFFFF00  }
0x647: {  	s14 =	simm.s32 $0x8000;
	s15 =	simm.s32 $0x19000;
	[bflag:$0x0] =	sbarrier.arrive $0xFFFF  }
0x648: {  	[tilespmem:s15], [sflag:$0x1] =	stream.strided.gather [spmem:s3], $0x1000, s14, s13, $0x38;
	[tilespmem:$0x1BB90] =	vst v63  }
0x649: {  	_ =	swait.ge [sflag:s12], $0x1000  }
0x64a: {  	[sflag:s12] =	ssyncset.done $0x0  }
0x64b: {  	[sflag:s12] =	ssyncadd.s32 $0xFFFFF000  }
0x64c: {  	v38 =	vld [tilespmem:$0x19000]  }
0x64d: {  	v59 =	vld [tilespmem:$0x19080]  }
0x64e: {  	v9 =	vld [tilespmem:$0x19100]  }
0x64f: {  	v12 =	vld [tilespmem:$0x19180]  }
0x650: {  	v13 =	vld [tilespmem:$0x19200]  }
0x651: {  	v17 =	vld [tilespmem:$0x19280]  }
0x652: {  	v21 =	vld [tilespmem:$0x19300]  }
0x653: {  	v26 =	vld [tilespmem:$0x19380]  }
0x654: {  	v31 =	vld [tilespmem:$0x19800]  }
0x655: {  	v36 =	vld [tilespmem:$0x19880]  }
0x656: {  	v42 =	vld [tilespmem:$0x19900]  }
0x657: {  	v49 =	vld [tilespmem:$0x19980]  }
0x658: {  	v57 =	vld [tilespmem:$0x19A00]  }
0x659: {  	v61 =	vld [tilespmem:$0x19A80]  }
0x65a: {  	v62 =	vld [tilespmem:$0x19B00]  }
0x65b: {  	v63 =	vld [tilespmem:$0x19B80]  }
0x65c: {  	v6 =	vld [tilespmem:$0x19010]  }
0x65d: {  	v8 =	vld [tilespmem:$0x19090]  }
0x65e: {  	v11 =	vld [tilespmem:$0x19110]  }
0x65f: {  	v15 =	vld [tilespmem:$0x19190]  }
0x660: {  	v20 =	vld [tilespmem:$0x19210]  }
0x661: {  	v28 =	vld [tilespmem:$0x19290]  }
0x662: {  	v35 =	vld [tilespmem:$0x19310]  }
0x663: {  	v44 =	vld [tilespmem:$0x19390]  }
0x664: {  	v54 =	vld [tilespmem:$0x19810]  }
0x665: {  	v50 =	vld [tilespmem:$0x19890]  }
0x666: {  	v58 =	vld [tilespmem:$0x19910]  }
0x667: {  	v4 =	vld [tilespmem:$0x19990]  }
0x668: {  	v5 =	vld [tilespmem:$0x19A10]  }
0x669: {  	v7 =	vld [tilespmem:$0x19A90]  }
0x66a: {  	v10 =	vld [tilespmem:$0x19B10]  }
0x66b: {  	v14 =	vld [tilespmem:$0x19B90]  }
0x66c: {  	v2 =	vld [tilespmem:$0x19020]  }
0x66d: {  	v19 =	vld [tilespmem:$0x19320]  }
0x66e: {  	v25 =	vld [tilespmem:$0x193A0]  }
0x66f: {  	v33 =	vld [tilespmem:$0x19820]  }
0x670: {  	v41 =	vld [tilespmem:$0x198A0]  }
0x671: {  	v46 =	vld [tilespmem:$0x19920]  }
0x672: {  	v55 =	vld [tilespmem:$0x199A0]  }
0x673: {  	v16 =	vld [tilespmem:$0x19AA0]  }
0x674: {  	v18 =	vld [tilespmem:$0x19B20]  }
0x675: {  	v22 =	vld [tilespmem:$0x19BA0]  }
0x676: {  	v24 =	vld [tilespmem:$0x190B0]  }
0x677: {  	v30 =	vld [tilespmem:$0x19130]  }
0x678: {  	v40 =	vld [tilespmem:$0x191B0]  }
0x679: {  	v48 =	vld [tilespmem:$0x19230]  }
0x67a: {  	v56 =	vld [tilespmem:$0x192B0]  }
0x67b: {  	v23 =	vld [tilespmem:$0x193B0]  }
0x67c: {  	v27 =	vld [tilespmem:$0x19830]  }
0x67d: {  	v29 =	vld [tilespmem:$0x198B0]  }
0x67e: {  	v32 =	vld [tilespmem:$0x19930]  }
0x67f: {  	v34 =	vld [tilespmem:$0x199B0]  }
0x680: {  	v37 =	vld [tilespmem:$0x19A30]  }
0x681: {  	v39 =	vld [tilespmem:$0x19AB0]  }
0x682: {  	v43 =	vld [tilespmem:$0x19B30]  }
0x683: {  	v45 =	vld [tilespmem:$0x19BB0]  }
0x684: {  	v52 =	vld [tilespmem:$0x192C0]  }
0x685: {  	v47 =	vld [tilespmem:$0x193C0]  }
0x686: {  	v51 =	vld [tilespmem:$0x19840]  }
0x687: {  	v53 =	vld [tilespmem:$0x198C0]  }
0x688: {  	v60 =	vld [tilespmem:$0x19940]  }
0x689: {  	v1 =	vld [tilespmem:$0x19360]  }
0x68a: {  	[tilespmem:$0x1FB50] =	vst v4;
	v4 =	vld [tilespmem:$0x190A0]  }
0x68b: {  	[tilespmem:$0x1FB60] =	vst v5;
	v5 =	vld [tilespmem:$0x19120]  }
0x68c: {  	[tilespmem:$0x1FB70] =	vst v7;
	v7 =	vld [tilespmem:$0x191A0]  }
0x68d: {  	[tilespmem:$0x1FB80] =	vst v10;
	v10 =	vld [tilespmem:$0x19220]  }
0x68e: {  	[tilespmem:$0x1FBA0] =	vst v14;
	v14 =	vld [tilespmem:$0x192A0]  }
0x68f: {  	[tilespmem:$0x1FB30] =	vst v62;
	v62 =	vld [tilespmem:$0x19A20]  }
0x690: {  	[tilespmem:$0x1FBB0] =	vst v18;
	v18 =	vld [tilespmem:$0x19030]  }
0x691: {  	[tilespmem:$0x1FB40] =	vst v63;
	v63 =	vld [tilespmem:$0x19330]  }
0x692: {  	[tilespmem:$0x1FB90] =	vst v16;
	v16 =	vld [tilespmem:$0x19040]  }
0x693: {  	[tilespmem:$0x1FBC0] =	vst v23;
	v23 =	vld [tilespmem:$0x190C0]  }
0x694: {  	[tilespmem:$0x1FCF0] =	vst v1;
	v1 =	vld [tilespmem:$0x193E0]  }
0x695: {  	[tilespmem:$0x1FBF0] =	vst v29;
	v29 =	vld [tilespmem:$0x19140]  }
0x696: {  	[tilespmem:$0x1FC60] =	vst v37;
	v37 =	vld [tilespmem:$0x191C0]  }
0x697: {  	[tilespmem:$0x1FD00] =	vst v45;
	v45 =	vld [tilespmem:$0x19240]  }
0x698: {  	[tilespmem:$0x1FB20] =	vst v61;
	v61 =	vld [tilespmem:$0x19340]  }
0x699: {  	[tilespmem:$0x1FD30] =	vst v1;
	v1 =	vld [tilespmem:$0x19860]  }
0x69a: {  	[tilespmem:$0x1FBD0] =	vst v22;
	v22 =	vld [tilespmem:$0x199C0]  }
0x69b: {  	[tilespmem:$0x1FBE0] =	vst v27;
	v27 =	vld [tilespmem:$0x19A40]  }
0x69c: {  	[tilespmem:$0x1FC10] =	vst v32;
	v32 =	vld [tilespmem:$0x19AC0]  }
0x69d: {  	[tilespmem:$0x1FC30] =	vst v34;
	v34 =	vld [tilespmem:$0x19B40]  }
0x69e: {  	[tilespmem:$0x1FD70] =	vst v1;
	v1 =	vld [tilespmem:$0x198E0]  }
0x69f: {  	[tilespmem:$0x1FC90] =	vst v39;
	v39 =	vld [tilespmem:$0x19BC0]  }
0x6a0: {  	[tilespmem:$0x1FC00] =	vst v47;
	v47 =	vld [tilespmem:$0x19150]  }
0x6a1: {  	[tilespmem:$0x1FC50] =	vst v53;
	v53 =	vld [tilespmem:$0x191D0]  }
0x6a2: {  	[tilespmem:$0x1FCC0] =	vst v43;
	v43 =	vld [tilespmem:$0x19250]  }
0x6a3: {  	[tilespmem:$0x1FDB0] =	vst v1;
	v1 =	vld [tilespmem:$0x19960]  }
0x6a4: {  	[tilespmem:$0x1FC20] =	vst v51;
	v51 =	vld [tilespmem:$0x192D0];
	v6 =	vadd.f32 $0.0e+00, v6  }
0x6a5: {  	[tilespmem:$0x1FC80] =	vst v60;
	v60 =	vld [tilespmem:$0x19350]  }
0x6a6: {  	v6 =	vadd.f32 v8, v6;
	v8 =	vld [tilespmem:$0x19480]  }
0x6a7: {  	[tilespmem:$0x1FD20] =	vst v32;
	v32 =	vld [tilespmem:$0x19050]  }
0x6a8: {  	[tilespmem:$0x1FDE0] =	vst v1;
	v1 =	vld [tilespmem:$0x199E0]  }
0x6a9: {  	[tilespmem:$0x1FDA0] =	vst v39;
	v39 =	vld [tilespmem:$0x190D0]  }
0x6aa: {  	[tilespmem:$0x1FCB0] =	vst v22;
	v22 =	vld [tilespmem:$0x193D0]  }
0x6ab: {  	[tilespmem:$0x1FCE0] =	vst v27;
	v27 =	vld [tilespmem:$0x19850]  }
0x6ac: {  	[tilespmem:$0x1FD60] =	vst v34;
	v34 =	vld [tilespmem:$0x198D0]  }
0x6ad: {  	[tilespmem:$0x1FE10] =	vst v1;
	v1 =	vld [tilespmem:$0x19A60]  }
0x6ae: {  	[tilespmem:$0x1FC40] =	vst v43;
	v43 =	vld [tilespmem:$0x19950]  }
0x6af: {  	v2 =	vadd.f32 $0.0e+00, v2;
	[tilespmem:$0x1FC70] =	vst v51;
	v51 =	vld [tilespmem:$0x199D0]  }
0x6b0: {  	[tilespmem:$0x1FCA0] =	vst v60;
	v60 =	vld [tilespmem:$0x19A50]  }
0x6b1: {  	v2 =	vadd.f32 v4, v2;
	v4 =	vld [tilespmem:$0x19500]  }
0x6b2: {  	[tilespmem:$0x1FE40] =	vst v1;
	v1 =	vld [tilespmem:$0x19AE0]  }
0x6b3: {  	v5 =	vadd.f32 v5, v2;
	v2 =	vld [tilespmem:$0x19400]  }
0x6b4: {  	[tilespmem:$0x1FCD0] =	vst v22;
	v22 =	vld [tilespmem:$0x19AD0]  }
0x6b5: {  	[tilespmem:$0x1FD10] =	vst v27;
	v27 =	vld [tilespmem:$0x19B50]  }
0x6b6: {  	[tilespmem:$0x1FD40] =	vst v34;
	v34 =	vld [tilespmem:$0x19BD0]  }
0x6b7: {  	v5 =	vadd.f32 v7, v5;
	[tilespmem:$0x1FE70] =	vst v1;
	v1 =	vld [tilespmem:$0x19B60]  }
0x6b8: {  	[tilespmem:$0x1FD80] =	vst v43;
	v43 =	vld [tilespmem:$0x191E0]  }
0x6b9: {  	[tilespmem:$0x1FDC0] =	vst v51;
	v51 =	vld [tilespmem:$0x19260];
	v5 =	vadd.f32 v10, v5  }
0x6ba: {  	[tilespmem:$0x1FDF0] =	vst v60;
	v60 =	vld [tilespmem:$0x192E0]  }
0x6bb: {  	v5 =	vadd.f32 v14, v5;
	v14 =	vld [tilespmem:$0x19C90]  }
0x6bc: {  	[tilespmem:$0x1FEA0] =	vst v1;
	v1 =	vld [tilespmem:$0x19BE0]  }
0x6bd: {  	[tilespmem:$0x1FE20] =	vst v22;
	v22 =	vld [tilespmem:$0x19060];
	v5 =	vadd.f32 v19, v5  }
0x6be: {  	[tilespmem:$0x1FE50] =	vst v27;
	v27 =	vld [tilespmem:$0x190E0]  }
0x6bf: {  	[tilespmem:$0x1FE80] =	vst v34;
	v34 =	vld [tilespmem:$0x19160];
	v5 =	vadd.f32 v25, v5  }
0x6c0: {  	v25 =	vld [tilespmem:$0x1FB60]  }
0x6c1: {  	v5 =	vadd.f32 v33, v5;
	v33 =	vld [tilespmem:$0x19490];
	[tilespmem:$0x1FEC0] =	vst v1;
	v1 =	vadd.f32 $0.0e+00, v38  }
0x6c2: {  	v38 =	vld [tilespmem:$0x19070]  }
0x6c3: {  	v5 =	vadd.f32 v41, v5;
	v41 =	vld [tilespmem:$0x1FB80];
	v1 =	vadd.f32 v59, v1  }
0x6c4: {  	v59 =	vld [tilespmem:$0x192F0]  }
0x6c5: {  	v5 =	vadd.f32 v46, v5;
	v46 =	vld [tilespmem:$0x19610];
	v1 =	vadd.f32 v9, v1  }
0x6c6: {  	v9 =	vld [tilespmem:$0x19C00]  }
0x6c7: {  	[tilespmem:$0x1FD50] =	vst v38;
	v38 =	vld [tilespmem:$0x190F0];
	v1 =	vadd.f32 v12, v1  }
0x6c8: {  	v12 =	vld [tilespmem:$0x19870]  }
0x6c9: {  	[tilespmem:$0x1FE60] =	vst v59;
	v59 =	vld [tilespmem:$0x193F0];
	v1 =	vadd.f32 v13, v1  }
0x6ca: {  	v13 =	vld [tilespmem:$0x198F0]  }
0x6cb: {  	v1 =	vadd.f32 v17, v1;
	v17 =	vld [tilespmem:$0x19970]  }
0x6cc: {  	[tilespmem:$0x1FD90] =	vst v38;
	v38 =	vld [tilespmem:$0x19170]  }
0x6cd: {  	[tilespmem:$0x1FED0] =	vst v12;
	v12 =	vld [tilespmem:$0x19AF0]  }
0x6ce: {  	v6 =	vadd.f32 v11, v6;
	[tilespmem:$0x1FEB0] =	vst v59;
	v59 =	vld [tilespmem:$0x19A70]  }
0x6cf: {  	v1 =	vadd.f32 v21, v1;
	v21 =	vld [tilespmem:$0x19BF0];
	[tilespmem:$0x1FEE0] =	vst v13  }
0x6d0: {  	v13 =	vld [tilespmem:$0x19B70];
	[tilespmem:$0x1FEF0] =	vst v17;
	v17 =	vadd.f32 v15, v6  }
0x6d1: {  	[tilespmem:$0x1FDD0] =	vst v38;
	v38 =	vld [tilespmem:$0x191F0]  }
0x6d2: {  	v1 =	vadd.f32 v26, v1;
	v26 =	vadd.f32 v20, v17;
	v20 =	vld [tilespmem:$0x19600]  }
0x6d3: {  	[tilespmem:$0x1FF10] =	vst v59;
	v59 =	vld [tilespmem:$0x1FB40]  }
0x6d4: {  	v1 =	vadd.f32 v31, v1;
	v17 =	vld [tilespmem:$0x1FB50]  }
0x6d5: {  	[tilespmem:$0x1FF40] =	vst v21;
	v21 =	vld [tilespmem:$0x19F80]  }
0x6d6: {  	v1 =	vadd.f32 v36, v1;
	v36 =	vld [tilespmem:$0x19700]  }
0x6d7: {  	v6 =	vadd.f32 v28, v26;
	v28 =	vld [tilespmem:$0x19580]  }
0x6d8: {  	v26 =	vadd.f32 v55, v5;
	v5 =	vld [tilespmem:$0x19590]  }
0x6d9: {  	v55 =	vld [tilespmem:$0x1FBC0]  }
0x6da: {  	[tilespmem:$0x1FE00] =	vst v38;
	v38 =	vld [tilespmem:$0x19270]  }
0x6db: {  	v2 =	vadd.f32 $0.0e+00, v2;
	v1 =	vadd.f32 v42, v1;
	v42 =	vld [tilespmem:$0x1FB20]  }
0x6dc: {  	v6 =	vadd.f32 v35, v6;
	v35 =	vld [tilespmem:$0x19680]  }
0x6dd: {  	v2 =	vadd.f32 v8, v2;
	[tilespmem:$0x1FF20] =	vst v12;
	v12 =	vadd.f32 v62, v26;
	v26 =	vld [tilespmem:$0x19D90]  }
0x6de: {  	v1 =	vadd.f32 v49, v1;
	[tilespmem:$0x1FF60] =	vst v21;
	v21 =	vld [tilespmem:$0x19790]  }
0x6df: {  	v2 =	vadd.f32 v4, v2;
	v6 =	vadd.f32 v44, v6;
	v44 =	vld [tilespmem:$0x19780]  }
0x6e0: {  	v31 =	vadd.f32 v57, v1;
	v57 =	vld [tilespmem:$0x1FB30]  }
0x6e1: {  	v2 =	vadd.f32 v28, v2;
	v28 =	vld [tilespmem:$0x19730]  }
0x6e2: {  	[tilespmem:$0x1FE30] =	vst v38;
	v38 =	vld [tilespmem:$0x19370]  }
0x6e3: {  	v6 =	vadd.f32 v54, v6;
	v54 =	vld [tilespmem:$0x19C80]  }
0x6e4: {  	v7 =	vadd.f32 v42, v31;
	v31 =	vld [tilespmem:$0x19D80]  }
0x6e5: {  	v42 =	vld [tilespmem:$0x1FB90]  }
0x6e6: {  	v20 =	vadd.f32 v20, v2;
	v49 =	vadd.f32 v50, v6;
	v6 =	vld [tilespmem:$0x19E00]  }
0x6e7: {  	v50 =	vadd.f32 $0.0e+00, v18;
	v18 =	vld [tilespmem:$0x19F00]  }
0x6e8: {  	v20 =	vadd.f32 v35, v20;
	v35 =	vld [tilespmem:$0x19E30]  }
0x6e9: {  	v10 =	vadd.f32 v58, v49;
	v58 =	vld [tilespmem:$0x19E80]  }
0x6ea: {  	v11 =	vadd.f32 v24, v50;
	v50 =	vld [tilespmem:$0x1FBB0]  }
0x6eb: {  	v7 =	vadd.f32 v57, v7;
	v57 =	vld [tilespmem:$0x1FBD0]  }
0x6ec: {  	v24 =	vadd.f32 $0.0e+00, v16;
	v16 =	vld [tilespmem:$0x19D10]  }
0x6ed: {  	[tilespmem:$0x1FE90] =	vst v38;
	v38 =	vld [tilespmem:$0x199F0]  }
0x6ee: {  	v19 =	vadd.f32 v30, v11;
	v30 =	vld [tilespmem:$0x19410]  }
0x6ef: {  	v11 =	vadd.f32 v23, v24;
	v23 =	vld [tilespmem:$0x19710]  }
0x6f0: {  	v7 =	vadd.f32 v59, v7;
	v59 =	vld [tilespmem:$0x1FBE0]  }
0x6f1: {  	v12 =	vadd.f32 v42, v12;
	v42 =	vld [tilespmem:$0x1FC30]  }
0x6f2: {  	[tilespmem:$0x1FF70] =	vst v7;
	v7 =	vadd.f32 v17, v10;
	v10 =	vadd.f32 v40, v19;
	v40 =	vld [tilespmem:$0x19510]  }
0x6f3: {  	v20 =	vadd.f32 v36, v20;
	v19 =	vld [tilespmem:$0x19C10]  }
0x6f4: {  	v17 =	vld [tilespmem:$0x19E90]  }
0x6f5: {  	v20 =	vadd.f32 v44, v20;
	[tilespmem:$0x1FF00] =	vst v38;
	v38 =	vld [tilespmem:$0x1FF80]  }
0x6f6: {  	v11 =	vadd.f32 v29, v11;
	v7 =	vadd.f32 v25, v7;
	v25 =	vld [tilespmem:$0x19690]  }
0x6f7: {  	v29 =	vadd.f32 $0.0e+00, v22;
	v10 =	vadd.f32 v48, v10;
	v48 =	vld [tilespmem:$0x1FBA0]  }
0x6f8: {  	v11 =	vadd.f32 v37, v11;
	v37 =	vld [tilespmem:$0x1FC00]  }
0x6f9: {  	[tilespmem:$0x1FF30] =	vst v13;
	v9 =	vadd.f32 v9, v20;
	v13 =	vadd.f32 v27, v29;
	v29 =	vld [tilespmem:$0x19420]  }
0x6fa: {  	v44 =	vld [tilespmem:$0x1FF00]  }
0x6fb: {  	v9 =	vadd.f32 v54, v9;
	v54 =	vld [tilespmem:$0x1FF10]  }
0x6fc: {  	v10 =	vadd.f32 v56, v10;
	v56 =	vadd.f32 $0.0e+00, v32;
	v32 =	vld [tilespmem:$0x1FBF0]  }
0x6fd: {  	v30 =	vadd.f32 $0.0e+00, v30;
	v11 =	vadd.f32 v45, v11;
	v45 =	vld [tilespmem:$0x1FC40]  }
0x6fe: {  	v13 =	vadd.f32 v34, v13;
	v34 =	vld [tilespmem:$0x19520]  }
0x6ff: {  	v30 =	vadd.f32 v33, v30;
	v33 =	vld [tilespmem:$0x19DB0]  }
0x700: {  	v49 =	vadd.f32 v63, v10;
	v10 =	vadd.f32 v50, v12;
	v12 =	vld [tilespmem:$0x19F10]  }
0x701: {  	v50 =	vld [tilespmem:$0x1FC80]  }
0x702: {  	[tilespmem:$0x1FF50] =	vst v58;
	v58 =	vadd.f32 v52, v11;
	v52 =	vld [tilespmem:$0x1FCA0]  }
0x703: {  	v62 =	vadd.f32 v39, v56;
	v56 =	vld [tilespmem:$0x1FCD0]  }
0x704: {  	v13 =	vadd.f32 v43, v13;
	v43 =	vld [tilespmem:$0x197A0]  }
0x705: {  	v1 =	vsub.f32 v3, v38;
	v3 =	vld [tilespmem:$0x19D00]  }
0x706: {  	v38 =	vld [tilespmem:$0x1FB70]  }
0x707: {  	v30 =	vadd.f32 v40, v30;
	v40 =	vld [tilespmem:$0x19EB0]  }
0x708: {  	v24 =	vadd.f32 v57, v10;
	v10 =	vld [tilespmem:$0x19E10]  }
0x709: {  	v11 =	vadd.f32 v47, v62;
	v47 =	vld [tilespmem:$0x1FC50]  }
0x70a: {  	v13 =	vadd.f32 v51, v13;
	v51 =	vld [tilespmem:$0x1FC90]  }
0x70b: {  	v57 =	vld [tilespmem:$0x1FCE0]  }
0x70c: {  	v63 =	vadd.f32 v61, v58;
	v58 =	vld [tilespmem:$0x1FCF0]  }
0x70d: {  	v61 =	vld [tilespmem:$0x1FD10]  }
0x70e: {  	v62 =	vld [tilespmem:$0x1FD20]  }
0x70f: {  	v30 =	vadd.f32 v5, v30;
	v5 =	vld [tilespmem:$0x19FB0]  }
0x710: {  	v39 =	vadd.f32 v53, v11;
	v11 =	vld [tilespmem:$0x19F90]  }
0x711: {  	v22 =	vadd.f32 v37, v63;
	v37 =	vld [tilespmem:$0x195A0]  }
0x712: {  	v53 =	vld [tilespmem:$0x1FCB0]  }
0x713: {  	v13 =	vadd.f32 v60, v13;
	v60 =	vld [tilespmem:$0x1FD00]  }
0x714: {  	v63 =	vld [tilespmem:$0x1FD30]  }
0x715: {  	v30 =	vadd.f32 v46, v30;
	v46 =	vld [tilespmem:$0x1FF40]  }
0x716: {  	v7 =	vadd.f32 v38, v7;
	v38 =	vld [tilespmem:$0x1FC10]  }
0x717: {  	v27 =	vadd.f32 v45, v39;
	v39 =	vld [tilespmem:$0x19620]  }
0x718: {  	v3 =	vadd.f32 v3, v9;
	v25 =	vadd.f32 v25, v30;
	v30 =	vld [tilespmem:$0x195C0]  }
0x719: {  	v7 =	vadd.f32 v41, v7;
	v41 =	vld [tilespmem:$0x1FC20]  }
0x71a: {  	v3 =	vadd.f32 v31, v3;
	v31 =	vld [tilespmem:$0x19740]  }
0x71b: {  	v23 =	vadd.f32 v23, v25;
	v25 =	vld [tilespmem:$0x196C0]  }
0x71c: {  	v15 =	vadd.f32 v48, v7;
	v48 =	vld [tilespmem:$0x1FC60]  }
0x71d: {  	v7 =	vadd.f32 v55, v49;
	v49 =	vld [tilespmem:$0x1FC70]  }
0x71e: {  	v55 =	vld [tilespmem:$0x1FCC0]  }
0x71f: {  	v21 =	vadd.f32 v21, v23;
	v23 =	vld [tilespmem:$0x197C0]  }
0x720: {  	v7 =	vadd.f32 v59, v7;
	v59 =	vadd.f32 v58, v13;
	v58 =	vld [tilespmem:$0x1FDB0]  }
0x721: {  	v22 =	vadd.f32 v41, v22;
	v41 =	vld [tilespmem:$0x196A0]  }
0x722: {  	v19 =	vadd.f32 v19, v21;
	v21 =	vld [tilespmem:$0x19CC0]  }
0x723: {  	v7 =	vadd.f32 v32, v7;
	v32 =	vld [tilespmem:$0x194A0]  }
0x724: {  	v45 =	vadd.f32 v63, v59;
	v59 =	vld [tilespmem:$0x1FDC0]  }
0x725: {  	v63 =	vld [tilespmem:$0x1FE00]  }
0x726: {  	v22 =	vadd.f32 v47, v22;
	v47 =	vld [tilespmem:$0x19C20]  }
0x727: {  	v27 =	vadd.f32 v49, v27;
	v49 =	vld [tilespmem:$0x19DA0]  }
0x728: {  	v14 =	vadd.f32 v14, v19;
	v19 =	vld [tilespmem:$0x19EC0]  }
0x729: {  	v7 =	vadd.f32 v38, v7;
	v38 =	vld [tilespmem:$0x1FD40]  }
0x72a: {  	v27 =	vadd.f32 v52, v27;
	v52 =	vld [tilespmem:$0x1FD60]  }
0x72b: {  	v22 =	vadd.f32 v50, v22;
	v50 =	vld [tilespmem:$0x19E20]  }
0x72c: {  	v7 =	vadd.f32 v42, v7;
	v42 =	vld [tilespmem:$0x19720]  }
0x72d: {  	v14 =	vadd.f32 v16, v14;
	v22 =	vadd.f32 v53, v22;
	v53 =	vld [tilespmem:$0x1FD70]  }
0x72e: {  	v27 =	vadd.f32 v56, v27;
	v56 =	vld [tilespmem:$0x1FD90];
	v7 =	vadd.f32 v48, v7  }
0x72f: {  	v14 =	vadd.f32 v26, v14;
	v26 =	vld [tilespmem:$0x19FC0]  }
0x730: {  	v48 =	vld [tilespmem:$0x19D20];
	v7 =	vadd.f32 v51, v7  }
0x731: {  	v22 =	vadd.f32 v57, v22;
	v51 =	vld [tilespmem:$0x1FD50]  }
0x732: {  	v57 =	vld [tilespmem:$0x1FDA0];
	v7 =	vadd.f32 v55, v7  }
0x733: {  	v22 =	vadd.f32 v62, v22;
	v62 =	vld [tilespmem:$0x1FDF0]  }
0x734: {  	v55 =	vld [tilespmem:$0x1FD80];
	v13 =	vadd.f32 v60, v7;
	v7 =	vadd.f32 v61, v27  }
0x735: {  	v45 =	vadd.f32 v53, v45;
	v60 =	vld [tilespmem:$0x1FDD0]  }
0x736: {  	v53 =	vld [tilespmem:$0x19FA0];
	v7 =	vadd.f32 v38, v7;
	v38 =	vadd.f32 $0.0e+00, v51  }
0x737: {  	v22 =	vadd.f32 v52, v22;
	v52 =	vld [tilespmem:$0x19EA0]  }
0x738: {  	v61 =	vld [tilespmem:$0x1FDE0];
	v38 =	vadd.f32 v56, v38  }
0x739: {  	v27 =	vld [tilespmem:$0x19CA0]  }
0x73a: {  	v51 =	vadd.f32 v55, v7;
	v38 =	vadd.f32 v60, v38;
	v60 =	vld [tilespmem:$0x1FE10]  }
0x73b: {  	v7 =	vadd.f32 v57, v22;
	v22 =	vadd.f32 v58, v45;
	v45 =	vld [tilespmem:$0x19F20]  }
0x73c: {  	v55 =	vld [tilespmem:$0x19430]  }
0x73d: {  	v22 =	vadd.f32 v61, v22;
	v61 =	vld [tilespmem:$0x1FE20]  }
0x73e: {  	v56 =	vld [tilespmem:$0x194B0];
	v51 =	vadd.f32 v59, v51  }
0x73f: {  	v22 =	vadd.f32 v60, v22;
	v60 =	vld [tilespmem:$0x1FE50]  }
0x740: {  	v51 =	vadd.f32 v62, v51;
	v62 =	vld [tilespmem:$0x1FE30]  }
0x741: {  	v57 =	vld [tilespmem:$0x19530]  }
0x742: {  	v8 =	vadd.f32 v61, v51;
	v61 =	vld [tilespmem:$0x1FE60]  }
0x743: {  	v38 =	vadd.f32 v63, v38;
	v63 =	vld [tilespmem:$0x1FE40]  }
0x744: {  	v4 =	vadd.f32 v60, v8;
	v60 =	vld [tilespmem:$0x1FE90]  }
0x745: {  	v58 =	vld [tilespmem:$0x19630];
	v38 =	vadd.f32 v62, v38  }
0x746: {  	v62 =	vld [tilespmem:$0x1FE70]  }
0x747: {  	v59 =	vld [tilespmem:$0x197B0];
	v8 =	vadd.f32 v61, v38  }
0x748: {  	v22 =	vadd.f32 v63, v22;
	v63 =	vld [tilespmem:$0x1FE80]  }
0x749: {  	v8 =	vadd.f32 v60, v8;
	v60 =	vld [tilespmem:$0x1FEA0]  }
0x74a: {  	v61 =	vld [tilespmem:$0x1FEB0]  }
0x74b: {  	v55 =	vadd.f32 $0.0e+00, v55;
	v22 =	vadd.f32 v62, v22;
	v62 =	vld [tilespmem:$0x1FEC0]  }
0x74c: {  	v51 =	vld [tilespmem:$0x195B0]  }
0x74d: {  	v56 =	vadd.f32 v56, v55;
	v4 =	vadd.f32 v63, v4;
	v63 =	vld [tilespmem:$0x1FED0]  }
0x74e: {  	v55 =	vld [tilespmem:$0x197D0];
	v22 =	vadd.f32 v60, v22  }
0x74f: {  	v16 =	vadd.f32 v57, v56;
	v57 =	vld [tilespmem:$0x194E0]  }
0x750: {  	v8 =	vadd.f32 v61, v8;
	v2 =	vadd.f32 v62, v22;
	v62 =	vld [tilespmem:$0x1FEE0]  }
0x751: {  	v38 =	vld [tilespmem:$0x196B0]  }
0x752: {  	v8 =	vadd.f32 v63, v8;
	v63 =	vld [tilespmem:$0x1FEF0]  }
0x753: {  	v29 =	vadd.f32 $0.0e+00, v29;
	v61 =	vld [tilespmem:$0x19CB0]  }
0x754: {  	v60 =	vld [tilespmem:$0x19C30]  }
0x755: {  	v29 =	vadd.f32 v32, v29;
	v22 =	vld [tilespmem:$0x19D30];
	v36 =	vadd.f32 v62, v8  }
0x756: {  	v8 =	vld [tilespmem:$0x19F30]  }
0x757: {  	v32 =	vadd.f32 v63, v36;
	v36 =	vadd.f32 v34, v29;
	v29 =	vld [tilespmem:$0x19440]  }
0x758: {  	v34 =	vld [tilespmem:$0x194C0]  }
0x759: {  	v63 =	vld [tilespmem:$0x1FF20]  }
0x75a: {  	v20 =	vadd.f32 v37, v36;
	v36 =	vld [tilespmem:$0x19540]  }
0x75b: {  	v32 =	vadd.f32 v44, v32;
	v37 =	vld [tilespmem:$0x19D40]  }
0x75c: {  	v10 =	vadd.f32 v10, v14;
	v62 =	vadd.f32 v39, v20;
	v20 =	vld [tilespmem:$0x19640]  }
0x75d: {  	v32 =	vadd.f32 v54, v32;
	v54 =	vld [tilespmem:$0x1FF50]  }
0x75e: {  	v3 =	vadd.f32 v6, v3;
	v10 =	vadd.f32 v17, v10;
	v39 =	vld [tilespmem:$0x19DC0]  }
0x75f: {  	v29 =	vadd.f32 $0.0e+00, v29;
	v9 =	vadd.f32 v41, v62;
	v41 =	vld [tilespmem:$0x1FF30]  }
0x760: {  	v10 =	vadd.f32 v12, v10;
	v32 =	vadd.f32 v63, v32;
	v62 =	vld [tilespmem:$0x1FF60]  }
0x761: {  	v63 =	vld [tilespmem:$0x19450];
	v29 =	vadd.f32 v34, v29;
	v44 =	vadd.f32 v42, v9  }
0x762: {  	v10 =	vadd.f32 v11, v10;
	v34 =	vld [tilespmem:$0x195F0];
	v3 =	vadd.f32 v54, v3  }
0x763: {  	v9 =	vld [tilespmem:$0x19C40];
	v29 =	vadd.f32 v36, v29;
	v6 =	vadd.f32 v43, v44  }
0x764: {  	v54 =	vld [tilespmem:$0x19460];
	v43 =	vadd.f32 v51, v16;
	v32 =	vadd.f32 v41, v32  }
0x765: {  	v42 =	vld [tilespmem:$0x19D50];
	v3 =	vadd.f32 v18, v3;
	v29 =	vadd.f32 v30, v29  }
0x766: {  	v44 =	vld [tilespmem:$0x194D0];
	v56 =	vadd.f32 $0.0e+00, v63;
	v6 =	vadd.f32 v47, v6  }
0x767: {  	v14 =	vadd.f32 v58, v43;
	v58 =	vld [tilespmem:$0x1FF70];
	v32 =	vadd.f32 v46, v32  }
0x768: {  	v46 =	vld [tilespmem:$0x19550];
	v20 =	vadd.f32 v20, v29;
	v6 =	vadd.f32 v27, v6  }
0x769: {  	v3 =	vadd.f32 v62, v3;
	v62 =	vld [tilespmem:$0x19560];
	v12 =	vadd.f32 $0.0e+00, v54  }
0x76a: {  	v47 =	vld [tilespmem:$0x195D0];
	v20 =	vadd.f32 v25, v20;
	v6 =	vadd.f32 v48, v6  }
0x76b: {  	v41 =	vld [tilespmem:$0x195E0];
	v16 =	vadd.f32 v44, v56;
	v12 =	vadd.f32 v57, v12  }
0x76c: {  	v44 =	vld [tilespmem:$0x19660];
	v20 =	vadd.f32 v31, v20;
	v6 =	vadd.f32 v49, v6  }
0x76d: {  	v48 =	vld [tilespmem:$0x19650];
	v49 =	vadd.f32 v38, v14;
	v16 =	vadd.f32 v46, v16  }
0x76e: {  	v36 =	vld [tilespmem:$0x19EE0];
	(xrf2) =	vadd.scan.msk.f32 $0xffff, v58;
	v12 =	vadd.f32 v62, v12;
	v20 =	vadd.f32 v23, v20  }
0x76f: {  	v46 =	vld [tilespmem:$0x196E0];
	v6 =	vadd.f32 v50, v6;
	v43 =	vadd.f32 v47, v16  }
0x770: {  	(xrf2) =	vadd.scan.msk.f32 $0xffff, v15;
	v50 =	vld [tilespmem:$0x196D0];
	v12 =	vadd.f32 v41, v12;
	v9 =	vadd.f32 v9, v20  }
0x771: {  	v51 =	vld [tilespmem:$0x19750];
	v6 =	vadd.f32 v52, v6;
	v52 =	vadd.f32 v28, v49  }
0x772: {  	v18 =	vld [tilespmem:$0x19E40];
	(xrf2) =	vadd.scan.msk.f32 $0xffff, v24;
	v15 =	vadd.f32 v48, v43;
	v12 =	vadd.f32 v44, v12  }
0x773: {  	v48 =	vld [tilespmem:$0x19760];
	v9 =	vadd.f32 v21, v9;
	v6 =	vadd.f32 v45, v6  }
0x774: {  	v63 =	vld [tilespmem:$0x19CD0];
	v11 =	vadd.f32 v59, v52;
	v12 =	vadd.f32 v46, v12  }
0x775: {  	v30 =	vld [tilespmem:$0x19DE0];
	v14 =	vadd.f32 v50, v15;
	v9 =	vadd.f32 v37, v9  }
0x776: {  	v52 =	vld [tilespmem:$0x197E0];
	v6 =	vadd.f32 v53, v6;
	v11 =	vadd.f32 v60, v11  }
0x777: {  	v59 =	vld [tilespmem:$0x19C50];
	v51 =	vadd.f32 v51, v14;
	v9 =	vadd.f32 v39, v9  }
0x778: {  	v27 =	vld [tilespmem:$0x19F40];
	v49, _, _ =	vpop (xrf2);
	(xrf2) =	vadd.scan.msk.f32 $0xffff, v13;
	v56 =	vadd.f32 v48, v12;
	v11 =	vadd.f32 v61, v11  }
0x779: {  	v54 =	vld [tilespmem:$0x19C60];
	(v2sf) =	vpush v49, $0xF;
	v13 =	vadd.f32 v55, v51  }
0x77a: {  	v57 =	vld [tilespmem:$0x19FD0];
	(xrf2) =	vadd.scan.msk.f32 $0xffff, v7;
	v58, _, _ =	vpop (xrf2);
	v9 =	vadd.f32 v18, v9;
	v11 =	vadd.f32 v22, v11  }
0x77b: {  	v28 =	vld [tilespmem:$0x194F0];
	(v2sf) =	vpush v58, $0xF;
	v60 =	vadd.f32 v52, v56  }
0x77c: {  	v25, _, _ =	vpop (xrf2);
	v13 =	vadd.f32 v59, v13;
	v59 =	vld [tilespmem:$0x19CE0];
	v11 =	vadd.f32 v33, v11  }
0x77d: {  	v61 =	vld [tilespmem:$0x19470];
	(v2sf) =	vpush v25, $0xF;
	v9 =	vadd.f32 v19, v9  }
0x77e: {  	v45 =	vld [tilespmem:$0x19DD0];
	(xrf2) =	vadd.scan.msk.f32 $0xffff, v4;
	v62 =	vadd.f32 v63, v13;
	v11 =	vadd.f32 v35, v11  }
0x77f: {  	v4 =	vadd.f32 v54, v60;
	v63 =	vld [tilespmem:$0x19D60];
	v9 =	vadd.f32 v27, v9  }
0x780: {  	v47 =	vld [tilespmem:$0x19E50];
	(xrf2) =	vadd.scan.msk.f32 $0xffff, v2;
	v29 =	vadd.f32 v42, v62;
	v11 =	vadd.f32 v40, v11  }
0x781: {  	v31 =	vld [tilespmem:$0x19570];
	v35 =	vadd.f32 v26, v9;
	v4 =	vadd.f32 v59, v4  }
0x782: {  	v50 =	vld [tilespmem:$0x19ED0];
	(xrf2) =	vadd.scan.msk.f32 $0xffff, v32;
	v32, _, _ =	vpop (xrf2);
	v55 =	vadd.f32 v8, v11;
	v8 =	vadd.f32 $0.0e+00, v61  }
0x783: {  	v33 =	vld [tilespmem:$0x19E60];
	v2 =	vadd.f32 v45, v29;
	(v2sf) =	vpush v32, $0xF  }
0x784: {  	v53 =	vld [tilespmem:$0x19F50];
	(xrf2) =	vadd.scan.msk.f32 $0xffff, v3;
	v4 =	vadd.f32 v63, v4;
	v37, _, _ =	vpop (xrf2);
	v8 =	vadd.f32 v28, v8  }
0x785: {  	v38 =	vld [tilespmem:$0x19670];
	v2 =	vadd.f32 v47, v2;
	(v2sf) =	vpush v37, $0xF  }
0x786: {  	v41 =	vld [tilespmem:$0x196F0];
	(xrf2) =	vadd.scan.msk.f32 $0xffff, v10;
	v4 =	vadd.f32 v30, v4;
	v8 =	vadd.f32 v31, v8  }
0x787: {  	v39 =	vld [tilespmem:$0x19F60];
	v5 =	vadd.f32 v5, v55;
	v2 =	vadd.f32 v50, v2  }
0x788: {  	v43 =	vld [tilespmem:$0x19FE0];
	v40, _, _ =	vpop (xrf2);
	(xrf2) =	vadd.scan.msk.f32 $0xffff, v6;
	v4 =	vadd.f32 v33, v4;
	v42 =	vadd.f32 v34, v8  }
0x789: {  	v44 =	vld [tilespmem:$0x19770];
	s16 =	spop (v2sf);
	(v2sf) =	vpush v40, $0xF;
	v2 =	vadd.f32 v53, v2  }
0x78a: {  	v45, _, _ =	vpop (xrf2);
	(xrf2) =	vadd.scan.msk.f32 $0xffff, v5;
	v4 =	vadd.f32 v36, v4;
	v6 =	vadd.f32 v38, v42  }
0x78b: {  	v47 =	vld [tilespmem:$0x197F0];
	s3 =	sadd.f32 $0.0e+00, s16;
	(v2sf) =	vpush v45, $0xF;
	v2 =	vadd.f32 v57, v2  }
0x78c: {  	vm12 =	vle.f32 v49, v1;
	v48, _, _ =	vpop (xrf2);
	(xrf2) =	vadd.scan.msk.f32 $0xffff, v35;
	s17 =	spop (v2sf);
	v49 =	vadd.f32 v39, v4;
	v50 =	vadd.f32 v41, v6  }
0x78d: {  	v52 =	vld [tilespmem:$0x19C70];
	(v2sf) =	vpush v48, $0xF;
	v46 =	vadd.f32 s3, v58;
	s3 =	sadd.f32 s17, s3  }
0x78e: {  	v51 =	vmpcnt.ones.xlane vm12;
	s18 =	spop (v2sf);
	v53, _, _ =	vpop (xrf2);
	(xrf2) =	vadd.scan.msk.f32 $0xffff, v2;
	v54 =	vadd.f32 v43, v49;
	v55 =	vadd.f32 v44, v50  }
0x78f: {  	v58 =	vld [tilespmem:$0x19CF0];
	vm13 =	vle.f32 v46, v1;
	v57 =	vadd.f32 s3, v25;
	(v2sf) =	vpush v53, $0xF;
	s3 =	sadd.f32 s18, s3  }
0x790: {  	v6 =	vcvt.s32.f32 v51;
	v59, _, _ =	vpop (xrf2);
	v56 =	vmpcnt.ones.xlane vm13;
	(xrf2) =	vadd.scan.msk.f32 $0xffff, v54;
	v60 =	vadd.f32 v47, v55  }
0x791: {  	v62 =	vld [tilespmem:$0x19D70];
	(v2sf) =	vpush v59, $0xF;
	vm14 =	vle.f32 v57, v1;
	v20 =	vadd.f32 s3, v32  }
0x792: {  	v63, _, _ =	vpop (xrf2);
	v61 =	vcvt.s32.f32 v56;
	v8 =	vmpcnt.ones.xlane vm14;
	s19 =	spop (v2sf);
	v2 =	vadd.f32 v52, v60  }
0x793: {  	v21 =	vld [tilespmem:$0x19DF0];
	vm15 =	vle.f32 v20, v1;
	(v2sf) =	vpush v63, $0xF;
	s3 =	sadd.f32 s19, s3  }
0x794: {  	v22, _, _ =	vpop (xrf2);
	v3 =	vadd.f32 v61, v6;
	v8 =	vcvt.s32.f32 v8;
	v2 =	vadd.f32 v58, v2  }
0x795: {  	v25 =	vld [tilespmem:$0x19E70];
	v23 =	vmpcnt.ones.xlane vm15;
	s20 =	spop (v2sf);
	(v2sf) =	vpush v22, $0xF;
	v24 =	vadd.f32 s3, v37  }
0x796: {  	v26, _, _ =	vpop (xrf2);
	v3 =	vadd.f32 v8, v3;
	s3 =	sadd.f32 s20, s3;
	v2 =	vadd.f32 v62, v2  }
0x797: {  	v28 =	vld [tilespmem:$0x19EF0];
	v27 =	vcvt.s32.f32 v23;
	(v2sf) =	vpush v26, $0xF;
	vm4 =	vle.f32 v24, v1  }
0x798: {  	v29, _, _ =	vpop (xrf2);
	v15 =	vadd.f32 s3, v40;
	s21 =	spop (v2sf);
	v14 =	vmpcnt.ones.xlane vm4;
	v2 =	vadd.f32 v21, v2  }
0x799: {  	v30 =	vld [tilespmem:$0x19F70];
	v3 =	vadd.f32 v27, v3;
	(v2sf) =	vpush v29, $0xF;
	s3 =	sadd.f32 s21, s3  }
0x79a: {  	s22 =	spop (v2sf);
	vm5 =	vle.f32 v15, v1;
	v32, _, _ =	vpop (xrf2);
	v31 =	vcvt.s32.f32 v14;
	v2 =	vadd.f32 v25, v2  }
0x79b: {  	v33 =	vld [tilespmem:$0x19FF0];
	v15 =	vmpcnt.ones.xlane vm5;
	v13 =	vadd.f32 s3, v45;
	s3 =	sadd.f32 s22, s3;
	(v2sf) =	vpush v32, $0xF  }
0x79c: {  	s23 =	spop (v2sf);
	v3 =	vadd.f32 v31, v3;
	v2 =	vadd.f32 v28, v2  }
0x79d: {  	vm6 =	vle.f32 v13, v1;
	v34 =	vcvt.s32.f32 v15;
	v35 =	vadd.f32 s3, v48;
	s3 =	sadd.f32 s23, s3  }
0x79e: {  	s24 =	spop (v2sf);
	v36 =	vmpcnt.ones.xlane vm6;
	v2 =	vadd.f32 v30, v2  }
0x79f: {  	v3 =	vadd.f32 v34, v3;
	vm7 =	vle.f32 v35, v1;
	v5 =	vadd.f32 s3, v53;
	s3 =	sadd.f32 s24, s3  }
0x7a0: {  	s25 =	spop (v2sf);
	v4 =	vcvt.s32.f32 v36;
	v37 =	vmpcnt.ones.xlane vm7;
	v2 =	vadd.f32 v33, v2  }
0x7a1: {  	vm8 =	vle.f32 v5, v1;
	v38 =	vadd.f32 s3, v59;
	s3 =	sadd.f32 s25, s3  }
0x7a2: {  	s26 =	spop (v2sf);
	v3 =	vadd.f32 v4, v3;
	v39 =	vcvt.s32.f32 v37;
	v40 =	vmpcnt.ones.xlane vm8;
	(xrf2) =	vadd.scan.msk.f32 $0xffff, v2  }
0x7a3: {  	vm9 =	vle.f32 v38, v1;
	v41 =	vadd.f32 s3, v63;
	s3 =	sadd.f32 s26, s3  }
0x7a4: {  	s28 =	spop (v2sf);
	v3 =	vadd.f32 v39, v3;
	v42 =	vcvt.s32.f32 v40;
	v5 =	vmpcnt.ones.xlane vm9  }
0x7a5: {  	vm10 =	vle.f32 v41, v1;
	v43 =	vadd.f32 s3, v22;
	s3 =	sadd.f32 s28, s3  }
0x7a6: {  	s29 =	spop (v2sf);
	v3 =	vadd.f32 v42, v3;
	v44 =	vcvt.s32.f32 v5;
	v45 =	vmpcnt.ones.xlane vm10  }
0x7a7: {  	vm11 =	vle.f32 v43, v1;
	v46 =	vadd.f32 s3, v26;
	s3 =	sadd.f32 s29, s3  }
0x7a8: {  	s30 =	spop (v2sf);
	v3 =	vadd.f32 v44, v3;
	v47 =	vcvt.s32.f32 v45;
	v48 =	vmpcnt.ones.xlane vm11  }
0x7a9: {  	vm12 =	vle.f32 v46, v1;
	v49 =	vadd.f32 s3, v29;
	s3 =	sadd.f32 s30, s3  }
0x7aa: {  	v3 =	vadd.f32 v47, v3;
	v50 =	vcvt.s32.f32 v48;
	v51 =	vmpcnt.ones.xlane vm12;
	s31 =	spop (v2sf)  }
0x7ab: {  	vm13 =	vle.f32 v49, v1;
	v52 =	vadd.f32 s3, v32;
	s3 =	sadd.f32 s31, s3  }
0x7ac: {  	v3 =	vadd.f32 v50, v3;
	v53 =	vcvt.s32.f32 v51;
	v54 =	vmpcnt.ones.xlane vm13;
	v55, _, _ =	vpop (xrf2)  }
0x7ad: {  	vm14 =	vle.f32 v52, v1;
	v56 =	vadd.f32 s3, v55  }
0x7ae: {  	v3 =	vadd.f32 v53, v3;
	v57 =	vcvt.s32.f32 v54;
	v58 =	vmpcnt.ones.xlane vm14  }
0x7af: {  	vm15 =	vle.f32 v56, v1  }
0x7b0: {  	v59 =	vadd.f32 v57, v3;
	v60 =	vcvt.s32.f32 v58;
	v61 =	vmpcnt.ones.xlane vm15;
	_ =	sdelay $0x1  }
0x7b1: {  	v1 =	vadd.f32 v60, v59;
	v62 =	vcvt.s32.f32 v61;
	_ =	sdelay $0x1  }
0x7b2: {  	v1 =	vadd.f32 v62, v1;
	_ =	sdelay $0x1  }
0x7b3: {  	v1 =	vtrunc.f32 v1  }
0x7b4: {  	v1 =	vcvt.f32.s32 v1  }
0x7b5: {  	v63 =	vshll.u32 v0, $0x8  }
0x7b6: {  	v0 =	vor.u32 v1, v63  }
0x7b7: {  	v1 =	vshra.s32 v0, $0x1F  }
0x7b8: {  	v1 =	vand.u32 $0x7FFFFFFF, v1  }
0x7b9: {  	v0 =	vxor.u32 v0, v1  }
0x7ba: {  	p0 =	sne.s32 s2, $0x0;
	[tilespmem:$0x1AA80] =	vst v0  }
0x7bb: {  	_ =	sfence.sel @p0 $0x180000  }
0x7bc: {  	[bflag:$0x0] =	sbarrier.arrive @p0 $0xFFFF  }
0x7bd: {  	_ =	strace @p0 $0x90000047  }
0x7be: {  	s2 =	simm.s32 @!p0 $0x0;
	s3 =	simm.s32 @!p0 $0x1AA80;
	[bflag:$0x2] =	sbarrier.arrive @p0 $0xFFFF  }
0x7bf: {  	[hbm4b:s1+s2] =	stream.linear.scatter @!p0 [tilespmem:s3], [sflag:$0x1], $0x80, $0x38;
	[tilespmem:$0x1BB90] =	vst v63  }
0x7c0: {  	s1 =	simm.s32 @!p0 $0x1  }
0x7c1: {  	_ =	swait.ge @!p0 [sflag:s1], $0x80  }
0x7c2: {  	[sflag:s1] =	ssyncset.done @!p0 $0x0  }
0x7c3: {  	[sflag:s1] =	ssyncadd.s32 @!p0 $0xFFFFFF80  }
0x7c4: {  	_ =	sfence.sel @!p0 $0x180000  }
0x7c5: {  	[bflag:$0x0] =	sbarrier.arrive @!p0 $0xFFFF  }
0x7c6: {  	_ =	strace @!p0 $0x90000047  }
0x7c7: {  	s0 =	sadd.s32 @!p0 $0x100000, s0;
	[bflag:$0x2] =	sbarrier.arrive @!p0 $0xFFFF  }
0x7c8: {  	[sflag:s0] =	ssyncadd.tile.s32 @!p0 $0x1;
	_ =	shalt  }
.Lfunc_end2:
_tile_overlayer_lowered:
.L_overlay_start_2:
0x7c9: {  	(tag) =	ssettag $0x2  }
0x7ca: {  	s0 =	rddreg [dreg:$0x0];
	s2 =	stileid.u32  }
0x7cb: {  	s1 =	rddreg [dreg:$0x1];
	p0 =	sne.s32 s2, $0x0  }
0x7cc: {  	s3 =	rddreg [dreg:$0x2];
	[bflag:$0x3] =	sbarrier.arrive $0xFFFF;
	s2 =	simm.s32 @!p0 $0x1C01  }
0x7cd: {  	[timem:s3], [sflag:s2] =	dma.local @!p0 [hbm:s0], s1  }
0x7ce: {  	s0 =	simm.s32 @!p0 $0x1  }
0x7cf: {  	_ =	swait.ge @!p0 [sflag:s0], s1  }
0x7d0: {  	s1 =	ssub.s32 @!p0 $0x0, s1;
	[sflag:s0] =	ssyncset.done @!p0 $0x0  }
0x7d1: {  	[sflag:s0] =	ssyncadd.s32 @!p0 s1  }
0x7d2: {  	[bflag:$0x3] =	sbarrier.arrive $0xFFFF  }
0x7d3: {  	_ =	shalt  }

</sc_bundles>
